<compile_context>
chip_gen: v7x
topology: tpu7x:2x2x1
jax: 0.10.2.dev20260603
libtpu: 0.0.44.dev20260713+nightly
codegen_flags: <defaults>
</compile_context>

<pallas_src>
import functools
import jax
import jax.numpy as jnp
from jax import lax
from jax.experimental import pallas as pl
from jax.experimental.pallas import tpu as pltpu
from jax.experimental.pallas import tpu_sc as plsc

BATCH = 4
SEQ = 4096
DIM = 1024
NC = 2
NS = 16
NW = NC * NS
SPW = SEQ // NW
CH = 16
NCH = SPW // CH
NT = NCH * BATCH
LANES = 16
UNROLL = 8


def _sc_add_kernel(x_hbm, pe_hbm, out_hbm,
                   xb0, xb1, pb0, pb1, sx0, sx1, sp0, sp1, so0, so1):
    c = lax.axis_index("c")
    s = lax.axis_index("s")
    wid = c * NS + s
    s_base = wid * SPW
    xbufs = (xb0, xb1)
    pebufs = (pb0, pb1)
    sxs = (sx0, sx1)
    sps = (sp0, sp1)
    sos = (so0, so1)

    def x_slice(t):
        ci, b = divmod(t, BATCH)
        return (b, pl.ds(s_base + ci * CH, CH), slice(None))

    def pe_slice(ci):
        return (pl.ds(s_base + ci * CH, CH), slice(None))

    pltpu.async_copy(x_hbm.at[x_slice(0)], xbufs[0], sxs[0])
    pltpu.async_copy(pe_hbm.at[pe_slice(0)], pebufs[0], sps[0])

    for t in range(NT):
        xq = t % 2
        ci, b = divmod(t, BATCH)
        pq = ci % 2
        if t + 1 < NT:
            if t >= 1:
                pltpu.make_async_copy(
                    xbufs[1 - xq], out_hbm.at[x_slice(t - 1)],
                    sos[1 - xq]).wait()
            pltpu.async_copy(x_hbm.at[x_slice(t + 1)], xbufs[1 - xq],
                             sxs[1 - xq])
        if b == 0 and ci + 1 < NCH:
            pltpu.async_copy(pe_hbm.at[pe_slice(ci + 1)], pebufs[1 - pq],
                             sps[1 - pq])
        pltpu.make_async_copy(x_hbm.at[x_slice(t)], xbufs[xq], sxs[xq]).wait()
        if b == 0:
            pltpu.make_async_copy(pe_hbm.at[pe_slice(ci)], pebufs[pq],
                                  sps[pq]).wait()

        xb = xbufs[xq]
        pb = pebufs[pq]

        def row_body(r, carry):
            @plsc.parallel_loop(0, DIM // LANES, 1, unroll=UNROLL)
            def _(i):
                idx = i * LANES
                xb[r, pl.ds(idx, LANES)] = (
                    xb[r, pl.ds(idx, LANES)] + pb[r, pl.ds(idx, LANES)]
                )
            return carry

        lax.fori_loop(0, CH, row_body, 0)

        pltpu.async_copy(xbufs[xq], out_hbm.at[x_slice(t)], sos[xq])

    pltpu.make_async_copy(
        xbufs[0], out_hbm.at[x_slice(NT - 2)], sos[0]).wait()
    pltpu.make_async_copy(
        xbufs[1], out_hbm.at[x_slice(NT - 1)], sos[1]).wait()


def kernel(x, pos_table):
    B, S, D = x.shape
    mesh = plsc.VectorSubcoreMesh(core_axis_name="c", subcore_axis_name="s")
    run = functools.partial(
        pl.kernel,
        mesh=mesh,
        out_type=jax.ShapeDtypeStruct((B, S, D), jnp.float32),
        scratch_types=[
            pltpu.VMEM((CH, DIM), jnp.float32),
            pltpu.VMEM((CH, DIM), jnp.float32),
            pltpu.VMEM((CH, DIM), jnp.float32),
            pltpu.VMEM((CH, DIM), jnp.float32),
            pltpu.SemaphoreType.DMA,
            pltpu.SemaphoreType.DMA,
            pltpu.SemaphoreType.DMA,
            pltpu.SemaphoreType.DMA,
            pltpu.SemaphoreType.DMA,
            pltpu.SemaphoreType.DMA,
        ],
        compiler_params=pltpu.CompilerParams(use_tc_tiling_on_sc=True),
    )(_sc_add_kernel)
    return run(x, pos_table)

# --- scband reference (transcript-rebuilt; emitter-appended) ---
"""Pipeline reference for scband-lookup-positional-encoding-87660282512117 (READ-ONLY COPY).

The authoritative reference and input builder live on the scoring server;
editing this copy changes nothing except your own understanding.
"""

import jax, jax.numpy as jnp
import numpy as np

EMBED_DIM = 1024
MAX_LEN = 8192
BATCH = 4
SEQ_LEN = 4096

def setup_inputs(seed: int = 0) -> dict:
    key = jax.random.key(seed)
    k1, k2 = jax.random.split(key)
    x = jax.random.normal(k1, (BATCH, SEQ_LEN, EMBED_DIM), dtype=jnp.float32)
    # nn.Embedding default init: N(0, 1)
    pos_table = jax.random.normal(k2, (MAX_LEN, EMBED_DIM), dtype=jnp.float32)
    return {"x": x, "pos_table": pos_table}

def reference(x, pos_table):
    # batch_first=True -> seq_len is dim 1
    seq_len = x.shape[1]
    positions = jnp.arange(seq_len)  # [S]
    # embedding lookup: gather rows of the table
    pe = jnp.take(pos_table, positions, axis=0)  # [S, D]
    pe = pe[None, :, :]  # [1, S, D] (positions.unsqueeze(0) in torch)
    out = x + pe
    # dropout p=0.0 -> identity
    return out

if __name__ == "__main__":
    import jax
    _d = setup_inputs()
    print(jax.jit(kernel)(*tuple(_d.values())))

</pallas_src>

<mosaic_0001>
#map = affine_map<(d0, d1) -> (0, 0, 0)>
#map1 = affine_map<(d0, d1) -> (0, 0)>
module attributes {stable_mosaic.version = 14 : i64} {
  func.func @_sc_add_kernel(%arg0: i32, %arg1: i32, %arg2: memref<4x4096x1024xf32, #tpu.memory_space<hbm>>, %arg3: memref<8192x1024xf32, #tpu.memory_space<hbm>>, %arg4: memref<4x4096x1024xf32, #tpu.memory_space<hbm>>, %arg5: memref<16x1024xf32, #tpu.memory_space<vmem>>, %arg6: memref<16x1024xf32, #tpu.memory_space<vmem>>, %arg7: memref<16x1024xf32, #tpu.memory_space<vmem>>, %arg8: memref<16x1024xf32, #tpu.memory_space<vmem>>, %arg9: memref<!tpu.dma_semaphore, #tpu.memory_space<semaphore_mem>>, %arg10: memref<!tpu.dma_semaphore, #tpu.memory_space<semaphore_mem>>, %arg11: memref<!tpu.dma_semaphore, #tpu.memory_space<semaphore_mem>>, %arg12: memref<!tpu.dma_semaphore, #tpu.memory_space<semaphore_mem>>, %arg13: memref<!tpu.dma_semaphore, #tpu.memory_space<semaphore_mem>>, %arg14: memref<!tpu.dma_semaphore, #tpu.memory_space<semaphore_mem>>) attributes {dimension_semantics = [#tpu.dimension_semantics<core_parallel>, #tpu.dimension_semantics<subcore_parallel>], iteration_bounds = array<i64: 2, 16>, scalar_prefetch = 0 : i64, scratch_operands = 10 : i64, tpu.core_type = #tpu.core_type<sc_vector_subcore>, window_params = [{transform_indices = #map}, {transform_indices = #map1}, {transform_indices = #map}]} {
    %mul3A = arith.constant 16 : i32
    %mul3A_0 = arith.muli %arg0, %mul3A : i32
    %add3A = arith.addi %mul3A_0, %arg1 : i32
    %mul3A_1 = arith.constant 128 : i32
    %mul3A_2 = arith.muli %add3A, %mul3A_1 : i32
    %add3A_3 = arith.constant 0 : i32
    %add3A_4 = arith.addi %mul3A_2, %add3A_3 : i32
    %dma_start3A = arith.constant 0 : i32
    %dma_start3A_5 = arith.constant 0 : i32
    %dma_start3A_6 = tpu.memref_slice %arg2[%dma_start3A, %add3A_4, %dma_start3A_5] : memref<4x4096x1024xf32, #tpu.memory_space<hbm>> -> memref<1x16x1024xf32, #tpu.memory_space<hbm>>
    %dma_start3A_7 = tpu.memref_squeeze %dma_start3A_6 : memref<1x16x1024xf32, #tpu.memory_space<hbm>> -> memref<16x1024xf32, #tpu.memory_space<hbm>>
    %dma_start3A_8 = arith.constant 0 : i32
    %dma_start3A_9 = tpu.memref_slice %arg2[%dma_start3A, %add3A_4, %dma_start3A_8] : memref<4x4096x1024xf32, #tpu.memory_space<hbm>> -> memref<1x16x1024xf32, #tpu.memory_space<hbm>>
    %dma_start3A_10 = tpu.memref_squeeze %dma_start3A_9 : memref<1x16x1024xf32, #tpu.memory_space<hbm>> -> memref<16x1024xf32, #tpu.memory_space<hbm>>
    tpu.enqueue_dma source(%dma_start3A_10 : memref<16x1024xf32, #tpu.memory_space<hbm>>) target(%arg5 : memref<16x1024xf32, #tpu.memory_space<vmem>>) target_semaphore(%arg9 : memref<!tpu.dma_semaphore, #tpu.memory_space<semaphore_mem>>)
    %add3A_11 = arith.constant 0 : i32
    %add3A_12 = arith.addi %mul3A_2, %add3A_11 : i32
    %dma_start3A_13 = arith.constant 0 : i32
    %dma_start3A_14 = tpu.memref_slice %arg3[%add3A_12, %dma_start3A_13] : memref<8192x1024xf32, #tpu.memory_space<hbm>> -> memref<16x1024xf32, #tpu.memory_space<hbm>>
    %dma_start3A_15 = arith.constant 0 : i32
    %dma_start3A_16 = tpu.memref_slice %arg3[%add3A_12, %dma_start3A_15] : memref<8192x1024xf32, #tpu.memory_space<hbm>> -> memref<16x1024xf32, #tpu.memory_space<hbm>>
    tpu.enqueue_dma source(%dma_start3A_16 : memref<16x1024xf32, #tpu.memory_space<hbm>>) target(%arg7 : memref<16x1024xf32, #tpu.memory_space<vmem>>) target_semaphore(%arg11 : memref<!tpu.dma_semaphore, #tpu.memory_space<semaphore_mem>>)
    %add3A_17 = arith.constant 0 : i32
    %add3A_18 = arith.addi %mul3A_2, %add3A_17 : i32
    %dma_start3A_19 = arith.constant 1 : i32
    %dma_start3A_20 = arith.constant 0 : i32
    %dma_start3A_21 = tpu.memref_slice %arg2[%dma_start3A_19, %add3A_18, %dma_start3A_20] : memref<4x4096x1024xf32, #tpu.memory_space<hbm>> -> memref<1x16x1024xf32, #tpu.memory_space<hbm>>
    %dma_start3A_22 = tpu.memref_squeeze %dma_start3A_21 : memref<1x16x1024xf32, #tpu.memory_space<hbm>> -> memref<16x1024xf32, #tpu.memory_space<hbm>>
    %dma_start3A_23 = arith.constant 0 : i32
    %dma_start3A_24 = tpu.memref_slice %arg2[%dma_start3A_19, %add3A_18, %dma_start3A_23] : memref<4x4096x1024xf32, #tpu.memory_space<hbm>> -> memref<1x16x1024xf32, #tpu.memory_space<hbm>>
    %dma_start3A_25 = tpu.memref_squeeze %dma_start3A_24 : memref<1x16x1024xf32, #tpu.memory_space<hbm>> -> memref<16x1024xf32, #tpu.memory_space<hbm>>
    tpu.enqueue_dma source(%dma_start3A_25 : memref<16x1024xf32, #tpu.memory_space<hbm>>) target(%arg6 : memref<16x1024xf32, #tpu.memory_space<vmem>>) target_semaphore(%arg10 : memref<!tpu.dma_semaphore, #tpu.memory_space<semaphore_mem>>)
    %add3A_26 = arith.constant 16 : i32
    %add3A_27 = arith.addi %mul3A_2, %add3A_26 : i32
    %dma_start3A_28 = arith.constant 0 : i32
    %dma_start3A_29 = tpu.memref_slice %arg3[%add3A_27, %dma_start3A_28] : memref<8192x1024xf32, #tpu.memory_space<hbm>> -> memref<16x1024xf32, #tpu.memory_space<hbm>>
    %dma_start3A_30 = arith.constant 0 : i32
    %dma_start3A_31 = tpu.memref_slice %arg3[%add3A_27, %dma_start3A_30] : memref<8192x1024xf32, #tpu.memory_space<hbm>> -> memref<16x1024xf32, #tpu.memory_space<hbm>>
    tpu.enqueue_dma source(%dma_start3A_31 : memref<16x1024xf32, #tpu.memory_space<hbm>>) target(%arg8 : memref<16x1024xf32, #tpu.memory_space<vmem>>) target_semaphore(%arg12 : memref<!tpu.dma_semaphore, #tpu.memory_space<semaphore_mem>>)
    %add3A_32 = arith.constant 0 : i32
    %add3A_33 = arith.addi %mul3A_2, %add3A_32 : i32
    %dma_wait3A = arith.constant 0 : i32
    %dma_wait3A_34 = arith.constant 0 : i32
    %dma_wait3A_35 = tpu.memref_slice %arg2[%dma_wait3A, %add3A_33, %dma_wait3A_34] : memref<4x4096x1024xf32, #tpu.memory_space<hbm>> -> memref<1x16x1024xf32, #tpu.memory_space<hbm>>
    %dma_wait3A_36 = tpu.memref_squeeze %dma_wait3A_35 : memref<1x16x1024xf32, #tpu.memory_space<hbm>> -> memref<16x1024xf32, #tpu.memory_space<hbm>>
    %dma_wait3A_37 = arith.constant 0 : i32
    %dma_wait3A_38 = tpu.memref_slice %arg2[%dma_wait3A, %add3A_33, %dma_wait3A_37] : memref<4x4096x1024xf32, #tpu.memory_space<hbm>> -> memref<1x16x1024xf32, #tpu.memory_space<hbm>>
    %dma_wait3A_39 = tpu.memref_squeeze %dma_wait3A_38 : memref<1x16x1024xf32, #tpu.memory_space<hbm>> -> memref<16x1024xf32, #tpu.memory_space<hbm>>
    tpu.wait_dma2 semaphore(%arg9 : memref<!tpu.dma_semaphore, #tpu.memory_space<semaphore_mem>>) src(%dma_wait3A_39 : memref<16x1024xf32, #tpu.memory_space<hbm>>) dst(%arg5 : memref<16x1024xf32, #tpu.memory_space<vmem>>)
    %add3A_40 = arith.constant 0 : i32
    %add3A_41 = arith.addi %mul3A_2, %add3A_40 : i32
    %dma_wait3A_42 = arith.constant 0 : i32
    %dma_wait3A_43 = tpu.memref_slice %arg3[%add3A_41, %dma_wait3A_42] : memref<8192x1024xf32, #tpu.memory_space<hbm>> -> memref<16x1024xf32, #tpu.memory_space<hbm>>
    %dma_wait3A_44 = arith.constant 0 : i32
    %dma_wait3A_45 = tpu.memref_slice %arg3[%add3A_41, %dma_wait3A_44] : memref<8192x1024xf32, #tpu.memory_space<hbm>> -> memref<16x1024xf32, #tpu.memory_space<hbm>>
    tpu.wait_dma2 semaphore(%arg11 : memref<!tpu.dma_semaphore, #tpu.memory_space<semaphore_mem>>) src(%dma_wait3A_45 : memref<16x1024xf32, #tpu.memory_space<hbm>>) dst(%arg7 : memref<16x1024xf32, #tpu.memory_space<vmem>>)
    %scan3A = arith.constant 0 : i32
    %scan3A_46 = arith.constant 0 : i32
    %scan3A_47 = arith.constant 16 : i32
    %scan3A_48 = arith.addi %scan3A_46, %scan3A_47 : i32
    %scan3A_49 = arith.constant 1 : i32
    scf.for %scan3A_1440 = %scan3A_46 to %scan3A_48 step %scan3A_49  : i32 {
      %parallel_loop3A = arith.constant 0 : i32
      %parallel_loop3A_1441 = arith.constant 64 : i32
      %parallel_loop3A_1442 = arith.constant 1 : i32
      scf.for %parallel_loop3A_1443 = %parallel_loop3A to %parallel_loop3A_1441 step %parallel_loop3A_1442  : i32 {
        %parallel_loop3A_1444 = arith.constant 16 : i32
        %parallel_loop3A_1445 = arith.muli %parallel_loop3A_1443, %parallel_loop3A_1444 : i32
        %parallel_loop3A_1446 = arith.index_cast %scan3A_1440 : i32 to index
        %parallel_loop3A_1447 = arith.index_cast %parallel_loop3A_1445 : i32 to index
        %parallel_loop3A_1448 = tpu.vector_load %arg5[%parallel_loop3A_1446, %parallel_loop3A_1447] {strides = array<i32>} : memref<16x1024xf32, #tpu.memory_space<vmem>>, vector<1x16xf32>,
        %parallel_loop3A_1449 = vector.shape_cast %parallel_loop3A_1448 : vector<1x16xf32> to vector<16xf32>
        %parallel_loop3A_1450 = arith.index_cast %scan3A_1440 : i32 to index
        %parallel_loop3A_1451 = arith.index_cast %parallel_loop3A_1445 : i32 to index
        %parallel_loop3A_1452 = tpu.vector_load %arg7[%parallel_loop3A_1450, %parallel_loop3A_1451] {strides = array<i32>} : memref<16x1024xf32, #tpu.memory_space<vmem>>, vector<1x16xf32>,
        %parallel_loop3A_1453 = vector.shape_cast %parallel_loop3A_1452 : vector<1x16xf32> to vector<16xf32>
        %parallel_loop3A_1454 = arith.addf %parallel_loop3A_1449, %parallel_loop3A_1453 : vector<16xf32>
        %parallel_loop3A_1455 = arith.index_cast %scan3A_1440 : i32 to index
        %parallel_loop3A_1456 = arith.index_cast %parallel_loop3A_1445 : i32 to index
        %parallel_loop3A_1457 = tpu.vector_load %arg5[%parallel_loop3A_1455, %parallel_loop3A_1456] {strides = array<i32>} : memref<16x1024xf32, #tpu.memory_space<vmem>>, vector<1x16xf32>,
        %parallel_loop3A_1458 = vector.shape_cast %parallel_loop3A_1457 : vector<1x16xf32> to vector<16xf32>
        %parallel_loop3A_1459 = vector.shape_cast %parallel_loop3A_1454 : vector<16xf32> to vector<1x16xf32>
        tpu.vector_store %arg5[%parallel_loop3A_1455, %parallel_loop3A_1456], %parallel_loop3A_1459 {strides = array<i32>} : memref<16x1024xf32, #tpu.memory_space<vmem>>, vector<1x16xf32>,
      } {sc.loop_unroll_factor = 8 : i64, sc.parallel_access}
    }
    %scan3A_50 = arith.constant 16 : i32
    %add3A_51 = arith.constant 0 : i32
    %add3A_52 = arith.addi %mul3A_2, %add3A_51 : i32
    %dma_start3A_53 = arith.constant 0 : i32
    %dma_start3A_54 = arith.constant 0 : i32
    %dma_start3A_55 = tpu.memref_slice %arg4[%dma_start3A_53, %add3A_52, %dma_start3A_54] : memref<4x4096x1024xf32, #tpu.memory_space<hbm>> -> memref<1x16x1024xf32, #tpu.memory_space<hbm>>
    %dma_start3A_56 = tpu.memref_squeeze %dma_start3A_55 : memref<1x16x1024xf32, #tpu.memory_space<hbm>> -> memref<16x1024xf32, #tpu.memory_space<hbm>>
    %dma_start3A_57 = arith.constant 0 : i32
    %dma_start3A_58 = tpu.memref_slice %arg4[%dma_start3A_53, %add3A_52, %dma_start3A_57] : memref<4x4096x1024xf32, #tpu.memory_space<hbm>> -> memref<1x16x1024xf32, #tpu.memory_space<hbm>>
    %dma_start3A_59 = tpu.memref_squeeze %dma_start3A_58 : memref<1x16x1024xf32, #tpu.memory_space<hbm>> -> memref<16x1024xf32, #tpu.memory_space<hbm>>
    tpu.enqueue_dma source(%arg5 : memref<16x1024xf32, #tpu.memory_space<vmem>>) target(%dma_start3A_59 : memref<16x1024xf32, #tpu.memory_space<hbm>>) target_semaphore(%arg13 : memref<!tpu.dma_semaphore, #tpu.memory_space<semaphore_mem>>)
    %add3A_60 = arith.constant 0 : i32
    %add3A_61 = arith.addi %mul3A_2, %add3A_60 : i32
    %dma_wait3A_62 = arith.constant 0 : i32
    %dma_wait3A_63 = arith.constant 0 : i32
    %dma_wait3A_64 = tpu.memref_slice %arg4[%dma_wait3A_62, %add3A_61, %dma_wait3A_63] : memref<4x4096x1024xf32, #tpu.memory_space<hbm>> -> memref<1x16x1024xf32, #tpu.memory_space<hbm>>
    %dma_wait3A_65 = tpu.memref_squeeze %dma_wait3A_64 : memref<1x16x1024xf32, #tpu.memory_space<hbm>> -> memref<16x1024xf32, #tpu.memory_space<hbm>>
    %dma_wait3A_66 = arith.constant 0 : i32
    %dma_wait3A_67 = tpu.memref_slice %arg4[%dma_wait3A_62, %add3A_61, %dma_wait3A_66] : memref<4x4096x1024xf32, #tpu.memory_space<hbm>> -> memref<1x16x1024xf32, #tpu.memory_space<hbm>>
    %dma_wait3A_68 = tpu.memref_squeeze %dma_wait3A_67 : memref<1x16x1024xf32, #tpu.memory_space<hbm>> -> memref<16x1024xf32, #tpu.memory_space<hbm>>
    tpu.wait_dma2 semaphore(%arg13 : memref<!tpu.dma_semaphore, #tpu.memory_space<semaphore_mem>>) src(%arg5 : memref<16x1024xf32, #tpu.memory_space<vmem>>) dst(%dma_wait3A_68 : memref<16x1024xf32, #tpu.memory_space<hbm>>)
    %add3A_69 = arith.constant 0 : i32
    %add3A_70 = arith.addi %mul3A_2, %add3A_69 : i32
    %dma_start3A_71 = arith.constant 2 : i32
    %dma_start3A_72 = arith.constant 0 : i32
    %dma_start3A_73 = tpu.memref_slice %arg2[%dma_start3A_71, %add3A_70, %dma_start3A_72] : memref<4x4096x1024xf32, #tpu.memory_space<hbm>> -> memref<1x16x1024xf32, #tpu.memory_space<hbm>>
    %dma_start3A_74 = tpu.memref_squeeze %dma_start3A_73 : memref<1x16x1024xf32, #tpu.memory_space<hbm>> -> memref<16x1024xf32, #tpu.memory_space<hbm>>
    %dma_start3A_75 = arith.constant 0 : i32
    %dma_start3A_76 = tpu.memref_slice %arg2[%dma_start3A_71, %add3A_70, %dma_start3A_75] : memref<4x4096x1024xf32, #tpu.memory_space<hbm>> -> memref<1x16x1024xf32, #tpu.memory_space<hbm>>
    %dma_start3A_77 = tpu.memref_squeeze %dma_start3A_76 : memref<1x16x1024xf32, #tpu.memory_space<hbm>> -> memref<16x1024xf32, #tpu.memory_space<hbm>>
    tpu.enqueue_dma source(%dma_start3A_77 : memref<16x1024xf32, #tpu.memory_space<hbm>>) target(%arg5 : memref<16x1024xf32, #tpu.memory_space<vmem>>) target_semaphore(%arg9 : memref<!tpu.dma_semaphore, #tpu.memory_space<semaphore_mem>>)
    %add3A_78 = arith.constant 0 : i32
    %add3A_79 = arith.addi %mul3A_2, %add3A_78 : i32
    %dma_wait3A_80 = arith.constant 1 : i32
    %dma_wait3A_81 = arith.constant 0 : i32
    %dma_wait3A_82 = tpu.memref_slice %arg2[%dma_wait3A_80, %add3A_79, %dma_wait3A_81] : memref<4x4096x1024xf32, #tpu.memory_space<hbm>> -> memref<1x16x1024xf32, #tpu.memory_space<hbm>>
    %dma_wait3A_83 = tpu.memref_squeeze %dma_wait3A_82 : memref<1x16x1024xf32, #tpu.memory_space<hbm>> -> memref<16x1024xf32, #tpu.memory_space<hbm>>
    %dma_wait3A_84 = arith.constant 0 : i32
    %dma_wait3A_85 = tpu.memref_slice %arg2[%dma_wait3A_80, %add3A_79, %dma_wait3A_84] : memref<4x4096x1024xf32, #tpu.memory_space<hbm>> -> memref<1x16x1024xf32, #tpu.memory_space<hbm>>
    %dma_wait3A_86 = tpu.memref_squeeze %dma_wait3A_85 : memref<1x16x1024xf32, #tpu.memory_space<hbm>> -> memref<16x1024xf32, #tpu.memory_space<hbm>>
    tpu.wait_dma2 semaphore(%arg10 : memref<!tpu.dma_semaphore, #tpu.memory_space<semaphore_mem>>) src(%dma_wait3A_86 : memref<16x1024xf32, #tpu.memory_space<hbm>>) dst(%arg6 : memref<16x1024xf32, #tpu.memory_space<vmem>>)
    %scan3A_87 = arith.constant 0 : i32
    %scan3A_88 = arith.constant 0 : i32
    %scan3A_89 = arith.constant 16 : i32
    %scan3A_90 = arith.addi %scan3A_88, %scan3A_89 : i32
    %scan3A_91 = arith.constant 1 : i32
    scf.for %scan3A_1440 = %scan3A_88 to %scan3A_90 step %scan3A_91  : i32 {
      %parallel_loop3A = arith.constant 0 : i32
      %parallel_loop3A_1441 = arith.constant 64 : i32
      %parallel_loop3A_1442 = arith.constant 1 : i32
      scf.for %parallel_loop3A_1443 = %parallel_loop3A to %parallel_loop3A_1441 step %parallel_loop3A_1442  : i32 {
        %parallel_loop3A_1444 = arith.constant 16 : i32
        %parallel_loop3A_1445 = arith.muli %parallel_loop3A_1443, %parallel_loop3A_1444 : i32
        %parallel_loop3A_1446 = arith.index_cast %scan3A_1440 : i32 to index
        %parallel_loop3A_1447 = arith.index_cast %parallel_loop3A_1445 : i32 to index
        %parallel_loop3A_1448 = tpu.vector_load %arg6[%parallel_loop3A_1446, %parallel_loop3A_1447] {strides = array<i32>} : memref<16x1024xf32, #tpu.memory_space<vmem>>, vector<1x16xf32>,
        %parallel_loop3A_1449 = vector.shape_cast %parallel_loop3A_1448 : vector<1x16xf32> to vector<16xf32>
        %parallel_loop3A_1450 = arith.index_cast %scan3A_1440 : i32 to index
        %parallel_loop3A_1451 = arith.index_cast %parallel_loop3A_1445 : i32 to index
        %parallel_loop3A_1452 = tpu.vector_load %arg7[%parallel_loop3A_1450, %parallel_loop3A_1451] {strides = array<i32>} : memref<16x1024xf32, #tpu.memory_space<vmem>>, vector<1x16xf32>,
        %parallel_loop3A_1453 = vector.shape_cast %parallel_loop3A_1452 : vector<1x16xf32> to vector<16xf32>
        %parallel_loop3A_1454 = arith.addf %parallel_loop3A_1449, %parallel_loop3A_1453 : vector<16xf32>
        %parallel_loop3A_1455 = arith.index_cast %scan3A_1440 : i32 to index
        %parallel_loop3A_1456 = arith.index_cast %parallel_loop3A_1445 : i32 to index
        %parallel_loop3A_1457 = tpu.vector_load %arg6[%parallel_loop3A_1455, %parallel_loop3A_1456] {strides = array<i32>} : memref<16x1024xf32, #tpu.memory_space<vmem>>, vector<1x16xf32>,
        %parallel_loop3A_1458 = vector.shape_cast %parallel_loop3A_1457 : vector<1x16xf32> to vector<16xf32>
        %parallel_loop3A_1459 = vector.shape_cast %parallel_loop3A_1454 : vector<16xf32> to vector<1x16xf32>
        tpu.vector_store %arg6[%parallel_loop3A_1455, %parallel_loop3A_1456], %parallel_loop3A_1459 {strides = array<i32>} : memref<16x1024xf32, #tpu.memory_space<vmem>>, vector<1x16xf32>,
      } {sc.loop_unroll_factor = 8 : i64, sc.parallel_access}
    }
    %scan3A_92 = arith.constant 16 : i32
    %add3A_93 = arith.constant 0 : i32
    %add3A_94 = arith.addi %mul3A_2, %add3A_93 : i32
    %dma_start3A_95 = arith.constant 1 : i32
    %dma_start3A_96 = arith.constant 0 : i32
    %dma_start3A_97 = tpu.memref_slice %arg4[%dma_start3A_95, %add3A_94, %dma_start3A_96] : memref<4x4096x1024xf32, #tpu.memory_space<hbm>> -> memref<1x16x1024xf32, #tpu.memory_space<hbm>>
    %dma_start3A_98 = tpu.memref_squeeze %dma_start3A_97 : memref<1x16x1024xf32, #tpu.memory_space<hbm>> -> memref<16x1024xf32, #tpu.memory_space<hbm>>
    %dma_start3A_99 = arith.constant 0 : i32
    %dma_start3A_100 = tpu.memref_slice %arg4[%dma_start3A_95, %add3A_94, %dma_start3A_99] : memref<4x4096x1024xf32, #tpu.memory_space<hbm>> -> memref<1x16x1024xf32, #tpu.memory_space<hbm>>
    %dma_start3A_101 = tpu.memref_squeeze %dma_start3A_100 : memref<1x16x1024xf32, #tpu.memory_space<hbm>> -> memref<16x1024xf32, #tpu.memory_space<hbm>>
    tpu.enqueue_dma source(%arg6 : memref<16x1024xf32, #tpu.memory_space<vmem>>) target(%dma_start3A_101 : memref<16x1024xf32, #tpu.memory_space<hbm>>) target_semaphore(%arg14 : memref<!tpu.dma_semaphore, #tpu.memory_space<semaphore_mem>>)
    %add3A_102 = arith.constant 0 : i32
    %add3A_103 = arith.addi %mul3A_2, %add3A_102 : i32
    %dma_wait3A_104 = arith.constant 1 : i32
    %dma_wait3A_105 = arith.constant 0 : i32
    %dma_wait3A_106 = tpu.memref_slice %arg4[%dma_wait3A_104, %add3A_103, %dma_wait3A_105] : memref<4x4096x1024xf32, #tpu.memory_space<hbm>> -> memref<1x16x1024xf32, #tpu.memory_space<hbm>>
    %dma_wait3A_107 = tpu.memref_squeeze %dma_wait3A_106 : memref<1x16x1024xf32, #tpu.memory_space<hbm>> -> memref<16x1024xf32, #tpu.memory_space<hbm>>
    %dma_wait3A_108 = arith.constant 0 : i32
    %dma_wait3A_109 = tpu.memref_slice %arg4[%dma_wait3A_104, %add3A_103, %dma_wait3A_108] : memref<4x4096x1024xf32, #tpu.memory_space<hbm>> -> memref<1x16x1024xf32, #tpu.memory_space<hbm>>
    %dma_wait3A_110 = tpu.memref_squeeze %dma_wait3A_109 : memref<1x16x1024xf32, #tpu.memory_space<hbm>> -> memref<16x1024xf32, #tpu.memory_space<hbm>>
    tpu.wait_dma2 semaphore(%arg14 : memref<!tpu.dma_semaphore, #tpu.memory_space<semaphore_mem>>) src(%arg6 : memref<16x1024xf32, #tpu.memory_space<vmem>>) dst(%dma_wait3A_110 : memref<16x1024xf32, #tpu.memory_space<hbm>>)
    %add3A_111 = arith.constant 0 : i32
    %add3A_112 = arith.addi %mul3A_2, %add3A_111 : i32
    %dma_start3A_113 = arith.constant 3 : i32
    %dma_start3A_114 = arith.constant 0 : i32
    %dma_start3A_115 = tpu.memref_slice %arg2[%dma_start3A_113, %add3A_112, %dma_start3A_114] : memref<4x4096x1024xf32, #tpu.memory_space<hbm>> -> memref<1x16x1024xf32, #tpu.memory_space<hbm>>
    %dma_start3A_116 = tpu.memref_squeeze %dma_start3A_115 : memref<1x16x1024xf32, #tpu.memory_space<hbm>> -> memref<16x1024xf32, #tpu.memory_space<hbm>>
    %dma_start3A_117 = arith.constant 0 : i32
    %dma_start3A_118 = tpu.memref_slice %arg2[%dma_start3A_113, %add3A_112, %dma_start3A_117] : memref<4x4096x1024xf32, #tpu.memory_space<hbm>> -> memref<1x16x1024xf32, #tpu.memory_space<hbm>>
    %dma_start3A_119 = tpu.memref_squeeze %dma_start3A_118 : memref<1x16x1024xf32, #tpu.memory_space<hbm>> -> memref<16x1024xf32, #tpu.memory_space<hbm>>
    tpu.enqueue_dma source(%dma_start3A_119 : memref<16x1024xf32, #tpu.memory_space<hbm>>) target(%arg6 : memref<16x1024xf32, #tpu.memory_space<vmem>>) target_semaphore(%arg10 : memref<!tpu.dma_semaphore, #tpu.memory_space<semaphore_mem>>)
    %add3A_120 = arith.constant 0 : i32
    %add3A_121 = arith.addi %mul3A_2, %add3A_120 : i32
    %dma_wait3A_122 = arith.constant 2 : i32
    %dma_wait3A_123 = arith.constant 0 : i32
    %dma_wait3A_124 = tpu.memref_slice %arg2[%dma_wait3A_122, %add3A_121, %dma_wait3A_123] : memref<4x4096x1024xf32, #tpu.memory_space<hbm>> -> memref<1x16x1024xf32, #tpu.memory_space<hbm>>
    %dma_wait3A_125 = tpu.memref_squeeze %dma_wait3A_124 : memref<1x16x1024xf32, #tpu.memory_space<hbm>> -> memref<16x1024xf32, #tpu.memory_space<hbm>>
    %dma_wait3A_126 = arith.constant 0 : i32
    %dma_wait3A_127 = tpu.memref_slice %arg2[%dma_wait3A_122, %add3A_121, %dma_wait3A_126] : memref<4x4096x1024xf32, #tpu.memory_space<hbm>> -> memref<1x16x1024xf32, #tpu.memory_space<hbm>>
    %dma_wait3A_128 = tpu.memref_squeeze %dma_wait3A_127 : memref<1x16x1024xf32, #tpu.memory_space<hbm>> -> memref<16x1024xf32, #tpu.memory_space<hbm>>
    tpu.wait_dma2 semaphore(%arg9 : memref<!tpu.dma_semaphore, #tpu.memory_space<semaphore_mem>>) src(%dma_wait3A_128 : memref<16x1024xf32, #tpu.memory_space<hbm>>) dst(%arg5 : memref<16x1024xf32, #tpu.memory_space<vmem>>)
    %scan3A_129 = arith.constant 0 : i32
    %scan3A_130 = arith.constant 0 : i32
    %scan3A_131 = arith.constant 16 : i32
    %scan3A_132 = arith.addi %scan3A_130, %scan3A_131 : i32
    %scan3A_133 = arith.constant 1 : i32
    scf.for %scan3A_1440 = %scan3A_130 to %scan3A_132 step %scan3A_133  : i32 {
      %parallel_loop3A = arith.constant 0 : i32
      %parallel_loop3A_1441 = arith.constant 64 : i32
      %parallel_loop3A_1442 = arith.constant 1 : i32
      scf.for %parallel_loop3A_1443 = %parallel_loop3A to %parallel_loop3A_1441 step %parallel_loop3A_1442  : i32 {
        %parallel_loop3A_1444 = arith.constant 16 : i32
        %parallel_loop3A_1445 = arith.muli %parallel_loop3A_1443, %parallel_loop3A_1444 : i32
        %parallel_loop3A_1446 = arith.index_cast %scan3A_1440 : i32 to index
        %parallel_loop3A_1447 = arith.index_cast %parallel_loop3A_1445 : i32 to index
        %parallel_loop3A_1448 = tpu.vector_load %arg5[%parallel_loop3A_1446, %parallel_loop3A_1447] {strides = array<i32>} : memref<16x1024xf32, #tpu.memory_space<vmem>>, vector<1x16xf32>,
        %parallel_loop3A_1449 = vector.shape_cast %parallel_loop3A_1448 : vector<1x16xf32> to vector<16xf32>
        %parallel_loop3A_1450 = arith.index_cast %scan3A_1440 : i32 to index
        %parallel_loop3A_1451 = arith.index_cast %parallel_loop3A_1445 : i32 to index
        %parallel_loop3A_1452 = tpu.vector_load %arg7[%parallel_loop3A_1450, %parallel_loop3A_1451] {strides = array<i32>} : memref<16x1024xf32, #tpu.memory_space<vmem>>, vector<1x16xf32>,
        %parallel_loop3A_1453 = vector.shape_cast %parallel_loop3A_1452 : vector<1x16xf32> to vector<16xf32>
        %parallel_loop3A_1454 = arith.addf %parallel_loop3A_1449, %parallel_loop3A_1453 : vector<16xf32>
        %parallel_loop3A_1455 = arith.index_cast %scan3A_1440 : i32 to index
        %parallel_loop3A_1456 = arith.index_cast %parallel_loop3A_1445 : i32 to index
        %parallel_loop3A_1457 = tpu.vector_load %arg5[%parallel_loop3A_1455, %parallel_loop3A_1456] {strides = array<i32>} : memref<16x1024xf32, #tpu.memory_space<vmem>>, vector<1x16xf32>,
        %parallel_loop3A_1458 = vector.shape_cast %parallel_loop3A_1457 : vector<1x16xf32> to vector<16xf32>
        %parallel_loop3A_1459 = vector.shape_cast %parallel_loop3A_1454 : vector<16xf32> to vector<1x16xf32>
        tpu.vector_store %arg5[%parallel_loop3A_1455, %parallel_loop3A_1456], %parallel_loop3A_1459 {strides = array<i32>} : memref<16x1024xf32, #tpu.memory_space<vmem>>, vector<1x16xf32>,
      } {sc.loop_unroll_factor = 8 : i64, sc.parallel_access}
    }
    %scan3A_134 = arith.constant 16 : i32
    %add3A_135 = arith.constant 0 : i32
    %add3A_136 = arith.addi %mul3A_2, %add3A_135 : i32
    %dma_start3A_137 = arith.constant 2 : i32
    %dma_start3A_138 = arith.constant 0 : i32
    %dma_start3A_139 = tpu.memref_slice %arg4[%dma_start3A_137, %add3A_136, %dma_start3A_138] : memref<4x4096x1024xf32, #tpu.memory_space<hbm>> -> memref<1x16x1024xf32, #tpu.memory_space<hbm>>
    %dma_start3A_140 = tpu.memref_squeeze %dma_start3A_139 : memref<1x16x1024xf32, #tpu.memory_space<hbm>> -> memref<16x1024xf32, #tpu.memory_space<hbm>>
    %dma_start3A_141 = arith.constant 0 : i32
    %dma_start3A_142 = tpu.memref_slice %arg4[%dma_start3A_137, %add3A_136, %dma_start3A_141] : memref<4x4096x1024xf32, #tpu.memory_space<hbm>> -> memref<1x16x1024xf32, #tpu.memory_space<hbm>>
    %dma_start3A_143 = tpu.memref_squeeze %dma_start3A_142 : memref<1x16x1024xf32, #tpu.memory_space<hbm>> -> memref<16x1024xf32, #tpu.memory_space<hbm>>
    tpu.enqueue_dma source(%arg5 : memref<16x1024xf32, #tpu.memory_space<vmem>>) target(%dma_start3A_143 : memref<16x1024xf32, #tpu.memory_space<hbm>>) target_semaphore(%arg13 : memref<!tpu.dma_semaphore, #tpu.memory_space<semaphore_mem>>)
    %add3A_144 = arith.constant 0 : i32
    %add3A_145 = arith.addi %mul3A_2, %add3A_144 : i32
    %dma_wait3A_146 = arith.constant 2 : i32
    %dma_wait3A_147 = arith.constant 0 : i32
    %dma_wait3A_148 = tpu.memref_slice %arg4[%dma_wait3A_146, %add3A_145, %dma_wait3A_147] : memref<4x4096x1024xf32, #tpu.memory_space<hbm>> -> memref<1x16x1024xf32, #tpu.memory_space<hbm>>
    %dma_wait3A_149 = tpu.memref_squeeze %dma_wait3A_148 : memref<1x16x1024xf32, #tpu.memory_space<hbm>> -> memref<16x1024xf32, #tpu.memory_space<hbm>>
    %dma_wait3A_150 = arith.constant 0 : i32
    %dma_wait3A_151 = tpu.memref_slice %arg4[%dma_wait3A_146, %add3A_145, %dma_wait3A_150] : memref<4x4096x1024xf32, #tpu.memory_space<hbm>> -> memref<1x16x1024xf32, #tpu.memory_space<hbm>>
    %dma_wait3A_152 = tpu.memref_squeeze %dma_wait3A_151 : memref<1x16x1024xf32, #tpu.memory_space<hbm>> -> memref<16x1024xf32, #tpu.memory_space<hbm>>
    tpu.wait_dma2 semaphore(%arg13 : memref<!tpu.dma_semaphore, #tpu.memory_space<semaphore_mem>>) src(%arg5 : memref<16x1024xf32, #tpu.memory_space<vmem>>) dst(%dma_wait3A_152 : memref<16x1024xf32, #tpu.memory_space<hbm>>)
    %add3A_153 = arith.constant 16 : i32
    %add3A_154 = arith.addi %mul3A_2, %add3A_153 : i32
    %dma_start3A_155 = arith.constant 0 : i32
    %dma_start3A_156 = arith.constant 0 : i32
    %dma_start3A_157 = tpu.memref_slice %arg2[%dma_start3A_155, %add3A_154, %dma_start3A_156] : memref<4x4096x1024xf32, #tpu.memory_space<hbm>> -> memref<1x16x1024xf32, #tpu.memory_space<hbm>>
    %dma_start3A_158 = tpu.memref_squeeze %dma_start3A_157 : memref<1x16x1024xf32, #tpu.memory_space<hbm>> -> memref<16x1024xf32, #tpu.memory_space<hbm>>
    %dma_start3A_159 = arith.constant 0 : i32
    %dma_start3A_160 = tpu.memref_slice %arg2[%dma_start3A_155, %add3A_154, %dma_start3A_159] : memref<4x4096x1024xf32, #tpu.memory_space<hbm>> -> memref<1x16x1024xf32, #tpu.memory_space<hbm>>
    %dma_start3A_161 = tpu.memref_squeeze %dma_start3A_160 : memref<1x16x1024xf32, #tpu.memory_space<hbm>> -> memref<16x1024xf32, #tpu.memory_space<hbm>>
    tpu.enqueue_dma source(%dma_start3A_161 : memref<16x1024xf32, #tpu.memory_space<hbm>>) target(%arg5 : memref<16x1024xf32, #tpu.memory_space<vmem>>) target_semaphore(%arg9 : memref<!tpu.dma_semaphore, #tpu.memory_space<semaphore_mem>>)
    %add3A_162 = arith.constant 0 : i32
    %add3A_163 = arith.addi %mul3A_2, %add3A_162 : i32
    %dma_wait3A_164 = arith.constant 3 : i32
    %dma_wait3A_165 = arith.constant 0 : i32
    %dma_wait3A_166 = tpu.memref_slice %arg2[%dma_wait3A_164, %add3A_163, %dma_wait3A_165] : memref<4x4096x1024xf32, #tpu.memory_space<hbm>> -> memref<1x16x1024xf32, #tpu.memory_space<hbm>>
    %dma_wait3A_167 = tpu.memref_squeeze %dma_wait3A_166 : memref<1x16x1024xf32, #tpu.memory_space<hbm>> -> memref<16x1024xf32, #tpu.memory_space<hbm>>
    %dma_wait3A_168 = arith.constant 0 : i32
    %dma_wait3A_169 = tpu.memref_slice %arg2[%dma_wait3A_164, %add3A_163, %dma_wait3A_168] : memref<4x4096x1024xf32, #tpu.memory_space<hbm>> -> memref<1x16x1024xf32, #tpu.memory_space<hbm>>
    %dma_wait3A_170 = tpu.memref_squeeze %dma_wait3A_169 : memref<1x16x1024xf32, #tpu.memory_space<hbm>> -> memref<16x1024xf32, #tpu.memory_space<hbm>>
    tpu.wait_dma2 semaphore(%arg10 : memref<!tpu.dma_semaphore, #tpu.memory_space<semaphore_mem>>) src(%dma_wait3A_170 : memref<16x1024xf32, #tpu.memory_space<hbm>>) dst(%arg6 : memref<16x1024xf32, #tpu.memory_space<vmem>>)
    %scan3A_171 = arith.constant 0 : i32
    %scan3A_172 = arith.constant 0 : i32
    %scan3A_173 = arith.constant 16 : i32
    %scan3A_174 = arith.addi %scan3A_172, %scan3A_173 : i32
    %scan3A_175 = arith.constant 1 : i32
    scf.for %scan3A_1440 = %scan3A_172 to %scan3A_174 step %scan3A_175  : i32 {
      %parallel_loop3A = arith.constant 0 : i32
      %parallel_loop3A_1441 = arith.constant 64 : i32
      %parallel_loop3A_1442 = arith.constant 1 : i32
      scf.for %parallel_loop3A_1443 = %parallel_loop3A to %parallel_loop3A_1441 step %parallel_loop3A_1442  : i32 {
        %parallel_loop3A_1444 = arith.constant 16 : i32
        %parallel_loop3A_1445 = arith.muli %parallel_loop3A_1443, %parallel_loop3A_1444 : i32
        %parallel_loop3A_1446 = arith.index_cast %scan3A_1440 : i32 to index
        %parallel_loop3A_1447 = arith.index_cast %parallel_loop3A_1445 : i32 to index
        %parallel_loop3A_1448 = tpu.vector_load %arg6[%parallel_loop3A_1446, %parallel_loop3A_1447] {strides = array<i32>} : memref<16x1024xf32, #tpu.memory_space<vmem>>, vector<1x16xf32>,
        %parallel_loop3A_1449 = vector.shape_cast %parallel_loop3A_1448 : vector<1x16xf32> to vector<16xf32>
        %parallel_loop3A_1450 = arith.index_cast %scan3A_1440 : i32 to index
        %parallel_loop3A_1451 = arith.index_cast %parallel_loop3A_1445 : i32 to index
        %parallel_loop3A_1452 = tpu.vector_load %arg7[%parallel_loop3A_1450, %parallel_loop3A_1451] {strides = array<i32>} : memref<16x1024xf32, #tpu.memory_space<vmem>>, vector<1x16xf32>,
        %parallel_loop3A_1453 = vector.shape_cast %parallel_loop3A_1452 : vector<1x16xf32> to vector<16xf32>
        %parallel_loop3A_1454 = arith.addf %parallel_loop3A_1449, %parallel_loop3A_1453 : vector<16xf32>
        %parallel_loop3A_1455 = arith.index_cast %scan3A_1440 : i32 to index
        %parallel_loop3A_1456 = arith.index_cast %parallel_loop3A_1445 : i32 to index
        %parallel_loop3A_1457 = tpu.vector_load %arg6[%parallel_loop3A_1455, %parallel_loop3A_1456] {strides = array<i32>} : memref<16x1024xf32, #tpu.memory_space<vmem>>, vector<1x16xf32>,
        %parallel_loop3A_1458 = vector.shape_cast %parallel_loop3A_1457 : vector<1x16xf32> to vector<16xf32>
        %parallel_loop3A_1459 = vector.shape_cast %parallel_loop3A_1454 : vector<16xf32> to vector<1x16xf32>
        tpu.vector_store %arg6[%parallel_loop3A_1455, %parallel_loop3A_1456], %parallel_loop3A_1459 {strides = array<i32>} : memref<16x1024xf32, #tpu.memory_space<vmem>>, vector<1x16xf32>,
      } {sc.loop_unroll_factor = 8 : i64, sc.parallel_access}
    }
    %scan3A_176 = arith.constant 16 : i32
    %add3A_177 = arith.constant 0 : i32
    %add3A_178 = arith.addi %mul3A_2, %add3A_177 : i32
    %dma_start3A_179 = arith.constant 3 : i32
    %dma_start3A_180 = arith.constant 0 : i32
    %dma_start3A_181 = tpu.memref_slice %arg4[%dma_start3A_179, %add3A_178, %dma_start3A_180] : memref<4x4096x1024xf32, #tpu.memory_space<hbm>> -> memref<1x16x1024xf32, #tpu.memory_space<hbm>>
    %dma_start3A_182 = tpu.memref_squeeze %dma_start3A_181 : memref<1x16x1024xf32, #tpu.memory_space<hbm>> -> memref<16x1024xf32, #tpu.memory_space<hbm>>
    %dma_start3A_183 = arith.constant 0 : i32
    %dma_start3A_184 = tpu.memref_slice %arg4[%dma_start3A_179, %add3A_178, %dma_start3A_183] : memref<4x4096x1024xf32, #tpu.memory_space<hbm>> -> memref<1x16x1024xf32, #tpu.memory_space<hbm>>
    %dma_start3A_185 = tpu.memref_squeeze %dma_start3A_184 : memref<1x16x1024xf32, #tpu.memory_space<hbm>> -> memref<16x1024xf32, #tpu.memory_space<hbm>>
    tpu.enqueue_dma source(%arg6 : memref<16x1024xf32, #tpu.memory_space<vmem>>) target(%dma_start3A_185 : memref<16x1024xf32, #tpu.memory_space<hbm>>) target_semaphore(%arg14 : memref<!tpu.dma_semaphore, #tpu.memory_space<semaphore_mem>>)
    %add3A_186 = arith.constant 0 : i32
    %add3A_187 = arith.addi %mul3A_2, %add3A_186 : i32
    %dma_wait3A_188 = arith.constant 3 : i32
    %dma_wait3A_189 = arith.constant 0 : i32
    %dma_wait3A_190 = tpu.memref_slice %arg4[%dma_wait3A_188, %add3A_187, %dma_wait3A_189] : memref<4x4096x1024xf32, #tpu.memory_space<hbm>> -> memref<1x16x1024xf32, #tpu.memory_space<hbm>>
    %dma_wait3A_191 = tpu.memref_squeeze %dma_wait3A_190 : memref<1x16x1024xf32, #tpu.memory_space<hbm>> -> memref<16x1024xf32, #tpu.memory_space<hbm>>
    %dma_wait3A_192 = arith.constant 0 : i32
    %dma_wait3A_193 = tpu.memref_slice %arg4[%dma_wait3A_188, %add3A_187, %dma_wait3A_192] : memref<4x4096x1024xf32, #tpu.memory_space<hbm>> -> memref<1x16x1024xf32, #tpu.memory_space<hbm>>
    %dma_wait3A_194 = tpu.memref_squeeze %dma_wait3A_193 : memref<1x16x1024xf32, #tpu.memory_space<hbm>> -> memref<16x1024xf32, #tpu.memory_space<hbm>>
    tpu.wait_dma2 semaphore(%arg14 : memref<!tpu.dma_semaphore, #tpu.memory_space<semaphore_mem>>) src(%arg6 : memref<16x1024xf32, #tpu.memory_space<vmem>>) dst(%dma_wait3A_194 : memref<16x1024xf32, #tpu.memory_space<hbm>>)
    %add3A_195 = arith.constant 16 : i32
    %add3A_196 = arith.addi %mul3A_2, %add3A_195 : i32
    %dma_start3A_197 = arith.constant 1 : i32
    %dma_start3A_198 = arith.constant 0 : i32
    %dma_start3A_199 = tpu.memref_slice %arg2[%dma_start3A_197, %add3A_196, %dma_start3A_198] : memref<4x4096x1024xf32, #tpu.memory_space<hbm>> -> memref<1x16x1024xf32, #tpu.memory_space<hbm>>
    %dma_start3A_200 = tpu.memref_squeeze %dma_start3A_199 : memref<1x16x1024xf32, #tpu.memory_space<hbm>> -> memref<16x1024xf32, #tpu.memory_space<hbm>>
    %dma_start3A_201 = arith.constant 0 : i32
    %dma_start3A_202 = tpu.memref_slice %arg2[%dma_start3A_197, %add3A_196, %dma_start3A_201] : memref<4x4096x1024xf32, #tpu.memory_space<hbm>> -> memref<1x16x1024xf32, #tpu.memory_space<hbm>>
    %dma_start3A_203 = tpu.memref_squeeze %dma_start3A_202 : memref<1x16x1024xf32, #tpu.memory_space<hbm>> -> memref<16x1024xf32, #tpu.memory_space<hbm>>
    tpu.enqueue_dma source(%dma_start3A_203 : memref<16x1024xf32, #tpu.memory_space<hbm>>) target(%arg6 : memref<16x1024xf32, #tpu.memory_space<vmem>>) target_semaphore(%arg10 : memref<!tpu.dma_semaphore, #tpu.memory_space<semaphore_mem>>)
    %add3A_204 = arith.constant 32 : i32
    %add3A_205 = arith.addi %mul3A_2, %add3A_204 : i32
    %dma_start3A_206 = arith.constant 0 : i32
    %dma_start3A_207 = tpu.memref_slice %arg3[%add3A_205, %dma_start3A_206] : memref<8192x1024xf32, #tpu.memory_space<hbm>> -> memref<16x1024xf32, #tpu.memory_space<hbm>>
    %dma_start3A_208 = arith.constant 0 : i32
    %dma_start3A_209 = tpu.memref_slice %arg3[%add3A_205, %dma_start3A_208] : memref<8192x1024xf32, #tpu.memory_space<hbm>> -> memref<16x1024xf32, #tpu.memory_space<hbm>>
    tpu.enqueue_dma source(%dma_start3A_209 : memref<16x1024xf32, #tpu.memory_space<hbm>>) target(%arg7 : memref<16x1024xf32, #tpu.memory_space<vmem>>) target_semaphore(%arg11 : memref<!tpu.dma_semaphore, #tpu.memory_space<semaphore_mem>>)
    %add3A_210 = arith.constant 16 : i32
    %add3A_211 = arith.addi %mul3A_2, %add3A_210 : i32
    %dma_wait3A_212 = arith.constant 0 : i32
    %dma_wait3A_213 = arith.constant 0 : i32
    %dma_wait3A_214 = tpu.memref_slice %arg2[%dma_wait3A_212, %add3A_211, %dma_wait3A_213] : memref<4x4096x1024xf32, #tpu.memory_space<hbm>> -> memref<1x16x1024xf32, #tpu.memory_space<hbm>>
    %dma_wait3A_215 = tpu.memref_squeeze %dma_wait3A_214 : memref<1x16x1024xf32, #tpu.memory_space<hbm>> -> memref<16x1024xf32, #tpu.memory_space<hbm>>
    %dma_wait3A_216 = arith.constant 0 : i32
    %dma_wait3A_217 = tpu.memref_slice %arg2[%dma_wait3A_212, %add3A_211, %dma_wait3A_216] : memref<4x4096x1024xf32, #tpu.memory_space<hbm>> -> memref<1x16x1024xf32, #tpu.memory_space<hbm>>
    %dma_wait3A_218 = tpu.memref_squeeze %dma_wait3A_217 : memref<1x16x1024xf32, #tpu.memory_space<hbm>> -> memref<16x1024xf32, #tpu.memory_space<hbm>>
    tpu.wait_dma2 semaphore(%arg9 : memref<!tpu.dma_semaphore, #tpu.memory_space<semaphore_mem>>) src(%dma_wait3A_218 : memref<16x1024xf32, #tpu.memory_space<hbm>>) dst(%arg5 : memref<16x1024xf32, #tpu.memory_space<vmem>>)
    %add3A_219 = arith.constant 16 : i32
    %add3A_220 = arith.addi %mul3A_2, %add3A_219 : i32
    %dma_wait3A_221 = arith.constant 0 : i32
    %dma_wait3A_222 = tpu.memref_slice %arg3[%add3A_220, %dma_wait3A_221] : memref<8192x1024xf32, #tpu.memory_space<hbm>> -> memref<16x1024xf32, #tpu.memory_space<hbm>>
    %dma_wait3A_223 = arith.constant 0 : i32
    %dma_wait3A_224 = tpu.memref_slice %arg3[%add3A_220, %dma_wait3A_223] : memref<8192x1024xf32, #tpu.memory_space<hbm>> -> memref<16x1024xf32, #tpu.memory_space<hbm>>
    tpu.wait_dma2 semaphore(%arg12 : memref<!tpu.dma_semaphore, #tpu.memory_space<semaphore_mem>>) src(%dma_wait3A_224 : memref<16x1024xf32, #tpu.memory_space<hbm>>) dst(%arg8 : memref<16x1024xf32, #tpu.memory_space<vmem>>)
    %scan3A_225 = arith.constant 0 : i32
    %scan3A_226 = arith.constant 0 : i32
    %scan3A_227 = arith.constant 16 : i32
    %scan3A_228 = arith.addi %scan3A_226, %scan3A_227 : i32
    %scan3A_229 = arith.constant 1 : i32
    scf.for %scan3A_1440 = %scan3A_226 to %scan3A_228 step %scan3A_229  : i32 {
      %parallel_loop3A = arith.constant 0 : i32
      %parallel_loop3A_1441 = arith.constant 64 : i32
      %parallel_loop3A_1442 = arith.constant 1 : i32
      scf.for %parallel_loop3A_1443 = %parallel_loop3A to %parallel_loop3A_1441 step %parallel_loop3A_1442  : i32 {
        %parallel_loop3A_1444 = arith.constant 16 : i32
        %parallel_loop3A_1445 = arith.muli %parallel_loop3A_1443, %parallel_loop3A_1444 : i32
        %parallel_loop3A_1446 = arith.index_cast %scan3A_1440 : i32 to index
        %parallel_loop3A_1447 = arith.index_cast %parallel_loop3A_1445 : i32 to index
        %parallel_loop3A_1448 = tpu.vector_load %arg5[%parallel_loop3A_1446, %parallel_loop3A_1447] {strides = array<i32>} : memref<16x1024xf32, #tpu.memory_space<vmem>>, vector<1x16xf32>,
        %parallel_loop3A_1449 = vector.shape_cast %parallel_loop3A_1448 : vector<1x16xf32> to vector<16xf32>
        %parallel_loop3A_1450 = arith.index_cast %scan3A_1440 : i32 to index
        %parallel_loop3A_1451 = arith.index_cast %parallel_loop3A_1445 : i32 to index
        %parallel_loop3A_1452 = tpu.vector_load %arg8[%parallel_loop3A_1450, %parallel_loop3A_1451] {strides = array<i32>} : memref<16x1024xf32, #tpu.memory_space<vmem>>, vector<1x16xf32>,
        %parallel_loop3A_1453 = vector.shape_cast %parallel_loop3A_1452 : vector<1x16xf32> to vector<16xf32>
        %parallel_loop3A_1454 = arith.addf %parallel_loop3A_1449, %parallel_loop3A_1453 : vector<16xf32>
        %parallel_loop3A_1455 = arith.index_cast %scan3A_1440 : i32 to index
        %parallel_loop3A_1456 = arith.index_cast %parallel_loop3A_1445 : i32 to index
        %parallel_loop3A_1457 = tpu.vector_load %arg5[%parallel_loop3A_1455, %parallel_loop3A_1456] {strides = array<i32>} : memref<16x1024xf32, #tpu.memory_space<vmem>>, vector<1x16xf32>,
        %parallel_loop3A_1458 = vector.shape_cast %parallel_loop3A_1457 : vector<1x16xf32> to vector<16xf32>
        %parallel_loop3A_1459 = vector.shape_cast %parallel_loop3A_1454 : vector<16xf32> to vector<1x16xf32>
        tpu.vector_store %arg5[%parallel_loop3A_1455, %parallel_loop3A_1456], %parallel_loop3A_1459 {strides = array<i32>} : memref<16x1024xf32, #tpu.memory_space<vmem>>, vector<1x16xf32>,
      } {sc.loop_unroll_factor = 8 : i64, sc.parallel_access}
    }
    %scan3A_230 = arith.constant 16 : i32
    %add3A_231 = arith.constant 16 : i32
    %add3A_232 = arith.addi %mul3A_2, %add3A_231 : i32
    %dma_start3A_233 = arith.constant 0 : i32
    %dma_start3A_234 = arith.constant 0 : i32
    %dma_start3A_235 = tpu.memref_slice %arg4[%dma_start3A_233, %add3A_232, %dma_start3A_234] : memref<4x4096x1024xf32, #tpu.memory_space<hbm>> -> memref<1x16x1024xf32, #tpu.memory_space<hbm>>
    %dma_start3A_236 = tpu.memref_squeeze %dma_start3A_235 : memref<1x16x1024xf32, #tpu.memory_space<hbm>> -> memref<16x1024xf32, #tpu.memory_space<hbm>>
    %dma_start3A_237 = arith.constant 0 : i32
    %dma_start3A_238 = tpu.memref_slice %arg4[%dma_start3A_233, %add3A_232, %dma_start3A_237] : memref<4x4096x1024xf32, #tpu.memory_space<hbm>> -> memref<1x16x1024xf32, #tpu.memory_space<hbm>>
    %dma_start3A_239 = tpu.memref_squeeze %dma_start3A_238 : memref<1x16x1024xf32, #tpu.memory_space<hbm>> -> memref<16x1024xf32, #tpu.memory_space<hbm>>
    tpu.enqueue_dma source(%arg5 : memref<16x1024xf32, #tpu.memory_space<vmem>>) target(%dma_start3A_239 : memref<16x1024xf32, #tpu.memory_space<hbm>>) target_semaphore(%arg13 : memref<!tpu.dma_semaphore, #tpu.memory_space<semaphore_mem>>)
    %add3A_240 = arith.constant 16 : i32
    %add3A_241 = arith.addi %mul3A_2, %add3A_240 : i32
    %dma_wait3A_242 = arith.constant 0 : i32
    %dma_wait3A_243 = arith.constant 0 : i32
    %dma_wait3A_244 = tpu.memref_slice %arg4[%dma_wait3A_242, %add3A_241, %dma_wait3A_243] : memref<4x4096x1024xf32, #tpu.memory_space<hbm>> -> memref<1x16x1024xf32, #tpu.memory_space<hbm>>
    %dma_wait3A_245 = tpu.memref_squeeze %dma_wait3A_244 : memref<1x16x1024xf32, #tpu.memory_space<hbm>> -> memref<16x1024xf32, #tpu.memory_space<hbm>>
    %dma_wait3A_246 = arith.constant 0 : i32
    %dma_wait3A_247 = tpu.memref_slice %arg4[%dma_wait3A_242, %add3A_241, %dma_wait3A_246] : memref<4x4096x1024xf32, #tpu.memory_space<hbm>> -> memref<1x16x1024xf32, #tpu.memory_space<hbm>>
    %dma_wait3A_248 = tpu.memref_squeeze %dma_wait3A_247 : memref<1x16x1024xf32, #tpu.memory_space<hbm>> -> memref<16x1024xf32, #tpu.memory_space<hbm>>
    tpu.wait_dma2 semaphore(%arg13 : memref<!tpu.dma_semaphore, #tpu.memory_space<semaphore_mem>>) src(%arg5 : memref<16x1024xf32, #tpu.memory_space<vmem>>) dst(%dma_wait3A_248 : memref<16x1024xf32, #tpu.memory_space<hbm>>)
    %add3A_249 = arith.constant 16 : i32
    %add3A_250 = arith.addi %mul3A_2, %add3A_249 : i32
    %dma_start3A_251 = arith.constant 2 : i32
    %dma_start3A_252 = arith.constant 0 : i32
    %dma_start3A_253 = tpu.memref_slice %arg2[%dma_start3A_251, %add3A_250, %dma_start3A_252] : memref<4x4096x1024xf32, #tpu.memory_space<hbm>> -> memref<1x16x1024xf32, #tpu.memory_space<hbm>>
    %dma_start3A_254 = tpu.memref_squeeze %dma_start3A_253 : memref<1x16x1024xf32, #tpu.memory_space<hbm>> -> memref<16x1024xf32, #tpu.memory_space<hbm>>
    %dma_start3A_255 = arith.constant 0 : i32
    %dma_start3A_256 = tpu.memref_slice %arg2[%dma_start3A_251, %add3A_250, %dma_start3A_255] : memref<4x4096x1024xf32, #tpu.memory_space<hbm>> -> memref<1x16x1024xf32, #tpu.memory_space<hbm>>
    %dma_start3A_257 = tpu.memref_squeeze %dma_start3A_256 : memref<1x16x1024xf32, #tpu.memory_space<hbm>> -> memref<16x1024xf32, #tpu.memory_space<hbm>>
    tpu.enqueue_dma source(%dma_start3A_257 : memref<16x1024xf32, #tpu.memory_space<hbm>>) target(%arg5 : memref<16x1024xf32, #tpu.memory_space<vmem>>) target_semaphore(%arg9 : memref<!tpu.dma_semaphore, #tpu.memory_space<semaphore_mem>>)
    %add3A_258 = arith.constant 16 : i32
    %add3A_259 = arith.addi %mul3A_2, %add3A_258 : i32
    %dma_wait3A_260 = arith.constant 1 : i32
    %dma_wait3A_261 = arith.constant 0 : i32
    %dma_wait3A_262 = tpu.memref_slice %arg2[%dma_wait3A_260, %add3A_259, %dma_wait3A_261] : memref<4x4096x1024xf32, #tpu.memory_space<hbm>> -> memref<1x16x1024xf32, #tpu.memory_space<hbm>>
    %dma_wait3A_263 = tpu.memref_squeeze %dma_wait3A_262 : memref<1x16x1024xf32, #tpu.memory_space<hbm>> -> memref<16x1024xf32, #tpu.memory_space<hbm>>
    %dma_wait3A_264 = arith.constant 0 : i32
    %dma_wait3A_265 = tpu.memref_slice %arg2[%dma_wait3A_260, %add3A_259, %dma_wait3A_264] : memref<4x4096x1024xf32, #tpu.memory_space<hbm>> -> memref<1x16x1024xf32, #tpu.memory_space<hbm>>
    %dma_wait3A_266 = tpu.memref_squeeze %dma_wait3A_265 : memref<1x16x1024xf32, #tpu.memory_space<hbm>> -> memref<16x1024xf32, #tpu.memory_space<hbm>>
    tpu.wait_dma2 semaphore(%arg10 : memref<!tpu.dma_semaphore, #tpu.memory_space<semaphore_mem>>) src(%dma_wait3A_266 : memref<16x1024xf32, #tpu.memory_space<hbm>>) dst(%arg6 : memref<16x1024xf32, #tpu.memory_space<vmem>>)
    %scan3A_267 = arith.constant 0 : i32
    %scan3A_268 = arith.constant 0 : i32
    %scan3A_269 = arith.constant 16 : i32
    %scan3A_270 = arith.addi %scan3A_268, %scan3A_269 : i32
    %scan3A_271 = arith.constant 1 : i32
    scf.for %scan3A_1440 = %scan3A_268 to %scan3A_270 step %scan3A_271  : i32 {
      %parallel_loop3A = arith.constant 0 : i32
      %parallel_loop3A_1441 = arith.constant 64 : i32
      %parallel_loop3A_1442 = arith.constant 1 : i32
      scf.for %parallel_loop3A_1443 = %parallel_loop3A to %parallel_loop3A_1441 step %parallel_loop3A_1442  : i32 {
        %parallel_loop3A_1444 = arith.constant 16 : i32
        %parallel_loop3A_1445 = arith.muli %parallel_loop3A_1443, %parallel_loop3A_1444 : i32
        %parallel_loop3A_1446 = arith.index_cast %scan3A_1440 : i32 to index
        %parallel_loop3A_1447 = arith.index_cast %parallel_loop3A_1445 : i32 to index
        %parallel_loop3A_1448 = tpu.vector_load %arg6[%parallel_loop3A_1446, %parallel_loop3A_1447] {strides = array<i32>} : memref<16x1024xf32, #tpu.memory_space<vmem>>, vector<1x16xf32>,
        %parallel_loop3A_1449 = vector.shape_cast %parallel_loop3A_1448 : vector<1x16xf32> to vector<16xf32>
        %parallel_loop3A_1450 = arith.index_cast %scan3A_1440 : i32 to index
        %parallel_loop3A_1451 = arith.index_cast %parallel_loop3A_1445 : i32 to index
        %parallel_loop3A_1452 = tpu.vector_load %arg8[%parallel_loop3A_1450, %parallel_loop3A_1451] {strides = array<i32>} : memref<16x1024xf32, #tpu.memory_space<vmem>>, vector<1x16xf32>,
        %parallel_loop3A_1453 = vector.shape_cast %parallel_loop3A_1452 : vector<1x16xf32> to vector<16xf32>
        %parallel_loop3A_1454 = arith.addf %parallel_loop3A_1449, %parallel_loop3A_1453 : vector<16xf32>
        %parallel_loop3A_1455 = arith.index_cast %scan3A_1440 : i32 to index
        %parallel_loop3A_1456 = arith.index_cast %parallel_loop3A_1445 : i32 to index
        %parallel_loop3A_1457 = tpu.vector_load %arg6[%parallel_loop3A_1455, %parallel_loop3A_1456] {strides = array<i32>} : memref<16x1024xf32, #tpu.memory_space<vmem>>, vector<1x16xf32>,
        %parallel_loop3A_1458 = vector.shape_cast %parallel_loop3A_1457 : vector<1x16xf32> to vector<16xf32>
        %parallel_loop3A_1459 = vector.shape_cast %parallel_loop3A_1454 : vector<16xf32> to vector<1x16xf32>
        tpu.vector_store %arg6[%parallel_loop3A_1455, %parallel_loop3A_1456], %parallel_loop3A_1459 {strides = array<i32>} : memref<16x1024xf32, #tpu.memory_space<vmem>>, vector<1x16xf32>,
      } {sc.loop_unroll_factor = 8 : i64, sc.parallel_access}
    }
    %scan3A_272 = arith.constant 16 : i32
    %add3A_273 = arith.constant 16 : i32
    %add3A_274 = arith.addi %mul3A_2, %add3A_273 : i32
    %dma_start3A_275 = arith.constant 1 : i32
    %dma_start3A_276 = arith.constant 0 : i32
    %dma_start3A_277 = tpu.memref_slice %arg4[%dma_start3A_275, %add3A_274, %dma_start3A_276] : memref<4x4096x1024xf32, #tpu.memory_space<hbm>> -> memref<1x16x1024xf32, #tpu.memory_space<hbm>>
    %dma_start3A_278 = tpu.memref_squeeze %dma_start3A_277 : memref<1x16x1024xf32, #tpu.memory_space<hbm>> -> memref<16x1024xf32, #tpu.memory_space<hbm>>
    %dma_start3A_279 = arith.constant 0 : i32
    %dma_start3A_280 = tpu.memref_slice %arg4[%dma_start3A_275, %add3A_274, %dma_start3A_279] : memref<4x4096x1024xf32, #tpu.memory_space<hbm>> -> memref<1x16x1024xf32, #tpu.memory_space<hbm>>
    %dma_start3A_281 = tpu.memref_squeeze %dma_start3A_280 : memref<1x16x1024xf32, #tpu.memory_space<hbm>> -> memref<16x1024xf32, #tpu.memory_space<hbm>>
    tpu.enqueue_dma source(%arg6 : memref<16x1024xf32, #tpu.memory_space<vmem>>) target(%dma_start3A_281 : memref<16x1024xf32, #tpu.memory_space<hbm>>) target_semaphore(%arg14 : memref<!tpu.dma_semaphore, #tpu.memory_space<semaphore_mem>>)
    %add3A_282 = arith.constant 16 : i32
    %add3A_283 = arith.addi %mul3A_2, %add3A_282 : i32
    %dma_wait3A_284 = arith.constant 1 : i32
    %dma_wait3A_285 = arith.constant 0 : i32
    %dma_wait3A_286 = tpu.memref_slice %arg4[%dma_wait3A_284, %add3A_283, %dma_wait3A_285] : memref<4x4096x1024xf32, #tpu.memory_space<hbm>> -> memref<1x16x1024xf32, #tpu.memory_space<hbm>>
    %dma_wait3A_287 = tpu.memref_squeeze %dma_wait3A_286 : memref<1x16x1024xf32, #tpu.memory_space<hbm>> -> memref<16x1024xf32, #tpu.memory_space<hbm>>
    %dma_wait3A_288 = arith.constant 0 : i32
    %dma_wait3A_289 = tpu.memref_slice %arg4[%dma_wait3A_284, %add3A_283, %dma_wait3A_288] : memref<4x4096x1024xf32, #tpu.memory_space<hbm>> -> memref<1x16x1024xf32, #tpu.memory_space<hbm>>
    %dma_wait3A_290 = tpu.memref_squeeze %dma_wait3A_289 : memref<1x16x1024xf32, #tpu.memory_space<hbm>> -> memref<16x1024xf32, #tpu.memory_space<hbm>>
    tpu.wait_dma2 semaphore(%arg14 : memref<!tpu.dma_semaphore, #tpu.memory_space<semaphore_mem>>) src(%arg6 : memref<16x1024xf32, #tpu.memory_space<vmem>>) dst(%dma_wait3A_290 : memref<16x1024xf32, #tpu.memory_space<hbm>>)
    %add3A_291 = arith.constant 16 : i32
    %add3A_292 = arith.addi %mul3A_2, %add3A_291 : i32
    %dma_start3A_293 = arith.constant 3 : i32
    %dma_start3A_294 = arith.constant 0 : i32
    %dma_start3A_295 = tpu.memref_slice %arg2[%dma_start3A_293, %add3A_292, %dma_start3A_294] : memref<4x4096x1024xf32, #tpu.memory_space<hbm>> -> memref<1x16x1024xf32, #tpu.memory_space<hbm>>
    %dma_start3A_296 = tpu.memref_squeeze %dma_start3A_295 : memref<1x16x1024xf32, #tpu.memory_space<hbm>> -> memref<16x1024xf32, #tpu.memory_space<hbm>>
    %dma_start3A_297 = arith.constant 0 : i32
    %dma_start3A_298 = tpu.memref_slice %arg2[%dma_start3A_293, %add3A_292, %dma_start3A_297] : memref<4x4096x1024xf32, #tpu.memory_space<hbm>> -> memref<1x16x1024xf32, #tpu.memory_space<hbm>>
    %dma_start3A_299 = tpu.memref_squeeze %dma_start3A_298 : memref<1x16x1024xf32, #tpu.memory_space<hbm>> -> memref<16x1024xf32, #tpu.memory_space<hbm>>
    tpu.enqueue_dma source(%dma_start3A_299 : memref<16x1024xf32, #tpu.memory_space<hbm>>) target(%arg6 : memref<16x1024xf32, #tpu.memory_space<vmem>>) target_semaphore(%arg10 : memref<!tpu.dma_semaphore, #tpu.memory_space<semaphore_mem>>)
    %add3A_300 = arith.constant 16 : i32
    %add3A_301 = arith.addi %mul3A_2, %add3A_300 : i32
    %dma_wait3A_302 = arith.constant 2 : i32
    %dma_wait3A_303 = arith.constant 0 : i32
    %dma_wait3A_304 = tpu.memref_slice %arg2[%dma_wait3A_302, %add3A_301, %dma_wait3A_303] : memref<4x4096x1024xf32, #tpu.memory_space<hbm>> -> memref<1x16x1024xf32, #tpu.memory_space<hbm>>
    %dma_wait3A_305 = tpu.memref_squeeze %dma_wait3A_304 : memref<1x16x1024xf32, #tpu.memory_space<hbm>> -> memref<16x1024xf32, #tpu.memory_space<hbm>>
    %dma_wait3A_306 = arith.constant 0 : i32
    %dma_wait3A_307 = tpu.memref_slice %arg2[%dma_wait3A_302, %add3A_301, %dma_wait3A_306] : memref<4x4096x1024xf32, #tpu.memory_space<hbm>> -> memref<1x16x1024xf32, #tpu.memory_space<hbm>>
    %dma_wait3A_308 = tpu.memref_squeeze %dma_wait3A_307 : memref<1x16x1024xf32, #tpu.memory_space<hbm>> -> memref<16x1024xf32, #tpu.memory_space<hbm>>
    tpu.wait_dma2 semaphore(%arg9 : memref<!tpu.dma_semaphore, #tpu.memory_space<semaphore_mem>>) src(%dma_wait3A_308 : memref<16x1024xf32, #tpu.memory_space<hbm>>) dst(%arg5 : memref<16x1024xf32, #tpu.memory_space<vmem>>)
    %scan3A_309 = arith.constant 0 : i32
    %scan3A_310 = arith.constant 0 : i32
    %scan3A_311 = arith.constant 16 : i32
    %scan3A_312 = arith.addi %scan3A_310, %scan3A_311 : i32
    %scan3A_313 = arith.constant 1 : i32
    scf.for %scan3A_1440 = %scan3A_310 to %scan3A_312 step %scan3A_313  : i32 {
      %parallel_loop3A = arith.constant 0 : i32
      %parallel_loop3A_1441 = arith.constant 64 : i32
      %parallel_loop3A_1442 = arith.constant 1 : i32
      scf.for %parallel_loop3A_1443 = %parallel_loop3A to %parallel_loop3A_1441 step %parallel_loop3A_1442  : i32 {
        %parallel_loop3A_1444 = arith.constant 16 : i32
        %parallel_loop3A_1445 = arith.muli %parallel_loop3A_1443, %parallel_loop3A_1444 : i32
        %parallel_loop3A_1446 = arith.index_cast %scan3A_1440 : i32 to index
        %parallel_loop3A_1447 = arith.index_cast %parallel_loop3A_1445 : i32 to index
        %parallel_loop3A_1448 = tpu.vector_load %arg5[%parallel_loop3A_1446, %parallel_loop3A_1447] {strides = array<i32>} : memref<16x1024xf32, #tpu.memory_space<vmem>>, vector<1x16xf32>,
        %parallel_loop3A_1449 = vector.shape_cast %parallel_loop3A_1448 : vector<1x16xf32> to vector<16xf32>
        %parallel_loop3A_1450 = arith.index_cast %scan3A_1440 : i32 to index
        %parallel_loop3A_1451 = arith.index_cast %parallel_loop3A_1445 : i32 to index
        %parallel_loop3A_1452 = tpu.vector_load %arg8[%parallel_loop3A_1450, %parallel_loop3A_1451] {strides = array<i32>} : memref<16x1024xf32, #tpu.memory_space<vmem>>, vector<1x16xf32>,
        %parallel_loop3A_1453 = vector.shape_cast %parallel_loop3A_1452 : vector<1x16xf32> to vector<16xf32>
        %parallel_loop3A_1454 = arith.addf %parallel_loop3A_1449, %parallel_loop3A_1453 : vector<16xf32>
        %parallel_loop3A_1455 = arith.index_cast %scan3A_1440 : i32 to index
        %parallel_loop3A_1456 = arith.index_cast %parallel_loop3A_1445 : i32 to index
        %parallel_loop3A_1457 = tpu.vector_load %arg5[%parallel_loop3A_1455, %parallel_loop3A_1456] {strides = array<i32>} : memref<16x1024xf32, #tpu.memory_space<vmem>>, vector<1x16xf32>,
        %parallel_loop3A_1458 = vector.shape_cast %parallel_loop3A_1457 : vector<1x16xf32> to vector<16xf32>
        %parallel_loop3A_1459 = vector.shape_cast %parallel_loop3A_1454 : vector<16xf32> to vector<1x16xf32>
        tpu.vector_store %arg5[%parallel_loop3A_1455, %parallel_loop3A_1456], %parallel_loop3A_1459 {strides = array<i32>} : memref<16x1024xf32, #tpu.memory_space<vmem>>, vector<1x16xf32>,
      } {sc.loop_unroll_factor = 8 : i64, sc.parallel_access}
    }
    %scan3A_314 = arith.constant 16 : i32
    %add3A_315 = arith.constant 16 : i32
    %add3A_316 = arith.addi %mul3A_2, %add3A_315 : i32
    %dma_start3A_317 = arith.constant 2 : i32
    %dma_start3A_318 = arith.constant 0 : i32
    %dma_start3A_319 = tpu.memref_slice %arg4[%dma_start3A_317, %add3A_316, %dma_start3A_318] : memref<4x4096x1024xf32, #tpu.memory_space<hbm>> -> memref<1x16x1024xf32, #tpu.memory_space<hbm>>
    %dma_start3A_320 = tpu.memref_squeeze %dma_start3A_319 : memref<1x16x1024xf32, #tpu.memory_space<hbm>> -> memref<16x1024xf32, #tpu.memory_space<hbm>>
    %dma_start3A_321 = arith.constant 0 : i32
    %dma_start3A_322 = tpu.memref_slice %arg4[%dma_start3A_317, %add3A_316, %dma_start3A_321] : memref<4x4096x1024xf32, #tpu.memory_space<hbm>> -> memref<1x16x1024xf32, #tpu.memory_space<hbm>>
    %dma_start3A_323 = tpu.memref_squeeze %dma_start3A_322 : memref<1x16x1024xf32, #tpu.memory_space<hbm>> -> memref<16x1024xf32, #tpu.memory_space<hbm>>
    tpu.enqueue_dma source(%arg5 : memref<16x1024xf32, #tpu.memory_space<vmem>>) target(%dma_start3A_323 : memref<16x1024xf32, #tpu.memory_space<hbm>>) target_semaphore(%arg13 : memref<!tpu.dma_semaphore, #tpu.memory_space<semaphore_mem>>)
    %add3A_324 = arith.constant 16 : i32
    %add3A_325 = arith.addi %mul3A_2, %add3A_324 : i32
    %dma_wait3A_326 = arith.constant 2 : i32
    %dma_wait3A_327 = arith.constant 0 : i32
    %dma_wait3A_328 = tpu.memref_slice %arg4[%dma_wait3A_326, %add3A_325, %dma_wait3A_327] : memref<4x4096x1024xf32, #tpu.memory_space<hbm>> -> memref<1x16x1024xf32, #tpu.memory_space<hbm>>
    %dma_wait3A_329 = tpu.memref_squeeze %dma_wait3A_328 : memref<1x16x1024xf32, #tpu.memory_space<hbm>> -> memref<16x1024xf32, #tpu.memory_space<hbm>>
    %dma_wait3A_330 = arith.constant 0 : i32
    %dma_wait3A_331 = tpu.memref_slice %arg4[%dma_wait3A_326, %add3A_325, %dma_wait3A_330] : memref<4x4096x1024xf32, #tpu.memory_space<hbm>> -> memref<1x16x1024xf32, #tpu.memory_space<hbm>>
    %dma_wait3A_332 = tpu.memref_squeeze %dma_wait3A_331 : memref<1x16x1024xf32, #tpu.memory_space<hbm>> -> memref<16x1024xf32, #tpu.memory_space<hbm>>
    tpu.wait_dma2 semaphore(%arg13 : memref<!tpu.dma_semaphore, #tpu.memory_space<semaphore_mem>>) src(%arg5 : memref<16x1024xf32, #tpu.memory_space<vmem>>) dst(%dma_wait3A_332 : memref<16x1024xf32, #tpu.memory_space<hbm>>)
    %add3A_333 = arith.constant 32 : i32
    %add3A_334 = arith.addi %mul3A_2, %add3A_333 : i32
    %dma_start3A_335 = arith.constant 0 : i32
    %dma_start3A_336 = arith.constant 0 : i32
    %dma_start3A_337 = tpu.memref_slice %arg2[%dma_start3A_335, %add3A_334, %dma_start3A_336] : memref<4x4096x1024xf32, #tpu.memory_space<hbm>> -> memref<1x16x1024xf32, #tpu.memory_space<hbm>>
    %dma_start3A_338 = tpu.memref_squeeze %dma_start3A_337 : memref<1x16x1024xf32, #tpu.memory_space<hbm>> -> memref<16x1024xf32, #tpu.memory_space<hbm>>
    %dma_start3A_339 = arith.constant 0 : i32
    %dma_start3A_340 = tpu.memref_slice %arg2[%dma_start3A_335, %add3A_334, %dma_start3A_339] : memref<4x4096x1024xf32, #tpu.memory_space<hbm>> -> memref<1x16x1024xf32, #tpu.memory_space<hbm>>
    %dma_start3A_341 = tpu.memref_squeeze %dma_start3A_340 : memref<1x16x1024xf32, #tpu.memory_space<hbm>> -> memref<16x1024xf32, #tpu.memory_space<hbm>>
    tpu.enqueue_dma source(%dma_start3A_341 : memref<16x1024xf32, #tpu.memory_space<hbm>>) target(%arg5 : memref<16x1024xf32, #tpu.memory_space<vmem>>) target_semaphore(%arg9 : memref<!tpu.dma_semaphore, #tpu.memory_space<semaphore_mem>>)
    %add3A_342 = arith.constant 16 : i32
    %add3A_343 = arith.addi %mul3A_2, %add3A_342 : i32
    %dma_wait3A_344 = arith.constant 3 : i32
    %dma_wait3A_345 = arith.constant 0 : i32
    %dma_wait3A_346 = tpu.memref_slice %arg2[%dma_wait3A_344, %add3A_343, %dma_wait3A_345] : memref<4x4096x1024xf32, #tpu.memory_space<hbm>> -> memref<1x16x1024xf32, #tpu.memory_space<hbm>>
    %dma_wait3A_347 = tpu.memref_squeeze %dma_wait3A_346 : memref<1x16x1024xf32, #tpu.memory_space<hbm>> -> memref<16x1024xf32, #tpu.memory_space<hbm>>
    %dma_wait3A_348 = arith.constant 0 : i32
    %dma_wait3A_349 = tpu.memref_slice %arg2[%dma_wait3A_344, %add3A_343, %dma_wait3A_348] : memref<4x4096x1024xf32, #tpu.memory_space<hbm>> -> memref<1x16x1024xf32, #tpu.memory_space<hbm>>
    %dma_wait3A_350 = tpu.memref_squeeze %dma_wait3A_349 : memref<1x16x1024xf32, #tpu.memory_space<hbm>> -> memref<16x1024xf32, #tpu.memory_space<hbm>>
    tpu.wait_dma2 semaphore(%arg10 : memref<!tpu.dma_semaphore, #tpu.memory_space<semaphore_mem>>) src(%dma_wait3A_350 : memref<16x1024xf32, #tpu.memory_space<hbm>>) dst(%arg6 : memref<16x1024xf32, #tpu.memory_space<vmem>>)
    %scan3A_351 = arith.constant 0 : i32
    %scan3A_352 = arith.constant 0 : i32
    %scan3A_353 = arith.constant 16 : i32
    %scan3A_354 = arith.addi %scan3A_352, %scan3A_353 : i32
    %scan3A_355 = arith.constant 1 : i32
    scf.for %scan3A_1440 = %scan3A_352 to %scan3A_354 step %scan3A_355  : i32 {
      %parallel_loop3A = arith.constant 0 : i32
      %parallel_loop3A_1441 = arith.constant 64 : i32
      %parallel_loop3A_1442 = arith.constant 1 : i32
      scf.for %parallel_loop3A_1443 = %parallel_loop3A to %parallel_loop3A_1441 step %parallel_loop3A_1442  : i32 {
        %parallel_loop3A_1444 = arith.constant 16 : i32
        %parallel_loop3A_1445 = arith.muli %parallel_loop3A_1443, %parallel_loop3A_1444 : i32
        %parallel_loop3A_1446 = arith.index_cast %scan3A_1440 : i32 to index
        %parallel_loop3A_1447 = arith.index_cast %parallel_loop3A_1445 : i32 to index
        %parallel_loop3A_1448 = tpu.vector_load %arg6[%parallel_loop3A_1446, %parallel_loop3A_1447] {strides = array<i32>} : memref<16x1024xf32, #tpu.memory_space<vmem>>, vector<1x16xf32>,
        %parallel_loop3A_1449 = vector.shape_cast %parallel_loop3A_1448 : vector<1x16xf32> to vector<16xf32>
        %parallel_loop3A_1450 = arith.index_cast %scan3A_1440 : i32 to index
        %parallel_loop3A_1451 = arith.index_cast %parallel_loop3A_1445 : i32 to index
        %parallel_loop3A_1452 = tpu.vector_load %arg8[%parallel_loop3A_1450, %parallel_loop3A_1451] {strides = array<i32>} : memref<16x1024xf32, #tpu.memory_space<vmem>>, vector<1x16xf32>,
        %parallel_loop3A_1453 = vector.shape_cast %parallel_loop3A_1452 : vector<1x16xf32> to vector<16xf32>
        %parallel_loop3A_1454 = arith.addf %parallel_loop3A_1449, %parallel_loop3A_1453 : vector<16xf32>
        %parallel_loop3A_1455 = arith.index_cast %scan3A_1440 : i32 to index
        %parallel_loop3A_1456 = arith.index_cast %parallel_loop3A_1445 : i32 to index
        %parallel_loop3A_1457 = tpu.vector_load %arg6[%parallel_loop3A_1455, %parallel_loop3A_1456] {strides = array<i32>} : memref<16x1024xf32, #tpu.memory_space<vmem>>, vector<1x16xf32>,
        %parallel_loop3A_1458 = vector.shape_cast %parallel_loop3A_1457 : vector<1x16xf32> to vector<16xf32>
        %parallel_loop3A_1459 = vector.shape_cast %parallel_loop3A_1454 : vector<16xf32> to vector<1x16xf32>
        tpu.vector_store %arg6[%parallel_loop3A_1455, %parallel_loop3A_1456], %parallel_loop3A_1459 {strides = array<i32>} : memref<16x1024xf32, #tpu.memory_space<vmem>>, vector<1x16xf32>,
      } {sc.loop_unroll_factor = 8 : i64, sc.parallel_access}
    }
    %scan3A_356 = arith.constant 16 : i32
    %add3A_357 = arith.constant 16 : i32
    %add3A_358 = arith.addi %mul3A_2, %add3A_357 : i32
    %dma_start3A_359 = arith.constant 3 : i32
    %dma_start3A_360 = arith.constant 0 : i32
    %dma_start3A_361 = tpu.memref_slice %arg4[%dma_start3A_359, %add3A_358, %dma_start3A_360] : memref<4x4096x1024xf32, #tpu.memory_space<hbm>> -> memref<1x16x1024xf32, #tpu.memory_space<hbm>>
    %dma_start3A_362 = tpu.memref_squeeze %dma_start3A_361 : memref<1x16x1024xf32, #tpu.memory_space<hbm>> -> memref<16x1024xf32, #tpu.memory_space<hbm>>
    %dma_start3A_363 = arith.constant 0 : i32
    %dma_start3A_364 = tpu.memref_slice %arg4[%dma_start3A_359, %add3A_358, %dma_start3A_363] : memref<4x4096x1024xf32, #tpu.memory_space<hbm>> -> memref<1x16x1024xf32, #tpu.memory_space<hbm>>
    %dma_start3A_365 = tpu.memref_squeeze %dma_start3A_364 : memref<1x16x1024xf32, #tpu.memory_space<hbm>> -> memref<16x1024xf32, #tpu.memory_space<hbm>>
    tpu.enqueue_dma source(%arg6 : memref<16x1024xf32, #tpu.memory_space<vmem>>) target(%dma_start3A_365 : memref<16x1024xf32, #tpu.memory_space<hbm>>) target_semaphore(%arg14 : memref<!tpu.dma_semaphore, #tpu.memory_space<semaphore_mem>>)
    %add3A_366 = arith.constant 16 : i32
    %add3A_367 = arith.addi %mul3A_2, %add3A_366 : i32
    %dma_wait3A_368 = arith.constant 3 : i32
    %dma_wait3A_369 = arith.constant 0 : i32
    %dma_wait3A_370 = tpu.memref_slice %arg4[%dma_wait3A_368, %add3A_367, %dma_wait3A_369] : memref<4x4096x1024xf32, #tpu.memory_space<hbm>> -> memref<1x16x1024xf32, #tpu.memory_space<hbm>>
    %dma_wait3A_371 = tpu.memref_squeeze %dma_wait3A_370 : memref<1x16x1024xf32, #tpu.memory_space<hbm>> -> memref<16x1024xf32, #tpu.memory_space<hbm>>
    %dma_wait3A_372 = arith.constant 0 : i32
    %dma_wait3A_373 = tpu.memref_slice %arg4[%dma_wait3A_368, %add3A_367, %dma_wait3A_372] : memref<4x4096x1024xf32, #tpu.memory_space<hbm>> -> memref<1x16x1024xf32, #tpu.memory_space<hbm>>
    %dma_wait3A_374 = tpu.memref_squeeze %dma_wait3A_373 : memref<1x16x1024xf32, #tpu.memory_space<hbm>> -> memref<16x1024xf32, #tpu.memory_space<hbm>>
    tpu.wait_dma2 semaphore(%arg14 : memref<!tpu.dma_semaphore, #tpu.memory_space<semaphore_mem>>) src(%arg6 : memref<16x1024xf32, #tpu.memory_space<vmem>>) dst(%dma_wait3A_374 : memref<16x1024xf32, #tpu.memory_space<hbm>>)
    %add3A_375 = arith.constant 32 : i32
    %add3A_376 = arith.addi %mul3A_2, %add3A_375 : i32
    %dma_start3A_377 = arith.constant 1 : i32
    %dma_start3A_378 = arith.constant 0 : i32
    %dma_start3A_379 = tpu.memref_slice %arg2[%dma_start3A_377, %add3A_376, %dma_start3A_378] : memref<4x4096x1024xf32, #tpu.memory_space<hbm>> -> memref<1x16x1024xf32, #tpu.memory_space<hbm>>
    %dma_start3A_380 = tpu.memref_squeeze %dma_start3A_379 : memref<1x16x1024xf32, #tpu.memory_space<hbm>> -> memref<16x1024xf32, #tpu.memory_space<hbm>>
    %dma_start3A_381 = arith.constant 0 : i32
    %dma_start3A_382 = tpu.memref_slice %arg2[%dma_start3A_377, %add3A_376, %dma_start3A_381] : memref<4x4096x1024xf32, #tpu.memory_space<hbm>> -> memref<1x16x1024xf32, #tpu.memory_space<hbm>>
    %dma_start3A_383 = tpu.memref_squeeze %dma_start3A_382 : memref<1x16x1024xf32, #tpu.memory_space<hbm>> -> memref<16x1024xf32, #tpu.memory_space<hbm>>
    tpu.enqueue_dma source(%dma_start3A_383 : memref<16x1024xf32, #tpu.memory_space<hbm>>) target(%arg6 : memref<16x1024xf32, #tpu.memory_space<vmem>>) target_semaphore(%arg10 : memref<!tpu.dma_semaphore, #tpu.memory_space<semaphore_mem>>)
    %add3A_384 = arith.constant 48 : i32
    %add3A_385 = arith.addi %mul3A_2, %add3A_384 : i32
    %dma_start3A_386 = arith.constant 0 : i32
    %dma_start3A_387 = tpu.memref_slice %arg3[%add3A_385, %dma_start3A_386] : memref<8192x1024xf32, #tpu.memory_space<hbm>> -> memref<16x1024xf32, #tpu.memory_space<hbm>>
    %dma_start3A_388 = arith.constant 0 : i32
    %dma_start3A_389 = tpu.memref_slice %arg3[%add3A_385, %dma_start3A_388] : memref<8192x1024xf32, #tpu.memory_space<hbm>> -> memref<16x1024xf32, #tpu.memory_space<hbm>>
    tpu.enqueue_dma source(%dma_start3A_389 : memref<16x1024xf32, #tpu.memory_space<hbm>>) target(%arg8 : memref<16x1024xf32, #tpu.memory_space<vmem>>) target_semaphore(%arg12 : memref<!tpu.dma_semaphore, #tpu.memory_space<semaphore_mem>>)
    %add3A_390 = arith.constant 32 : i32
    %add3A_391 = arith.addi %mul3A_2, %add3A_390 : i32
    %dma_wait3A_392 = arith.constant 0 : i32
    %dma_wait3A_393 = arith.constant 0 : i32
    %dma_wait3A_394 = tpu.memref_slice %arg2[%dma_wait3A_392, %add3A_391, %dma_wait3A_393] : memref<4x4096x1024xf32, #tpu.memory_space<hbm>> -> memref<1x16x1024xf32, #tpu.memory_space<hbm>>
    %dma_wait3A_395 = tpu.memref_squeeze %dma_wait3A_394 : memref<1x16x1024xf32, #tpu.memory_space<hbm>> -> memref<16x1024xf32, #tpu.memory_space<hbm>>
    %dma_wait3A_396 = arith.constant 0 : i32
    %dma_wait3A_397 = tpu.memref_slice %arg2[%dma_wait3A_392, %add3A_391, %dma_wait3A_396] : memref<4x4096x1024xf32, #tpu.memory_space<hbm>> -> memref<1x16x1024xf32, #tpu.memory_space<hbm>>
    %dma_wait3A_398 = tpu.memref_squeeze %dma_wait3A_397 : memref<1x16x1024xf32, #tpu.memory_space<hbm>> -> memref<16x1024xf32, #tpu.memory_space<hbm>>
    tpu.wait_dma2 semaphore(%arg9 : memref<!tpu.dma_semaphore, #tpu.memory_space<semaphore_mem>>) src(%dma_wait3A_398 : memref<16x1024xf32, #tpu.memory_space<hbm>>) dst(%arg5 : memref<16x1024xf32, #tpu.memory_space<vmem>>)
    %add3A_399 = arith.constant 32 : i32
    %add3A_400 = arith.addi %mul3A_2, %add3A_399 : i32
    %dma_wait3A_401 = arith.constant 0 : i32
    %dma_wait3A_402 = tpu.memref_slice %arg3[%add3A_400, %dma_wait3A_401] : memref<8192x1024xf32, #tpu.memory_space<hbm>> -> memref<16x1024xf32, #tpu.memory_space<hbm>>
    %dma_wait3A_403 = arith.constant 0 : i32
    %dma_wait3A_404 = tpu.memref_slice %arg3[%add3A_400, %dma_wait3A_403] : memref<8192x1024xf32, #tpu.memory_space<hbm>> -> memref<16x1024xf32, #tpu.memory_space<hbm>>
    tpu.wait_dma2 semaphore(%arg11 : memref<!tpu.dma_semaphore, #tpu.memory_space<semaphore_mem>>) src(%dma_wait3A_404 : memref<16x1024xf32, #tpu.memory_space<hbm>>) dst(%arg7 : memref<16x1024xf32, #tpu.memory_space<vmem>>)
    %scan3A_405 = arith.constant 0 : i32
    %scan3A_406 = arith.constant 0 : i32
    %scan3A_407 = arith.constant 16 : i32
    %scan3A_408 = arith.addi %scan3A_406, %scan3A_407 : i32
    %scan3A_409 = arith.constant 1 : i32
    scf.for %scan3A_1440 = %scan3A_406 to %scan3A_408 step %scan3A_409  : i32 {
      %parallel_loop3A = arith.constant 0 : i32
      %parallel_loop3A_1441 = arith.constant 64 : i32
      %parallel_loop3A_1442 = arith.constant 1 : i32
      scf.for %parallel_loop3A_1443 = %parallel_loop3A to %parallel_loop3A_1441 step %parallel_loop3A_1442  : i32 {
        %parallel_loop3A_1444 = arith.constant 16 : i32
        %parallel_loop3A_1445 = arith.muli %parallel_loop3A_1443, %parallel_loop3A_1444 : i32
        %parallel_loop3A_1446 = arith.index_cast %scan3A_1440 : i32 to index
        %parallel_loop3A_1447 = arith.index_cast %parallel_loop3A_1445 : i32 to index
        %parallel_loop3A_1448 = tpu.vector_load %arg5[%parallel_loop3A_1446, %parallel_loop3A_1447] {strides = array<i32>} : memref<16x1024xf32, #tpu.memory_space<vmem>>, vector<1x16xf32>,
        %parallel_loop3A_1449 = vector.shape_cast %parallel_loop3A_1448 : vector<1x16xf32> to vector<16xf32>
        %parallel_loop3A_1450 = arith.index_cast %scan3A_1440 : i32 to index
        %parallel_loop3A_1451 = arith.index_cast %parallel_loop3A_1445 : i32 to index
        %parallel_loop3A_1452 = tpu.vector_load %arg7[%parallel_loop3A_1450, %parallel_loop3A_1451] {strides = array<i32>} : memref<16x1024xf32, #tpu.memory_space<vmem>>, vector<1x16xf32>,
        %parallel_loop3A_1453 = vector.shape_cast %parallel_loop3A_1452 : vector<1x16xf32> to vector<16xf32>
        %parallel_loop3A_1454 = arith.addf %parallel_loop3A_1449, %parallel_loop3A_1453 : vector<16xf32>
        %parallel_loop3A_1455 = arith.index_cast %scan3A_1440 : i32 to index
        %parallel_loop3A_1456 = arith.index_cast %parallel_loop3A_1445 : i32 to index
        %parallel_loop3A_1457 = tpu.vector_load %arg5[%parallel_loop3A_1455, %parallel_loop3A_1456] {strides = array<i32>} : memref<16x1024xf32, #tpu.memory_space<vmem>>, vector<1x16xf32>,
        %parallel_loop3A_1458 = vector.shape_cast %parallel_loop3A_1457 : vector<1x16xf32> to vector<16xf32>
        %parallel_loop3A_1459 = vector.shape_cast %parallel_loop3A_1454 : vector<16xf32> to vector<1x16xf32>
        tpu.vector_store %arg5[%parallel_loop3A_1455, %parallel_loop3A_1456], %parallel_loop3A_1459 {strides = array<i32>} : memref<16x1024xf32, #tpu.memory_space<vmem>>, vector<1x16xf32>,
      } {sc.loop_unroll_factor = 8 : i64, sc.parallel_access}
    }
    %scan3A_410 = arith.constant 16 : i32
    %add3A_411 = arith.constant 32 : i32
    %add3A_412 = arith.addi %mul3A_2, %add3A_411 : i32
    %dma_start3A_413 = arith.constant 0 : i32
    %dma_start3A_414 = arith.constant 0 : i32
    %dma_start3A_415 = tpu.memref_slice %arg4[%dma_start3A_413, %add3A_412, %dma_start3A_414] : memref<4x4096x1024xf32, #tpu.memory_space<hbm>> -> memref<1x16x1024xf32, #tpu.memory_space<hbm>>
    %dma_start3A_416 = tpu.memref_squeeze %dma_start3A_415 : memref<1x16x1024xf32, #tpu.memory_space<hbm>> -> memref<16x1024xf32, #tpu.memory_space<hbm>>
    %dma_start3A_417 = arith.constant 0 : i32
    %dma_start3A_418 = tpu.memref_slice %arg4[%dma_start3A_413, %add3A_412, %dma_start3A_417] : memref<4x4096x1024xf32, #tpu.memory_space<hbm>> -> memref<1x16x1024xf32, #tpu.memory_space<hbm>>
    %dma_start3A_419 = tpu.memref_squeeze %dma_start3A_418 : memref<1x16x1024xf32, #tpu.memory_space<hbm>> -> memref<16x1024xf32, #tpu.memory_space<hbm>>
    tpu.enqueue_dma source(%arg5 : memref<16x1024xf32, #tpu.memory_space<vmem>>) target(%dma_start3A_419 : memref<16x1024xf32, #tpu.memory_space<hbm>>) target_semaphore(%arg13 : memref<!tpu.dma_semaphore, #tpu.memory_space<semaphore_mem>>)
    %add3A_420 = arith.constant 32 : i32
    %add3A_421 = arith.addi %mul3A_2, %add3A_420 : i32
    %dma_wait3A_422 = arith.constant 0 : i32
    %dma_wait3A_423 = arith.constant 0 : i32
    %dma_wait3A_424 = tpu.memref_slice %arg4[%dma_wait3A_422, %add3A_421, %dma_wait3A_423] : memref<4x4096x1024xf32, #tpu.memory_space<hbm>> -> memref<1x16x1024xf32, #tpu.memory_space<hbm>>
    %dma_wait3A_425 = tpu.memref_squeeze %dma_wait3A_424 : memref<1x16x1024xf32, #tpu.memory_space<hbm>> -> memref<16x1024xf32, #tpu.memory_space<hbm>>
    %dma_wait3A_426 = arith.constant 0 : i32
    %dma_wait3A_427 = tpu.memref_slice %arg4[%dma_wait3A_422, %add3A_421, %dma_wait3A_426] : memref<4x4096x1024xf32, #tpu.memory_space<hbm>> -> memref<1x16x1024xf32, #tpu.memory_space<hbm>>
    %dma_wait3A_428 = tpu.memref_squeeze %dma_wait3A_427 : memref<1x16x1024xf32, #tpu.memory_space<hbm>> -> memref<16x1024xf32, #tpu.memory_space<hbm>>
    tpu.wait_dma2 semaphore(%arg13 : memref<!tpu.dma_semaphore, #tpu.memory_space<semaphore_mem>>) src(%arg5 : memref<16x1024xf32, #tpu.memory_space<vmem>>) dst(%dma_wait3A_428 : memref<16x1024xf32, #tpu.memory_space<hbm>>)
    %add3A_429 = arith.constant 32 : i32
    %add3A_430 = arith.addi %mul3A_2, %add3A_429 : i32
    %dma_start3A_431 = arith.constant 2 : i32
    %dma_start3A_432 = arith.constant 0 : i32
    %dma_start3A_433 = tpu.memref_slice %arg2[%dma_start3A_431, %add3A_430, %dma_start3A_432] : memref<4x4096x1024xf32, #tpu.memory_space<hbm>> -> memref<1x16x1024xf32, #tpu.memory_space<hbm>>
    %dma_start3A_434 = tpu.memref_squeeze %dma_start3A_433 : memref<1x16x1024xf32, #tpu.memory_space<hbm>> -> memref<16x1024xf32, #tpu.memory_space<hbm>>
    %dma_start3A_435 = arith.constant 0 : i32
    %dma_start3A_436 = tpu.memref_slice %arg2[%dma_start3A_431, %add3A_430, %dma_start3A_435] : memref<4x4096x1024xf32, #tpu.memory_space<hbm>> -> memref<1x16x1024xf32, #tpu.memory_space<hbm>>
    %dma_start3A_437 = tpu.memref_squeeze %dma_start3A_436 : memref<1x16x1024xf32, #tpu.memory_space<hbm>> -> memref<16x1024xf32, #tpu.memory_space<hbm>>
    tpu.enqueue_dma source(%dma_start3A_437 : memref<16x1024xf32, #tpu.memory_space<hbm>>) target(%arg5 : memref<16x1024xf32, #tpu.memory_space<vmem>>) target_semaphore(%arg9 : memref<!tpu.dma_semaphore, #tpu.memory_space<semaphore_mem>>)
    %add3A_438 = arith.constant 32 : i32
    %add3A_439 = arith.addi %mul3A_2, %add3A_438 : i32
    %dma_wait3A_440 = arith.constant 1 : i32
    %dma_wait3A_441 = arith.constant 0 : i32
    %dma_wait3A_442 = tpu.memref_slice %arg2[%dma_wait3A_440, %add3A_439, %dma_wait3A_441] : memref<4x4096x1024xf32, #tpu.memory_space<hbm>> -> memref<1x16x1024xf32, #tpu.memory_space<hbm>>
    %dma_wait3A_443 = tpu.memref_squeeze %dma_wait3A_442 : memref<1x16x1024xf32, #tpu.memory_space<hbm>> -> memref<16x1024xf32, #tpu.memory_space<hbm>>
    %dma_wait3A_444 = arith.constant 0 : i32
    %dma_wait3A_445 = tpu.memref_slice %arg2[%dma_wait3A_440, %add3A_439, %dma_wait3A_444] : memref<4x4096x1024xf32, #tpu.memory_space<hbm>> -> memref<1x16x1024xf32, #tpu.memory_space<hbm>>
    %dma_wait3A_446 = tpu.memref_squeeze %dma_wait3A_445 : memref<1x16x1024xf32, #tpu.memory_space<hbm>> -> memref<16x1024xf32, #tpu.memory_space<hbm>>
    tpu.wait_dma2 semaphore(%arg10 : memref<!tpu.dma_semaphore, #tpu.memory_space<semaphore_mem>>) src(%dma_wait3A_446 : memref<16x1024xf32, #tpu.memory_space<hbm>>) dst(%arg6 : memref<16x1024xf32, #tpu.memory_space<vmem>>)
    %scan3A_447 = arith.constant 0 : i32
    %scan3A_448 = arith.constant 0 : i32
    %scan3A_449 = arith.constant 16 : i32
    %scan3A_450 = arith.addi %scan3A_448, %scan3A_449 : i32
    %scan3A_451 = arith.constant 1 : i32
    scf.for %scan3A_1440 = %scan3A_448 to %scan3A_450 step %scan3A_451  : i32 {
      %parallel_loop3A = arith.constant 0 : i32
      %parallel_loop3A_1441 = arith.constant 64 : i32
      %parallel_loop3A_1442 = arith.constant 1 : i32
      scf.for %parallel_loop3A_1443 = %parallel_loop3A to %parallel_loop3A_1441 step %parallel_loop3A_1442  : i32 {
        %parallel_loop3A_1444 = arith.constant 16 : i32
        %parallel_loop3A_1445 = arith.muli %parallel_loop3A_1443, %parallel_loop3A_1444 : i32
        %parallel_loop3A_1446 = arith.index_cast %scan3A_1440 : i32 to index
        %parallel_loop3A_1447 = arith.index_cast %parallel_loop3A_1445 : i32 to index
        %parallel_loop3A_1448 = tpu.vector_load %arg6[%parallel_loop3A_1446, %parallel_loop3A_1447] {strides = array<i32>} : memref<16x1024xf32, #tpu.memory_space<vmem>>, vector<1x16xf32>,
        %parallel_loop3A_1449 = vector.shape_cast %parallel_loop3A_1448 : vector<1x16xf32> to vector<16xf32>
        %parallel_loop3A_1450 = arith.index_cast %scan3A_1440 : i32 to index
        %parallel_loop3A_1451 = arith.index_cast %parallel_loop3A_1445 : i32 to index
        %parallel_loop3A_1452 = tpu.vector_load %arg7[%parallel_loop3A_1450, %parallel_loop3A_1451] {strides = array<i32>} : memref<16x1024xf32, #tpu.memory_space<vmem>>, vector<1x16xf32>,
        %parallel_loop3A_1453 = vector.shape_cast %parallel_loop3A_1452 : vector<1x16xf32> to vector<16xf32>
        %parallel_loop3A_1454 = arith.addf %parallel_loop3A_1449, %parallel_loop3A_1453 : vector<16xf32>
        %parallel_loop3A_1455 = arith.index_cast %scan3A_1440 : i32 to index
        %parallel_loop3A_1456 = arith.index_cast %parallel_loop3A_1445 : i32 to index
        %parallel_loop3A_1457 = tpu.vector_load %arg6[%parallel_loop3A_1455, %parallel_loop3A_1456] {strides = array<i32>} : memref<16x1024xf32, #tpu.memory_space<vmem>>, vector<1x16xf32>,
        %parallel_loop3A_1458 = vector.shape_cast %parallel_loop3A_1457 : vector<1x16xf32> to vector<16xf32>
        %parallel_loop3A_1459 = vector.shape_cast %parallel_loop3A_1454 : vector<16xf32> to vector<1x16xf32>
        tpu.vector_store %arg6[%parallel_loop3A_1455, %parallel_loop3A_1456], %parallel_loop3A_1459 {strides = array<i32>} : memref<16x1024xf32, #tpu.memory_space<vmem>>, vector<1x16xf32>,
      } {sc.loop_unroll_factor = 8 : i64, sc.parallel_access}
    }
    %scan3A_452 = arith.constant 16 : i32
    %add3A_453 = arith.constant 32 : i32
    %add3A_454 = arith.addi %mul3A_2, %add3A_453 : i32
    %dma_start3A_455 = arith.constant 1 : i32
    %dma_start3A_456 = arith.constant 0 : i32
    %dma_start3A_457 = tpu.memref_slice %arg4[%dma_start3A_455, %add3A_454, %dma_start3A_456] : memref<4x4096x1024xf32, #tpu.memory_space<hbm>> -> memref<1x16x1024xf32, #tpu.memory_space<hbm>>
    %dma_start3A_458 = tpu.memref_squeeze %dma_start3A_457 : memref<1x16x1024xf32, #tpu.memory_space<hbm>> -> memref<16x1024xf32, #tpu.memory_space<hbm>>
    %dma_start3A_459 = arith.constant 0 : i32
    %dma_start3A_460 = tpu.memref_slice %arg4[%dma_start3A_455, %add3A_454, %dma_start3A_459] : memref<4x4096x1024xf32, #tpu.memory_space<hbm>> -> memref<1x16x1024xf32, #tpu.memory_space<hbm>>
    %dma_start3A_461 = tpu.memref_squeeze %dma_start3A_460 : memref<1x16x1024xf32, #tpu.memory_space<hbm>> -> memref<16x1024xf32, #tpu.memory_space<hbm>>
    tpu.enqueue_dma source(%arg6 : memref<16x1024xf32, #tpu.memory_space<vmem>>) target(%dma_start3A_461 : memref<16x1024xf32, #tpu.memory_space<hbm>>) target_semaphore(%arg14 : memref<!tpu.dma_semaphore, #tpu.memory_space<semaphore_mem>>)
    %add3A_462 = arith.constant 32 : i32
    %add3A_463 = arith.addi %mul3A_2, %add3A_462 : i32
    %dma_wait3A_464 = arith.constant 1 : i32
    %dma_wait3A_465 = arith.constant 0 : i32
    %dma_wait3A_466 = tpu.memref_slice %arg4[%dma_wait3A_464, %add3A_463, %dma_wait3A_465] : memref<4x4096x1024xf32, #tpu.memory_space<hbm>> -> memref<1x16x1024xf32, #tpu.memory_space<hbm>>
    %dma_wait3A_467 = tpu.memref_squeeze %dma_wait3A_466 : memref<1x16x1024xf32, #tpu.memory_space<hbm>> -> memref<16x1024xf32, #tpu.memory_space<hbm>>
    %dma_wait3A_468 = arith.constant 0 : i32
    %dma_wait3A_469 = tpu.memref_slice %arg4[%dma_wait3A_464, %add3A_463, %dma_wait3A_468] : memref<4x4096x1024xf32, #tpu.memory_space<hbm>> -> memref<1x16x1024xf32, #tpu.memory_space<hbm>>
    %dma_wait3A_470 = tpu.memref_squeeze %dma_wait3A_469 : memref<1x16x1024xf32, #tpu.memory_space<hbm>> -> memref<16x1024xf32, #tpu.memory_space<hbm>>
    tpu.wait_dma2 semaphore(%arg14 : memref<!tpu.dma_semaphore, #tpu.memory_space<semaphore_mem>>) src(%arg6 : memref<16x1024xf32, #tpu.memory_space<vmem>>) dst(%dma_wait3A_470 : memref<16x1024xf32, #tpu.memory_space<hbm>>)
    %add3A_471 = arith.constant 32 : i32
    %add3A_472 = arith.addi %mul3A_2, %add3A_471 : i32
    %dma_start3A_473 = arith.constant 3 : i32
    %dma_start3A_474 = arith.constant 0 : i32
    %dma_start3A_475 = tpu.memref_slice %arg2[%dma_start3A_473, %add3A_472, %dma_start3A_474] : memref<4x4096x1024xf32, #tpu.memory_space<hbm>> -> memref<1x16x1024xf32, #tpu.memory_space<hbm>>
    %dma_start3A_476 = tpu.memref_squeeze %dma_start3A_475 : memref<1x16x1024xf32, #tpu.memory_space<hbm>> -> memref<16x1024xf32, #tpu.memory_space<hbm>>
    %dma_start3A_477 = arith.constant 0 : i32
    %dma_start3A_478 = tpu.memref_slice %arg2[%dma_start3A_473, %add3A_472, %dma_start3A_477] : memref<4x4096x1024xf32, #tpu.memory_space<hbm>> -> memref<1x16x1024xf32, #tpu.memory_space<hbm>>
    %dma_start3A_479 = tpu.memref_squeeze %dma_start3A_478 : memref<1x16x1024xf32, #tpu.memory_space<hbm>> -> memref<16x1024xf32, #tpu.memory_space<hbm>>
    tpu.enqueue_dma source(%dma_start3A_479 : memref<16x1024xf32, #tpu.memory_space<hbm>>) target(%arg6 : memref<16x1024xf32, #tpu.memory_space<vmem>>) target_semaphore(%arg10 : memref<!tpu.dma_semaphore, #tpu.memory_space<semaphore_mem>>)
    %add3A_480 = arith.constant 32 : i32
    %add3A_481 = arith.addi %mul3A_2, %add3A_480 : i32
    %dma_wait3A_482 = arith.constant 2 : i32
    %dma_wait3A_483 = arith.constant 0 : i32
    %dma_wait3A_484 = tpu.memref_slice %arg2[%dma_wait3A_482, %add3A_481, %dma_wait3A_483] : memref<4x4096x1024xf32, #tpu.memory_space<hbm>> -> memref<1x16x1024xf32, #tpu.memory_space<hbm>>
    %dma_wait3A_485 = tpu.memref_squeeze %dma_wait3A_484 : memref<1x16x1024xf32, #tpu.memory_space<hbm>> -> memref<16x1024xf32, #tpu.memory_space<hbm>>
    %dma_wait3A_486 = arith.constant 0 : i32
    %dma_wait3A_487 = tpu.memref_slice %arg2[%dma_wait3A_482, %add3A_481, %dma_wait3A_486] : memref<4x4096x1024xf32, #tpu.memory_space<hbm>> -> memref<1x16x1024xf32, #tpu.memory_space<hbm>>
    %dma_wait3A_488 = tpu.memref_squeeze %dma_wait3A_487 : memref<1x16x1024xf32, #tpu.memory_space<hbm>> -> memref<16x1024xf32, #tpu.memory_space<hbm>>
    tpu.wait_dma2 semaphore(%arg9 : memref<!tpu.dma_semaphore, #tpu.memory_space<semaphore_mem>>) src(%dma_wait3A_488 : memref<16x1024xf32, #tpu.memory_space<hbm>>) dst(%arg5 : memref<16x1024xf32, #tpu.memory_space<vmem>>)
    %scan3A_489 = arith.constant 0 : i32
    %scan3A_490 = arith.constant 0 : i32
    %scan3A_491 = arith.constant 16 : i32
    %scan3A_492 = arith.addi %scan3A_490, %scan3A_491 : i32
    %scan3A_493 = arith.constant 1 : i32
    scf.for %scan3A_1440 = %scan3A_490 to %scan3A_492 step %scan3A_493  : i32 {
      %parallel_loop3A = arith.constant 0 : i32
      %parallel_loop3A_1441 = arith.constant 64 : i32
      %parallel_loop3A_1442 = arith.constant 1 : i32
      scf.for %parallel_loop3A_1443 = %parallel_loop3A to %parallel_loop3A_1441 step %parallel_loop3A_1442  : i32 {
        %parallel_loop3A_1444 = arith.constant 16 : i32
        %parallel_loop3A_1445 = arith.muli %parallel_loop3A_1443, %parallel_loop3A_1444 : i32
        %parallel_loop3A_1446 = arith.index_cast %scan3A_1440 : i32 to index
        %parallel_loop3A_1447 = arith.index_cast %parallel_loop3A_1445 : i32 to index
        %parallel_loop3A_1448 = tpu.vector_load %arg5[%parallel_loop3A_1446, %parallel_loop3A_1447] {strides = array<i32>} : memref<16x1024xf32, #tpu.memory_space<vmem>>, vector<1x16xf32>,
        %parallel_loop3A_1449 = vector.shape_cast %parallel_loop3A_1448 : vector<1x16xf32> to vector<16xf32>
        %parallel_loop3A_1450 = arith.index_cast %scan3A_1440 : i32 to index
        %parallel_loop3A_1451 = arith.index_cast %parallel_loop3A_1445 : i32 to index
        %parallel_loop3A_1452 = tpu.vector_load %arg7[%parallel_loop3A_1450, %parallel_loop3A_1451] {strides = array<i32>} : memref<16x1024xf32, #tpu.memory_space<vmem>>, vector<1x16xf32>,
        %parallel_loop3A_1453 = vector.shape_cast %parallel_loop3A_1452 : vector<1x16xf32> to vector<16xf32>
        %parallel_loop3A_1454 = arith.addf %parallel_loop3A_1449, %parallel_loop3A_1453 : vector<16xf32>
        %parallel_loop3A_1455 = arith.index_cast %scan3A_1440 : i32 to index
        %parallel_loop3A_1456 = arith.index_cast %parallel_loop3A_1445 : i32 to index
        %parallel_loop3A_1457 = tpu.vector_load %arg5[%parallel_loop3A_1455, %parallel_loop3A_1456] {strides = array<i32>} : memref<16x1024xf32, #tpu.memory_space<vmem>>, vector<1x16xf32>,
        %parallel_loop3A_1458 = vector.shape_cast %parallel_loop3A_1457 : vector<1x16xf32> to vector<16xf32>
        %parallel_loop3A_1459 = vector.shape_cast %parallel_loop3A_1454 : vector<16xf32> to vector<1x16xf32>
        tpu.vector_store %arg5[%parallel_loop3A_1455, %parallel_loop3A_1456], %parallel_loop3A_1459 {strides = array<i32>} : memref<16x1024xf32, #tpu.memory_space<vmem>>, vector<1x16xf32>,
      } {sc.loop_unroll_factor = 8 : i64, sc.parallel_access}
    }
    %scan3A_494 = arith.constant 16 : i32
    %add3A_495 = arith.constant 32 : i32
    %add3A_496 = arith.addi %mul3A_2, %add3A_495 : i32
    %dma_start3A_497 = arith.constant 2 : i32
    %dma_start3A_498 = arith.constant 0 : i32
    %dma_start3A_499 = tpu.memref_slice %arg4[%dma_start3A_497, %add3A_496, %dma_start3A_498] : memref<4x4096x1024xf32, #tpu.memory_space<hbm>> -> memref<1x16x1024xf32, #tpu.memory_space<hbm>>
    %dma_start3A_500 = tpu.memref_squeeze %dma_start3A_499 : memref<1x16x1024xf32, #tpu.memory_space<hbm>> -> memref<16x1024xf32, #tpu.memory_space<hbm>>
    %dma_start3A_501 = arith.constant 0 : i32
    %dma_start3A_502 = tpu.memref_slice %arg4[%dma_start3A_497, %add3A_496, %dma_start3A_501] : memref<4x4096x1024xf32, #tpu.memory_space<hbm>> -> memref<1x16x1024xf32, #tpu.memory_space<hbm>>
    %dma_start3A_503 = tpu.memref_squeeze %dma_start3A_502 : memref<1x16x1024xf32, #tpu.memory_space<hbm>> -> memref<16x1024xf32, #tpu.memory_space<hbm>>
    tpu.enqueue_dma source(%arg5 : memref<16x1024xf32, #tpu.memory_space<vmem>>) target(%dma_start3A_503 : memref<16x1024xf32, #tpu.memory_space<hbm>>) target_semaphore(%arg13 : memref<!tpu.dma_semaphore, #tpu.memory_space<semaphore_mem>>)
    %add3A_504 = arith.constant 32 : i32
    %add3A_505 = arith.addi %mul3A_2, %add3A_504 : i32
    %dma_wait3A_506 = arith.constant 2 : i32
    %dma_wait3A_507 = arith.constant 0 : i32
    %dma_wait3A_508 = tpu.memref_slice %arg4[%dma_wait3A_506, %add3A_505, %dma_wait3A_507] : memref<4x4096x1024xf32, #tpu.memory_space<hbm>> -> memref<1x16x1024xf32, #tpu.memory_space<hbm>>
    %dma_wait3A_509 = tpu.memref_squeeze %dma_wait3A_508 : memref<1x16x1024xf32, #tpu.memory_space<hbm>> -> memref<16x1024xf32, #tpu.memory_space<hbm>>
    %dma_wait3A_510 = arith.constant 0 : i32
    %dma_wait3A_511 = tpu.memref_slice %arg4[%dma_wait3A_506, %add3A_505, %dma_wait3A_510] : memref<4x4096x1024xf32, #tpu.memory_space<hbm>> -> memref<1x16x1024xf32, #tpu.memory_space<hbm>>
    %dma_wait3A_512 = tpu.memref_squeeze %dma_wait3A_511 : memref<1x16x1024xf32, #tpu.memory_space<hbm>> -> memref<16x1024xf32, #tpu.memory_space<hbm>>
    tpu.wait_dma2 semaphore(%arg13 : memref<!tpu.dma_semaphore, #tpu.memory_space<semaphore_mem>>) src(%arg5 : memref<16x1024xf32, #tpu.memory_space<vmem>>) dst(%dma_wait3A_512 : memref<16x1024xf32, #tpu.memory_space<hbm>>)
    %add3A_513 = arith.constant 48 : i32
    %add3A_514 = arith.addi %mul3A_2, %add3A_513 : i32
    %dma_start3A_515 = arith.constant 0 : i32
    %dma_start3A_516 = arith.constant 0 : i32
    %dma_start3A_517 = tpu.memref_slice %arg2[%dma_start3A_515, %add3A_514, %dma_start3A_516] : memref<4x4096x1024xf32, #tpu.memory_space<hbm>> -> memref<1x16x1024xf32, #tpu.memory_space<hbm>>
    %dma_start3A_518 = tpu.memref_squeeze %dma_start3A_517 : memref<1x16x1024xf32, #tpu.memory_space<hbm>> -> memref<16x1024xf32, #tpu.memory_space<hbm>>
    %dma_start3A_519 = arith.constant 0 : i32
    %dma_start3A_520 = tpu.memref_slice %arg2[%dma_start3A_515, %add3A_514, %dma_start3A_519] : memref<4x4096x1024xf32, #tpu.memory_space<hbm>> -> memref<1x16x1024xf32, #tpu.memory_space<hbm>>
    %dma_start3A_521 = tpu.memref_squeeze %dma_start3A_520 : memref<1x16x1024xf32, #tpu.memory_space<hbm>> -> memref<16x1024xf32, #tpu.memory_space<hbm>>
    tpu.enqueue_dma source(%dma_start3A_521 : memref<16x1024xf32, #tpu.memory_space<hbm>>) target(%arg5 : memref<16x1024xf32, #tpu.memory_space<vmem>>) target_semaphore(%arg9 : memref<!tpu.dma_semaphore, #tpu.memory_space<semaphore_mem>>)
    %add3A_522 = arith.constant 32 : i32
    %add3A_523 = arith.addi %mul3A_2, %add3A_522 : i32
    %dma_wait3A_524 = arith.constant 3 : i32
    %dma_wait3A_525 = arith.constant 0 : i32
    %dma_wait3A_526 = tpu.memref_slice %arg2[%dma_wait3A_524, %add3A_523, %dma_wait3A_525] : memref<4x4096x1024xf32, #tpu.memory_space<hbm>> -> memref<1x16x1024xf32, #tpu.memory_space<hbm>>
    %dma_wait3A_527 = tpu.memref_squeeze %dma_wait3A_526 : memref<1x16x1024xf32, #tpu.memory_space<hbm>> -> memref<16x1024xf32, #tpu.memory_space<hbm>>
    %dma_wait3A_528 = arith.constant 0 : i32
    %dma_wait3A_529 = tpu.memref_slice %arg2[%dma_wait3A_524, %add3A_523, %dma_wait3A_528] : memref<4x4096x1024xf32, #tpu.memory_space<hbm>> -> memref<1x16x1024xf32, #tpu.memory_space<hbm>>
    %dma_wait3A_530 = tpu.memref_squeeze %dma_wait3A_529 : memref<1x16x1024xf32, #tpu.memory_space<hbm>> -> memref<16x1024xf32, #tpu.memory_space<hbm>>
    tpu.wait_dma2 semaphore(%arg10 : memref<!tpu.dma_semaphore, #tpu.memory_space<semaphore_mem>>) src(%dma_wait3A_530 : memref<16x1024xf32, #tpu.memory_space<hbm>>) dst(%arg6 : memref<16x1024xf32, #tpu.memory_space<vmem>>)
    %scan3A_531 = arith.constant 0 : i32
    %scan3A_532 = arith.constant 0 : i32
    %scan3A_533 = arith.constant 16 : i32
    %scan3A_534 = arith.addi %scan3A_532, %scan3A_533 : i32
    %scan3A_535 = arith.constant 1 : i32
    scf.for %scan3A_1440 = %scan3A_532 to %scan3A_534 step %scan3A_535  : i32 {
      %parallel_loop3A = arith.constant 0 : i32
      %parallel_loop3A_1441 = arith.constant 64 : i32
      %parallel_loop3A_1442 = arith.constant 1 : i32
      scf.for %parallel_loop3A_1443 = %parallel_loop3A to %parallel_loop3A_1441 step %parallel_loop3A_1442  : i32 {
        %parallel_loop3A_1444 = arith.constant 16 : i32
        %parallel_loop3A_1445 = arith.muli %parallel_loop3A_1443, %parallel_loop3A_1444 : i32
        %parallel_loop3A_1446 = arith.index_cast %scan3A_1440 : i32 to index
        %parallel_loop3A_1447 = arith.index_cast %parallel_loop3A_1445 : i32 to index
        %parallel_loop3A_1448 = tpu.vector_load %arg6[%parallel_loop3A_1446, %parallel_loop3A_1447] {strides = array<i32>} : memref<16x1024xf32, #tpu.memory_space<vmem>>, vector<1x16xf32>,
        %parallel_loop3A_1449 = vector.shape_cast %parallel_loop3A_1448 : vector<1x16xf32> to vector<16xf32>
        %parallel_loop3A_1450 = arith.index_cast %scan3A_1440 : i32 to index
        %parallel_loop3A_1451 = arith.index_cast %parallel_loop3A_1445 : i32 to index
        %parallel_loop3A_1452 = tpu.vector_load %arg7[%parallel_loop3A_1450, %parallel_loop3A_1451] {strides = array<i32>} : memref<16x1024xf32, #tpu.memory_space<vmem>>, vector<1x16xf32>,
        %parallel_loop3A_1453 = vector.shape_cast %parallel_loop3A_1452 : vector<1x16xf32> to vector<16xf32>
        %parallel_loop3A_1454 = arith.addf %parallel_loop3A_1449, %parallel_loop3A_1453 : vector<16xf32>
        %parallel_loop3A_1455 = arith.index_cast %scan3A_1440 : i32 to index
        %parallel_loop3A_1456 = arith.index_cast %parallel_loop3A_1445 : i32 to index
        %parallel_loop3A_1457 = tpu.vector_load %arg6[%parallel_loop3A_1455, %parallel_loop3A_1456] {strides = array<i32>} : memref<16x1024xf32, #tpu.memory_space<vmem>>, vector<1x16xf32>,
        %parallel_loop3A_1458 = vector.shape_cast %parallel_loop3A_1457 : vector<1x16xf32> to vector<16xf32>
        %parallel_loop3A_1459 = vector.shape_cast %parallel_loop3A_1454 : vector<16xf32> to vector<1x16xf32>
        tpu.vector_store %arg6[%parallel_loop3A_1455, %parallel_loop3A_1456], %parallel_loop3A_1459 {strides = array<i32>} : memref<16x1024xf32, #tpu.memory_space<vmem>>, vector<1x16xf32>,
      } {sc.loop_unroll_factor = 8 : i64, sc.parallel_access}
    }
    %scan3A_536 = arith.constant 16 : i32
    %add3A_537 = arith.constant 32 : i32
    %add3A_538 = arith.addi %mul3A_2, %add3A_537 : i32
    %dma_start3A_539 = arith.constant 3 : i32
    %dma_start3A_540 = arith.constant 0 : i32
    %dma_start3A_541 = tpu.memref_slice %arg4[%dma_start3A_539, %add3A_538, %dma_start3A_540] : memref<4x4096x1024xf32, #tpu.memory_space<hbm>> -> memref<1x16x1024xf32, #tpu.memory_space<hbm>>
    %dma_start3A_542 = tpu.memref_squeeze %dma_start3A_541 : memref<1x16x1024xf32, #tpu.memory_space<hbm>> -> memref<16x1024xf32, #tpu.memory_space<hbm>>
    %dma_start3A_543 = arith.constant 0 : i32
    %dma_start3A_544 = tpu.memref_slice %arg4[%dma_start3A_539, %add3A_538, %dma_start3A_543] : memref<4x4096x1024xf32, #tpu.memory_space<hbm>> -> memref<1x16x1024xf32, #tpu.memory_space<hbm>>
    %dma_start3A_545 = tpu.memref_squeeze %dma_start3A_544 : memref<1x16x1024xf32, #tpu.memory_space<hbm>> -> memref<16x1024xf32, #tpu.memory_space<hbm>>
    tpu.enqueue_dma source(%arg6 : memref<16x1024xf32, #tpu.memory_space<vmem>>) target(%dma_start3A_545 : memref<16x1024xf32, #tpu.memory_space<hbm>>) target_semaphore(%arg14 : memref<!tpu.dma_semaphore, #tpu.memory_space<semaphore_mem>>)
    %add3A_546 = arith.constant 32 : i32
    %add3A_547 = arith.addi %mul3A_2, %add3A_546 : i32
    %dma_wait3A_548 = arith.constant 3 : i32
    %dma_wait3A_549 = arith.constant 0 : i32
    %dma_wait3A_550 = tpu.memref_slice %arg4[%dma_wait3A_548, %add3A_547, %dma_wait3A_549] : memref<4x4096x1024xf32, #tpu.memory_space<hbm>> -> memref<1x16x1024xf32, #tpu.memory_space<hbm>>
    %dma_wait3A_551 = tpu.memref_squeeze %dma_wait3A_550 : memref<1x16x1024xf32, #tpu.memory_space<hbm>> -> memref<16x1024xf32, #tpu.memory_space<hbm>>
    %dma_wait3A_552 = arith.constant 0 : i32
    %dma_wait3A_553 = tpu.memref_slice %arg4[%dma_wait3A_548, %add3A_547, %dma_wait3A_552] : memref<4x4096x1024xf32, #tpu.memory_space<hbm>> -> memref<1x16x1024xf32, #tpu.memory_space<hbm>>
    %dma_wait3A_554 = tpu.memref_squeeze %dma_wait3A_553 : memref<1x16x1024xf32, #tpu.memory_space<hbm>> -> memref<16x1024xf32, #tpu.memory_space<hbm>>
    tpu.wait_dma2 semaphore(%arg14 : memref<!tpu.dma_semaphore, #tpu.memory_space<semaphore_mem>>) src(%arg6 : memref<16x1024xf32, #tpu.memory_space<vmem>>) dst(%dma_wait3A_554 : memref<16x1024xf32, #tpu.memory_space<hbm>>)
    %add3A_555 = arith.constant 48 : i32
    %add3A_556 = arith.addi %mul3A_2, %add3A_555 : i32
    %dma_start3A_557 = arith.constant 1 : i32
    %dma_start3A_558 = arith.constant 0 : i32
    %dma_start3A_559 = tpu.memref_slice %arg2[%dma_start3A_557, %add3A_556, %dma_start3A_558] : memref<4x4096x1024xf32, #tpu.memory_space<hbm>> -> memref<1x16x1024xf32, #tpu.memory_space<hbm>>
    %dma_start3A_560 = tpu.memref_squeeze %dma_start3A_559 : memref<1x16x1024xf32, #tpu.memory_space<hbm>> -> memref<16x1024xf32, #tpu.memory_space<hbm>>
    %dma_start3A_561 = arith.constant 0 : i32
    %dma_start3A_562 = tpu.memref_slice %arg2[%dma_start3A_557, %add3A_556, %dma_start3A_561] : memref<4x4096x1024xf32, #tpu.memory_space<hbm>> -> memref<1x16x1024xf32, #tpu.memory_space<hbm>>
    %dma_start3A_563 = tpu.memref_squeeze %dma_start3A_562 : memref<1x16x1024xf32, #tpu.memory_space<hbm>> -> memref<16x1024xf32, #tpu.memory_space<hbm>>
    tpu.enqueue_dma source(%dma_start3A_563 : memref<16x1024xf32, #tpu.memory_space<hbm>>) target(%arg6 : memref<16x1024xf32, #tpu.memory_space<vmem>>) target_semaphore(%arg10 : memref<!tpu.dma_semaphore, #tpu.memory_space<semaphore_mem>>)
    %add3A_564 = arith.constant 64 : i32
    %add3A_565 = arith.addi %mul3A_2, %add3A_564 : i32
    %dma_start3A_566 = arith.constant 0 : i32
    %dma_start3A_567 = tpu.memref_slice %arg3[%add3A_565, %dma_start3A_566] : memref<8192x1024xf32, #tpu.memory_space<hbm>> -> memref<16x1024xf32, #tpu.memory_space<hbm>>
    %dma_start3A_568 = arith.constant 0 : i32
    %dma_start3A_569 = tpu.memref_slice %arg3[%add3A_565, %dma_start3A_568] : memref<8192x1024xf32, #tpu.memory_space<hbm>> -> memref<16x1024xf32, #tpu.memory_space<hbm>>
    tpu.enqueue_dma source(%dma_start3A_569 : memref<16x1024xf32, #tpu.memory_space<hbm>>) target(%arg7 : memref<16x1024xf32, #tpu.memory_space<vmem>>) target_semaphore(%arg11 : memref<!tpu.dma_semaphore, #tpu.memory_space<semaphore_mem>>)
    %add3A_570 = arith.constant 48 : i32
    %add3A_571 = arith.addi %mul3A_2, %add3A_570 : i32
    %dma_wait3A_572 = arith.constant 0 : i32
    %dma_wait3A_573 = arith.constant 0 : i32
    %dma_wait3A_574 = tpu.memref_slice %arg2[%dma_wait3A_572, %add3A_571, %dma_wait3A_573] : memref<4x4096x1024xf32, #tpu.memory_space<hbm>> -> memref<1x16x1024xf32, #tpu.memory_space<hbm>>
    %dma_wait3A_575 = tpu.memref_squeeze %dma_wait3A_574 : memref<1x16x1024xf32, #tpu.memory_space<hbm>> -> memref<16x1024xf32, #tpu.memory_space<hbm>>
    %dma_wait3A_576 = arith.constant 0 : i32
    %dma_wait3A_577 = tpu.memref_slice %arg2[%dma_wait3A_572, %add3A_571, %dma_wait3A_576] : memref<4x4096x1024xf32, #tpu.memory_space<hbm>> -> memref<1x16x1024xf32, #tpu.memory_space<hbm>>
    %dma_wait3A_578 = tpu.memref_squeeze %dma_wait3A_577 : memref<1x16x1024xf32, #tpu.memory_space<hbm>> -> memref<16x1024xf32, #tpu.memory_space<hbm>>
    tpu.wait_dma2 semaphore(%arg9 : memref<!tpu.dma_semaphore, #tpu.memory_space<semaphore_mem>>) src(%dma_wait3A_578 : memref<16x1024xf32, #tpu.memory_space<hbm>>) dst(%arg5 : memref<16x1024xf32, #tpu.memory_space<vmem>>)
    %add3A_579 = arith.constant 48 : i32
    %add3A_580 = arith.addi %mul3A_2, %add3A_579 : i32
    %dma_wait3A_581 = arith.constant 0 : i32
    %dma_wait3A_582 = tpu.memref_slice %arg3[%add3A_580, %dma_wait3A_581] : memref<8192x1024xf32, #tpu.memory_space<hbm>> -> memref<16x1024xf32, #tpu.memory_space<hbm>>
    %dma_wait3A_583 = arith.constant 0 : i32
    %dma_wait3A_584 = tpu.memref_slice %arg3[%add3A_580, %dma_wait3A_583] : memref<8192x1024xf32, #tpu.memory_space<hbm>> -> memref<16x1024xf32, #tpu.memory_space<hbm>>
    tpu.wait_dma2 semaphore(%arg12 : memref<!tpu.dma_semaphore, #tpu.memory_space<semaphore_mem>>) src(%dma_wait3A_584 : memref<16x1024xf32, #tpu.memory_space<hbm>>) dst(%arg8 : memref<16x1024xf32, #tpu.memory_space<vmem>>)
    %scan3A_585 = arith.constant 0 : i32
    %scan3A_586 = arith.constant 0 : i32
    %scan3A_587 = arith.constant 16 : i32
    %scan3A_588 = arith.addi %scan3A_586, %scan3A_587 : i32
    %scan3A_589 = arith.constant 1 : i32
    scf.for %scan3A_1440 = %scan3A_586 to %scan3A_588 step %scan3A_589  : i32 {
      %parallel_loop3A = arith.constant 0 : i32
      %parallel_loop3A_1441 = arith.constant 64 : i32
      %parallel_loop3A_1442 = arith.constant 1 : i32
      scf.for %parallel_loop3A_1443 = %parallel_loop3A to %parallel_loop3A_1441 step %parallel_loop3A_1442  : i32 {
        %parallel_loop3A_1444 = arith.constant 16 : i32
        %parallel_loop3A_1445 = arith.muli %parallel_loop3A_1443, %parallel_loop3A_1444 : i32
        %parallel_loop3A_1446 = arith.index_cast %scan3A_1440 : i32 to index
        %parallel_loop3A_1447 = arith.index_cast %parallel_loop3A_1445 : i32 to index
        %parallel_loop3A_1448 = tpu.vector_load %arg5[%parallel_loop3A_1446, %parallel_loop3A_1447] {strides = array<i32>} : memref<16x1024xf32, #tpu.memory_space<vmem>>, vector<1x16xf32>,
        %parallel_loop3A_1449 = vector.shape_cast %parallel_loop3A_1448 : vector<1x16xf32> to vector<16xf32>
        %parallel_loop3A_1450 = arith.index_cast %scan3A_1440 : i32 to index
        %parallel_loop3A_1451 = arith.index_cast %parallel_loop3A_1445 : i32 to index
        %parallel_loop3A_1452 = tpu.vector_load %arg8[%parallel_loop3A_1450, %parallel_loop3A_1451] {strides = array<i32>} : memref<16x1024xf32, #tpu.memory_space<vmem>>, vector<1x16xf32>,
        %parallel_loop3A_1453 = vector.shape_cast %parallel_loop3A_1452 : vector<1x16xf32> to vector<16xf32>
        %parallel_loop3A_1454 = arith.addf %parallel_loop3A_1449, %parallel_loop3A_1453 : vector<16xf32>
        %parallel_loop3A_1455 = arith.index_cast %scan3A_1440 : i32 to index
        %parallel_loop3A_1456 = arith.index_cast %parallel_loop3A_1445 : i32 to index
        %parallel_loop3A_1457 = tpu.vector_load %arg5[%parallel_loop3A_1455, %parallel_loop3A_1456] {strides = array<i32>} : memref<16x1024xf32, #tpu.memory_space<vmem>>, vector<1x16xf32>,
        %parallel_loop3A_1458 = vector.shape_cast %parallel_loop3A_1457 : vector<1x16xf32> to vector<16xf32>
        %parallel_loop3A_1459 = vector.shape_cast %parallel_loop3A_1454 : vector<16xf32> to vector<1x16xf32>
        tpu.vector_store %arg5[%parallel_loop3A_1455, %parallel_loop3A_1456], %parallel_loop3A_1459 {strides = array<i32>} : memref<16x1024xf32, #tpu.memory_space<vmem>>, vector<1x16xf32>,
      } {sc.loop_unroll_factor = 8 : i64, sc.parallel_access}
    }
    %scan3A_590 = arith.constant 16 : i32
    %add3A_591 = arith.constant 48 : i32
    %add3A_592 = arith.addi %mul3A_2, %add3A_591 : i32
    %dma_start3A_593 = arith.constant 0 : i32
    %dma_start3A_594 = arith.constant 0 : i32
    %dma_start3A_595 = tpu.memref_slice %arg4[%dma_start3A_593, %add3A_592, %dma_start3A_594] : memref<4x4096x1024xf32, #tpu.memory_space<hbm>> -> memref<1x16x1024xf32, #tpu.memory_space<hbm>>
    %dma_start3A_596 = tpu.memref_squeeze %dma_start3A_595 : memref<1x16x1024xf32, #tpu.memory_space<hbm>> -> memref<16x1024xf32, #tpu.memory_space<hbm>>
    %dma_start3A_597 = arith.constant 0 : i32
    %dma_start3A_598 = tpu.memref_slice %arg4[%dma_start3A_593, %add3A_592, %dma_start3A_597] : memref<4x4096x1024xf32, #tpu.memory_space<hbm>> -> memref<1x16x1024xf32, #tpu.memory_space<hbm>>
    %dma_start3A_599 = tpu.memref_squeeze %dma_start3A_598 : memref<1x16x1024xf32, #tpu.memory_space<hbm>> -> memref<16x1024xf32, #tpu.memory_space<hbm>>
    tpu.enqueue_dma source(%arg5 : memref<16x1024xf32, #tpu.memory_space<vmem>>) target(%dma_start3A_599 : memref<16x1024xf32, #tpu.memory_space<hbm>>) target_semaphore(%arg13 : memref<!tpu.dma_semaphore, #tpu.memory_space<semaphore_mem>>)
    %add3A_600 = arith.constant 48 : i32
    %add3A_601 = arith.addi %mul3A_2, %add3A_600 : i32
    %dma_wait3A_602 = arith.constant 0 : i32
    %dma_wait3A_603 = arith.constant 0 : i32
    %dma_wait3A_604 = tpu.memref_slice %arg4[%dma_wait3A_602, %add3A_601, %dma_wait3A_603] : memref<4x4096x1024xf32, #tpu.memory_space<hbm>> -> memref<1x16x1024xf32, #tpu.memory_space<hbm>>
    %dma_wait3A_605 = tpu.memref_squeeze %dma_wait3A_604 : memref<1x16x1024xf32, #tpu.memory_space<hbm>> -> memref<16x1024xf32, #tpu.memory_space<hbm>>
    %dma_wait3A_606 = arith.constant 0 : i32
    %dma_wait3A_607 = tpu.memref_slice %arg4[%dma_wait3A_602, %add3A_601, %dma_wait3A_606] : memref<4x4096x1024xf32, #tpu.memory_space<hbm>> -> memref<1x16x1024xf32, #tpu.memory_space<hbm>>
    %dma_wait3A_608 = tpu.memref_squeeze %dma_wait3A_607 : memref<1x16x1024xf32, #tpu.memory_space<hbm>> -> memref<16x1024xf32, #tpu.memory_space<hbm>>
    tpu.wait_dma2 semaphore(%arg13 : memref<!tpu.dma_semaphore, #tpu.memory_space<semaphore_mem>>) src(%arg5 : memref<16x1024xf32, #tpu.memory_space<vmem>>) dst(%dma_wait3A_608 : memref<16x1024xf32, #tpu.memory_space<hbm>>)
    %add3A_609 = arith.constant 48 : i32
    %add3A_610 = arith.addi %mul3A_2, %add3A_609 : i32
    %dma_start3A_611 = arith.constant 2 : i32
    %dma_start3A_612 = arith.constant 0 : i32
    %dma_start3A_613 = tpu.memref_slice %arg2[%dma_start3A_611, %add3A_610, %dma_start3A_612] : memref<4x4096x1024xf32, #tpu.memory_space<hbm>> -> memref<1x16x1024xf32, #tpu.memory_space<hbm>>
    %dma_start3A_614 = tpu.memref_squeeze %dma_start3A_613 : memref<1x16x1024xf32, #tpu.memory_space<hbm>> -> memref<16x1024xf32, #tpu.memory_space<hbm>>
    %dma_start3A_615 = arith.constant 0 : i32
    %dma_start3A_616 = tpu.memref_slice %arg2[%dma_start3A_611, %add3A_610, %dma_start3A_615] : memref<4x4096x1024xf32, #tpu.memory_space<hbm>> -> memref<1x16x1024xf32, #tpu.memory_space<hbm>>
    %dma_start3A_617 = tpu.memref_squeeze %dma_start3A_616 : memref<1x16x1024xf32, #tpu.memory_space<hbm>> -> memref<16x1024xf32, #tpu.memory_space<hbm>>
    tpu.enqueue_dma source(%dma_start3A_617 : memref<16x1024xf32, #tpu.memory_space<hbm>>) target(%arg5 : memref<16x1024xf32, #tpu.memory_space<vmem>>) target_semaphore(%arg9 : memref<!tpu.dma_semaphore, #tpu.memory_space<semaphore_mem>>)
    %add3A_618 = arith.constant 48 : i32
    %add3A_619 = arith.addi %mul3A_2, %add3A_618 : i32
    %dma_wait3A_620 = arith.constant 1 : i32
    %dma_wait3A_621 = arith.constant 0 : i32
    %dma_wait3A_622 = tpu.memref_slice %arg2[%dma_wait3A_620, %add3A_619, %dma_wait3A_621] : memref<4x4096x1024xf32, #tpu.memory_space<hbm>> -> memref<1x16x1024xf32, #tpu.memory_space<hbm>>
    %dma_wait3A_623 = tpu.memref_squeeze %dma_wait3A_622 : memref<1x16x1024xf32, #tpu.memory_space<hbm>> -> memref<16x1024xf32, #tpu.memory_space<hbm>>
    %dma_wait3A_624 = arith.constant 0 : i32
    %dma_wait3A_625 = tpu.memref_slice %arg2[%dma_wait3A_620, %add3A_619, %dma_wait3A_624] : memref<4x4096x1024xf32, #tpu.memory_space<hbm>> -> memref<1x16x1024xf32, #tpu.memory_space<hbm>>
    %dma_wait3A_626 = tpu.memref_squeeze %dma_wait3A_625 : memref<1x16x1024xf32, #tpu.memory_space<hbm>> -> memref<16x1024xf32, #tpu.memory_space<hbm>>
    tpu.wait_dma2 semaphore(%arg10 : memref<!tpu.dma_semaphore, #tpu.memory_space<semaphore_mem>>) src(%dma_wait3A_626 : memref<16x1024xf32, #tpu.memory_space<hbm>>) dst(%arg6 : memref<16x1024xf32, #tpu.memory_space<vmem>>)
    %scan3A_627 = arith.constant 0 : i32
    %scan3A_628 = arith.constant 0 : i32
    %scan3A_629 = arith.constant 16 : i32
    %scan3A_630 = arith.addi %scan3A_628, %scan3A_629 : i32
    %scan3A_631 = arith.constant 1 : i32
    scf.for %scan3A_1440 = %scan3A_628 to %scan3A_630 step %scan3A_631  : i32 {
      %parallel_loop3A = arith.constant 0 : i32
      %parallel_loop3A_1441 = arith.constant 64 : i32
      %parallel_loop3A_1442 = arith.constant 1 : i32
      scf.for %parallel_loop3A_1443 = %parallel_loop3A to %parallel_loop3A_1441 step %parallel_loop3A_1442  : i32 {
        %parallel_loop3A_1444 = arith.constant 16 : i32
        %parallel_loop3A_1445 = arith.muli %parallel_loop3A_1443, %parallel_loop3A_1444 : i32
        %parallel_loop3A_1446 = arith.index_cast %scan3A_1440 : i32 to index
        %parallel_loop3A_1447 = arith.index_cast %parallel_loop3A_1445 : i32 to index
        %parallel_loop3A_1448 = tpu.vector_load %arg6[%parallel_loop3A_1446, %parallel_loop3A_1447] {strides = array<i32>} : memref<16x1024xf32, #tpu.memory_space<vmem>>, vector<1x16xf32>,
        %parallel_loop3A_1449 = vector.shape_cast %parallel_loop3A_1448 : vector<1x16xf32> to vector<16xf32>
        %parallel_loop3A_1450 = arith.index_cast %scan3A_1440 : i32 to index
        %parallel_loop3A_1451 = arith.index_cast %parallel_loop3A_1445 : i32 to index
        %parallel_loop3A_1452 = tpu.vector_load %arg8[%parallel_loop3A_1450, %parallel_loop3A_1451] {strides = array<i32>} : memref<16x1024xf32, #tpu.memory_space<vmem>>, vector<1x16xf32>,
        %parallel_loop3A_1453 = vector.shape_cast %parallel_loop3A_1452 : vector<1x16xf32> to vector<16xf32>
        %parallel_loop3A_1454 = arith.addf %parallel_loop3A_1449, %parallel_loop3A_1453 : vector<16xf32>
        %parallel_loop3A_1455 = arith.index_cast %scan3A_1440 : i32 to index
        %parallel_loop3A_1456 = arith.index_cast %parallel_loop3A_1445 : i32 to index
        %parallel_loop3A_1457 = tpu.vector_load %arg6[%parallel_loop3A_1455, %parallel_loop3A_1456] {strides = array<i32>} : memref<16x1024xf32, #tpu.memory_space<vmem>>, vector<1x16xf32>,
        %parallel_loop3A_1458 = vector.shape_cast %parallel_loop3A_1457 : vector<1x16xf32> to vector<16xf32>
        %parallel_loop3A_1459 = vector.shape_cast %parallel_loop3A_1454 : vector<16xf32> to vector<1x16xf32>
        tpu.vector_store %arg6[%parallel_loop3A_1455, %parallel_loop3A_1456], %parallel_loop3A_1459 {strides = array<i32>} : memref<16x1024xf32, #tpu.memory_space<vmem>>, vector<1x16xf32>,
      } {sc.loop_unroll_factor = 8 : i64, sc.parallel_access}
    }
    %scan3A_632 = arith.constant 16 : i32
    %add3A_633 = arith.constant 48 : i32
    %add3A_634 = arith.addi %mul3A_2, %add3A_633 : i32
    %dma_start3A_635 = arith.constant 1 : i32
    %dma_start3A_636 = arith.constant 0 : i32
    %dma_start3A_637 = tpu.memref_slice %arg4[%dma_start3A_635, %add3A_634, %dma_start3A_636] : memref<4x4096x1024xf32, #tpu.memory_space<hbm>> -> memref<1x16x1024xf32, #tpu.memory_space<hbm>>
    %dma_start3A_638 = tpu.memref_squeeze %dma_start3A_637 : memref<1x16x1024xf32, #tpu.memory_space<hbm>> -> memref<16x1024xf32, #tpu.memory_space<hbm>>
    %dma_start3A_639 = arith.constant 0 : i32
    %dma_start3A_640 = tpu.memref_slice %arg4[%dma_start3A_635, %add3A_634, %dma_start3A_639] : memref<4x4096x1024xf32, #tpu.memory_space<hbm>> -> memref<1x16x1024xf32, #tpu.memory_space<hbm>>
    %dma_start3A_641 = tpu.memref_squeeze %dma_start3A_640 : memref<1x16x1024xf32, #tpu.memory_space<hbm>> -> memref<16x1024xf32, #tpu.memory_space<hbm>>
    tpu.enqueue_dma source(%arg6 : memref<16x1024xf32, #tpu.memory_space<vmem>>) target(%dma_start3A_641 : memref<16x1024xf32, #tpu.memory_space<hbm>>) target_semaphore(%arg14 : memref<!tpu.dma_semaphore, #tpu.memory_space<semaphore_mem>>)
    %add3A_642 = arith.constant 48 : i32
    %add3A_643 = arith.addi %mul3A_2, %add3A_642 : i32
    %dma_wait3A_644 = arith.constant 1 : i32
    %dma_wait3A_645 = arith.constant 0 : i32
    %dma_wait3A_646 = tpu.memref_slice %arg4[%dma_wait3A_644, %add3A_643, %dma_wait3A_645] : memref<4x4096x1024xf32, #tpu.memory_space<hbm>> -> memref<1x16x1024xf32, #tpu.memory_space<hbm>>
    %dma_wait3A_647 = tpu.memref_squeeze %dma_wait3A_646 : memref<1x16x1024xf32, #tpu.memory_space<hbm>> -> memref<16x1024xf32, #tpu.memory_space<hbm>>
    %dma_wait3A_648 = arith.constant 0 : i32
    %dma_wait3A_649 = tpu.memref_slice %arg4[%dma_wait3A_644, %add3A_643, %dma_wait3A_648] : memref<4x4096x1024xf32, #tpu.memory_space<hbm>> -> memref<1x16x1024xf32, #tpu.memory_space<hbm>>
    %dma_wait3A_650 = tpu.memref_squeeze %dma_wait3A_649 : memref<1x16x1024xf32, #tpu.memory_space<hbm>> -> memref<16x1024xf32, #tpu.memory_space<hbm>>
    tpu.wait_dma2 semaphore(%arg14 : memref<!tpu.dma_semaphore, #tpu.memory_space<semaphore_mem>>) src(%arg6 : memref<16x1024xf32, #tpu.memory_space<vmem>>) dst(%dma_wait3A_650 : memref<16x1024xf32, #tpu.memory_space<hbm>>)
    %add3A_651 = arith.constant 48 : i32
    %add3A_652 = arith.addi %mul3A_2, %add3A_651 : i32
    %dma_start3A_653 = arith.constant 3 : i32
    %dma_start3A_654 = arith.constant 0 : i32
    %dma_start3A_655 = tpu.memref_slice %arg2[%dma_start3A_653, %add3A_652, %dma_start3A_654] : memref<4x4096x1024xf32, #tpu.memory_space<hbm>> -> memref<1x16x1024xf32, #tpu.memory_space<hbm>>
    %dma_start3A_656 = tpu.memref_squeeze %dma_start3A_655 : memref<1x16x1024xf32, #tpu.memory_space<hbm>> -> memref<16x1024xf32, #tpu.memory_space<hbm>>
    %dma_start3A_657 = arith.constant 0 : i32
    %dma_start3A_658 = tpu.memref_slice %arg2[%dma_start3A_653, %add3A_652, %dma_start3A_657] : memref<4x4096x1024xf32, #tpu.memory_space<hbm>> -> memref<1x16x1024xf32, #tpu.memory_space<hbm>>
    %dma_start3A_659 = tpu.memref_squeeze %dma_start3A_658 : memref<1x16x1024xf32, #tpu.memory_space<hbm>> -> memref<16x1024xf32, #tpu.memory_space<hbm>>
    tpu.enqueue_dma source(%dma_start3A_659 : memref<16x1024xf32, #tpu.memory_space<hbm>>) target(%arg6 : memref<16x1024xf32, #tpu.memory_space<vmem>>) target_semaphore(%arg10 : memref<!tpu.dma_semaphore, #tpu.memory_space<semaphore_mem>>)
    %add3A_660 = arith.constant 48 : i32
    %add3A_661 = arith.addi %mul3A_2, %add3A_660 : i32
    %dma_wait3A_662 = arith.constant 2 : i32
    %dma_wait3A_663 = arith.constant 0 : i32
    %dma_wait3A_664 = tpu.memref_slice %arg2[%dma_wait3A_662, %add3A_661, %dma_wait3A_663] : memref<4x4096x1024xf32, #tpu.memory_space<hbm>> -> memref<1x16x1024xf32, #tpu.memory_space<hbm>>
    %dma_wait3A_665 = tpu.memref_squeeze %dma_wait3A_664 : memref<1x16x1024xf32, #tpu.memory_space<hbm>> -> memref<16x1024xf32, #tpu.memory_space<hbm>>
    %dma_wait3A_666 = arith.constant 0 : i32
    %dma_wait3A_667 = tpu.memref_slice %arg2[%dma_wait3A_662, %add3A_661, %dma_wait3A_666] : memref<4x4096x1024xf32, #tpu.memory_space<hbm>> -> memref<1x16x1024xf32, #tpu.memory_space<hbm>>
    %dma_wait3A_668 = tpu.memref_squeeze %dma_wait3A_667 : memref<1x16x1024xf32, #tpu.memory_space<hbm>> -> memref<16x1024xf32, #tpu.memory_space<hbm>>
    tpu.wait_dma2 semaphore(%arg9 : memref<!tpu.dma_semaphore, #tpu.memory_space<semaphore_mem>>) src(%dma_wait3A_668 : memref<16x1024xf32, #tpu.memory_space<hbm>>) dst(%arg5 : memref<16x1024xf32, #tpu.memory_space<vmem>>)
    %scan3A_669 = arith.constant 0 : i32
    %scan3A_670 = arith.constant 0 : i32
    %scan3A_671 = arith.constant 16 : i32
    %scan3A_672 = arith.addi %scan3A_670, %scan3A_671 : i32
    %scan3A_673 = arith.constant 1 : i32
    scf.for %scan3A_1440 = %scan3A_670 to %scan3A_672 step %scan3A_673  : i32 {
      %parallel_loop3A = arith.constant 0 : i32
      %parallel_loop3A_1441 = arith.constant 64 : i32
      %parallel_loop3A_1442 = arith.constant 1 : i32
      scf.for %parallel_loop3A_1443 = %parallel_loop3A to %parallel_loop3A_1441 step %parallel_loop3A_1442  : i32 {
        %parallel_loop3A_1444 = arith.constant 16 : i32
        %parallel_loop3A_1445 = arith.muli %parallel_loop3A_1443, %parallel_loop3A_1444 : i32
        %parallel_loop3A_1446 = arith.index_cast %scan3A_1440 : i32 to index
        %parallel_loop3A_1447 = arith.index_cast %parallel_loop3A_1445 : i32 to index
        %parallel_loop3A_1448 = tpu.vector_load %arg5[%parallel_loop3A_1446, %parallel_loop3A_1447] {strides = array<i32>} : memref<16x1024xf32, #tpu.memory_space<vmem>>, vector<1x16xf32>,
        %parallel_loop3A_1449 = vector.shape_cast %parallel_loop3A_1448 : vector<1x16xf32> to vector<16xf32>
        %parallel_loop3A_1450 = arith.index_cast %scan3A_1440 : i32 to index
        %parallel_loop3A_1451 = arith.index_cast %parallel_loop3A_1445 : i32 to index
        %parallel_loop3A_1452 = tpu.vector_load %arg8[%parallel_loop3A_1450, %parallel_loop3A_1451] {strides = array<i32>} : memref<16x1024xf32, #tpu.memory_space<vmem>>, vector<1x16xf32>,
        %parallel_loop3A_1453 = vector.shape_cast %parallel_loop3A_1452 : vector<1x16xf32> to vector<16xf32>
        %parallel_loop3A_1454 = arith.addf %parallel_loop3A_1449, %parallel_loop3A_1453 : vector<16xf32>
        %parallel_loop3A_1455 = arith.index_cast %scan3A_1440 : i32 to index
        %parallel_loop3A_1456 = arith.index_cast %parallel_loop3A_1445 : i32 to index
        %parallel_loop3A_1457 = tpu.vector_load %arg5[%parallel_loop3A_1455, %parallel_loop3A_1456] {strides = array<i32>} : memref<16x1024xf32, #tpu.memory_space<vmem>>, vector<1x16xf32>,
        %parallel_loop3A_1458 = vector.shape_cast %parallel_loop3A_1457 : vector<1x16xf32> to vector<16xf32>
        %parallel_loop3A_1459 = vector.shape_cast %parallel_loop3A_1454 : vector<16xf32> to vector<1x16xf32>
        tpu.vector_store %arg5[%parallel_loop3A_1455, %parallel_loop3A_1456], %parallel_loop3A_1459 {strides = array<i32>} : memref<16x1024xf32, #tpu.memory_space<vmem>>, vector<1x16xf32>,
      } {sc.loop_unroll_factor = 8 : i64, sc.parallel_access}
    }
    %scan3A_674 = arith.constant 16 : i32
    %add3A_675 = arith.constant 48 : i32
    %add3A_676 = arith.addi %mul3A_2, %add3A_675 : i32
    %dma_start3A_677 = arith.constant 2 : i32
    %dma_start3A_678 = arith.constant 0 : i32
    %dma_start3A_679 = tpu.memref_slice %arg4[%dma_start3A_677, %add3A_676, %dma_start3A_678] : memref<4x4096x1024xf32, #tpu.memory_space<hbm>> -> memref<1x16x1024xf32, #tpu.memory_space<hbm>>
    %dma_start3A_680 = tpu.memref_squeeze %dma_start3A_679 : memref<1x16x1024xf32, #tpu.memory_space<hbm>> -> memref<16x1024xf32, #tpu.memory_space<hbm>>
    %dma_start3A_681 = arith.constant 0 : i32
    %dma_start3A_682 = tpu.memref_slice %arg4[%dma_start3A_677, %add3A_676, %dma_start3A_681] : memref<4x4096x1024xf32, #tpu.memory_space<hbm>> -> memref<1x16x1024xf32, #tpu.memory_space<hbm>>
    %dma_start3A_683 = tpu.memref_squeeze %dma_start3A_682 : memref<1x16x1024xf32, #tpu.memory_space<hbm>> -> memref<16x1024xf32, #tpu.memory_space<hbm>>
    tpu.enqueue_dma source(%arg5 : memref<16x1024xf32, #tpu.memory_space<vmem>>) target(%dma_start3A_683 : memref<16x1024xf32, #tpu.memory_space<hbm>>) target_semaphore(%arg13 : memref<!tpu.dma_semaphore, #tpu.memory_space<semaphore_mem>>)
    %add3A_684 = arith.constant 48 : i32
    %add3A_685 = arith.addi %mul3A_2, %add3A_684 : i32
    %dma_wait3A_686 = arith.constant 2 : i32
    %dma_wait3A_687 = arith.constant 0 : i32
    %dma_wait3A_688 = tpu.memref_slice %arg4[%dma_wait3A_686, %add3A_685, %dma_wait3A_687] : memref<4x4096x1024xf32, #tpu.memory_space<hbm>> -> memref<1x16x1024xf32, #tpu.memory_space<hbm>>
    %dma_wait3A_689 = tpu.memref_squeeze %dma_wait3A_688 : memref<1x16x1024xf32, #tpu.memory_space<hbm>> -> memref<16x1024xf32, #tpu.memory_space<hbm>>
    %dma_wait3A_690 = arith.constant 0 : i32
    %dma_wait3A_691 = tpu.memref_slice %arg4[%dma_wait3A_686, %add3A_685, %dma_wait3A_690] : memref<4x4096x1024xf32, #tpu.memory_space<hbm>> -> memref<1x16x1024xf32, #tpu.memory_space<hbm>>
    %dma_wait3A_692 = tpu.memref_squeeze %dma_wait3A_691 : memref<1x16x1024xf32, #tpu.memory_space<hbm>> -> memref<16x1024xf32, #tpu.memory_space<hbm>>
    tpu.wait_dma2 semaphore(%arg13 : memref<!tpu.dma_semaphore, #tpu.memory_space<semaphore_mem>>) src(%arg5 : memref<16x1024xf32, #tpu.memory_space<vmem>>) dst(%dma_wait3A_692 : memref<16x1024xf32, #tpu.memory_space<hbm>>)
    %add3A_693 = arith.constant 64 : i32
    %add3A_694 = arith.addi %mul3A_2, %add3A_693 : i32
    %dma_start3A_695 = arith.constant 0 : i32
    %dma_start3A_696 = arith.constant 0 : i32
    %dma_start3A_697 = tpu.memref_slice %arg2[%dma_start3A_695, %add3A_694, %dma_start3A_696] : memref<4x4096x1024xf32, #tpu.memory_space<hbm>> -> memref<1x16x1024xf32, #tpu.memory_space<hbm>>
    %dma_start3A_698 = tpu.memref_squeeze %dma_start3A_697 : memref<1x16x1024xf32, #tpu.memory_space<hbm>> -> memref<16x1024xf32, #tpu.memory_space<hbm>>
    %dma_start3A_699 = arith.constant 0 : i32
    %dma_start3A_700 = tpu.memref_slice %arg2[%dma_start3A_695, %add3A_694, %dma_start3A_699] : memref<4x4096x1024xf32, #tpu.memory_space<hbm>> -> memref<1x16x1024xf32, #tpu.memory_space<hbm>>
    %dma_start3A_701 = tpu.memref_squeeze %dma_start3A_700 : memref<1x16x1024xf32, #tpu.memory_space<hbm>> -> memref<16x1024xf32, #tpu.memory_space<hbm>>
    tpu.enqueue_dma source(%dma_start3A_701 : memref<16x1024xf32, #tpu.memory_space<hbm>>) target(%arg5 : memref<16x1024xf32, #tpu.memory_space<vmem>>) target_semaphore(%arg9 : memref<!tpu.dma_semaphore, #tpu.memory_space<semaphore_mem>>)
    %add3A_702 = arith.constant 48 : i32
    %add3A_703 = arith.addi %mul3A_2, %add3A_702 : i32
    %dma_wait3A_704 = arith.constant 3 : i32
    %dma_wait3A_705 = arith.constant 0 : i32
    %dma_wait3A_706 = tpu.memref_slice %arg2[%dma_wait3A_704, %add3A_703, %dma_wait3A_705] : memref<4x4096x1024xf32, #tpu.memory_space<hbm>> -> memref<1x16x1024xf32, #tpu.memory_space<hbm>>
    %dma_wait3A_707 = tpu.memref_squeeze %dma_wait3A_706 : memref<1x16x1024xf32, #tpu.memory_space<hbm>> -> memref<16x1024xf32, #tpu.memory_space<hbm>>
    %dma_wait3A_708 = arith.constant 0 : i32
    %dma_wait3A_709 = tpu.memref_slice %arg2[%dma_wait3A_704, %add3A_703, %dma_wait3A_708] : memref<4x4096x1024xf32, #tpu.memory_space<hbm>> -> memref<1x16x1024xf32, #tpu.memory_space<hbm>>
    %dma_wait3A_710 = tpu.memref_squeeze %dma_wait3A_709 : memref<1x16x1024xf32, #tpu.memory_space<hbm>> -> memref<16x1024xf32, #tpu.memory_space<hbm>>
    tpu.wait_dma2 semaphore(%arg10 : memref<!tpu.dma_semaphore, #tpu.memory_space<semaphore_mem>>) src(%dma_wait3A_710 : memref<16x1024xf32, #tpu.memory_space<hbm>>) dst(%arg6 : memref<16x1024xf32, #tpu.memory_space<vmem>>)
    %scan3A_711 = arith.constant 0 : i32
    %scan3A_712 = arith.constant 0 : i32
    %scan3A_713 = arith.constant 16 : i32
    %scan3A_714 = arith.addi %scan3A_712, %scan3A_713 : i32
    %scan3A_715 = arith.constant 1 : i32
    scf.for %scan3A_1440 = %scan3A_712 to %scan3A_714 step %scan3A_715  : i32 {
      %parallel_loop3A = arith.constant 0 : i32
      %parallel_loop3A_1441 = arith.constant 64 : i32
      %parallel_loop3A_1442 = arith.constant 1 : i32
      scf.for %parallel_loop3A_1443 = %parallel_loop3A to %parallel_loop3A_1441 step %parallel_loop3A_1442  : i32 {
        %parallel_loop3A_1444 = arith.constant 16 : i32
        %parallel_loop3A_1445 = arith.muli %parallel_loop3A_1443, %parallel_loop3A_1444 : i32
        %parallel_loop3A_1446 = arith.index_cast %scan3A_1440 : i32 to index
        %parallel_loop3A_1447 = arith.index_cast %parallel_loop3A_1445 : i32 to index
        %parallel_loop3A_1448 = tpu.vector_load %arg6[%parallel_loop3A_1446, %parallel_loop3A_1447] {strides = array<i32>} : memref<16x1024xf32, #tpu.memory_space<vmem>>, vector<1x16xf32>,
        %parallel_loop3A_1449 = vector.shape_cast %parallel_loop3A_1448 : vector<1x16xf32> to vector<16xf32>
        %parallel_loop3A_1450 = arith.index_cast %scan3A_1440 : i32 to index
        %parallel_loop3A_1451 = arith.index_cast %parallel_loop3A_1445 : i32 to index
        %parallel_loop3A_1452 = tpu.vector_load %arg8[%parallel_loop3A_1450, %parallel_loop3A_1451] {strides = array<i32>} : memref<16x1024xf32, #tpu.memory_space<vmem>>, vector<1x16xf32>,
        %parallel_loop3A_1453 = vector.shape_cast %parallel_loop3A_1452 : vector<1x16xf32> to vector<16xf32>
        %parallel_loop3A_1454 = arith.addf %parallel_loop3A_1449, %parallel_loop3A_1453 : vector<16xf32>
        %parallel_loop3A_1455 = arith.index_cast %scan3A_1440 : i32 to index
        %parallel_loop3A_1456 = arith.index_cast %parallel_loop3A_1445 : i32 to index
        %parallel_loop3A_1457 = tpu.vector_load %arg6[%parallel_loop3A_1455, %parallel_loop3A_1456] {strides = array<i32>} : memref<16x1024xf32, #tpu.memory_space<vmem>>, vector<1x16xf32>,
        %parallel_loop3A_1458 = vector.shape_cast %parallel_loop3A_1457 : vector<1x16xf32> to vector<16xf32>
        %parallel_loop3A_1459 = vector.shape_cast %parallel_loop3A_1454 : vector<16xf32> to vector<1x16xf32>
        tpu.vector_store %arg6[%parallel_loop3A_1455, %parallel_loop3A_1456], %parallel_loop3A_1459 {strides = array<i32>} : memref<16x1024xf32, #tpu.memory_space<vmem>>, vector<1x16xf32>,
      } {sc.loop_unroll_factor = 8 : i64, sc.parallel_access}
    }
    %scan3A_716 = arith.constant 16 : i32
    %add3A_717 = arith.constant 48 : i32
    %add3A_718 = arith.addi %mul3A_2, %add3A_717 : i32
    %dma_start3A_719 = arith.constant 3 : i32
    %dma_start3A_720 = arith.constant 0 : i32
    %dma_start3A_721 = tpu.memref_slice %arg4[%dma_start3A_719, %add3A_718, %dma_start3A_720] : memref<4x4096x1024xf32, #tpu.memory_space<hbm>> -> memref<1x16x1024xf32, #tpu.memory_space<hbm>>
    %dma_start3A_722 = tpu.memref_squeeze %dma_start3A_721 : memref<1x16x1024xf32, #tpu.memory_space<hbm>> -> memref<16x1024xf32, #tpu.memory_space<hbm>>
    %dma_start3A_723 = arith.constant 0 : i32
    %dma_start3A_724 = tpu.memref_slice %arg4[%dma_start3A_719, %add3A_718, %dma_start3A_723] : memref<4x4096x1024xf32, #tpu.memory_space<hbm>> -> memref<1x16x1024xf32, #tpu.memory_space<hbm>>
    %dma_start3A_725 = tpu.memref_squeeze %dma_start3A_724 : memref<1x16x1024xf32, #tpu.memory_space<hbm>> -> memref<16x1024xf32, #tpu.memory_space<hbm>>
    tpu.enqueue_dma source(%arg6 : memref<16x1024xf32, #tpu.memory_space<vmem>>) target(%dma_start3A_725 : memref<16x1024xf32, #tpu.memory_space<hbm>>) target_semaphore(%arg14 : memref<!tpu.dma_semaphore, #tpu.memory_space<semaphore_mem>>)
    %add3A_726 = arith.constant 48 : i32
    %add3A_727 = arith.addi %mul3A_2, %add3A_726 : i32
    %dma_wait3A_728 = arith.constant 3 : i32
    %dma_wait3A_729 = arith.constant 0 : i32
    %dma_wait3A_730 = tpu.memref_slice %arg4[%dma_wait3A_728, %add3A_727, %dma_wait3A_729] : memref<4x4096x1024xf32, #tpu.memory_space<hbm>> -> memref<1x16x1024xf32, #tpu.memory_space<hbm>>
    %dma_wait3A_731 = tpu.memref_squeeze %dma_wait3A_730 : memref<1x16x1024xf32, #tpu.memory_space<hbm>> -> memref<16x1024xf32, #tpu.memory_space<hbm>>
    %dma_wait3A_732 = arith.constant 0 : i32
    %dma_wait3A_733 = tpu.memref_slice %arg4[%dma_wait3A_728, %add3A_727, %dma_wait3A_732] : memref<4x4096x1024xf32, #tpu.memory_space<hbm>> -> memref<1x16x1024xf32, #tpu.memory_space<hbm>>
    %dma_wait3A_734 = tpu.memref_squeeze %dma_wait3A_733 : memref<1x16x1024xf32, #tpu.memory_space<hbm>> -> memref<16x1024xf32, #tpu.memory_space<hbm>>
    tpu.wait_dma2 semaphore(%arg14 : memref<!tpu.dma_semaphore, #tpu.memory_space<semaphore_mem>>) src(%arg6 : memref<16x1024xf32, #tpu.memory_space<vmem>>) dst(%dma_wait3A_734 : memref<16x1024xf32, #tpu.memory_space<hbm>>)
    %add3A_735 = arith.constant 64 : i32
    %add3A_736 = arith.addi %mul3A_2, %add3A_735 : i32
    %dma_start3A_737 = arith.constant 1 : i32
    %dma_start3A_738 = arith.constant 0 : i32
    %dma_start3A_739 = tpu.memref_slice %arg2[%dma_start3A_737, %add3A_736, %dma_start3A_738] : memref<4x4096x1024xf32, #tpu.memory_space<hbm>> -> memref<1x16x1024xf32, #tpu.memory_space<hbm>>
    %dma_start3A_740 = tpu.memref_squeeze %dma_start3A_739 : memref<1x16x1024xf32, #tpu.memory_space<hbm>> -> memref<16x1024xf32, #tpu.memory_space<hbm>>
    %dma_start3A_741 = arith.constant 0 : i32
    %dma_start3A_742 = tpu.memref_slice %arg2[%dma_start3A_737, %add3A_736, %dma_start3A_741] : memref<4x4096x1024xf32, #tpu.memory_space<hbm>> -> memref<1x16x1024xf32, #tpu.memory_space<hbm>>
    %dma_start3A_743 = tpu.memref_squeeze %dma_start3A_742 : memref<1x16x1024xf32, #tpu.memory_space<hbm>> -> memref<16x1024xf32, #tpu.memory_space<hbm>>
    tpu.enqueue_dma source(%dma_start3A_743 : memref<16x1024xf32, #tpu.memory_space<hbm>>) target(%arg6 : memref<16x1024xf32, #tpu.memory_space<vmem>>) target_semaphore(%arg10 : memref<!tpu.dma_semaphore, #tpu.memory_space<semaphore_mem>>)
    %add3A_744 = arith.constant 80 : i32
    %add3A_745 = arith.addi %mul3A_2, %add3A_744 : i32
    %dma_start3A_746 = arith.constant 0 : i32
    %dma_start3A_747 = tpu.memref_slice %arg3[%add3A_745, %dma_start3A_746] : memref<8192x1024xf32, #tpu.memory_space<hbm>> -> memref<16x1024xf32, #tpu.memory_space<hbm>>
    %dma_start3A_748 = arith.constant 0 : i32
    %dma_start3A_749 = tpu.memref_slice %arg3[%add3A_745, %dma_start3A_748] : memref<8192x1024xf32, #tpu.memory_space<hbm>> -> memref<16x1024xf32, #tpu.memory_space<hbm>>
    tpu.enqueue_dma source(%dma_start3A_749 : memref<16x1024xf32, #tpu.memory_space<hbm>>) target(%arg8 : memref<16x1024xf32, #tpu.memory_space<vmem>>) target_semaphore(%arg12 : memref<!tpu.dma_semaphore, #tpu.memory_space<semaphore_mem>>)
    %add3A_750 = arith.constant 64 : i32
    %add3A_751 = arith.addi %mul3A_2, %add3A_750 : i32
    %dma_wait3A_752 = arith.constant 0 : i32
    %dma_wait3A_753 = arith.constant 0 : i32
    %dma_wait3A_754 = tpu.memref_slice %arg2[%dma_wait3A_752, %add3A_751, %dma_wait3A_753] : memref<4x4096x1024xf32, #tpu.memory_space<hbm>> -> memref<1x16x1024xf32, #tpu.memory_space<hbm>>
    %dma_wait3A_755 = tpu.memref_squeeze %dma_wait3A_754 : memref<1x16x1024xf32, #tpu.memory_space<hbm>> -> memref<16x1024xf32, #tpu.memory_space<hbm>>
    %dma_wait3A_756 = arith.constant 0 : i32
    %dma_wait3A_757 = tpu.memref_slice %arg2[%dma_wait3A_752, %add3A_751, %dma_wait3A_756] : memref<4x4096x1024xf32, #tpu.memory_space<hbm>> -> memref<1x16x1024xf32, #tpu.memory_space<hbm>>
    %dma_wait3A_758 = tpu.memref_squeeze %dma_wait3A_757 : memref<1x16x1024xf32, #tpu.memory_space<hbm>> -> memref<16x1024xf32, #tpu.memory_space<hbm>>
    tpu.wait_dma2 semaphore(%arg9 : memref<!tpu.dma_semaphore, #tpu.memory_space<semaphore_mem>>) src(%dma_wait3A_758 : memref<16x1024xf32, #tpu.memory_space<hbm>>) dst(%arg5 : memref<16x1024xf32, #tpu.memory_space<vmem>>)
    %add3A_759 = arith.constant 64 : i32
    %add3A_760 = arith.addi %mul3A_2, %add3A_759 : i32
    %dma_wait3A_761 = arith.constant 0 : i32
    %dma_wait3A_762 = tpu.memref_slice %arg3[%add3A_760, %dma_wait3A_761] : memref<8192x1024xf32, #tpu.memory_space<hbm>> -> memref<16x1024xf32, #tpu.memory_space<hbm>>
    %dma_wait3A_763 = arith.constant 0 : i32
    %dma_wait3A_764 = tpu.memref_slice %arg3[%add3A_760, %dma_wait3A_763] : memref<8192x1024xf32, #tpu.memory_space<hbm>> -> memref<16x1024xf32, #tpu.memory_space<hbm>>
    tpu.wait_dma2 semaphore(%arg11 : memref<!tpu.dma_semaphore, #tpu.memory_space<semaphore_mem>>) src(%dma_wait3A_764 : memref<16x1024xf32, #tpu.memory_space<hbm>>) dst(%arg7 : memref<16x1024xf32, #tpu.memory_space<vmem>>)
    %scan3A_765 = arith.constant 0 : i32
    %scan3A_766 = arith.constant 0 : i32
    %scan3A_767 = arith.constant 16 : i32
    %scan3A_768 = arith.addi %scan3A_766, %scan3A_767 : i32
    %scan3A_769 = arith.constant 1 : i32
    scf.for %scan3A_1440 = %scan3A_766 to %scan3A_768 step %scan3A_769  : i32 {
      %parallel_loop3A = arith.constant 0 : i32
      %parallel_loop3A_1441 = arith.constant 64 : i32
      %parallel_loop3A_1442 = arith.constant 1 : i32
      scf.for %parallel_loop3A_1443 = %parallel_loop3A to %parallel_loop3A_1441 step %parallel_loop3A_1442  : i32 {
        %parallel_loop3A_1444 = arith.constant 16 : i32
        %parallel_loop3A_1445 = arith.muli %parallel_loop3A_1443, %parallel_loop3A_1444 : i32
        %parallel_loop3A_1446 = arith.index_cast %scan3A_1440 : i32 to index
        %parallel_loop3A_1447 = arith.index_cast %parallel_loop3A_1445 : i32 to index
        %parallel_loop3A_1448 = tpu.vector_load %arg5[%parallel_loop3A_1446, %parallel_loop3A_1447] {strides = array<i32>} : memref<16x1024xf32, #tpu.memory_space<vmem>>, vector<1x16xf32>,
        %parallel_loop3A_1449 = vector.shape_cast %parallel_loop3A_1448 : vector<1x16xf32> to vector<16xf32>
        %parallel_loop3A_1450 = arith.index_cast %scan3A_1440 : i32 to index
        %parallel_loop3A_1451 = arith.index_cast %parallel_loop3A_1445 : i32 to index
        %parallel_loop3A_1452 = tpu.vector_load %arg7[%parallel_loop3A_1450, %parallel_loop3A_1451] {strides = array<i32>} : memref<16x1024xf32, #tpu.memory_space<vmem>>, vector<1x16xf32>,
        %parallel_loop3A_1453 = vector.shape_cast %parallel_loop3A_1452 : vector<1x16xf32> to vector<16xf32>
        %parallel_loop3A_1454 = arith.addf %parallel_loop3A_1449, %parallel_loop3A_1453 : vector<16xf32>
        %parallel_loop3A_1455 = arith.index_cast %scan3A_1440 : i32 to index
        %parallel_loop3A_1456 = arith.index_cast %parallel_loop3A_1445 : i32 to index
        %parallel_loop3A_1457 = tpu.vector_load %arg5[%parallel_loop3A_1455, %parallel_loop3A_1456] {strides = array<i32>} : memref<16x1024xf32, #tpu.memory_space<vmem>>, vector<1x16xf32>,
        %parallel_loop3A_1458 = vector.shape_cast %parallel_loop3A_1457 : vector<1x16xf32> to vector<16xf32>
        %parallel_loop3A_1459 = vector.shape_cast %parallel_loop3A_1454 : vector<16xf32> to vector<1x16xf32>
        tpu.vector_store %arg5[%parallel_loop3A_1455, %parallel_loop3A_1456], %parallel_loop3A_1459 {strides = array<i32>} : memref<16x1024xf32, #tpu.memory_space<vmem>>, vector<1x16xf32>,
      } {sc.loop_unroll_factor = 8 : i64, sc.parallel_access}
    }
    %scan3A_770 = arith.constant 16 : i32
    %add3A_771 = arith.constant 64 : i32
    %add3A_772 = arith.addi %mul3A_2, %add3A_771 : i32
    %dma_start3A_773 = arith.constant 0 : i32
    %dma_start3A_774 = arith.constant 0 : i32
    %dma_start3A_775 = tpu.memref_slice %arg4[%dma_start3A_773, %add3A_772, %dma_start3A_774] : memref<4x4096x1024xf32, #tpu.memory_space<hbm>> -> memref<1x16x1024xf32, #tpu.memory_space<hbm>>
    %dma_start3A_776 = tpu.memref_squeeze %dma_start3A_775 : memref<1x16x1024xf32, #tpu.memory_space<hbm>> -> memref<16x1024xf32, #tpu.memory_space<hbm>>
    %dma_start3A_777 = arith.constant 0 : i32
    %dma_start3A_778 = tpu.memref_slice %arg4[%dma_start3A_773, %add3A_772, %dma_start3A_777] : memref<4x4096x1024xf32, #tpu.memory_space<hbm>> -> memref<1x16x1024xf32, #tpu.memory_space<hbm>>
    %dma_start3A_779 = tpu.memref_squeeze %dma_start3A_778 : memref<1x16x1024xf32, #tpu.memory_space<hbm>> -> memref<16x1024xf32, #tpu.memory_space<hbm>>
    tpu.enqueue_dma source(%arg5 : memref<16x1024xf32, #tpu.memory_space<vmem>>) target(%dma_start3A_779 : memref<16x1024xf32, #tpu.memory_space<hbm>>) target_semaphore(%arg13 : memref<!tpu.dma_semaphore, #tpu.memory_space<semaphore_mem>>)
    %add3A_780 = arith.constant 64 : i32
    %add3A_781 = arith.addi %mul3A_2, %add3A_780 : i32
    %dma_wait3A_782 = arith.constant 0 : i32
    %dma_wait3A_783 = arith.constant 0 : i32
    %dma_wait3A_784 = tpu.memref_slice %arg4[%dma_wait3A_782, %add3A_781, %dma_wait3A_783] : memref<4x4096x1024xf32, #tpu.memory_space<hbm>> -> memref<1x16x1024xf32, #tpu.memory_space<hbm>>
    %dma_wait3A_785 = tpu.memref_squeeze %dma_wait3A_784 : memref<1x16x1024xf32, #tpu.memory_space<hbm>> -> memref<16x1024xf32, #tpu.memory_space<hbm>>
    %dma_wait3A_786 = arith.constant 0 : i32
    %dma_wait3A_787 = tpu.memref_slice %arg4[%dma_wait3A_782, %add3A_781, %dma_wait3A_786] : memref<4x4096x1024xf32, #tpu.memory_space<hbm>> -> memref<1x16x1024xf32, #tpu.memory_space<hbm>>
    %dma_wait3A_788 = tpu.memref_squeeze %dma_wait3A_787 : memref<1x16x1024xf32, #tpu.memory_space<hbm>> -> memref<16x1024xf32, #tpu.memory_space<hbm>>
    tpu.wait_dma2 semaphore(%arg13 : memref<!tpu.dma_semaphore, #tpu.memory_space<semaphore_mem>>) src(%arg5 : memref<16x1024xf32, #tpu.memory_space<vmem>>) dst(%dma_wait3A_788 : memref<16x1024xf32, #tpu.memory_space<hbm>>)
    %add3A_789 = arith.constant 64 : i32
    %add3A_790 = arith.addi %mul3A_2, %add3A_789 : i32
    %dma_start3A_791 = arith.constant 2 : i32
    %dma_start3A_792 = arith.constant 0 : i32
    %dma_start3A_793 = tpu.memref_slice %arg2[%dma_start3A_791, %add3A_790, %dma_start3A_792] : memref<4x4096x1024xf32, #tpu.memory_space<hbm>> -> memref<1x16x1024xf32, #tpu.memory_space<hbm>>
    %dma_start3A_794 = tpu.memref_squeeze %dma_start3A_793 : memref<1x16x1024xf32, #tpu.memory_space<hbm>> -> memref<16x1024xf32, #tpu.memory_space<hbm>>
    %dma_start3A_795 = arith.constant 0 : i32
    %dma_start3A_796 = tpu.memref_slice %arg2[%dma_start3A_791, %add3A_790, %dma_start3A_795] : memref<4x4096x1024xf32, #tpu.memory_space<hbm>> -> memref<1x16x1024xf32, #tpu.memory_space<hbm>>
    %dma_start3A_797 = tpu.memref_squeeze %dma_start3A_796 : memref<1x16x1024xf32, #tpu.memory_space<hbm>> -> memref<16x1024xf32, #tpu.memory_space<hbm>>
    tpu.enqueue_dma source(%dma_start3A_797 : memref<16x1024xf32, #tpu.memory_space<hbm>>) target(%arg5 : memref<16x1024xf32, #tpu.memory_space<vmem>>) target_semaphore(%arg9 : memref<!tpu.dma_semaphore, #tpu.memory_space<semaphore_mem>>)
    %add3A_798 = arith.constant 64 : i32
    %add3A_799 = arith.addi %mul3A_2, %add3A_798 : i32
    %dma_wait3A_800 = arith.constant 1 : i32
    %dma_wait3A_801 = arith.constant 0 : i32
    %dma_wait3A_802 = tpu.memref_slice %arg2[%dma_wait3A_800, %add3A_799, %dma_wait3A_801] : memref<4x4096x1024xf32, #tpu.memory_space<hbm>> -> memref<1x16x1024xf32, #tpu.memory_space<hbm>>
    %dma_wait3A_803 = tpu.memref_squeeze %dma_wait3A_802 : memref<1x16x1024xf32, #tpu.memory_space<hbm>> -> memref<16x1024xf32, #tpu.memory_space<hbm>>
    %dma_wait3A_804 = arith.constant 0 : i32
    %dma_wait3A_805 = tpu.memref_slice %arg2[%dma_wait3A_800, %add3A_799, %dma_wait3A_804] : memref<4x4096x1024xf32, #tpu.memory_space<hbm>> -> memref<1x16x1024xf32, #tpu.memory_space<hbm>>
    %dma_wait3A_806 = tpu.memref_squeeze %dma_wait3A_805 : memref<1x16x1024xf32, #tpu.memory_space<hbm>> -> memref<16x1024xf32, #tpu.memory_space<hbm>>
    tpu.wait_dma2 semaphore(%arg10 : memref<!tpu.dma_semaphore, #tpu.memory_space<semaphore_mem>>) src(%dma_wait3A_806 : memref<16x1024xf32, #tpu.memory_space<hbm>>) dst(%arg6 : memref<16x1024xf32, #tpu.memory_space<vmem>>)
    %scan3A_807 = arith.constant 0 : i32
    %scan3A_808 = arith.constant 0 : i32
    %scan3A_809 = arith.constant 16 : i32
    %scan3A_810 = arith.addi %scan3A_808, %scan3A_809 : i32
    %scan3A_811 = arith.constant 1 : i32
    scf.for %scan3A_1440 = %scan3A_808 to %scan3A_810 step %scan3A_811  : i32 {
      %parallel_loop3A = arith.constant 0 : i32
      %parallel_loop3A_1441 = arith.constant 64 : i32
      %parallel_loop3A_1442 = arith.constant 1 : i32
      scf.for %parallel_loop3A_1443 = %parallel_loop3A to %parallel_loop3A_1441 step %parallel_loop3A_1442  : i32 {
        %parallel_loop3A_1444 = arith.constant 16 : i32
        %parallel_loop3A_1445 = arith.muli %parallel_loop3A_1443, %parallel_loop3A_1444 : i32
        %parallel_loop3A_1446 = arith.index_cast %scan3A_1440 : i32 to index
        %parallel_loop3A_1447 = arith.index_cast %parallel_loop3A_1445 : i32 to index
        %parallel_loop3A_1448 = tpu.vector_load %arg6[%parallel_loop3A_1446, %parallel_loop3A_1447] {strides = array<i32>} : memref<16x1024xf32, #tpu.memory_space<vmem>>, vector<1x16xf32>,
        %parallel_loop3A_1449 = vector.shape_cast %parallel_loop3A_1448 : vector<1x16xf32> to vector<16xf32>
        %parallel_loop3A_1450 = arith.index_cast %scan3A_1440 : i32 to index
        %parallel_loop3A_1451 = arith.index_cast %parallel_loop3A_1445 : i32 to index
        %parallel_loop3A_1452 = tpu.vector_load %arg7[%parallel_loop3A_1450, %parallel_loop3A_1451] {strides = array<i32>} : memref<16x1024xf32, #tpu.memory_space<vmem>>, vector<1x16xf32>,
        %parallel_loop3A_1453 = vector.shape_cast %parallel_loop3A_1452 : vector<1x16xf32> to vector<16xf32>
        %parallel_loop3A_1454 = arith.addf %parallel_loop3A_1449, %parallel_loop3A_1453 : vector<16xf32>
        %parallel_loop3A_1455 = arith.index_cast %scan3A_1440 : i32 to index
        %parallel_loop3A_1456 = arith.index_cast %parallel_loop3A_1445 : i32 to index
        %parallel_loop3A_1457 = tpu.vector_load %arg6[%parallel_loop3A_1455, %parallel_loop3A_1456] {strides = array<i32>} : memref<16x1024xf32, #tpu.memory_space<vmem>>, vector<1x16xf32>,
        %parallel_loop3A_1458 = vector.shape_cast %parallel_loop3A_1457 : vector<1x16xf32> to vector<16xf32>
        %parallel_loop3A_1459 = vector.shape_cast %parallel_loop3A_1454 : vector<16xf32> to vector<1x16xf32>
        tpu.vector_store %arg6[%parallel_loop3A_1455, %parallel_loop3A_1456], %parallel_loop3A_1459 {strides = array<i32>} : memref<16x1024xf32, #tpu.memory_space<vmem>>, vector<1x16xf32>,
      } {sc.loop_unroll_factor = 8 : i64, sc.parallel_access}
    }
    %scan3A_812 = arith.constant 16 : i32
    %add3A_813 = arith.constant 64 : i32
    %add3A_814 = arith.addi %mul3A_2, %add3A_813 : i32
    %dma_start3A_815 = arith.constant 1 : i32
    %dma_start3A_816 = arith.constant 0 : i32
    %dma_start3A_817 = tpu.memref_slice %arg4[%dma_start3A_815, %add3A_814, %dma_start3A_816] : memref<4x4096x1024xf32, #tpu.memory_space<hbm>> -> memref<1x16x1024xf32, #tpu.memory_space<hbm>>
    %dma_start3A_818 = tpu.memref_squeeze %dma_start3A_817 : memref<1x16x1024xf32, #tpu.memory_space<hbm>> -> memref<16x1024xf32, #tpu.memory_space<hbm>>
    %dma_start3A_819 = arith.constant 0 : i32
    %dma_start3A_820 = tpu.memref_slice %arg4[%dma_start3A_815, %add3A_814, %dma_start3A_819] : memref<4x4096x1024xf32, #tpu.memory_space<hbm>> -> memref<1x16x1024xf32, #tpu.memory_space<hbm>>
    %dma_start3A_821 = tpu.memref_squeeze %dma_start3A_820 : memref<1x16x1024xf32, #tpu.memory_space<hbm>> -> memref<16x1024xf32, #tpu.memory_space<hbm>>
    tpu.enqueue_dma source(%arg6 : memref<16x1024xf32, #tpu.memory_space<vmem>>) target(%dma_start3A_821 : memref<16x1024xf32, #tpu.memory_space<hbm>>) target_semaphore(%arg14 : memref<!tpu.dma_semaphore, #tpu.memory_space<semaphore_mem>>)
    %add3A_822 = arith.constant 64 : i32
    %add3A_823 = arith.addi %mul3A_2, %add3A_822 : i32
    %dma_wait3A_824 = arith.constant 1 : i32
    %dma_wait3A_825 = arith.constant 0 : i32
    %dma_wait3A_826 = tpu.memref_slice %arg4[%dma_wait3A_824, %add3A_823, %dma_wait3A_825] : memref<4x4096x1024xf32, #tpu.memory_space<hbm>> -> memref<1x16x1024xf32, #tpu.memory_space<hbm>>
    %dma_wait3A_827 = tpu.memref_squeeze %dma_wait3A_826 : memref<1x16x1024xf32, #tpu.memory_space<hbm>> -> memref<16x1024xf32, #tpu.memory_space<hbm>>
    %dma_wait3A_828 = arith.constant 0 : i32
    %dma_wait3A_829 = tpu.memref_slice %arg4[%dma_wait3A_824, %add3A_823, %dma_wait3A_828] : memref<4x4096x1024xf32, #tpu.memory_space<hbm>> -> memref<1x16x1024xf32, #tpu.memory_space<hbm>>
    %dma_wait3A_830 = tpu.memref_squeeze %dma_wait3A_829 : memref<1x16x1024xf32, #tpu.memory_space<hbm>> -> memref<16x1024xf32, #tpu.memory_space<hbm>>
    tpu.wait_dma2 semaphore(%arg14 : memref<!tpu.dma_semaphore, #tpu.memory_space<semaphore_mem>>) src(%arg6 : memref<16x1024xf32, #tpu.memory_space<vmem>>) dst(%dma_wait3A_830 : memref<16x1024xf32, #tpu.memory_space<hbm>>)
    %add3A_831 = arith.constant 64 : i32
    %add3A_832 = arith.addi %mul3A_2, %add3A_831 : i32
    %dma_start3A_833 = arith.constant 3 : i32
    %dma_start3A_834 = arith.constant 0 : i32
    %dma_start3A_835 = tpu.memref_slice %arg2[%dma_start3A_833, %add3A_832, %dma_start3A_834] : memref<4x4096x1024xf32, #tpu.memory_space<hbm>> -> memref<1x16x1024xf32, #tpu.memory_space<hbm>>
    %dma_start3A_836 = tpu.memref_squeeze %dma_start3A_835 : memref<1x16x1024xf32, #tpu.memory_space<hbm>> -> memref<16x1024xf32, #tpu.memory_space<hbm>>
    %dma_start3A_837 = arith.constant 0 : i32
    %dma_start3A_838 = tpu.memref_slice %arg2[%dma_start3A_833, %add3A_832, %dma_start3A_837] : memref<4x4096x1024xf32, #tpu.memory_space<hbm>> -> memref<1x16x1024xf32, #tpu.memory_space<hbm>>
    %dma_start3A_839 = tpu.memref_squeeze %dma_start3A_838 : memref<1x16x1024xf32, #tpu.memory_space<hbm>> -> memref<16x1024xf32, #tpu.memory_space<hbm>>
    tpu.enqueue_dma source(%dma_start3A_839 : memref<16x1024xf32, #tpu.memory_space<hbm>>) target(%arg6 : memref<16x1024xf32, #tpu.memory_space<vmem>>) target_semaphore(%arg10 : memref<!tpu.dma_semaphore, #tpu.memory_space<semaphore_mem>>)
    %add3A_840 = arith.constant 64 : i32
    %add3A_841 = arith.addi %mul3A_2, %add3A_840 : i32
    %dma_wait3A_842 = arith.constant 2 : i32
    %dma_wait3A_843 = arith.constant 0 : i32
    %dma_wait3A_844 = tpu.memref_slice %arg2[%dma_wait3A_842, %add3A_841, %dma_wait3A_843] : memref<4x4096x1024xf32, #tpu.memory_space<hbm>> -> memref<1x16x1024xf32, #tpu.memory_space<hbm>>
    %dma_wait3A_845 = tpu.memref_squeeze %dma_wait3A_844 : memref<1x16x1024xf32, #tpu.memory_space<hbm>> -> memref<16x1024xf32, #tpu.memory_space<hbm>>
    %dma_wait3A_846 = arith.constant 0 : i32
    %dma_wait3A_847 = tpu.memref_slice %arg2[%dma_wait3A_842, %add3A_841, %dma_wait3A_846] : memref<4x4096x1024xf32, #tpu.memory_space<hbm>> -> memref<1x16x1024xf32, #tpu.memory_space<hbm>>
    %dma_wait3A_848 = tpu.memref_squeeze %dma_wait3A_847 : memref<1x16x1024xf32, #tpu.memory_space<hbm>> -> memref<16x1024xf32, #tpu.memory_space<hbm>>
    tpu.wait_dma2 semaphore(%arg9 : memref<!tpu.dma_semaphore, #tpu.memory_space<semaphore_mem>>) src(%dma_wait3A_848 : memref<16x1024xf32, #tpu.memory_space<hbm>>) dst(%arg5 : memref<16x1024xf32, #tpu.memory_space<vmem>>)
    %scan3A_849 = arith.constant 0 : i32
    %scan3A_850 = arith.constant 0 : i32
    %scan3A_851 = arith.constant 16 : i32
    %scan3A_852 = arith.addi %scan3A_850, %scan3A_851 : i32
    %scan3A_853 = arith.constant 1 : i32
    scf.for %scan3A_1440 = %scan3A_850 to %scan3A_852 step %scan3A_853  : i32 {
      %parallel_loop3A = arith.constant 0 : i32
      %parallel_loop3A_1441 = arith.constant 64 : i32
      %parallel_loop3A_1442 = arith.constant 1 : i32
      scf.for %parallel_loop3A_1443 = %parallel_loop3A to %parallel_loop3A_1441 step %parallel_loop3A_1442  : i32 {
        %parallel_loop3A_1444 = arith.constant 16 : i32
        %parallel_loop3A_1445 = arith.muli %parallel_loop3A_1443, %parallel_loop3A_1444 : i32
        %parallel_loop3A_1446 = arith.index_cast %scan3A_1440 : i32 to index
        %parallel_loop3A_1447 = arith.index_cast %parallel_loop3A_1445 : i32 to index
        %parallel_loop3A_1448 = tpu.vector_load %arg5[%parallel_loop3A_1446, %parallel_loop3A_1447] {strides = array<i32>} : memref<16x1024xf32, #tpu.memory_space<vmem>>, vector<1x16xf32>,
        %parallel_loop3A_1449 = vector.shape_cast %parallel_loop3A_1448 : vector<1x16xf32> to vector<16xf32>
        %parallel_loop3A_1450 = arith.index_cast %scan3A_1440 : i32 to index
        %parallel_loop3A_1451 = arith.index_cast %parallel_loop3A_1445 : i32 to index
        %parallel_loop3A_1452 = tpu.vector_load %arg7[%parallel_loop3A_1450, %parallel_loop3A_1451] {strides = array<i32>} : memref<16x1024xf32, #tpu.memory_space<vmem>>, vector<1x16xf32>,
        %parallel_loop3A_1453 = vector.shape_cast %parallel_loop3A_1452 : vector<1x16xf32> to vector<16xf32>
        %parallel_loop3A_1454 = arith.addf %parallel_loop3A_1449, %parallel_loop3A_1453 : vector<16xf32>
        %parallel_loop3A_1455 = arith.index_cast %scan3A_1440 : i32 to index
        %parallel_loop3A_1456 = arith.index_cast %parallel_loop3A_1445 : i32 to index
        %parallel_loop3A_1457 = tpu.vector_load %arg5[%parallel_loop3A_1455, %parallel_loop3A_1456] {strides = array<i32>} : memref<16x1024xf32, #tpu.memory_space<vmem>>, vector<1x16xf32>,
        %parallel_loop3A_1458 = vector.shape_cast %parallel_loop3A_1457 : vector<1x16xf32> to vector<16xf32>
        %parallel_loop3A_1459 = vector.shape_cast %parallel_loop3A_1454 : vector<16xf32> to vector<1x16xf32>
        tpu.vector_store %arg5[%parallel_loop3A_1455, %parallel_loop3A_1456], %parallel_loop3A_1459 {strides = array<i32>} : memref<16x1024xf32, #tpu.memory_space<vmem>>, vector<1x16xf32>,
      } {sc.loop_unroll_factor = 8 : i64, sc.parallel_access}
    }
    %scan3A_854 = arith.constant 16 : i32
    %add3A_855 = arith.constant 64 : i32
    %add3A_856 = arith.addi %mul3A_2, %add3A_855 : i32
    %dma_start3A_857 = arith.constant 2 : i32
    %dma_start3A_858 = arith.constant 0 : i32
    %dma_start3A_859 = tpu.memref_slice %arg4[%dma_start3A_857, %add3A_856, %dma_start3A_858] : memref<4x4096x1024xf32, #tpu.memory_space<hbm>> -> memref<1x16x1024xf32, #tpu.memory_space<hbm>>
    %dma_start3A_860 = tpu.memref_squeeze %dma_start3A_859 : memref<1x16x1024xf32, #tpu.memory_space<hbm>> -> memref<16x1024xf32, #tpu.memory_space<hbm>>
    %dma_start3A_861 = arith.constant 0 : i32
    %dma_start3A_862 = tpu.memref_slice %arg4[%dma_start3A_857, %add3A_856, %dma_start3A_861] : memref<4x4096x1024xf32, #tpu.memory_space<hbm>> -> memref<1x16x1024xf32, #tpu.memory_space<hbm>>
    %dma_start3A_863 = tpu.memref_squeeze %dma_start3A_862 : memref<1x16x1024xf32, #tpu.memory_space<hbm>> -> memref<16x1024xf32, #tpu.memory_space<hbm>>
    tpu.enqueue_dma source(%arg5 : memref<16x1024xf32, #tpu.memory_space<vmem>>) target(%dma_start3A_863 : memref<16x1024xf32, #tpu.memory_space<hbm>>) target_semaphore(%arg13 : memref<!tpu.dma_semaphore, #tpu.memory_space<semaphore_mem>>)
    %add3A_864 = arith.constant 64 : i32
    %add3A_865 = arith.addi %mul3A_2, %add3A_864 : i32
    %dma_wait3A_866 = arith.constant 2 : i32
    %dma_wait3A_867 = arith.constant 0 : i32
    %dma_wait3A_868 = tpu.memref_slice %arg4[%dma_wait3A_866, %add3A_865, %dma_wait3A_867] : memref<4x4096x1024xf32, #tpu.memory_space<hbm>> -> memref<1x16x1024xf32, #tpu.memory_space<hbm>>
    %dma_wait3A_869 = tpu.memref_squeeze %dma_wait3A_868 : memref<1x16x1024xf32, #tpu.memory_space<hbm>> -> memref<16x1024xf32, #tpu.memory_space<hbm>>
    %dma_wait3A_870 = arith.constant 0 : i32
    %dma_wait3A_871 = tpu.memref_slice %arg4[%dma_wait3A_866, %add3A_865, %dma_wait3A_870] : memref<4x4096x1024xf32, #tpu.memory_space<hbm>> -> memref<1x16x1024xf32, #tpu.memory_space<hbm>>
    %dma_wait3A_872 = tpu.memref_squeeze %dma_wait3A_871 : memref<1x16x1024xf32, #tpu.memory_space<hbm>> -> memref<16x1024xf32, #tpu.memory_space<hbm>>
    tpu.wait_dma2 semaphore(%arg13 : memref<!tpu.dma_semaphore, #tpu.memory_space<semaphore_mem>>) src(%arg5 : memref<16x1024xf32, #tpu.memory_space<vmem>>) dst(%dma_wait3A_872 : memref<16x1024xf32, #tpu.memory_space<hbm>>)
    %add3A_873 = arith.constant 80 : i32
    %add3A_874 = arith.addi %mul3A_2, %add3A_873 : i32
    %dma_start3A_875 = arith.constant 0 : i32
    %dma_start3A_876 = arith.constant 0 : i32
    %dma_start3A_877 = tpu.memref_slice %arg2[%dma_start3A_875, %add3A_874, %dma_start3A_876] : memref<4x4096x1024xf32, #tpu.memory_space<hbm>> -> memref<1x16x1024xf32, #tpu.memory_space<hbm>>
    %dma_start3A_878 = tpu.memref_squeeze %dma_start3A_877 : memref<1x16x1024xf32, #tpu.memory_space<hbm>> -> memref<16x1024xf32, #tpu.memory_space<hbm>>
    %dma_start3A_879 = arith.constant 0 : i32
    %dma_start3A_880 = tpu.memref_slice %arg2[%dma_start3A_875, %add3A_874, %dma_start3A_879] : memref<4x4096x1024xf32, #tpu.memory_space<hbm>> -> memref<1x16x1024xf32, #tpu.memory_space<hbm>>
    %dma_start3A_881 = tpu.memref_squeeze %dma_start3A_880 : memref<1x16x1024xf32, #tpu.memory_space<hbm>> -> memref<16x1024xf32, #tpu.memory_space<hbm>>
    tpu.enqueue_dma source(%dma_start3A_881 : memref<16x1024xf32, #tpu.memory_space<hbm>>) target(%arg5 : memref<16x1024xf32, #tpu.memory_space<vmem>>) target_semaphore(%arg9 : memref<!tpu.dma_semaphore, #tpu.memory_space<semaphore_mem>>)
    %add3A_882 = arith.constant 64 : i32
    %add3A_883 = arith.addi %mul3A_2, %add3A_882 : i32
    %dma_wait3A_884 = arith.constant 3 : i32
    %dma_wait3A_885 = arith.constant 0 : i32
    %dma_wait3A_886 = tpu.memref_slice %arg2[%dma_wait3A_884, %add3A_883, %dma_wait3A_885] : memref<4x4096x1024xf32, #tpu.memory_space<hbm>> -> memref<1x16x1024xf32, #tpu.memory_space<hbm>>
    %dma_wait3A_887 = tpu.memref_squeeze %dma_wait3A_886 : memref<1x16x1024xf32, #tpu.memory_space<hbm>> -> memref<16x1024xf32, #tpu.memory_space<hbm>>
    %dma_wait3A_888 = arith.constant 0 : i32
    %dma_wait3A_889 = tpu.memref_slice %arg2[%dma_wait3A_884, %add3A_883, %dma_wait3A_888] : memref<4x4096x1024xf32, #tpu.memory_space<hbm>> -> memref<1x16x1024xf32, #tpu.memory_space<hbm>>
    %dma_wait3A_890 = tpu.memref_squeeze %dma_wait3A_889 : memref<1x16x1024xf32, #tpu.memory_space<hbm>> -> memref<16x1024xf32, #tpu.memory_space<hbm>>
    tpu.wait_dma2 semaphore(%arg10 : memref<!tpu.dma_semaphore, #tpu.memory_space<semaphore_mem>>) src(%dma_wait3A_890 : memref<16x1024xf32, #tpu.memory_space<hbm>>) dst(%arg6 : memref<16x1024xf32, #tpu.memory_space<vmem>>)
    %scan3A_891 = arith.constant 0 : i32
    %scan3A_892 = arith.constant 0 : i32
    %scan3A_893 = arith.constant 16 : i32
    %scan3A_894 = arith.addi %scan3A_892, %scan3A_893 : i32
    %scan3A_895 = arith.constant 1 : i32
    scf.for %scan3A_1440 = %scan3A_892 to %scan3A_894 step %scan3A_895  : i32 {
      %parallel_loop3A = arith.constant 0 : i32
      %parallel_loop3A_1441 = arith.constant 64 : i32
      %parallel_loop3A_1442 = arith.constant 1 : i32
      scf.for %parallel_loop3A_1443 = %parallel_loop3A to %parallel_loop3A_1441 step %parallel_loop3A_1442  : i32 {
        %parallel_loop3A_1444 = arith.constant 16 : i32
        %parallel_loop3A_1445 = arith.muli %parallel_loop3A_1443, %parallel_loop3A_1444 : i32
        %parallel_loop3A_1446 = arith.index_cast %scan3A_1440 : i32 to index
        %parallel_loop3A_1447 = arith.index_cast %parallel_loop3A_1445 : i32 to index
        %parallel_loop3A_1448 = tpu.vector_load %arg6[%parallel_loop3A_1446, %parallel_loop3A_1447] {strides = array<i32>} : memref<16x1024xf32, #tpu.memory_space<vmem>>, vector<1x16xf32>,
        %parallel_loop3A_1449 = vector.shape_cast %parallel_loop3A_1448 : vector<1x16xf32> to vector<16xf32>
        %parallel_loop3A_1450 = arith.index_cast %scan3A_1440 : i32 to index
        %parallel_loop3A_1451 = arith.index_cast %parallel_loop3A_1445 : i32 to index
        %parallel_loop3A_1452 = tpu.vector_load %arg7[%parallel_loop3A_1450, %parallel_loop3A_1451] {strides = array<i32>} : memref<16x1024xf32, #tpu.memory_space<vmem>>, vector<1x16xf32>,
        %parallel_loop3A_1453 = vector.shape_cast %parallel_loop3A_1452 : vector<1x16xf32> to vector<16xf32>
        %parallel_loop3A_1454 = arith.addf %parallel_loop3A_1449, %parallel_loop3A_1453 : vector<16xf32>
        %parallel_loop3A_1455 = arith.index_cast %scan3A_1440 : i32 to index
        %parallel_loop3A_1456 = arith.index_cast %parallel_loop3A_1445 : i32 to index
        %parallel_loop3A_1457 = tpu.vector_load %arg6[%parallel_loop3A_1455, %parallel_loop3A_1456] {strides = array<i32>} : memref<16x1024xf32, #tpu.memory_space<vmem>>, vector<1x16xf32>,
        %parallel_loop3A_1458 = vector.shape_cast %parallel_loop3A_1457 : vector<1x16xf32> to vector<16xf32>
        %parallel_loop3A_1459 = vector.shape_cast %parallel_loop3A_1454 : vector<16xf32> to vector<1x16xf32>
        tpu.vector_store %arg6[%parallel_loop3A_1455, %parallel_loop3A_1456], %parallel_loop3A_1459 {strides = array<i32>} : memref<16x1024xf32, #tpu.memory_space<vmem>>, vector<1x16xf32>,
      } {sc.loop_unroll_factor = 8 : i64, sc.parallel_access}
    }
    %scan3A_896 = arith.constant 16 : i32
    %add3A_897 = arith.constant 64 : i32
    %add3A_898 = arith.addi %mul3A_2, %add3A_897 : i32
    %dma_start3A_899 = arith.constant 3 : i32
    %dma_start3A_900 = arith.constant 0 : i32
    %dma_start3A_901 = tpu.memref_slice %arg4[%dma_start3A_899, %add3A_898, %dma_start3A_900] : memref<4x4096x1024xf32, #tpu.memory_space<hbm>> -> memref<1x16x1024xf32, #tpu.memory_space<hbm>>
    %dma_start3A_902 = tpu.memref_squeeze %dma_start3A_901 : memref<1x16x1024xf32, #tpu.memory_space<hbm>> -> memref<16x1024xf32, #tpu.memory_space<hbm>>
    %dma_start3A_903 = arith.constant 0 : i32
    %dma_start3A_904 = tpu.memref_slice %arg4[%dma_start3A_899, %add3A_898, %dma_start3A_903] : memref<4x4096x1024xf32, #tpu.memory_space<hbm>> -> memref<1x16x1024xf32, #tpu.memory_space<hbm>>
    %dma_start3A_905 = tpu.memref_squeeze %dma_start3A_904 : memref<1x16x1024xf32, #tpu.memory_space<hbm>> -> memref<16x1024xf32, #tpu.memory_space<hbm>>
    tpu.enqueue_dma source(%arg6 : memref<16x1024xf32, #tpu.memory_space<vmem>>) target(%dma_start3A_905 : memref<16x1024xf32, #tpu.memory_space<hbm>>) target_semaphore(%arg14 : memref<!tpu.dma_semaphore, #tpu.memory_space<semaphore_mem>>)
    %add3A_906 = arith.constant 64 : i32
    %add3A_907 = arith.addi %mul3A_2, %add3A_906 : i32
    %dma_wait3A_908 = arith.constant 3 : i32
    %dma_wait3A_909 = arith.constant 0 : i32
    %dma_wait3A_910 = tpu.memref_slice %arg4[%dma_wait3A_908, %add3A_907, %dma_wait3A_909] : memref<4x4096x1024xf32, #tpu.memory_space<hbm>> -> memref<1x16x1024xf32, #tpu.memory_space<hbm>>
    %dma_wait3A_911 = tpu.memref_squeeze %dma_wait3A_910 : memref<1x16x1024xf32, #tpu.memory_space<hbm>> -> memref<16x1024xf32, #tpu.memory_space<hbm>>
    %dma_wait3A_912 = arith.constant 0 : i32
    %dma_wait3A_913 = tpu.memref_slice %arg4[%dma_wait3A_908, %add3A_907, %dma_wait3A_912] : memref<4x4096x1024xf32, #tpu.memory_space<hbm>> -> memref<1x16x1024xf32, #tpu.memory_space<hbm>>
    %dma_wait3A_914 = tpu.memref_squeeze %dma_wait3A_913 : memref<1x16x1024xf32, #tpu.memory_space<hbm>> -> memref<16x1024xf32, #tpu.memory_space<hbm>>
    tpu.wait_dma2 semaphore(%arg14 : memref<!tpu.dma_semaphore, #tpu.memory_space<semaphore_mem>>) src(%arg6 : memref<16x1024xf32, #tpu.memory_space<vmem>>) dst(%dma_wait3A_914 : memref<16x1024xf32, #tpu.memory_space<hbm>>)
    %add3A_915 = arith.constant 80 : i32
    %add3A_916 = arith.addi %mul3A_2, %add3A_915 : i32
    %dma_start3A_917 = arith.constant 1 : i32
    %dma_start3A_918 = arith.constant 0 : i32
    %dma_start3A_919 = tpu.memref_slice %arg2[%dma_start3A_917, %add3A_916, %dma_start3A_918] : memref<4x4096x1024xf32, #tpu.memory_space<hbm>> -> memref<1x16x1024xf32, #tpu.memory_space<hbm>>
    %dma_start3A_920 = tpu.memref_squeeze %dma_start3A_919 : memref<1x16x1024xf32, #tpu.memory_space<hbm>> -> memref<16x1024xf32, #tpu.memory_space<hbm>>
    %dma_start3A_921 = arith.constant 0 : i32
    %dma_start3A_922 = tpu.memref_slice %arg2[%dma_start3A_917, %add3A_916, %dma_start3A_921] : memref<4x4096x1024xf32, #tpu.memory_space<hbm>> -> memref<1x16x1024xf32, #tpu.memory_space<hbm>>
    %dma_start3A_923 = tpu.memref_squeeze %dma_start3A_922 : memref<1x16x1024xf32, #tpu.memory_space<hbm>> -> memref<16x1024xf32, #tpu.memory_space<hbm>>
    tpu.enqueue_dma source(%dma_start3A_923 : memref<16x1024xf32, #tpu.memory_space<hbm>>) target(%arg6 : memref<16x1024xf32, #tpu.memory_space<vmem>>) target_semaphore(%arg10 : memref<!tpu.dma_semaphore, #tpu.memory_space<semaphore_mem>>)
    %add3A_924 = arith.constant 96 : i32
    %add3A_925 = arith.addi %mul3A_2, %add3A_924 : i32
    %dma_start3A_926 = arith.constant 0 : i32
    %dma_start3A_927 = tpu.memref_slice %arg3[%add3A_925, %dma_start3A_926] : memref<8192x1024xf32, #tpu.memory_space<hbm>> -> memref<16x1024xf32, #tpu.memory_space<hbm>>
    %dma_start3A_928 = arith.constant 0 : i32
    %dma_start3A_929 = tpu.memref_slice %arg3[%add3A_925, %dma_start3A_928] : memref<8192x1024xf32, #tpu.memory_space<hbm>> -> memref<16x1024xf32, #tpu.memory_space<hbm>>
    tpu.enqueue_dma source(%dma_start3A_929 : memref<16x1024xf32, #tpu.memory_space<hbm>>) target(%arg7 : memref<16x1024xf32, #tpu.memory_space<vmem>>) target_semaphore(%arg11 : memref<!tpu.dma_semaphore, #tpu.memory_space<semaphore_mem>>)
    %add3A_930 = arith.constant 80 : i32
    %add3A_931 = arith.addi %mul3A_2, %add3A_930 : i32
    %dma_wait3A_932 = arith.constant 0 : i32
    %dma_wait3A_933 = arith.constant 0 : i32
    %dma_wait3A_934 = tpu.memref_slice %arg2[%dma_wait3A_932, %add3A_931, %dma_wait3A_933] : memref<4x4096x1024xf32, #tpu.memory_space<hbm>> -> memref<1x16x1024xf32, #tpu.memory_space<hbm>>
    %dma_wait3A_935 = tpu.memref_squeeze %dma_wait3A_934 : memref<1x16x1024xf32, #tpu.memory_space<hbm>> -> memref<16x1024xf32, #tpu.memory_space<hbm>>
    %dma_wait3A_936 = arith.constant 0 : i32
    %dma_wait3A_937 = tpu.memref_slice %arg2[%dma_wait3A_932, %add3A_931, %dma_wait3A_936] : memref<4x4096x1024xf32, #tpu.memory_space<hbm>> -> memref<1x16x1024xf32, #tpu.memory_space<hbm>>
    %dma_wait3A_938 = tpu.memref_squeeze %dma_wait3A_937 : memref<1x16x1024xf32, #tpu.memory_space<hbm>> -> memref<16x1024xf32, #tpu.memory_space<hbm>>
    tpu.wait_dma2 semaphore(%arg9 : memref<!tpu.dma_semaphore, #tpu.memory_space<semaphore_mem>>) src(%dma_wait3A_938 : memref<16x1024xf32, #tpu.memory_space<hbm>>) dst(%arg5 : memref<16x1024xf32, #tpu.memory_space<vmem>>)
    %add3A_939 = arith.constant 80 : i32
    %add3A_940 = arith.addi %mul3A_2, %add3A_939 : i32
    %dma_wait3A_941 = arith.constant 0 : i32
    %dma_wait3A_942 = tpu.memref_slice %arg3[%add3A_940, %dma_wait3A_941] : memref<8192x1024xf32, #tpu.memory_space<hbm>> -> memref<16x1024xf32, #tpu.memory_space<hbm>>
    %dma_wait3A_943 = arith.constant 0 : i32
    %dma_wait3A_944 = tpu.memref_slice %arg3[%add3A_940, %dma_wait3A_943] : memref<8192x1024xf32, #tpu.memory_space<hbm>> -> memref<16x1024xf32, #tpu.memory_space<hbm>>
    tpu.wait_dma2 semaphore(%arg12 : memref<!tpu.dma_semaphore, #tpu.memory_space<semaphore_mem>>) src(%dma_wait3A_944 : memref<16x1024xf32, #tpu.memory_space<hbm>>) dst(%arg8 : memref<16x1024xf32, #tpu.memory_space<vmem>>)
    %scan3A_945 = arith.constant 0 : i32
    %scan3A_946 = arith.constant 0 : i32
    %scan3A_947 = arith.constant 16 : i32
    %scan3A_948 = arith.addi %scan3A_946, %scan3A_947 : i32
    %scan3A_949 = arith.constant 1 : i32
    scf.for %scan3A_1440 = %scan3A_946 to %scan3A_948 step %scan3A_949  : i32 {
      %parallel_loop3A = arith.constant 0 : i32
      %parallel_loop3A_1441 = arith.constant 64 : i32
      %parallel_loop3A_1442 = arith.constant 1 : i32
      scf.for %parallel_loop3A_1443 = %parallel_loop3A to %parallel_loop3A_1441 step %parallel_loop3A_1442  : i32 {
        %parallel_loop3A_1444 = arith.constant 16 : i32
        %parallel_loop3A_1445 = arith.muli %parallel_loop3A_1443, %parallel_loop3A_1444 : i32
        %parallel_loop3A_1446 = arith.index_cast %scan3A_1440 : i32 to index
        %parallel_loop3A_1447 = arith.index_cast %parallel_loop3A_1445 : i32 to index
        %parallel_loop3A_1448 = tpu.vector_load %arg5[%parallel_loop3A_1446, %parallel_loop3A_1447] {strides = array<i32>} : memref<16x1024xf32, #tpu.memory_space<vmem>>, vector<1x16xf32>,
        %parallel_loop3A_1449 = vector.shape_cast %parallel_loop3A_1448 : vector<1x16xf32> to vector<16xf32>
        %parallel_loop3A_1450 = arith.index_cast %scan3A_1440 : i32 to index
        %parallel_loop3A_1451 = arith.index_cast %parallel_loop3A_1445 : i32 to index
        %parallel_loop3A_1452 = tpu.vector_load %arg8[%parallel_loop3A_1450, %parallel_loop3A_1451] {strides = array<i32>} : memref<16x1024xf32, #tpu.memory_space<vmem>>, vector<1x16xf32>,
        %parallel_loop3A_1453 = vector.shape_cast %parallel_loop3A_1452 : vector<1x16xf32> to vector<16xf32>
        %parallel_loop3A_1454 = arith.addf %parallel_loop3A_1449, %parallel_loop3A_1453 : vector<16xf32>
        %parallel_loop3A_1455 = arith.index_cast %scan3A_1440 : i32 to index
        %parallel_loop3A_1456 = arith.index_cast %parallel_loop3A_1445 : i32 to index
        %parallel_loop3A_1457 = tpu.vector_load %arg5[%parallel_loop3A_1455, %parallel_loop3A_1456] {strides = array<i32>} : memref<16x1024xf32, #tpu.memory_space<vmem>>, vector<1x16xf32>,
        %parallel_loop3A_1458 = vector.shape_cast %parallel_loop3A_1457 : vector<1x16xf32> to vector<16xf32>
        %parallel_loop3A_1459 = vector.shape_cast %parallel_loop3A_1454 : vector<16xf32> to vector<1x16xf32>
        tpu.vector_store %arg5[%parallel_loop3A_1455, %parallel_loop3A_1456], %parallel_loop3A_1459 {strides = array<i32>} : memref<16x1024xf32, #tpu.memory_space<vmem>>, vector<1x16xf32>,
      } {sc.loop_unroll_factor = 8 : i64, sc.parallel_access}
    }
    %scan3A_950 = arith.constant 16 : i32
    %add3A_951 = arith.constant 80 : i32
    %add3A_952 = arith.addi %mul3A_2, %add3A_951 : i32
    %dma_start3A_953 = arith.constant 0 : i32
    %dma_start3A_954 = arith.constant 0 : i32
    %dma_start3A_955 = tpu.memref_slice %arg4[%dma_start3A_953, %add3A_952, %dma_start3A_954] : memref<4x4096x1024xf32, #tpu.memory_space<hbm>> -> memref<1x16x1024xf32, #tpu.memory_space<hbm>>
    %dma_start3A_956 = tpu.memref_squeeze %dma_start3A_955 : memref<1x16x1024xf32, #tpu.memory_space<hbm>> -> memref<16x1024xf32, #tpu.memory_space<hbm>>
    %dma_start3A_957 = arith.constant 0 : i32
    %dma_start3A_958 = tpu.memref_slice %arg4[%dma_start3A_953, %add3A_952, %dma_start3A_957] : memref<4x4096x1024xf32, #tpu.memory_space<hbm>> -> memref<1x16x1024xf32, #tpu.memory_space<hbm>>
    %dma_start3A_959 = tpu.memref_squeeze %dma_start3A_958 : memref<1x16x1024xf32, #tpu.memory_space<hbm>> -> memref<16x1024xf32, #tpu.memory_space<hbm>>
    tpu.enqueue_dma source(%arg5 : memref<16x1024xf32, #tpu.memory_space<vmem>>) target(%dma_start3A_959 : memref<16x1024xf32, #tpu.memory_space<hbm>>) target_semaphore(%arg13 : memref<!tpu.dma_semaphore, #tpu.memory_space<semaphore_mem>>)
    %add3A_960 = arith.constant 80 : i32
    %add3A_961 = arith.addi %mul3A_2, %add3A_960 : i32
    %dma_wait3A_962 = arith.constant 0 : i32
    %dma_wait3A_963 = arith.constant 0 : i32
    %dma_wait3A_964 = tpu.memref_slice %arg4[%dma_wait3A_962, %add3A_961, %dma_wait3A_963] : memref<4x4096x1024xf32, #tpu.memory_space<hbm>> -> memref<1x16x1024xf32, #tpu.memory_space<hbm>>
    %dma_wait3A_965 = tpu.memref_squeeze %dma_wait3A_964 : memref<1x16x1024xf32, #tpu.memory_space<hbm>> -> memref<16x1024xf32, #tpu.memory_space<hbm>>
    %dma_wait3A_966 = arith.constant 0 : i32
    %dma_wait3A_967 = tpu.memref_slice %arg4[%dma_wait3A_962, %add3A_961, %dma_wait3A_966] : memref<4x4096x1024xf32, #tpu.memory_space<hbm>> -> memref<1x16x1024xf32, #tpu.memory_space<hbm>>
    %dma_wait3A_968 = tpu.memref_squeeze %dma_wait3A_967 : memref<1x16x1024xf32, #tpu.memory_space<hbm>> -> memref<16x1024xf32, #tpu.memory_space<hbm>>
    tpu.wait_dma2 semaphore(%arg13 : memref<!tpu.dma_semaphore, #tpu.memory_space<semaphore_mem>>) src(%arg5 : memref<16x1024xf32, #tpu.memory_space<vmem>>) dst(%dma_wait3A_968 : memref<16x1024xf32, #tpu.memory_space<hbm>>)
    %add3A_969 = arith.constant 80 : i32
    %add3A_970 = arith.addi %mul3A_2, %add3A_969 : i32
    %dma_start3A_971 = arith.constant 2 : i32
    %dma_start3A_972 = arith.constant 0 : i32
    %dma_start3A_973 = tpu.memref_slice %arg2[%dma_start3A_971, %add3A_970, %dma_start3A_972] : memref<4x4096x1024xf32, #tpu.memory_space<hbm>> -> memref<1x16x1024xf32, #tpu.memory_space<hbm>>
    %dma_start3A_974 = tpu.memref_squeeze %dma_start3A_973 : memref<1x16x1024xf32, #tpu.memory_space<hbm>> -> memref<16x1024xf32, #tpu.memory_space<hbm>>
    %dma_start3A_975 = arith.constant 0 : i32
    %dma_start3A_976 = tpu.memref_slice %arg2[%dma_start3A_971, %add3A_970, %dma_start3A_975] : memref<4x4096x1024xf32, #tpu.memory_space<hbm>> -> memref<1x16x1024xf32, #tpu.memory_space<hbm>>
    %dma_start3A_977 = tpu.memref_squeeze %dma_start3A_976 : memref<1x16x1024xf32, #tpu.memory_space<hbm>> -> memref<16x1024xf32, #tpu.memory_space<hbm>>
    tpu.enqueue_dma source(%dma_start3A_977 : memref<16x1024xf32, #tpu.memory_space<hbm>>) target(%arg5 : memref<16x1024xf32, #tpu.memory_space<vmem>>) target_semaphore(%arg9 : memref<!tpu.dma_semaphore, #tpu.memory_space<semaphore_mem>>)
    %add3A_978 = arith.constant 80 : i32
    %add3A_979 = arith.addi %mul3A_2, %add3A_978 : i32
    %dma_wait3A_980 = arith.constant 1 : i32
    %dma_wait3A_981 = arith.constant 0 : i32
    %dma_wait3A_982 = tpu.memref_slice %arg2[%dma_wait3A_980, %add3A_979, %dma_wait3A_981] : memref<4x4096x1024xf32, #tpu.memory_space<hbm>> -> memref<1x16x1024xf32, #tpu.memory_space<hbm>>
    %dma_wait3A_983 = tpu.memref_squeeze %dma_wait3A_982 : memref<1x16x1024xf32, #tpu.memory_space<hbm>> -> memref<16x1024xf32, #tpu.memory_space<hbm>>
    %dma_wait3A_984 = arith.constant 0 : i32
    %dma_wait3A_985 = tpu.memref_slice %arg2[%dma_wait3A_980, %add3A_979, %dma_wait3A_984] : memref<4x4096x1024xf32, #tpu.memory_space<hbm>> -> memref<1x16x1024xf32, #tpu.memory_space<hbm>>
    %dma_wait3A_986 = tpu.memref_squeeze %dma_wait3A_985 : memref<1x16x1024xf32, #tpu.memory_space<hbm>> -> memref<16x1024xf32, #tpu.memory_space<hbm>>
    tpu.wait_dma2 semaphore(%arg10 : memref<!tpu.dma_semaphore, #tpu.memory_space<semaphore_mem>>) src(%dma_wait3A_986 : memref<16x1024xf32, #tpu.memory_space<hbm>>) dst(%arg6 : memref<16x1024xf32, #tpu.memory_space<vmem>>)
    %scan3A_987 = arith.constant 0 : i32
    %scan3A_988 = arith.constant 0 : i32
    %scan3A_989 = arith.constant 16 : i32
    %scan3A_990 = arith.addi %scan3A_988, %scan3A_989 : i32
    %scan3A_991 = arith.constant 1 : i32
    scf.for %scan3A_1440 = %scan3A_988 to %scan3A_990 step %scan3A_991  : i32 {
      %parallel_loop3A = arith.constant 0 : i32
      %parallel_loop3A_1441 = arith.constant 64 : i32
      %parallel_loop3A_1442 = arith.constant 1 : i32
      scf.for %parallel_loop3A_1443 = %parallel_loop3A to %parallel_loop3A_1441 step %parallel_loop3A_1442  : i32 {
        %parallel_loop3A_1444 = arith.constant 16 : i32
        %parallel_loop3A_1445 = arith.muli %parallel_loop3A_1443, %parallel_loop3A_1444 : i32
        %parallel_loop3A_1446 = arith.index_cast %scan3A_1440 : i32 to index
        %parallel_loop3A_1447 = arith.index_cast %parallel_loop3A_1445 : i32 to index
        %parallel_loop3A_1448 = tpu.vector_load %arg6[%parallel_loop3A_1446, %parallel_loop3A_1447] {strides = array<i32>} : memref<16x1024xf32, #tpu.memory_space<vmem>>, vector<1x16xf32>,
        %parallel_loop3A_1449 = vector.shape_cast %parallel_loop3A_1448 : vector<1x16xf32> to vector<16xf32>
        %parallel_loop3A_1450 = arith.index_cast %scan3A_1440 : i32 to index
        %parallel_loop3A_1451 = arith.index_cast %parallel_loop3A_1445 : i32 to index
        %parallel_loop3A_1452 = tpu.vector_load %arg8[%parallel_loop3A_1450, %parallel_loop3A_1451] {strides = array<i32>} : memref<16x1024xf32, #tpu.memory_space<vmem>>, vector<1x16xf32>,
        %parallel_loop3A_1453 = vector.shape_cast %parallel_loop3A_1452 : vector<1x16xf32> to vector<16xf32>
        %parallel_loop3A_1454 = arith.addf %parallel_loop3A_1449, %parallel_loop3A_1453 : vector<16xf32>
        %parallel_loop3A_1455 = arith.index_cast %scan3A_1440 : i32 to index
        %parallel_loop3A_1456 = arith.index_cast %parallel_loop3A_1445 : i32 to index
        %parallel_loop3A_1457 = tpu.vector_load %arg6[%parallel_loop3A_1455, %parallel_loop3A_1456] {strides = array<i32>} : memref<16x1024xf32, #tpu.memory_space<vmem>>, vector<1x16xf32>,
        %parallel_loop3A_1458 = vector.shape_cast %parallel_loop3A_1457 : vector<1x16xf32> to vector<16xf32>
        %parallel_loop3A_1459 = vector.shape_cast %parallel_loop3A_1454 : vector<16xf32> to vector<1x16xf32>
        tpu.vector_store %arg6[%parallel_loop3A_1455, %parallel_loop3A_1456], %parallel_loop3A_1459 {strides = array<i32>} : memref<16x1024xf32, #tpu.memory_space<vmem>>, vector<1x16xf32>,
      } {sc.loop_unroll_factor = 8 : i64, sc.parallel_access}
    }
    %scan3A_992 = arith.constant 16 : i32
    %add3A_993 = arith.constant 80 : i32
    %add3A_994 = arith.addi %mul3A_2, %add3A_993 : i32
    %dma_start3A_995 = arith.constant 1 : i32
    %dma_start3A_996 = arith.constant 0 : i32
    %dma_start3A_997 = tpu.memref_slice %arg4[%dma_start3A_995, %add3A_994, %dma_start3A_996] : memref<4x4096x1024xf32, #tpu.memory_space<hbm>> -> memref<1x16x1024xf32, #tpu.memory_space<hbm>>
    %dma_start3A_998 = tpu.memref_squeeze %dma_start3A_997 : memref<1x16x1024xf32, #tpu.memory_space<hbm>> -> memref<16x1024xf32, #tpu.memory_space<hbm>>
    %dma_start3A_999 = arith.constant 0 : i32
    %dma_start3A_1000 = tpu.memref_slice %arg4[%dma_start3A_995, %add3A_994, %dma_start3A_999] : memref<4x4096x1024xf32, #tpu.memory_space<hbm>> -> memref<1x16x1024xf32, #tpu.memory_space<hbm>>
    %dma_start3A_1001 = tpu.memref_squeeze %dma_start3A_1000 : memref<1x16x1024xf32, #tpu.memory_space<hbm>> -> memref<16x1024xf32, #tpu.memory_space<hbm>>
    tpu.enqueue_dma source(%arg6 : memref<16x1024xf32, #tpu.memory_space<vmem>>) target(%dma_start3A_1001 : memref<16x1024xf32, #tpu.memory_space<hbm>>) target_semaphore(%arg14 : memref<!tpu.dma_semaphore, #tpu.memory_space<semaphore_mem>>)
    %add3A_1002 = arith.constant 80 : i32
    %add3A_1003 = arith.addi %mul3A_2, %add3A_1002 : i32
    %dma_wait3A_1004 = arith.constant 1 : i32
    %dma_wait3A_1005 = arith.constant 0 : i32
    %dma_wait3A_1006 = tpu.memref_slice %arg4[%dma_wait3A_1004, %add3A_1003, %dma_wait3A_1005] : memref<4x4096x1024xf32, #tpu.memory_space<hbm>> -> memref<1x16x1024xf32, #tpu.memory_space<hbm>>
    %dma_wait3A_1007 = tpu.memref_squeeze %dma_wait3A_1006 : memref<1x16x1024xf32, #tpu.memory_space<hbm>> -> memref<16x1024xf32, #tpu.memory_space<hbm>>
    %dma_wait3A_1008 = arith.constant 0 : i32
    %dma_wait3A_1009 = tpu.memref_slice %arg4[%dma_wait3A_1004, %add3A_1003, %dma_wait3A_1008] : memref<4x4096x1024xf32, #tpu.memory_space<hbm>> -> memref<1x16x1024xf32, #tpu.memory_space<hbm>>
    %dma_wait3A_1010 = tpu.memref_squeeze %dma_wait3A_1009 : memref<1x16x1024xf32, #tpu.memory_space<hbm>> -> memref<16x1024xf32, #tpu.memory_space<hbm>>
    tpu.wait_dma2 semaphore(%arg14 : memref<!tpu.dma_semaphore, #tpu.memory_space<semaphore_mem>>) src(%arg6 : memref<16x1024xf32, #tpu.memory_space<vmem>>) dst(%dma_wait3A_1010 : memref<16x1024xf32, #tpu.memory_space<hbm>>)
    %add3A_1011 = arith.constant 80 : i32
    %add3A_1012 = arith.addi %mul3A_2, %add3A_1011 : i32
    %dma_start3A_1013 = arith.constant 3 : i32
    %dma_start3A_1014 = arith.constant 0 : i32
    %dma_start3A_1015 = tpu.memref_slice %arg2[%dma_start3A_1013, %add3A_1012, %dma_start3A_1014] : memref<4x4096x1024xf32, #tpu.memory_space<hbm>> -> memref<1x16x1024xf32, #tpu.memory_space<hbm>>
    %dma_start3A_1016 = tpu.memref_squeeze %dma_start3A_1015 : memref<1x16x1024xf32, #tpu.memory_space<hbm>> -> memref<16x1024xf32, #tpu.memory_space<hbm>>
    %dma_start3A_1017 = arith.constant 0 : i32
    %dma_start3A_1018 = tpu.memref_slice %arg2[%dma_start3A_1013, %add3A_1012, %dma_start3A_1017] : memref<4x4096x1024xf32, #tpu.memory_space<hbm>> -> memref<1x16x1024xf32, #tpu.memory_space<hbm>>
    %dma_start3A_1019 = tpu.memref_squeeze %dma_start3A_1018 : memref<1x16x1024xf32, #tpu.memory_space<hbm>> -> memref<16x1024xf32, #tpu.memory_space<hbm>>
    tpu.enqueue_dma source(%dma_start3A_1019 : memref<16x1024xf32, #tpu.memory_space<hbm>>) target(%arg6 : memref<16x1024xf32, #tpu.memory_space<vmem>>) target_semaphore(%arg10 : memref<!tpu.dma_semaphore, #tpu.memory_space<semaphore_mem>>)
    %add3A_1020 = arith.constant 80 : i32
    %add3A_1021 = arith.addi %mul3A_2, %add3A_1020 : i32
    %dma_wait3A_1022 = arith.constant 2 : i32
    %dma_wait3A_1023 = arith.constant 0 : i32
    %dma_wait3A_1024 = tpu.memref_slice %arg2[%dma_wait3A_1022, %add3A_1021, %dma_wait3A_1023] : memref<4x4096x1024xf32, #tpu.memory_space<hbm>> -> memref<1x16x1024xf32, #tpu.memory_space<hbm>>
    %dma_wait3A_1025 = tpu.memref_squeeze %dma_wait3A_1024 : memref<1x16x1024xf32, #tpu.memory_space<hbm>> -> memref<16x1024xf32, #tpu.memory_space<hbm>>
    %dma_wait3A_1026 = arith.constant 0 : i32
    %dma_wait3A_1027 = tpu.memref_slice %arg2[%dma_wait3A_1022, %add3A_1021, %dma_wait3A_1026] : memref<4x4096x1024xf32, #tpu.memory_space<hbm>> -> memref<1x16x1024xf32, #tpu.memory_space<hbm>>
    %dma_wait3A_1028 = tpu.memref_squeeze %dma_wait3A_1027 : memref<1x16x1024xf32, #tpu.memory_space<hbm>> -> memref<16x1024xf32, #tpu.memory_space<hbm>>
    tpu.wait_dma2 semaphore(%arg9 : memref<!tpu.dma_semaphore, #tpu.memory_space<semaphore_mem>>) src(%dma_wait3A_1028 : memref<16x1024xf32, #tpu.memory_space<hbm>>) dst(%arg5 : memref<16x1024xf32, #tpu.memory_space<vmem>>)
    %scan3A_1029 = arith.constant 0 : i32
    %scan3A_1030 = arith.constant 0 : i32
    %scan3A_1031 = arith.constant 16 : i32
    %scan3A_1032 = arith.addi %scan3A_1030, %scan3A_1031 : i32
    %scan3A_1033 = arith.constant 1 : i32
    scf.for %scan3A_1440 = %scan3A_1030 to %scan3A_1032 step %scan3A_1033  : i32 {
      %parallel_loop3A = arith.constant 0 : i32
      %parallel_loop3A_1441 = arith.constant 64 : i32
      %parallel_loop3A_1442 = arith.constant 1 : i32
      scf.for %parallel_loop3A_1443 = %parallel_loop3A to %parallel_loop3A_1441 step %parallel_loop3A_1442  : i32 {
        %parallel_loop3A_1444 = arith.constant 16 : i32
        %parallel_loop3A_1445 = arith.muli %parallel_loop3A_1443, %parallel_loop3A_1444 : i32
        %parallel_loop3A_1446 = arith.index_cast %scan3A_1440 : i32 to index
        %parallel_loop3A_1447 = arith.index_cast %parallel_loop3A_1445 : i32 to index
        %parallel_loop3A_1448 = tpu.vector_load %arg5[%parallel_loop3A_1446, %parallel_loop3A_1447] {strides = array<i32>} : memref<16x1024xf32, #tpu.memory_space<vmem>>, vector<1x16xf32>,
        %parallel_loop3A_1449 = vector.shape_cast %parallel_loop3A_1448 : vector<1x16xf32> to vector<16xf32>
        %parallel_loop3A_1450 = arith.index_cast %scan3A_1440 : i32 to index
        %parallel_loop3A_1451 = arith.index_cast %parallel_loop3A_1445 : i32 to index
        %parallel_loop3A_1452 = tpu.vector_load %arg8[%parallel_loop3A_1450, %parallel_loop3A_1451] {strides = array<i32>} : memref<16x1024xf32, #tpu.memory_space<vmem>>, vector<1x16xf32>,
        %parallel_loop3A_1453 = vector.shape_cast %parallel_loop3A_1452 : vector<1x16xf32> to vector<16xf32>
        %parallel_loop3A_1454 = arith.addf %parallel_loop3A_1449, %parallel_loop3A_1453 : vector<16xf32>
        %parallel_loop3A_1455 = arith.index_cast %scan3A_1440 : i32 to index
        %parallel_loop3A_1456 = arith.index_cast %parallel_loop3A_1445 : i32 to index
        %parallel_loop3A_1457 = tpu.vector_load %arg5[%parallel_loop3A_1455, %parallel_loop3A_1456] {strides = array<i32>} : memref<16x1024xf32, #tpu.memory_space<vmem>>, vector<1x16xf32>,
        %parallel_loop3A_1458 = vector.shape_cast %parallel_loop3A_1457 : vector<1x16xf32> to vector<16xf32>
        %parallel_loop3A_1459 = vector.shape_cast %parallel_loop3A_1454 : vector<16xf32> to vector<1x16xf32>
        tpu.vector_store %arg5[%parallel_loop3A_1455, %parallel_loop3A_1456], %parallel_loop3A_1459 {strides = array<i32>} : memref<16x1024xf32, #tpu.memory_space<vmem>>, vector<1x16xf32>,
      } {sc.loop_unroll_factor = 8 : i64, sc.parallel_access}
    }
    %scan3A_1034 = arith.constant 16 : i32
    %add3A_1035 = arith.constant 80 : i32
    %add3A_1036 = arith.addi %mul3A_2, %add3A_1035 : i32
    %dma_start3A_1037 = arith.constant 2 : i32
    %dma_start3A_1038 = arith.constant 0 : i32
    %dma_start3A_1039 = tpu.memref_slice %arg4[%dma_start3A_1037, %add3A_1036, %dma_start3A_1038] : memref<4x4096x1024xf32, #tpu.memory_space<hbm>> -> memref<1x16x1024xf32, #tpu.memory_space<hbm>>
    %dma_start3A_1040 = tpu.memref_squeeze %dma_start3A_1039 : memref<1x16x1024xf32, #tpu.memory_space<hbm>> -> memref<16x1024xf32, #tpu.memory_space<hbm>>
    %dma_start3A_1041 = arith.constant 0 : i32
    %dma_start3A_1042 = tpu.memref_slice %arg4[%dma_start3A_1037, %add3A_1036, %dma_start3A_1041] : memref<4x4096x1024xf32, #tpu.memory_space<hbm>> -> memref<1x16x1024xf32, #tpu.memory_space<hbm>>
    %dma_start3A_1043 = tpu.memref_squeeze %dma_start3A_1042 : memref<1x16x1024xf32, #tpu.memory_space<hbm>> -> memref<16x1024xf32, #tpu.memory_space<hbm>>
    tpu.enqueue_dma source(%arg5 : memref<16x1024xf32, #tpu.memory_space<vmem>>) target(%dma_start3A_1043 : memref<16x1024xf32, #tpu.memory_space<hbm>>) target_semaphore(%arg13 : memref<!tpu.dma_semaphore, #tpu.memory_space<semaphore_mem>>)
    %add3A_1044 = arith.constant 80 : i32
    %add3A_1045 = arith.addi %mul3A_2, %add3A_1044 : i32
    %dma_wait3A_1046 = arith.constant 2 : i32
    %dma_wait3A_1047 = arith.constant 0 : i32
    %dma_wait3A_1048 = tpu.memref_slice %arg4[%dma_wait3A_1046, %add3A_1045, %dma_wait3A_1047] : memref<4x4096x1024xf32, #tpu.memory_space<hbm>> -> memref<1x16x1024xf32, #tpu.memory_space<hbm>>
    %dma_wait3A_1049 = tpu.memref_squeeze %dma_wait3A_1048 : memref<1x16x1024xf32, #tpu.memory_space<hbm>> -> memref<16x1024xf32, #tpu.memory_space<hbm>>
    %dma_wait3A_1050 = arith.constant 0 : i32
    %dma_wait3A_1051 = tpu.memref_slice %arg4[%dma_wait3A_1046, %add3A_1045, %dma_wait3A_1050] : memref<4x4096x1024xf32, #tpu.memory_space<hbm>> -> memref<1x16x1024xf32, #tpu.memory_space<hbm>>
    %dma_wait3A_1052 = tpu.memref_squeeze %dma_wait3A_1051 : memref<1x16x1024xf32, #tpu.memory_space<hbm>> -> memref<16x1024xf32, #tpu.memory_space<hbm>>
    tpu.wait_dma2 semaphore(%arg13 : memref<!tpu.dma_semaphore, #tpu.memory_space<semaphore_mem>>) src(%arg5 : memref<16x1024xf32, #tpu.memory_space<vmem>>) dst(%dma_wait3A_1052 : memref<16x1024xf32, #tpu.memory_space<hbm>>)
    %add3A_1053 = arith.constant 96 : i32
    %add3A_1054 = arith.addi %mul3A_2, %add3A_1053 : i32
    %dma_start3A_1055 = arith.constant 0 : i32
    %dma_start3A_1056 = arith.constant 0 : i32
    %dma_start3A_1057 = tpu.memref_slice %arg2[%dma_start3A_1055, %add3A_1054, %dma_start3A_1056] : memref<4x4096x1024xf32, #tpu.memory_space<hbm>> -> memref<1x16x1024xf32, #tpu.memory_space<hbm>>
    %dma_start3A_1058 = tpu.memref_squeeze %dma_start3A_1057 : memref<1x16x1024xf32, #tpu.memory_space<hbm>> -> memref<16x1024xf32, #tpu.memory_space<hbm>>
    %dma_start3A_1059 = arith.constant 0 : i32
    %dma_start3A_1060 = tpu.memref_slice %arg2[%dma_start3A_1055, %add3A_1054, %dma_start3A_1059] : memref<4x4096x1024xf32, #tpu.memory_space<hbm>> -> memref<1x16x1024xf32, #tpu.memory_space<hbm>>
    %dma_start3A_1061 = tpu.memref_squeeze %dma_start3A_1060 : memref<1x16x1024xf32, #tpu.memory_space<hbm>> -> memref<16x1024xf32, #tpu.memory_space<hbm>>
    tpu.enqueue_dma source(%dma_start3A_1061 : memref<16x1024xf32, #tpu.memory_space<hbm>>) target(%arg5 : memref<16x1024xf32, #tpu.memory_space<vmem>>) target_semaphore(%arg9 : memref<!tpu.dma_semaphore, #tpu.memory_space<semaphore_mem>>)
    %add3A_1062 = arith.constant 80 : i32
    %add3A_1063 = arith.addi %mul3A_2, %add3A_1062 : i32
    %dma_wait3A_1064 = arith.constant 3 : i32
    %dma_wait3A_1065 = arith.constant 0 : i32
    %dma_wait3A_1066 = tpu.memref_slice %arg2[%dma_wait3A_1064, %add3A_1063, %dma_wait3A_1065] : memref<4x4096x1024xf32, #tpu.memory_space<hbm>> -> memref<1x16x1024xf32, #tpu.memory_space<hbm>>
    %dma_wait3A_1067 = tpu.memref_squeeze %dma_wait3A_1066 : memref<1x16x1024xf32, #tpu.memory_space<hbm>> -> memref<16x1024xf32, #tpu.memory_space<hbm>>
    %dma_wait3A_1068 = arith.constant 0 : i32
    %dma_wait3A_1069 = tpu.memref_slice %arg2[%dma_wait3A_1064, %add3A_1063, %dma_wait3A_1068] : memref<4x4096x1024xf32, #tpu.memory_space<hbm>> -> memref<1x16x1024xf32, #tpu.memory_space<hbm>>
    %dma_wait3A_1070 = tpu.memref_squeeze %dma_wait3A_1069 : memref<1x16x1024xf32, #tpu.memory_space<hbm>> -> memref<16x1024xf32, #tpu.memory_space<hbm>>
    tpu.wait_dma2 semaphore(%arg10 : memref<!tpu.dma_semaphore, #tpu.memory_space<semaphore_mem>>) src(%dma_wait3A_1070 : memref<16x1024xf32, #tpu.memory_space<hbm>>) dst(%arg6 : memref<16x1024xf32, #tpu.memory_space<vmem>>)
    %scan3A_1071 = arith.constant 0 : i32
    %scan3A_1072 = arith.constant 0 : i32
    %scan3A_1073 = arith.constant 16 : i32
    %scan3A_1074 = arith.addi %scan3A_1072, %scan3A_1073 : i32
    %scan3A_1075 = arith.constant 1 : i32
    scf.for %scan3A_1440 = %scan3A_1072 to %scan3A_1074 step %scan3A_1075  : i32 {
      %parallel_loop3A = arith.constant 0 : i32
      %parallel_loop3A_1441 = arith.constant 64 : i32
      %parallel_loop3A_1442 = arith.constant 1 : i32
      scf.for %parallel_loop3A_1443 = %parallel_loop3A to %parallel_loop3A_1441 step %parallel_loop3A_1442  : i32 {
        %parallel_loop3A_1444 = arith.constant 16 : i32
        %parallel_loop3A_1445 = arith.muli %parallel_loop3A_1443, %parallel_loop3A_1444 : i32
        %parallel_loop3A_1446 = arith.index_cast %scan3A_1440 : i32 to index
        %parallel_loop3A_1447 = arith.index_cast %parallel_loop3A_1445 : i32 to index
        %parallel_loop3A_1448 = tpu.vector_load %arg6[%parallel_loop3A_1446, %parallel_loop3A_1447] {strides = array<i32>} : memref<16x1024xf32, #tpu.memory_space<vmem>>, vector<1x16xf32>,
        %parallel_loop3A_1449 = vector.shape_cast %parallel_loop3A_1448 : vector<1x16xf32> to vector<16xf32>
        %parallel_loop3A_1450 = arith.index_cast %scan3A_1440 : i32 to index
        %parallel_loop3A_1451 = arith.index_cast %parallel_loop3A_1445 : i32 to index
        %parallel_loop3A_1452 = tpu.vector_load %arg8[%parallel_loop3A_1450, %parallel_loop3A_1451] {strides = array<i32>} : memref<16x1024xf32, #tpu.memory_space<vmem>>, vector<1x16xf32>,
        %parallel_loop3A_1453 = vector.shape_cast %parallel_loop3A_1452 : vector<1x16xf32> to vector<16xf32>
        %parallel_loop3A_1454 = arith.addf %parallel_loop3A_1449, %parallel_loop3A_1453 : vector<16xf32>
        %parallel_loop3A_1455 = arith.index_cast %scan3A_1440 : i32 to index
        %parallel_loop3A_1456 = arith.index_cast %parallel_loop3A_1445 : i32 to index
        %parallel_loop3A_1457 = tpu.vector_load %arg6[%parallel_loop3A_1455, %parallel_loop3A_1456] {strides = array<i32>} : memref<16x1024xf32, #tpu.memory_space<vmem>>, vector<1x16xf32>,
        %parallel_loop3A_1458 = vector.shape_cast %parallel_loop3A_1457 : vector<1x16xf32> to vector<16xf32>
        %parallel_loop3A_1459 = vector.shape_cast %parallel_loop3A_1454 : vector<16xf32> to vector<1x16xf32>
        tpu.vector_store %arg6[%parallel_loop3A_1455, %parallel_loop3A_1456], %parallel_loop3A_1459 {strides = array<i32>} : memref<16x1024xf32, #tpu.memory_space<vmem>>, vector<1x16xf32>,
      } {sc.loop_unroll_factor = 8 : i64, sc.parallel_access}
    }
    %scan3A_1076 = arith.constant 16 : i32
    %add3A_1077 = arith.constant 80 : i32
    %add3A_1078 = arith.addi %mul3A_2, %add3A_1077 : i32
    %dma_start3A_1079 = arith.constant 3 : i32
    %dma_start3A_1080 = arith.constant 0 : i32
    %dma_start3A_1081 = tpu.memref_slice %arg4[%dma_start3A_1079, %add3A_1078, %dma_start3A_1080] : memref<4x4096x1024xf32, #tpu.memory_space<hbm>> -> memref<1x16x1024xf32, #tpu.memory_space<hbm>>
    %dma_start3A_1082 = tpu.memref_squeeze %dma_start3A_1081 : memref<1x16x1024xf32, #tpu.memory_space<hbm>> -> memref<16x1024xf32, #tpu.memory_space<hbm>>
    %dma_start3A_1083 = arith.constant 0 : i32
    %dma_start3A_1084 = tpu.memref_slice %arg4[%dma_start3A_1079, %add3A_1078, %dma_start3A_1083] : memref<4x4096x1024xf32, #tpu.memory_space<hbm>> -> memref<1x16x1024xf32, #tpu.memory_space<hbm>>
    %dma_start3A_1085 = tpu.memref_squeeze %dma_start3A_1084 : memref<1x16x1024xf32, #tpu.memory_space<hbm>> -> memref<16x1024xf32, #tpu.memory_space<hbm>>
    tpu.enqueue_dma source(%arg6 : memref<16x1024xf32, #tpu.memory_space<vmem>>) target(%dma_start3A_1085 : memref<16x1024xf32, #tpu.memory_space<hbm>>) target_semaphore(%arg14 : memref<!tpu.dma_semaphore, #tpu.memory_space<semaphore_mem>>)
    %add3A_1086 = arith.constant 80 : i32
    %add3A_1087 = arith.addi %mul3A_2, %add3A_1086 : i32
    %dma_wait3A_1088 = arith.constant 3 : i32
    %dma_wait3A_1089 = arith.constant 0 : i32
    %dma_wait3A_1090 = tpu.memref_slice %arg4[%dma_wait3A_1088, %add3A_1087, %dma_wait3A_1089] : memref<4x4096x1024xf32, #tpu.memory_space<hbm>> -> memref<1x16x1024xf32, #tpu.memory_space<hbm>>
    %dma_wait3A_1091 = tpu.memref_squeeze %dma_wait3A_1090 : memref<1x16x1024xf32, #tpu.memory_space<hbm>> -> memref<16x1024xf32, #tpu.memory_space<hbm>>
    %dma_wait3A_1092 = arith.constant 0 : i32
    %dma_wait3A_1093 = tpu.memref_slice %arg4[%dma_wait3A_1088, %add3A_1087, %dma_wait3A_1092] : memref<4x4096x1024xf32, #tpu.memory_space<hbm>> -> memref<1x16x1024xf32, #tpu.memory_space<hbm>>
    %dma_wait3A_1094 = tpu.memref_squeeze %dma_wait3A_1093 : memref<1x16x1024xf32, #tpu.memory_space<hbm>> -> memref<16x1024xf32, #tpu.memory_space<hbm>>
    tpu.wait_dma2 semaphore(%arg14 : memref<!tpu.dma_semaphore, #tpu.memory_space<semaphore_mem>>) src(%arg6 : memref<16x1024xf32, #tpu.memory_space<vmem>>) dst(%dma_wait3A_1094 : memref<16x1024xf32, #tpu.memory_space<hbm>>)
    %add3A_1095 = arith.constant 96 : i32
    %add3A_1096 = arith.addi %mul3A_2, %add3A_1095 : i32
    %dma_start3A_1097 = arith.constant 1 : i32
    %dma_start3A_1098 = arith.constant 0 : i32
    %dma_start3A_1099 = tpu.memref_slice %arg2[%dma_start3A_1097, %add3A_1096, %dma_start3A_1098] : memref<4x4096x1024xf32, #tpu.memory_space<hbm>> -> memref<1x16x1024xf32, #tpu.memory_space<hbm>>
    %dma_start3A_1100 = tpu.memref_squeeze %dma_start3A_1099 : memref<1x16x1024xf32, #tpu.memory_space<hbm>> -> memref<16x1024xf32, #tpu.memory_space<hbm>>
    %dma_start3A_1101 = arith.constant 0 : i32
    %dma_start3A_1102 = tpu.memref_slice %arg2[%dma_start3A_1097, %add3A_1096, %dma_start3A_1101] : memref<4x4096x1024xf32, #tpu.memory_space<hbm>> -> memref<1x16x1024xf32, #tpu.memory_space<hbm>>
    %dma_start3A_1103 = tpu.memref_squeeze %dma_start3A_1102 : memref<1x16x1024xf32, #tpu.memory_space<hbm>> -> memref<16x1024xf32, #tpu.memory_space<hbm>>
    tpu.enqueue_dma source(%dma_start3A_1103 : memref<16x1024xf32, #tpu.memory_space<hbm>>) target(%arg6 : memref<16x1024xf32, #tpu.memory_space<vmem>>) target_semaphore(%arg10 : memref<!tpu.dma_semaphore, #tpu.memory_space<semaphore_mem>>)
    %add3A_1104 = arith.constant 112 : i32
    %add3A_1105 = arith.addi %mul3A_2, %add3A_1104 : i32
    %dma_start3A_1106 = arith.constant 0 : i32
    %dma_start3A_1107 = tpu.memref_slice %arg3[%add3A_1105, %dma_start3A_1106] : memref<8192x1024xf32, #tpu.memory_space<hbm>> -> memref<16x1024xf32, #tpu.memory_space<hbm>>
    %dma_start3A_1108 = arith.constant 0 : i32
    %dma_start3A_1109 = tpu.memref_slice %arg3[%add3A_1105, %dma_start3A_1108] : memref<8192x1024xf32, #tpu.memory_space<hbm>> -> memref<16x1024xf32, #tpu.memory_space<hbm>>
    tpu.enqueue_dma source(%dma_start3A_1109 : memref<16x1024xf32, #tpu.memory_space<hbm>>) target(%arg8 : memref<16x1024xf32, #tpu.memory_space<vmem>>) target_semaphore(%arg12 : memref<!tpu.dma_semaphore, #tpu.memory_space<semaphore_mem>>)
    %add3A_1110 = arith.constant 96 : i32
    %add3A_1111 = arith.addi %mul3A_2, %add3A_1110 : i32
    %dma_wait3A_1112 = arith.constant 0 : i32
    %dma_wait3A_1113 = arith.constant 0 : i32
    %dma_wait3A_1114 = tpu.memref_slice %arg2[%dma_wait3A_1112, %add3A_1111, %dma_wait3A_1113] : memref<4x4096x1024xf32, #tpu.memory_space<hbm>> -> memref<1x16x1024xf32, #tpu.memory_space<hbm>>
    %dma_wait3A_1115 = tpu.memref_squeeze %dma_wait3A_1114 : memref<1x16x1024xf32, #tpu.memory_space<hbm>> -> memref<16x1024xf32, #tpu.memory_space<hbm>>
    %dma_wait3A_1116 = arith.constant 0 : i32
    %dma_wait3A_1117 = tpu.memref_slice %arg2[%dma_wait3A_1112, %add3A_1111, %dma_wait3A_1116] : memref<4x4096x1024xf32, #tpu.memory_space<hbm>> -> memref<1x16x1024xf32, #tpu.memory_space<hbm>>
    %dma_wait3A_1118 = tpu.memref_squeeze %dma_wait3A_1117 : memref<1x16x1024xf32, #tpu.memory_space<hbm>> -> memref<16x1024xf32, #tpu.memory_space<hbm>>
    tpu.wait_dma2 semaphore(%arg9 : memref<!tpu.dma_semaphore, #tpu.memory_space<semaphore_mem>>) src(%dma_wait3A_1118 : memref<16x1024xf32, #tpu.memory_space<hbm>>) dst(%arg5 : memref<16x1024xf32, #tpu.memory_space<vmem>>)
    %add3A_1119 = arith.constant 96 : i32
    %add3A_1120 = arith.addi %mul3A_2, %add3A_1119 : i32
    %dma_wait3A_1121 = arith.constant 0 : i32
    %dma_wait3A_1122 = tpu.memref_slice %arg3[%add3A_1120, %dma_wait3A_1121] : memref<8192x1024xf32, #tpu.memory_space<hbm>> -> memref<16x1024xf32, #tpu.memory_space<hbm>>
    %dma_wait3A_1123 = arith.constant 0 : i32
    %dma_wait3A_1124 = tpu.memref_slice %arg3[%add3A_1120, %dma_wait3A_1123] : memref<8192x1024xf32, #tpu.memory_space<hbm>> -> memref<16x1024xf32, #tpu.memory_space<hbm>>
    tpu.wait_dma2 semaphore(%arg11 : memref<!tpu.dma_semaphore, #tpu.memory_space<semaphore_mem>>) src(%dma_wait3A_1124 : memref<16x1024xf32, #tpu.memory_space<hbm>>) dst(%arg7 : memref<16x1024xf32, #tpu.memory_space<vmem>>)
    %scan3A_1125 = arith.constant 0 : i32
    %scan3A_1126 = arith.constant 0 : i32
    %scan3A_1127 = arith.constant 16 : i32
    %scan3A_1128 = arith.addi %scan3A_1126, %scan3A_1127 : i32
    %scan3A_1129 = arith.constant 1 : i32
    scf.for %scan3A_1440 = %scan3A_1126 to %scan3A_1128 step %scan3A_1129  : i32 {
      %parallel_loop3A = arith.constant 0 : i32
      %parallel_loop3A_1441 = arith.constant 64 : i32
      %parallel_loop3A_1442 = arith.constant 1 : i32
      scf.for %parallel_loop3A_1443 = %parallel_loop3A to %parallel_loop3A_1441 step %parallel_loop3A_1442  : i32 {
        %parallel_loop3A_1444 = arith.constant 16 : i32
        %parallel_loop3A_1445 = arith.muli %parallel_loop3A_1443, %parallel_loop3A_1444 : i32
        %parallel_loop3A_1446 = arith.index_cast %scan3A_1440 : i32 to index
        %parallel_loop3A_1447 = arith.index_cast %parallel_loop3A_1445 : i32 to index
        %parallel_loop3A_1448 = tpu.vector_load %arg5[%parallel_loop3A_1446, %parallel_loop3A_1447] {strides = array<i32>} : memref<16x1024xf32, #tpu.memory_space<vmem>>, vector<1x16xf32>,
        %parallel_loop3A_1449 = vector.shape_cast %parallel_loop3A_1448 : vector<1x16xf32> to vector<16xf32>
        %parallel_loop3A_1450 = arith.index_cast %scan3A_1440 : i32 to index
        %parallel_loop3A_1451 = arith.index_cast %parallel_loop3A_1445 : i32 to index
        %parallel_loop3A_1452 = tpu.vector_load %arg7[%parallel_loop3A_1450, %parallel_loop3A_1451] {strides = array<i32>} : memref<16x1024xf32, #tpu.memory_space<vmem>>, vector<1x16xf32>,
        %parallel_loop3A_1453 = vector.shape_cast %parallel_loop3A_1452 : vector<1x16xf32> to vector<16xf32>
        %parallel_loop3A_1454 = arith.addf %parallel_loop3A_1449, %parallel_loop3A_1453 : vector<16xf32>
        %parallel_loop3A_1455 = arith.index_cast %scan3A_1440 : i32 to index
        %parallel_loop3A_1456 = arith.index_cast %parallel_loop3A_1445 : i32 to index
        %parallel_loop3A_1457 = tpu.vector_load %arg5[%parallel_loop3A_1455, %parallel_loop3A_1456] {strides = array<i32>} : memref<16x1024xf32, #tpu.memory_space<vmem>>, vector<1x16xf32>,
        %parallel_loop3A_1458 = vector.shape_cast %parallel_loop3A_1457 : vector<1x16xf32> to vector<16xf32>
        %parallel_loop3A_1459 = vector.shape_cast %parallel_loop3A_1454 : vector<16xf32> to vector<1x16xf32>
        tpu.vector_store %arg5[%parallel_loop3A_1455, %parallel_loop3A_1456], %parallel_loop3A_1459 {strides = array<i32>} : memref<16x1024xf32, #tpu.memory_space<vmem>>, vector<1x16xf32>,
      } {sc.loop_unroll_factor = 8 : i64, sc.parallel_access}
    }
    %scan3A_1130 = arith.constant 16 : i32
    %add3A_1131 = arith.constant 96 : i32
    %add3A_1132 = arith.addi %mul3A_2, %add3A_1131 : i32
    %dma_start3A_1133 = arith.constant 0 : i32
    %dma_start3A_1134 = arith.constant 0 : i32
    %dma_start3A_1135 = tpu.memref_slice %arg4[%dma_start3A_1133, %add3A_1132, %dma_start3A_1134] : memref<4x4096x1024xf32, #tpu.memory_space<hbm>> -> memref<1x16x1024xf32, #tpu.memory_space<hbm>>
    %dma_start3A_1136 = tpu.memref_squeeze %dma_start3A_1135 : memref<1x16x1024xf32, #tpu.memory_space<hbm>> -> memref<16x1024xf32, #tpu.memory_space<hbm>>
    %dma_start3A_1137 = arith.constant 0 : i32
    %dma_start3A_1138 = tpu.memref_slice %arg4[%dma_start3A_1133, %add3A_1132, %dma_start3A_1137] : memref<4x4096x1024xf32, #tpu.memory_space<hbm>> -> memref<1x16x1024xf32, #tpu.memory_space<hbm>>
    %dma_start3A_1139 = tpu.memref_squeeze %dma_start3A_1138 : memref<1x16x1024xf32, #tpu.memory_space<hbm>> -> memref<16x1024xf32, #tpu.memory_space<hbm>>
    tpu.enqueue_dma source(%arg5 : memref<16x1024xf32, #tpu.memory_space<vmem>>) target(%dma_start3A_1139 : memref<16x1024xf32, #tpu.memory_space<hbm>>) target_semaphore(%arg13 : memref<!tpu.dma_semaphore, #tpu.memory_space<semaphore_mem>>)
    %add3A_1140 = arith.constant 96 : i32
    %add3A_1141 = arith.addi %mul3A_2, %add3A_1140 : i32
    %dma_wait3A_1142 = arith.constant 0 : i32
    %dma_wait3A_1143 = arith.constant 0 : i32
    %dma_wait3A_1144 = tpu.memref_slice %arg4[%dma_wait3A_1142, %add3A_1141, %dma_wait3A_1143] : memref<4x4096x1024xf32, #tpu.memory_space<hbm>> -> memref<1x16x1024xf32, #tpu.memory_space<hbm>>
    %dma_wait3A_1145 = tpu.memref_squeeze %dma_wait3A_1144 : memref<1x16x1024xf32, #tpu.memory_space<hbm>> -> memref<16x1024xf32, #tpu.memory_space<hbm>>
    %dma_wait3A_1146 = arith.constant 0 : i32
    %dma_wait3A_1147 = tpu.memref_slice %arg4[%dma_wait3A_1142, %add3A_1141, %dma_wait3A_1146] : memref<4x4096x1024xf32, #tpu.memory_space<hbm>> -> memref<1x16x1024xf32, #tpu.memory_space<hbm>>
    %dma_wait3A_1148 = tpu.memref_squeeze %dma_wait3A_1147 : memref<1x16x1024xf32, #tpu.memory_space<hbm>> -> memref<16x1024xf32, #tpu.memory_space<hbm>>
    tpu.wait_dma2 semaphore(%arg13 : memref<!tpu.dma_semaphore, #tpu.memory_space<semaphore_mem>>) src(%arg5 : memref<16x1024xf32, #tpu.memory_space<vmem>>) dst(%dma_wait3A_1148 : memref<16x1024xf32, #tpu.memory_space<hbm>>)
    %add3A_1149 = arith.constant 96 : i32
    %add3A_1150 = arith.addi %mul3A_2, %add3A_1149 : i32
    %dma_start3A_1151 = arith.constant 2 : i32
    %dma_start3A_1152 = arith.constant 0 : i32
    %dma_start3A_1153 = tpu.memref_slice %arg2[%dma_start3A_1151, %add3A_1150, %dma_start3A_1152] : memref<4x4096x1024xf32, #tpu.memory_space<hbm>> -> memref<1x16x1024xf32, #tpu.memory_space<hbm>>
    %dma_start3A_1154 = tpu.memref_squeeze %dma_start3A_1153 : memref<1x16x1024xf32, #tpu.memory_space<hbm>> -> memref<16x1024xf32, #tpu.memory_space<hbm>>
    %dma_start3A_1155 = arith.constant 0 : i32
    %dma_start3A_1156 = tpu.memref_slice %arg2[%dma_start3A_1151, %add3A_1150, %dma_start3A_1155] : memref<4x4096x1024xf32, #tpu.memory_space<hbm>> -> memref<1x16x1024xf32, #tpu.memory_space<hbm>>
    %dma_start3A_1157 = tpu.memref_squeeze %dma_start3A_1156 : memref<1x16x1024xf32, #tpu.memory_space<hbm>> -> memref<16x1024xf32, #tpu.memory_space<hbm>>
    tpu.enqueue_dma source(%dma_start3A_1157 : memref<16x1024xf32, #tpu.memory_space<hbm>>) target(%arg5 : memref<16x1024xf32, #tpu.memory_space<vmem>>) target_semaphore(%arg9 : memref<!tpu.dma_semaphore, #tpu.memory_space<semaphore_mem>>)
    %add3A_1158 = arith.constant 96 : i32
    %add3A_1159 = arith.addi %mul3A_2, %add3A_1158 : i32
    %dma_wait3A_1160 = arith.constant 1 : i32
    %dma_wait3A_1161 = arith.constant 0 : i32
    %dma_wait3A_1162 = tpu.memref_slice %arg2[%dma_wait3A_1160, %add3A_1159, %dma_wait3A_1161] : memref<4x4096x1024xf32, #tpu.memory_space<hbm>> -> memref<1x16x1024xf32, #tpu.memory_space<hbm>>
    %dma_wait3A_1163 = tpu.memref_squeeze %dma_wait3A_1162 : memref<1x16x1024xf32, #tpu.memory_space<hbm>> -> memref<16x1024xf32, #tpu.memory_space<hbm>>
    %dma_wait3A_1164 = arith.constant 0 : i32
    %dma_wait3A_1165 = tpu.memref_slice %arg2[%dma_wait3A_1160, %add3A_1159, %dma_wait3A_1164] : memref<4x4096x1024xf32, #tpu.memory_space<hbm>> -> memref<1x16x1024xf32, #tpu.memory_space<hbm>>
    %dma_wait3A_1166 = tpu.memref_squeeze %dma_wait3A_1165 : memref<1x16x1024xf32, #tpu.memory_space<hbm>> -> memref<16x1024xf32, #tpu.memory_space<hbm>>
    tpu.wait_dma2 semaphore(%arg10 : memref<!tpu.dma_semaphore, #tpu.memory_space<semaphore_mem>>) src(%dma_wait3A_1166 : memref<16x1024xf32, #tpu.memory_space<hbm>>) dst(%arg6 : memref<16x1024xf32, #tpu.memory_space<vmem>>)
    %scan3A_1167 = arith.constant 0 : i32
    %scan3A_1168 = arith.constant 0 : i32
    %scan3A_1169 = arith.constant 16 : i32
    %scan3A_1170 = arith.addi %scan3A_1168, %scan3A_1169 : i32
    %scan3A_1171 = arith.constant 1 : i32
    scf.for %scan3A_1440 = %scan3A_1168 to %scan3A_1170 step %scan3A_1171  : i32 {
      %parallel_loop3A = arith.constant 0 : i32
      %parallel_loop3A_1441 = arith.constant 64 : i32
      %parallel_loop3A_1442 = arith.constant 1 : i32
      scf.for %parallel_loop3A_1443 = %parallel_loop3A to %parallel_loop3A_1441 step %parallel_loop3A_1442  : i32 {
        %parallel_loop3A_1444 = arith.constant 16 : i32
        %parallel_loop3A_1445 = arith.muli %parallel_loop3A_1443, %parallel_loop3A_1444 : i32
        %parallel_loop3A_1446 = arith.index_cast %scan3A_1440 : i32 to index
        %parallel_loop3A_1447 = arith.index_cast %parallel_loop3A_1445 : i32 to index
        %parallel_loop3A_1448 = tpu.vector_load %arg6[%parallel_loop3A_1446, %parallel_loop3A_1447] {strides = array<i32>} : memref<16x1024xf32, #tpu.memory_space<vmem>>, vector<1x16xf32>,
        %parallel_loop3A_1449 = vector.shape_cast %parallel_loop3A_1448 : vector<1x16xf32> to vector<16xf32>
        %parallel_loop3A_1450 = arith.index_cast %scan3A_1440 : i32 to index
        %parallel_loop3A_1451 = arith.index_cast %parallel_loop3A_1445 : i32 to index
        %parallel_loop3A_1452 = tpu.vector_load %arg7[%parallel_loop3A_1450, %parallel_loop3A_1451] {strides = array<i32>} : memref<16x1024xf32, #tpu.memory_space<vmem>>, vector<1x16xf32>,
        %parallel_loop3A_1453 = vector.shape_cast %parallel_loop3A_1452 : vector<1x16xf32> to vector<16xf32>
        %parallel_loop3A_1454 = arith.addf %parallel_loop3A_1449, %parallel_loop3A_1453 : vector<16xf32>
        %parallel_loop3A_1455 = arith.index_cast %scan3A_1440 : i32 to index
        %parallel_loop3A_1456 = arith.index_cast %parallel_loop3A_1445 : i32 to index
        %parallel_loop3A_1457 = tpu.vector_load %arg6[%parallel_loop3A_1455, %parallel_loop3A_1456] {strides = array<i32>} : memref<16x1024xf32, #tpu.memory_space<vmem>>, vector<1x16xf32>,
        %parallel_loop3A_1458 = vector.shape_cast %parallel_loop3A_1457 : vector<1x16xf32> to vector<16xf32>
        %parallel_loop3A_1459 = vector.shape_cast %parallel_loop3A_1454 : vector<16xf32> to vector<1x16xf32>
        tpu.vector_store %arg6[%parallel_loop3A_1455, %parallel_loop3A_1456], %parallel_loop3A_1459 {strides = array<i32>} : memref<16x1024xf32, #tpu.memory_space<vmem>>, vector<1x16xf32>,
      } {sc.loop_unroll_factor = 8 : i64, sc.parallel_access}
    }
    %scan3A_1172 = arith.constant 16 : i32
    %add3A_1173 = arith.constant 96 : i32
    %add3A_1174 = arith.addi %mul3A_2, %add3A_1173 : i32
    %dma_start3A_1175 = arith.constant 1 : i32
    %dma_start3A_1176 = arith.constant 0 : i32
    %dma_start3A_1177 = tpu.memref_slice %arg4[%dma_start3A_1175, %add3A_1174, %dma_start3A_1176] : memref<4x4096x1024xf32, #tpu.memory_space<hbm>> -> memref<1x16x1024xf32, #tpu.memory_space<hbm>>
    %dma_start3A_1178 = tpu.memref_squeeze %dma_start3A_1177 : memref<1x16x1024xf32, #tpu.memory_space<hbm>> -> memref<16x1024xf32, #tpu.memory_space<hbm>>
    %dma_start3A_1179 = arith.constant 0 : i32
    %dma_start3A_1180 = tpu.memref_slice %arg4[%dma_start3A_1175, %add3A_1174, %dma_start3A_1179] : memref<4x4096x1024xf32, #tpu.memory_space<hbm>> -> memref<1x16x1024xf32, #tpu.memory_space<hbm>>
    %dma_start3A_1181 = tpu.memref_squeeze %dma_start3A_1180 : memref<1x16x1024xf32, #tpu.memory_space<hbm>> -> memref<16x1024xf32, #tpu.memory_space<hbm>>
    tpu.enqueue_dma source(%arg6 : memref<16x1024xf32, #tpu.memory_space<vmem>>) target(%dma_start3A_1181 : memref<16x1024xf32, #tpu.memory_space<hbm>>) target_semaphore(%arg14 : memref<!tpu.dma_semaphore, #tpu.memory_space<semaphore_mem>>)
    %add3A_1182 = arith.constant 96 : i32
    %add3A_1183 = arith.addi %mul3A_2, %add3A_1182 : i32
    %dma_wait3A_1184 = arith.constant 1 : i32
    %dma_wait3A_1185 = arith.constant 0 : i32
    %dma_wait3A_1186 = tpu.memref_slice %arg4[%dma_wait3A_1184, %add3A_1183, %dma_wait3A_1185] : memref<4x4096x1024xf32, #tpu.memory_space<hbm>> -> memref<1x16x1024xf32, #tpu.memory_space<hbm>>
    %dma_wait3A_1187 = tpu.memref_squeeze %dma_wait3A_1186 : memref<1x16x1024xf32, #tpu.memory_space<hbm>> -> memref<16x1024xf32, #tpu.memory_space<hbm>>
    %dma_wait3A_1188 = arith.constant 0 : i32
    %dma_wait3A_1189 = tpu.memref_slice %arg4[%dma_wait3A_1184, %add3A_1183, %dma_wait3A_1188] : memref<4x4096x1024xf32, #tpu.memory_space<hbm>> -> memref<1x16x1024xf32, #tpu.memory_space<hbm>>
    %dma_wait3A_1190 = tpu.memref_squeeze %dma_wait3A_1189 : memref<1x16x1024xf32, #tpu.memory_space<hbm>> -> memref<16x1024xf32, #tpu.memory_space<hbm>>
    tpu.wait_dma2 semaphore(%arg14 : memref<!tpu.dma_semaphore, #tpu.memory_space<semaphore_mem>>) src(%arg6 : memref<16x1024xf32, #tpu.memory_space<vmem>>) dst(%dma_wait3A_1190 : memref<16x1024xf32, #tpu.memory_space<hbm>>)
    %add3A_1191 = arith.constant 96 : i32
    %add3A_1192 = arith.addi %mul3A_2, %add3A_1191 : i32
    %dma_start3A_1193 = arith.constant 3 : i32
    %dma_start3A_1194 = arith.constant 0 : i32
    %dma_start3A_1195 = tpu.memref_slice %arg2[%dma_start3A_1193, %add3A_1192, %dma_start3A_1194] : memref<4x4096x1024xf32, #tpu.memory_space<hbm>> -> memref<1x16x1024xf32, #tpu.memory_space<hbm>>
    %dma_start3A_1196 = tpu.memref_squeeze %dma_start3A_1195 : memref<1x16x1024xf32, #tpu.memory_space<hbm>> -> memref<16x1024xf32, #tpu.memory_space<hbm>>
    %dma_start3A_1197 = arith.constant 0 : i32
    %dma_start3A_1198 = tpu.memref_slice %arg2[%dma_start3A_1193, %add3A_1192, %dma_start3A_1197] : memref<4x4096x1024xf32, #tpu.memory_space<hbm>> -> memref<1x16x1024xf32, #tpu.memory_space<hbm>>
    %dma_start3A_1199 = tpu.memref_squeeze %dma_start3A_1198 : memref<1x16x1024xf32, #tpu.memory_space<hbm>> -> memref<16x1024xf32, #tpu.memory_space<hbm>>
    tpu.enqueue_dma source(%dma_start3A_1199 : memref<16x1024xf32, #tpu.memory_space<hbm>>) target(%arg6 : memref<16x1024xf32, #tpu.memory_space<vmem>>) target_semaphore(%arg10 : memref<!tpu.dma_semaphore, #tpu.memory_space<semaphore_mem>>)
    %add3A_1200 = arith.constant 96 : i32
    %add3A_1201 = arith.addi %mul3A_2, %add3A_1200 : i32
    %dma_wait3A_1202 = arith.constant 2 : i32
    %dma_wait3A_1203 = arith.constant 0 : i32
    %dma_wait3A_1204 = tpu.memref_slice %arg2[%dma_wait3A_1202, %add3A_1201, %dma_wait3A_1203] : memref<4x4096x1024xf32, #tpu.memory_space<hbm>> -> memref<1x16x1024xf32, #tpu.memory_space<hbm>>
    %dma_wait3A_1205 = tpu.memref_squeeze %dma_wait3A_1204 : memref<1x16x1024xf32, #tpu.memory_space<hbm>> -> memref<16x1024xf32, #tpu.memory_space<hbm>>
    %dma_wait3A_1206 = arith.constant 0 : i32
    %dma_wait3A_1207 = tpu.memref_slice %arg2[%dma_wait3A_1202, %add3A_1201, %dma_wait3A_1206] : memref<4x4096x1024xf32, #tpu.memory_space<hbm>> -> memref<1x16x1024xf32, #tpu.memory_space<hbm>>
    %dma_wait3A_1208 = tpu.memref_squeeze %dma_wait3A_1207 : memref<1x16x1024xf32, #tpu.memory_space<hbm>> -> memref<16x1024xf32, #tpu.memory_space<hbm>>
    tpu.wait_dma2 semaphore(%arg9 : memref<!tpu.dma_semaphore, #tpu.memory_space<semaphore_mem>>) src(%dma_wait3A_1208 : memref<16x1024xf32, #tpu.memory_space<hbm>>) dst(%arg5 : memref<16x1024xf32, #tpu.memory_space<vmem>>)
    %scan3A_1209 = arith.constant 0 : i32
    %scan3A_1210 = arith.constant 0 : i32
    %scan3A_1211 = arith.constant 16 : i32
    %scan3A_1212 = arith.addi %scan3A_1210, %scan3A_1211 : i32
    %scan3A_1213 = arith.constant 1 : i32
    scf.for %scan3A_1440 = %scan3A_1210 to %scan3A_1212 step %scan3A_1213  : i32 {
      %parallel_loop3A = arith.constant 0 : i32
      %parallel_loop3A_1441 = arith.constant 64 : i32
      %parallel_loop3A_1442 = arith.constant 1 : i32
      scf.for %parallel_loop3A_1443 = %parallel_loop3A to %parallel_loop3A_1441 step %parallel_loop3A_1442  : i32 {
        %parallel_loop3A_1444 = arith.constant 16 : i32
        %parallel_loop3A_1445 = arith.muli %parallel_loop3A_1443, %parallel_loop3A_1444 : i32
        %parallel_loop3A_1446 = arith.index_cast %scan3A_1440 : i32 to index
        %parallel_loop3A_1447 = arith.index_cast %parallel_loop3A_1445 : i32 to index
        %parallel_loop3A_1448 = tpu.vector_load %arg5[%parallel_loop3A_1446, %parallel_loop3A_1447] {strides = array<i32>} : memref<16x1024xf32, #tpu.memory_space<vmem>>, vector<1x16xf32>,
        %parallel_loop3A_1449 = vector.shape_cast %parallel_loop3A_1448 : vector<1x16xf32> to vector<16xf32>
        %parallel_loop3A_1450 = arith.index_cast %scan3A_1440 : i32 to index
        %parallel_loop3A_1451 = arith.index_cast %parallel_loop3A_1445 : i32 to index
        %parallel_loop3A_1452 = tpu.vector_load %arg7[%parallel_loop3A_1450, %parallel_loop3A_1451] {strides = array<i32>} : memref<16x1024xf32, #tpu.memory_space<vmem>>, vector<1x16xf32>,
        %parallel_loop3A_1453 = vector.shape_cast %parallel_loop3A_1452 : vector<1x16xf32> to vector<16xf32>
        %parallel_loop3A_1454 = arith.addf %parallel_loop3A_1449, %parallel_loop3A_1453 : vector<16xf32>
        %parallel_loop3A_1455 = arith.index_cast %scan3A_1440 : i32 to index
        %parallel_loop3A_1456 = arith.index_cast %parallel_loop3A_1445 : i32 to index
        %parallel_loop3A_1457 = tpu.vector_load %arg5[%parallel_loop3A_1455, %parallel_loop3A_1456] {strides = array<i32>} : memref<16x1024xf32, #tpu.memory_space<vmem>>, vector<1x16xf32>,
        %parallel_loop3A_1458 = vector.shape_cast %parallel_loop3A_1457 : vector<1x16xf32> to vector<16xf32>
        %parallel_loop3A_1459 = vector.shape_cast %parallel_loop3A_1454 : vector<16xf32> to vector<1x16xf32>
        tpu.vector_store %arg5[%parallel_loop3A_1455, %parallel_loop3A_1456], %parallel_loop3A_1459 {strides = array<i32>} : memref<16x1024xf32, #tpu.memory_space<vmem>>, vector<1x16xf32>,
      } {sc.loop_unroll_factor = 8 : i64, sc.parallel_access}
    }
    %scan3A_1214 = arith.constant 16 : i32
    %add3A_1215 = arith.constant 96 : i32
    %add3A_1216 = arith.addi %mul3A_2, %add3A_1215 : i32
    %dma_start3A_1217 = arith.constant 2 : i32
    %dma_start3A_1218 = arith.constant 0 : i32
    %dma_start3A_1219 = tpu.memref_slice %arg4[%dma_start3A_1217, %add3A_1216, %dma_start3A_1218] : memref<4x4096x1024xf32, #tpu.memory_space<hbm>> -> memref<1x16x1024xf32, #tpu.memory_space<hbm>>
    %dma_start3A_1220 = tpu.memref_squeeze %dma_start3A_1219 : memref<1x16x1024xf32, #tpu.memory_space<hbm>> -> memref<16x1024xf32, #tpu.memory_space<hbm>>
    %dma_start3A_1221 = arith.constant 0 : i32
    %dma_start3A_1222 = tpu.memref_slice %arg4[%dma_start3A_1217, %add3A_1216, %dma_start3A_1221] : memref<4x4096x1024xf32, #tpu.memory_space<hbm>> -> memref<1x16x1024xf32, #tpu.memory_space<hbm>>
    %dma_start3A_1223 = tpu.memref_squeeze %dma_start3A_1222 : memref<1x16x1024xf32, #tpu.memory_space<hbm>> -> memref<16x1024xf32, #tpu.memory_space<hbm>>
    tpu.enqueue_dma source(%arg5 : memref<16x1024xf32, #tpu.memory_space<vmem>>) target(%dma_start3A_1223 : memref<16x1024xf32, #tpu.memory_space<hbm>>) target_semaphore(%arg13 : memref<!tpu.dma_semaphore, #tpu.memory_space<semaphore_mem>>)
    %add3A_1224 = arith.constant 96 : i32
    %add3A_1225 = arith.addi %mul3A_2, %add3A_1224 : i32
    %dma_wait3A_1226 = arith.constant 2 : i32
    %dma_wait3A_1227 = arith.constant 0 : i32
    %dma_wait3A_1228 = tpu.memref_slice %arg4[%dma_wait3A_1226, %add3A_1225, %dma_wait3A_1227] : memref<4x4096x1024xf32, #tpu.memory_space<hbm>> -> memref<1x16x1024xf32, #tpu.memory_space<hbm>>
    %dma_wait3A_1229 = tpu.memref_squeeze %dma_wait3A_1228 : memref<1x16x1024xf32, #tpu.memory_space<hbm>> -> memref<16x1024xf32, #tpu.memory_space<hbm>>
    %dma_wait3A_1230 = arith.constant 0 : i32
    %dma_wait3A_1231 = tpu.memref_slice %arg4[%dma_wait3A_1226, %add3A_1225, %dma_wait3A_1230] : memref<4x4096x1024xf32, #tpu.memory_space<hbm>> -> memref<1x16x1024xf32, #tpu.memory_space<hbm>>
    %dma_wait3A_1232 = tpu.memref_squeeze %dma_wait3A_1231 : memref<1x16x1024xf32, #tpu.memory_space<hbm>> -> memref<16x1024xf32, #tpu.memory_space<hbm>>
    tpu.wait_dma2 semaphore(%arg13 : memref<!tpu.dma_semaphore, #tpu.memory_space<semaphore_mem>>) src(%arg5 : memref<16x1024xf32, #tpu.memory_space<vmem>>) dst(%dma_wait3A_1232 : memref<16x1024xf32, #tpu.memory_space<hbm>>)
    %add3A_1233 = arith.constant 112 : i32
    %add3A_1234 = arith.addi %mul3A_2, %add3A_1233 : i32
    %dma_start3A_1235 = arith.constant 0 : i32
    %dma_start3A_1236 = arith.constant 0 : i32
    %dma_start3A_1237 = tpu.memref_slice %arg2[%dma_start3A_1235, %add3A_1234, %dma_start3A_1236] : memref<4x4096x1024xf32, #tpu.memory_space<hbm>> -> memref<1x16x1024xf32, #tpu.memory_space<hbm>>
    %dma_start3A_1238 = tpu.memref_squeeze %dma_start3A_1237 : memref<1x16x1024xf32, #tpu.memory_space<hbm>> -> memref<16x1024xf32, #tpu.memory_space<hbm>>
    %dma_start3A_1239 = arith.constant 0 : i32
    %dma_start3A_1240 = tpu.memref_slice %arg2[%dma_start3A_1235, %add3A_1234, %dma_start3A_1239] : memref<4x4096x1024xf32, #tpu.memory_space<hbm>> -> memref<1x16x1024xf32, #tpu.memory_space<hbm>>
    %dma_start3A_1241 = tpu.memref_squeeze %dma_start3A_1240 : memref<1x16x1024xf32, #tpu.memory_space<hbm>> -> memref<16x1024xf32, #tpu.memory_space<hbm>>
    tpu.enqueue_dma source(%dma_start3A_1241 : memref<16x1024xf32, #tpu.memory_space<hbm>>) target(%arg5 : memref<16x1024xf32, #tpu.memory_space<vmem>>) target_semaphore(%arg9 : memref<!tpu.dma_semaphore, #tpu.memory_space<semaphore_mem>>)
    %add3A_1242 = arith.constant 96 : i32
    %add3A_1243 = arith.addi %mul3A_2, %add3A_1242 : i32
    %dma_wait3A_1244 = arith.constant 3 : i32
    %dma_wait3A_1245 = arith.constant 0 : i32
    %dma_wait3A_1246 = tpu.memref_slice %arg2[%dma_wait3A_1244, %add3A_1243, %dma_wait3A_1245] : memref<4x4096x1024xf32, #tpu.memory_space<hbm>> -> memref<1x16x1024xf32, #tpu.memory_space<hbm>>
    %dma_wait3A_1247 = tpu.memref_squeeze %dma_wait3A_1246 : memref<1x16x1024xf32, #tpu.memory_space<hbm>> -> memref<16x1024xf32, #tpu.memory_space<hbm>>
    %dma_wait3A_1248 = arith.constant 0 : i32
    %dma_wait3A_1249 = tpu.memref_slice %arg2[%dma_wait3A_1244, %add3A_1243, %dma_wait3A_1248] : memref<4x4096x1024xf32, #tpu.memory_space<hbm>> -> memref<1x16x1024xf32, #tpu.memory_space<hbm>>
    %dma_wait3A_1250 = tpu.memref_squeeze %dma_wait3A_1249 : memref<1x16x1024xf32, #tpu.memory_space<hbm>> -> memref<16x1024xf32, #tpu.memory_space<hbm>>
    tpu.wait_dma2 semaphore(%arg10 : memref<!tpu.dma_semaphore, #tpu.memory_space<semaphore_mem>>) src(%dma_wait3A_1250 : memref<16x1024xf32, #tpu.memory_space<hbm>>) dst(%arg6 : memref<16x1024xf32, #tpu.memory_space<vmem>>)
    %scan3A_1251 = arith.constant 0 : i32
    %scan3A_1252 = arith.constant 0 : i32
    %scan3A_1253 = arith.constant 16 : i32
    %scan3A_1254 = arith.addi %scan3A_1252, %scan3A_1253 : i32
    %scan3A_1255 = arith.constant 1 : i32
    scf.for %scan3A_1440 = %scan3A_1252 to %scan3A_1254 step %scan3A_1255  : i32 {
      %parallel_loop3A = arith.constant 0 : i32
      %parallel_loop3A_1441 = arith.constant 64 : i32
      %parallel_loop3A_1442 = arith.constant 1 : i32
      scf.for %parallel_loop3A_1443 = %parallel_loop3A to %parallel_loop3A_1441 step %parallel_loop3A_1442  : i32 {
        %parallel_loop3A_1444 = arith.constant 16 : i32
        %parallel_loop3A_1445 = arith.muli %parallel_loop3A_1443, %parallel_loop3A_1444 : i32
        %parallel_loop3A_1446 = arith.index_cast %scan3A_1440 : i32 to index
        %parallel_loop3A_1447 = arith.index_cast %parallel_loop3A_1445 : i32 to index
        %parallel_loop3A_1448 = tpu.vector_load %arg6[%parallel_loop3A_1446, %parallel_loop3A_1447] {strides = array<i32>} : memref<16x1024xf32, #tpu.memory_space<vmem>>, vector<1x16xf32>,
        %parallel_loop3A_1449 = vector.shape_cast %parallel_loop3A_1448 : vector<1x16xf32> to vector<16xf32>
        %parallel_loop3A_1450 = arith.index_cast %scan3A_1440 : i32 to index
        %parallel_loop3A_1451 = arith.index_cast %parallel_loop3A_1445 : i32 to index
        %parallel_loop3A_1452 = tpu.vector_load %arg7[%parallel_loop3A_1450, %parallel_loop3A_1451] {strides = array<i32>} : memref<16x1024xf32, #tpu.memory_space<vmem>>, vector<1x16xf32>,
        %parallel_loop3A_1453 = vector.shape_cast %parallel_loop3A_1452 : vector<1x16xf32> to vector<16xf32>
        %parallel_loop3A_1454 = arith.addf %parallel_loop3A_1449, %parallel_loop3A_1453 : vector<16xf32>
        %parallel_loop3A_1455 = arith.index_cast %scan3A_1440 : i32 to index
        %parallel_loop3A_1456 = arith.index_cast %parallel_loop3A_1445 : i32 to index
        %parallel_loop3A_1457 = tpu.vector_load %arg6[%parallel_loop3A_1455, %parallel_loop3A_1456] {strides = array<i32>} : memref<16x1024xf32, #tpu.memory_space<vmem>>, vector<1x16xf32>,
        %parallel_loop3A_1458 = vector.shape_cast %parallel_loop3A_1457 : vector<1x16xf32> to vector<16xf32>
        %parallel_loop3A_1459 = vector.shape_cast %parallel_loop3A_1454 : vector<16xf32> to vector<1x16xf32>
        tpu.vector_store %arg6[%parallel_loop3A_1455, %parallel_loop3A_1456], %parallel_loop3A_1459 {strides = array<i32>} : memref<16x1024xf32, #tpu.memory_space<vmem>>, vector<1x16xf32>,
      } {sc.loop_unroll_factor = 8 : i64, sc.parallel_access}
    }
    %scan3A_1256 = arith.constant 16 : i32
    %add3A_1257 = arith.constant 96 : i32
    %add3A_1258 = arith.addi %mul3A_2, %add3A_1257 : i32
    %dma_start3A_1259 = arith.constant 3 : i32
    %dma_start3A_1260 = arith.constant 0 : i32
    %dma_start3A_1261 = tpu.memref_slice %arg4[%dma_start3A_1259, %add3A_1258, %dma_start3A_1260] : memref<4x4096x1024xf32, #tpu.memory_space<hbm>> -> memref<1x16x1024xf32, #tpu.memory_space<hbm>>
    %dma_start3A_1262 = tpu.memref_squeeze %dma_start3A_1261 : memref<1x16x1024xf32, #tpu.memory_space<hbm>> -> memref<16x1024xf32, #tpu.memory_space<hbm>>
    %dma_start3A_1263 = arith.constant 0 : i32
    %dma_start3A_1264 = tpu.memref_slice %arg4[%dma_start3A_1259, %add3A_1258, %dma_start3A_1263] : memref<4x4096x1024xf32, #tpu.memory_space<hbm>> -> memref<1x16x1024xf32, #tpu.memory_space<hbm>>
    %dma_start3A_1265 = tpu.memref_squeeze %dma_start3A_1264 : memref<1x16x1024xf32, #tpu.memory_space<hbm>> -> memref<16x1024xf32, #tpu.memory_space<hbm>>
    tpu.enqueue_dma source(%arg6 : memref<16x1024xf32, #tpu.memory_space<vmem>>) target(%dma_start3A_1265 : memref<16x1024xf32, #tpu.memory_space<hbm>>) target_semaphore(%arg14 : memref<!tpu.dma_semaphore, #tpu.memory_space<semaphore_mem>>)
    %add3A_1266 = arith.constant 96 : i32
    %add3A_1267 = arith.addi %mul3A_2, %add3A_1266 : i32
    %dma_wait3A_1268 = arith.constant 3 : i32
    %dma_wait3A_1269 = arith.constant 0 : i32
    %dma_wait3A_1270 = tpu.memref_slice %arg4[%dma_wait3A_1268, %add3A_1267, %dma_wait3A_1269] : memref<4x4096x1024xf32, #tpu.memory_space<hbm>> -> memref<1x16x1024xf32, #tpu.memory_space<hbm>>
    %dma_wait3A_1271 = tpu.memref_squeeze %dma_wait3A_1270 : memref<1x16x1024xf32, #tpu.memory_space<hbm>> -> memref<16x1024xf32, #tpu.memory_space<hbm>>
    %dma_wait3A_1272 = arith.constant 0 : i32
    %dma_wait3A_1273 = tpu.memref_slice %arg4[%dma_wait3A_1268, %add3A_1267, %dma_wait3A_1272] : memref<4x4096x1024xf32, #tpu.memory_space<hbm>> -> memref<1x16x1024xf32, #tpu.memory_space<hbm>>
    %dma_wait3A_1274 = tpu.memref_squeeze %dma_wait3A_1273 : memref<1x16x1024xf32, #tpu.memory_space<hbm>> -> memref<16x1024xf32, #tpu.memory_space<hbm>>
    tpu.wait_dma2 semaphore(%arg14 : memref<!tpu.dma_semaphore, #tpu.memory_space<semaphore_mem>>) src(%arg6 : memref<16x1024xf32, #tpu.memory_space<vmem>>) dst(%dma_wait3A_1274 : memref<16x1024xf32, #tpu.memory_space<hbm>>)
    %add3A_1275 = arith.constant 112 : i32
    %add3A_1276 = arith.addi %mul3A_2, %add3A_1275 : i32
    %dma_start3A_1277 = arith.constant 1 : i32
    %dma_start3A_1278 = arith.constant 0 : i32
    %dma_start3A_1279 = tpu.memref_slice %arg2[%dma_start3A_1277, %add3A_1276, %dma_start3A_1278] : memref<4x4096x1024xf32, #tpu.memory_space<hbm>> -> memref<1x16x1024xf32, #tpu.memory_space<hbm>>
    %dma_start3A_1280 = tpu.memref_squeeze %dma_start3A_1279 : memref<1x16x1024xf32, #tpu.memory_space<hbm>> -> memref<16x1024xf32, #tpu.memory_space<hbm>>
    %dma_start3A_1281 = arith.constant 0 : i32
    %dma_start3A_1282 = tpu.memref_slice %arg2[%dma_start3A_1277, %add3A_1276, %dma_start3A_1281] : memref<4x4096x1024xf32, #tpu.memory_space<hbm>> -> memref<1x16x1024xf32, #tpu.memory_space<hbm>>
    %dma_start3A_1283 = tpu.memref_squeeze %dma_start3A_1282 : memref<1x16x1024xf32, #tpu.memory_space<hbm>> -> memref<16x1024xf32, #tpu.memory_space<hbm>>
    tpu.enqueue_dma source(%dma_start3A_1283 : memref<16x1024xf32, #tpu.memory_space<hbm>>) target(%arg6 : memref<16x1024xf32, #tpu.memory_space<vmem>>) target_semaphore(%arg10 : memref<!tpu.dma_semaphore, #tpu.memory_space<semaphore_mem>>)
    %add3A_1284 = arith.constant 112 : i32
    %add3A_1285 = arith.addi %mul3A_2, %add3A_1284 : i32
    %dma_wait3A_1286 = arith.constant 0 : i32
    %dma_wait3A_1287 = arith.constant 0 : i32
    %dma_wait3A_1288 = tpu.memref_slice %arg2[%dma_wait3A_1286, %add3A_1285, %dma_wait3A_1287] : memref<4x4096x1024xf32, #tpu.memory_space<hbm>> -> memref<1x16x1024xf32, #tpu.memory_space<hbm>>
    %dma_wait3A_1289 = tpu.memref_squeeze %dma_wait3A_1288 : memref<1x16x1024xf32, #tpu.memory_space<hbm>> -> memref<16x1024xf32, #tpu.memory_space<hbm>>
    %dma_wait3A_1290 = arith.constant 0 : i32
    %dma_wait3A_1291 = tpu.memref_slice %arg2[%dma_wait3A_1286, %add3A_1285, %dma_wait3A_1290] : memref<4x4096x1024xf32, #tpu.memory_space<hbm>> -> memref<1x16x1024xf32, #tpu.memory_space<hbm>>
    %dma_wait3A_1292 = tpu.memref_squeeze %dma_wait3A_1291 : memref<1x16x1024xf32, #tpu.memory_space<hbm>> -> memref<16x1024xf32, #tpu.memory_space<hbm>>
    tpu.wait_dma2 semaphore(%arg9 : memref<!tpu.dma_semaphore, #tpu.memory_space<semaphore_mem>>) src(%dma_wait3A_1292 : memref<16x1024xf32, #tpu.memory_space<hbm>>) dst(%arg5 : memref<16x1024xf32, #tpu.memory_space<vmem>>)
    %add3A_1293 = arith.constant 112 : i32
    %add3A_1294 = arith.addi %mul3A_2, %add3A_1293 : i32
    %dma_wait3A_1295 = arith.constant 0 : i32
    %dma_wait3A_1296 = tpu.memref_slice %arg3[%add3A_1294, %dma_wait3A_1295] : memref<8192x1024xf32, #tpu.memory_space<hbm>> -> memref<16x1024xf32, #tpu.memory_space<hbm>>
    %dma_wait3A_1297 = arith.constant 0 : i32
    %dma_wait3A_1298 = tpu.memref_slice %arg3[%add3A_1294, %dma_wait3A_1297] : memref<8192x1024xf32, #tpu.memory_space<hbm>> -> memref<16x1024xf32, #tpu.memory_space<hbm>>
    tpu.wait_dma2 semaphore(%arg12 : memref<!tpu.dma_semaphore, #tpu.memory_space<semaphore_mem>>) src(%dma_wait3A_1298 : memref<16x1024xf32, #tpu.memory_space<hbm>>) dst(%arg8 : memref<16x1024xf32, #tpu.memory_space<vmem>>)
    %scan3A_1299 = arith.constant 0 : i32
    %scan3A_1300 = arith.constant 0 : i32
    %scan3A_1301 = arith.constant 16 : i32
    %scan3A_1302 = arith.addi %scan3A_1300, %scan3A_1301 : i32
    %scan3A_1303 = arith.constant 1 : i32
    scf.for %scan3A_1440 = %scan3A_1300 to %scan3A_1302 step %scan3A_1303  : i32 {
      %parallel_loop3A = arith.constant 0 : i32
      %parallel_loop3A_1441 = arith.constant 64 : i32
      %parallel_loop3A_1442 = arith.constant 1 : i32
      scf.for %parallel_loop3A_1443 = %parallel_loop3A to %parallel_loop3A_1441 step %parallel_loop3A_1442  : i32 {
        %parallel_loop3A_1444 = arith.constant 16 : i32
        %parallel_loop3A_1445 = arith.muli %parallel_loop3A_1443, %parallel_loop3A_1444 : i32
        %parallel_loop3A_1446 = arith.index_cast %scan3A_1440 : i32 to index
        %parallel_loop3A_1447 = arith.index_cast %parallel_loop3A_1445 : i32 to index
        %parallel_loop3A_1448 = tpu.vector_load %arg5[%parallel_loop3A_1446, %parallel_loop3A_1447] {strides = array<i32>} : memref<16x1024xf32, #tpu.memory_space<vmem>>, vector<1x16xf32>,
        %parallel_loop3A_1449 = vector.shape_cast %parallel_loop3A_1448 : vector<1x16xf32> to vector<16xf32>
        %parallel_loop3A_1450 = arith.index_cast %scan3A_1440 : i32 to index
        %parallel_loop3A_1451 = arith.index_cast %parallel_loop3A_1445 : i32 to index
        %parallel_loop3A_1452 = tpu.vector_load %arg8[%parallel_loop3A_1450, %parallel_loop3A_1451] {strides = array<i32>} : memref<16x1024xf32, #tpu.memory_space<vmem>>, vector<1x16xf32>,
        %parallel_loop3A_1453 = vector.shape_cast %parallel_loop3A_1452 : vector<1x16xf32> to vector<16xf32>
        %parallel_loop3A_1454 = arith.addf %parallel_loop3A_1449, %parallel_loop3A_1453 : vector<16xf32>
        %parallel_loop3A_1455 = arith.index_cast %scan3A_1440 : i32 to index
        %parallel_loop3A_1456 = arith.index_cast %parallel_loop3A_1445 : i32 to index
        %parallel_loop3A_1457 = tpu.vector_load %arg5[%parallel_loop3A_1455, %parallel_loop3A_1456] {strides = array<i32>} : memref<16x1024xf32, #tpu.memory_space<vmem>>, vector<1x16xf32>,
        %parallel_loop3A_1458 = vector.shape_cast %parallel_loop3A_1457 : vector<1x16xf32> to vector<16xf32>
        %parallel_loop3A_1459 = vector.shape_cast %parallel_loop3A_1454 : vector<16xf32> to vector<1x16xf32>
        tpu.vector_store %arg5[%parallel_loop3A_1455, %parallel_loop3A_1456], %parallel_loop3A_1459 {strides = array<i32>} : memref<16x1024xf32, #tpu.memory_space<vmem>>, vector<1x16xf32>,
      } {sc.loop_unroll_factor = 8 : i64, sc.parallel_access}
    }
    %scan3A_1304 = arith.constant 16 : i32
    %add3A_1305 = arith.constant 112 : i32
    %add3A_1306 = arith.addi %mul3A_2, %add3A_1305 : i32
    %dma_start3A_1307 = arith.constant 0 : i32
    %dma_start3A_1308 = arith.constant 0 : i32
    %dma_start3A_1309 = tpu.memref_slice %arg4[%dma_start3A_1307, %add3A_1306, %dma_start3A_1308] : memref<4x4096x1024xf32, #tpu.memory_space<hbm>> -> memref<1x16x1024xf32, #tpu.memory_space<hbm>>
    %dma_start3A_1310 = tpu.memref_squeeze %dma_start3A_1309 : memref<1x16x1024xf32, #tpu.memory_space<hbm>> -> memref<16x1024xf32, #tpu.memory_space<hbm>>
    %dma_start3A_1311 = arith.constant 0 : i32
    %dma_start3A_1312 = tpu.memref_slice %arg4[%dma_start3A_1307, %add3A_1306, %dma_start3A_1311] : memref<4x4096x1024xf32, #tpu.memory_space<hbm>> -> memref<1x16x1024xf32, #tpu.memory_space<hbm>>
    %dma_start3A_1313 = tpu.memref_squeeze %dma_start3A_1312 : memref<1x16x1024xf32, #tpu.memory_space<hbm>> -> memref<16x1024xf32, #tpu.memory_space<hbm>>
    tpu.enqueue_dma source(%arg5 : memref<16x1024xf32, #tpu.memory_space<vmem>>) target(%dma_start3A_1313 : memref<16x1024xf32, #tpu.memory_space<hbm>>) target_semaphore(%arg13 : memref<!tpu.dma_semaphore, #tpu.memory_space<semaphore_mem>>)
    %add3A_1314 = arith.constant 112 : i32
    %add3A_1315 = arith.addi %mul3A_2, %add3A_1314 : i32
    %dma_wait3A_1316 = arith.constant 0 : i32
    %dma_wait3A_1317 = arith.constant 0 : i32
    %dma_wait3A_1318 = tpu.memref_slice %arg4[%dma_wait3A_1316, %add3A_1315, %dma_wait3A_1317] : memref<4x4096x1024xf32, #tpu.memory_space<hbm>> -> memref<1x16x1024xf32, #tpu.memory_space<hbm>>
    %dma_wait3A_1319 = tpu.memref_squeeze %dma_wait3A_1318 : memref<1x16x1024xf32, #tpu.memory_space<hbm>> -> memref<16x1024xf32, #tpu.memory_space<hbm>>
    %dma_wait3A_1320 = arith.constant 0 : i32
    %dma_wait3A_1321 = tpu.memref_slice %arg4[%dma_wait3A_1316, %add3A_1315, %dma_wait3A_1320] : memref<4x4096x1024xf32, #tpu.memory_space<hbm>> -> memref<1x16x1024xf32, #tpu.memory_space<hbm>>
    %dma_wait3A_1322 = tpu.memref_squeeze %dma_wait3A_1321 : memref<1x16x1024xf32, #tpu.memory_space<hbm>> -> memref<16x1024xf32, #tpu.memory_space<hbm>>
    tpu.wait_dma2 semaphore(%arg13 : memref<!tpu.dma_semaphore, #tpu.memory_space<semaphore_mem>>) src(%arg5 : memref<16x1024xf32, #tpu.memory_space<vmem>>) dst(%dma_wait3A_1322 : memref<16x1024xf32, #tpu.memory_space<hbm>>)
    %add3A_1323 = arith.constant 112 : i32
    %add3A_1324 = arith.addi %mul3A_2, %add3A_1323 : i32
    %dma_start3A_1325 = arith.constant 2 : i32
    %dma_start3A_1326 = arith.constant 0 : i32
    %dma_start3A_1327 = tpu.memref_slice %arg2[%dma_start3A_1325, %add3A_1324, %dma_start3A_1326] : memref<4x4096x1024xf32, #tpu.memory_space<hbm>> -> memref<1x16x1024xf32, #tpu.memory_space<hbm>>
    %dma_start3A_1328 = tpu.memref_squeeze %dma_start3A_1327 : memref<1x16x1024xf32, #tpu.memory_space<hbm>> -> memref<16x1024xf32, #tpu.memory_space<hbm>>
    %dma_start3A_1329 = arith.constant 0 : i32
    %dma_start3A_1330 = tpu.memref_slice %arg2[%dma_start3A_1325, %add3A_1324, %dma_start3A_1329] : memref<4x4096x1024xf32, #tpu.memory_space<hbm>> -> memref<1x16x1024xf32, #tpu.memory_space<hbm>>
    %dma_start3A_1331 = tpu.memref_squeeze %dma_start3A_1330 : memref<1x16x1024xf32, #tpu.memory_space<hbm>> -> memref<16x1024xf32, #tpu.memory_space<hbm>>
    tpu.enqueue_dma source(%dma_start3A_1331 : memref<16x1024xf32, #tpu.memory_space<hbm>>) target(%arg5 : memref<16x1024xf32, #tpu.memory_space<vmem>>) target_semaphore(%arg9 : memref<!tpu.dma_semaphore, #tpu.memory_space<semaphore_mem>>)
    %add3A_1332 = arith.constant 112 : i32
    %add3A_1333 = arith.addi %mul3A_2, %add3A_1332 : i32
    %dma_wait3A_1334 = arith.constant 1 : i32
    %dma_wait3A_1335 = arith.constant 0 : i32
    %dma_wait3A_1336 = tpu.memref_slice %arg2[%dma_wait3A_1334, %add3A_1333, %dma_wait3A_1335] : memref<4x4096x1024xf32, #tpu.memory_space<hbm>> -> memref<1x16x1024xf32, #tpu.memory_space<hbm>>
    %dma_wait3A_1337 = tpu.memref_squeeze %dma_wait3A_1336 : memref<1x16x1024xf32, #tpu.memory_space<hbm>> -> memref<16x1024xf32, #tpu.memory_space<hbm>>
    %dma_wait3A_1338 = arith.constant 0 : i32
    %dma_wait3A_1339 = tpu.memref_slice %arg2[%dma_wait3A_1334, %add3A_1333, %dma_wait3A_1338] : memref<4x4096x1024xf32, #tpu.memory_space<hbm>> -> memref<1x16x1024xf32, #tpu.memory_space<hbm>>
    %dma_wait3A_1340 = tpu.memref_squeeze %dma_wait3A_1339 : memref<1x16x1024xf32, #tpu.memory_space<hbm>> -> memref<16x1024xf32, #tpu.memory_space<hbm>>
    tpu.wait_dma2 semaphore(%arg10 : memref<!tpu.dma_semaphore, #tpu.memory_space<semaphore_mem>>) src(%dma_wait3A_1340 : memref<16x1024xf32, #tpu.memory_space<hbm>>) dst(%arg6 : memref<16x1024xf32, #tpu.memory_space<vmem>>)
    %scan3A_1341 = arith.constant 0 : i32
    %scan3A_1342 = arith.constant 0 : i32
    %scan3A_1343 = arith.constant 16 : i32
    %scan3A_1344 = arith.addi %scan3A_1342, %scan3A_1343 : i32
    %scan3A_1345 = arith.constant 1 : i32
    scf.for %scan3A_1440 = %scan3A_1342 to %scan3A_1344 step %scan3A_1345  : i32 {
      %parallel_loop3A = arith.constant 0 : i32
      %parallel_loop3A_1441 = arith.constant 64 : i32
      %parallel_loop3A_1442 = arith.constant 1 : i32
      scf.for %parallel_loop3A_1443 = %parallel_loop3A to %parallel_loop3A_1441 step %parallel_loop3A_1442  : i32 {
        %parallel_loop3A_1444 = arith.constant 16 : i32
        %parallel_loop3A_1445 = arith.muli %parallel_loop3A_1443, %parallel_loop3A_1444 : i32
        %parallel_loop3A_1446 = arith.index_cast %scan3A_1440 : i32 to index
        %parallel_loop3A_1447 = arith.index_cast %parallel_loop3A_1445 : i32 to index
        %parallel_loop3A_1448 = tpu.vector_load %arg6[%parallel_loop3A_1446, %parallel_loop3A_1447] {strides = array<i32>} : memref<16x1024xf32, #tpu.memory_space<vmem>>, vector<1x16xf32>,
        %parallel_loop3A_1449 = vector.shape_cast %parallel_loop3A_1448 : vector<1x16xf32> to vector<16xf32>
        %parallel_loop3A_1450 = arith.index_cast %scan3A_1440 : i32 to index
        %parallel_loop3A_1451 = arith.index_cast %parallel_loop3A_1445 : i32 to index
        %parallel_loop3A_1452 = tpu.vector_load %arg8[%parallel_loop3A_1450, %parallel_loop3A_1451] {strides = array<i32>} : memref<16x1024xf32, #tpu.memory_space<vmem>>, vector<1x16xf32>,
        %parallel_loop3A_1453 = vector.shape_cast %parallel_loop3A_1452 : vector<1x16xf32> to vector<16xf32>
        %parallel_loop3A_1454 = arith.addf %parallel_loop3A_1449, %parallel_loop3A_1453 : vector<16xf32>
        %parallel_loop3A_1455 = arith.index_cast %scan3A_1440 : i32 to index
        %parallel_loop3A_1456 = arith.index_cast %parallel_loop3A_1445 : i32 to index
        %parallel_loop3A_1457 = tpu.vector_load %arg6[%parallel_loop3A_1455, %parallel_loop3A_1456] {strides = array<i32>} : memref<16x1024xf32, #tpu.memory_space<vmem>>, vector<1x16xf32>,
        %parallel_loop3A_1458 = vector.shape_cast %parallel_loop3A_1457 : vector<1x16xf32> to vector<16xf32>
        %parallel_loop3A_1459 = vector.shape_cast %parallel_loop3A_1454 : vector<16xf32> to vector<1x16xf32>
        tpu.vector_store %arg6[%parallel_loop3A_1455, %parallel_loop3A_1456], %parallel_loop3A_1459 {strides = array<i32>} : memref<16x1024xf32, #tpu.memory_space<vmem>>, vector<1x16xf32>,
      } {sc.loop_unroll_factor = 8 : i64, sc.parallel_access}
    }
    %scan3A_1346 = arith.constant 16 : i32
    %add3A_1347 = arith.constant 112 : i32
    %add3A_1348 = arith.addi %mul3A_2, %add3A_1347 : i32
    %dma_start3A_1349 = arith.constant 1 : i32
    %dma_start3A_1350 = arith.constant 0 : i32
    %dma_start3A_1351 = tpu.memref_slice %arg4[%dma_start3A_1349, %add3A_1348, %dma_start3A_1350] : memref<4x4096x1024xf32, #tpu.memory_space<hbm>> -> memref<1x16x1024xf32, #tpu.memory_space<hbm>>
    %dma_start3A_1352 = tpu.memref_squeeze %dma_start3A_1351 : memref<1x16x1024xf32, #tpu.memory_space<hbm>> -> memref<16x1024xf32, #tpu.memory_space<hbm>>
    %dma_start3A_1353 = arith.constant 0 : i32
    %dma_start3A_1354 = tpu.memref_slice %arg4[%dma_start3A_1349, %add3A_1348, %dma_start3A_1353] : memref<4x4096x1024xf32, #tpu.memory_space<hbm>> -> memref<1x16x1024xf32, #tpu.memory_space<hbm>>
    %dma_start3A_1355 = tpu.memref_squeeze %dma_start3A_1354 : memref<1x16x1024xf32, #tpu.memory_space<hbm>> -> memref<16x1024xf32, #tpu.memory_space<hbm>>
    tpu.enqueue_dma source(%arg6 : memref<16x1024xf32, #tpu.memory_space<vmem>>) target(%dma_start3A_1355 : memref<16x1024xf32, #tpu.memory_space<hbm>>) target_semaphore(%arg14 : memref<!tpu.dma_semaphore, #tpu.memory_space<semaphore_mem>>)
    %add3A_1356 = arith.constant 112 : i32
    %add3A_1357 = arith.addi %mul3A_2, %add3A_1356 : i32
    %dma_wait3A_1358 = arith.constant 1 : i32
    %dma_wait3A_1359 = arith.constant 0 : i32
    %dma_wait3A_1360 = tpu.memref_slice %arg4[%dma_wait3A_1358, %add3A_1357, %dma_wait3A_1359] : memref<4x4096x1024xf32, #tpu.memory_space<hbm>> -> memref<1x16x1024xf32, #tpu.memory_space<hbm>>
    %dma_wait3A_1361 = tpu.memref_squeeze %dma_wait3A_1360 : memref<1x16x1024xf32, #tpu.memory_space<hbm>> -> memref<16x1024xf32, #tpu.memory_space<hbm>>
    %dma_wait3A_1362 = arith.constant 0 : i32
    %dma_wait3A_1363 = tpu.memref_slice %arg4[%dma_wait3A_1358, %add3A_1357, %dma_wait3A_1362] : memref<4x4096x1024xf32, #tpu.memory_space<hbm>> -> memref<1x16x1024xf32, #tpu.memory_space<hbm>>
    %dma_wait3A_1364 = tpu.memref_squeeze %dma_wait3A_1363 : memref<1x16x1024xf32, #tpu.memory_space<hbm>> -> memref<16x1024xf32, #tpu.memory_space<hbm>>
    tpu.wait_dma2 semaphore(%arg14 : memref<!tpu.dma_semaphore, #tpu.memory_space<semaphore_mem>>) src(%arg6 : memref<16x1024xf32, #tpu.memory_space<vmem>>) dst(%dma_wait3A_1364 : memref<16x1024xf32, #tpu.memory_space<hbm>>)
    %add3A_1365 = arith.constant 112 : i32
    %add3A_1366 = arith.addi %mul3A_2, %add3A_1365 : i32
    %dma_start3A_1367 = arith.constant 3 : i32
    %dma_start3A_1368 = arith.constant 0 : i32
    %dma_start3A_1369 = tpu.memref_slice %arg2[%dma_start3A_1367, %add3A_1366, %dma_start3A_1368] : memref<4x4096x1024xf32, #tpu.memory_space<hbm>> -> memref<1x16x1024xf32, #tpu.memory_space<hbm>>
    %dma_start3A_1370 = tpu.memref_squeeze %dma_start3A_1369 : memref<1x16x1024xf32, #tpu.memory_space<hbm>> -> memref<16x1024xf32, #tpu.memory_space<hbm>>
    %dma_start3A_1371 = arith.constant 0 : i32
    %dma_start3A_1372 = tpu.memref_slice %arg2[%dma_start3A_1367, %add3A_1366, %dma_start3A_1371] : memref<4x4096x1024xf32, #tpu.memory_space<hbm>> -> memref<1x16x1024xf32, #tpu.memory_space<hbm>>
    %dma_start3A_1373 = tpu.memref_squeeze %dma_start3A_1372 : memref<1x16x1024xf32, #tpu.memory_space<hbm>> -> memref<16x1024xf32, #tpu.memory_space<hbm>>
    tpu.enqueue_dma source(%dma_start3A_1373 : memref<16x1024xf32, #tpu.memory_space<hbm>>) target(%arg6 : memref<16x1024xf32, #tpu.memory_space<vmem>>) target_semaphore(%arg10 : memref<!tpu.dma_semaphore, #tpu.memory_space<semaphore_mem>>)
    %add3A_1374 = arith.constant 112 : i32
    %add3A_1375 = arith.addi %mul3A_2, %add3A_1374 : i32
    %dma_wait3A_1376 = arith.constant 2 : i32
    %dma_wait3A_1377 = arith.constant 0 : i32
    %dma_wait3A_1378 = tpu.memref_slice %arg2[%dma_wait3A_1376, %add3A_1375, %dma_wait3A_1377] : memref<4x4096x1024xf32, #tpu.memory_space<hbm>> -> memref<1x16x1024xf32, #tpu.memory_space<hbm>>
    %dma_wait3A_1379 = tpu.memref_squeeze %dma_wait3A_1378 : memref<1x16x1024xf32, #tpu.memory_space<hbm>> -> memref<16x1024xf32, #tpu.memory_space<hbm>>
    %dma_wait3A_1380 = arith.constant 0 : i32
    %dma_wait3A_1381 = tpu.memref_slice %arg2[%dma_wait3A_1376, %add3A_1375, %dma_wait3A_1380] : memref<4x4096x1024xf32, #tpu.memory_space<hbm>> -> memref<1x16x1024xf32, #tpu.memory_space<hbm>>
    %dma_wait3A_1382 = tpu.memref_squeeze %dma_wait3A_1381 : memref<1x16x1024xf32, #tpu.memory_space<hbm>> -> memref<16x1024xf32, #tpu.memory_space<hbm>>
    tpu.wait_dma2 semaphore(%arg9 : memref<!tpu.dma_semaphore, #tpu.memory_space<semaphore_mem>>) src(%dma_wait3A_1382 : memref<16x1024xf32, #tpu.memory_space<hbm>>) dst(%arg5 : memref<16x1024xf32, #tpu.memory_space<vmem>>)
    %scan3A_1383 = arith.constant 0 : i32
    %scan3A_1384 = arith.constant 0 : i32
    %scan3A_1385 = arith.constant 16 : i32
    %scan3A_1386 = arith.addi %scan3A_1384, %scan3A_1385 : i32
    %scan3A_1387 = arith.constant 1 : i32
    scf.for %scan3A_1440 = %scan3A_1384 to %scan3A_1386 step %scan3A_1387  : i32 {
      %parallel_loop3A = arith.constant 0 : i32
      %parallel_loop3A_1441 = arith.constant 64 : i32
      %parallel_loop3A_1442 = arith.constant 1 : i32
      scf.for %parallel_loop3A_1443 = %parallel_loop3A to %parallel_loop3A_1441 step %parallel_loop3A_1442  : i32 {
        %parallel_loop3A_1444 = arith.constant 16 : i32
        %parallel_loop3A_1445 = arith.muli %parallel_loop3A_1443, %parallel_loop3A_1444 : i32
        %parallel_loop3A_1446 = arith.index_cast %scan3A_1440 : i32 to index
        %parallel_loop3A_1447 = arith.index_cast %parallel_loop3A_1445 : i32 to index
        %parallel_loop3A_1448 = tpu.vector_load %arg5[%parallel_loop3A_1446, %parallel_loop3A_1447] {strides = array<i32>} : memref<16x1024xf32, #tpu.memory_space<vmem>>, vector<1x16xf32>,
        %parallel_loop3A_1449 = vector.shape_cast %parallel_loop3A_1448 : vector<1x16xf32> to vector<16xf32>
        %parallel_loop3A_1450 = arith.index_cast %scan3A_1440 : i32 to index
        %parallel_loop3A_1451 = arith.index_cast %parallel_loop3A_1445 : i32 to index
        %parallel_loop3A_1452 = tpu.vector_load %arg8[%parallel_loop3A_1450, %parallel_loop3A_1451] {strides = array<i32>} : memref<16x1024xf32, #tpu.memory_space<vmem>>, vector<1x16xf32>,
        %parallel_loop3A_1453 = vector.shape_cast %parallel_loop3A_1452 : vector<1x16xf32> to vector<16xf32>
        %parallel_loop3A_1454 = arith.addf %parallel_loop3A_1449, %parallel_loop3A_1453 : vector<16xf32>
        %parallel_loop3A_1455 = arith.index_cast %scan3A_1440 : i32 to index
        %parallel_loop3A_1456 = arith.index_cast %parallel_loop3A_1445 : i32 to index
        %parallel_loop3A_1457 = tpu.vector_load %arg5[%parallel_loop3A_1455, %parallel_loop3A_1456] {strides = array<i32>} : memref<16x1024xf32, #tpu.memory_space<vmem>>, vector<1x16xf32>,
        %parallel_loop3A_1458 = vector.shape_cast %parallel_loop3A_1457 : vector<1x16xf32> to vector<16xf32>
        %parallel_loop3A_1459 = vector.shape_cast %parallel_loop3A_1454 : vector<16xf32> to vector<1x16xf32>
        tpu.vector_store %arg5[%parallel_loop3A_1455, %parallel_loop3A_1456], %parallel_loop3A_1459 {strides = array<i32>} : memref<16x1024xf32, #tpu.memory_space<vmem>>, vector<1x16xf32>,
      } {sc.loop_unroll_factor = 8 : i64, sc.parallel_access}
    }
    %scan3A_1388 = arith.constant 16 : i32
    %add3A_1389 = arith.constant 112 : i32
    %add3A_1390 = arith.addi %mul3A_2, %add3A_1389 : i32
    %dma_start3A_1391 = arith.constant 2 : i32
    %dma_start3A_1392 = arith.constant 0 : i32
    %dma_start3A_1393 = tpu.memref_slice %arg4[%dma_start3A_1391, %add3A_1390, %dma_start3A_1392] : memref<4x4096x1024xf32, #tpu.memory_space<hbm>> -> memref<1x16x1024xf32, #tpu.memory_space<hbm>>
    %dma_start3A_1394 = tpu.memref_squeeze %dma_start3A_1393 : memref<1x16x1024xf32, #tpu.memory_space<hbm>> -> memref<16x1024xf32, #tpu.memory_space<hbm>>
    %dma_start3A_1395 = arith.constant 0 : i32
    %dma_start3A_1396 = tpu.memref_slice %arg4[%dma_start3A_1391, %add3A_1390, %dma_start3A_1395] : memref<4x4096x1024xf32, #tpu.memory_space<hbm>> -> memref<1x16x1024xf32, #tpu.memory_space<hbm>>
    %dma_start3A_1397 = tpu.memref_squeeze %dma_start3A_1396 : memref<1x16x1024xf32, #tpu.memory_space<hbm>> -> memref<16x1024xf32, #tpu.memory_space<hbm>>
    tpu.enqueue_dma source(%arg5 : memref<16x1024xf32, #tpu.memory_space<vmem>>) target(%dma_start3A_1397 : memref<16x1024xf32, #tpu.memory_space<hbm>>) target_semaphore(%arg13 : memref<!tpu.dma_semaphore, #tpu.memory_space<semaphore_mem>>)
    %add3A_1398 = arith.constant 112 : i32
    %add3A_1399 = arith.addi %mul3A_2, %add3A_1398 : i32
    %dma_wait3A_1400 = arith.constant 3 : i32
    %dma_wait3A_1401 = arith.constant 0 : i32
    %dma_wait3A_1402 = tpu.memref_slice %arg2[%dma_wait3A_1400, %add3A_1399, %dma_wait3A_1401] : memref<4x4096x1024xf32, #tpu.memory_space<hbm>> -> memref<1x16x1024xf32, #tpu.memory_space<hbm>>
    %dma_wait3A_1403 = tpu.memref_squeeze %dma_wait3A_1402 : memref<1x16x1024xf32, #tpu.memory_space<hbm>> -> memref<16x1024xf32, #tpu.memory_space<hbm>>
    %dma_wait3A_1404 = arith.constant 0 : i32
    %dma_wait3A_1405 = tpu.memref_slice %arg2[%dma_wait3A_1400, %add3A_1399, %dma_wait3A_1404] : memref<4x4096x1024xf32, #tpu.memory_space<hbm>> -> memref<1x16x1024xf32, #tpu.memory_space<hbm>>
    %dma_wait3A_1406 = tpu.memref_squeeze %dma_wait3A_1405 : memref<1x16x1024xf32, #tpu.memory_space<hbm>> -> memref<16x1024xf32, #tpu.memory_space<hbm>>
    tpu.wait_dma2 semaphore(%arg10 : memref<!tpu.dma_semaphore, #tpu.memory_space<semaphore_mem>>) src(%dma_wait3A_1406 : memref<16x1024xf32, #tpu.memory_space<hbm>>) dst(%arg6 : memref<16x1024xf32, #tpu.memory_space<vmem>>)
    %scan3A_1407 = arith.constant 0 : i32
    %scan3A_1408 = arith.constant 0 : i32
    %scan3A_1409 = arith.constant 16 : i32
    %scan3A_1410 = arith.addi %scan3A_1408, %scan3A_1409 : i32
    %scan3A_1411 = arith.constant 1 : i32
    scf.for %scan3A_1440 = %scan3A_1408 to %scan3A_1410 step %scan3A_1411  : i32 {
      %parallel_loop3A = arith.constant 0 : i32
      %parallel_loop3A_1441 = arith.constant 64 : i32
      %parallel_loop3A_1442 = arith.constant 1 : i32
      scf.for %parallel_loop3A_1443 = %parallel_loop3A to %parallel_loop3A_1441 step %parallel_loop3A_1442  : i32 {
        %parallel_loop3A_1444 = arith.constant 16 : i32
        %parallel_loop3A_1445 = arith.muli %parallel_loop3A_1443, %parallel_loop3A_1444 : i32
        %parallel_loop3A_1446 = arith.index_cast %scan3A_1440 : i32 to index
        %parallel_loop3A_1447 = arith.index_cast %parallel_loop3A_1445 : i32 to index
        %parallel_loop3A_1448 = tpu.vector_load %arg6[%parallel_loop3A_1446, %parallel_loop3A_1447] {strides = array<i32>} : memref<16x1024xf32, #tpu.memory_space<vmem>>, vector<1x16xf32>,
        %parallel_loop3A_1449 = vector.shape_cast %parallel_loop3A_1448 : vector<1x16xf32> to vector<16xf32>
        %parallel_loop3A_1450 = arith.index_cast %scan3A_1440 : i32 to index
        %parallel_loop3A_1451 = arith.index_cast %parallel_loop3A_1445 : i32 to index
        %parallel_loop3A_1452 = tpu.vector_load %arg8[%parallel_loop3A_1450, %parallel_loop3A_1451] {strides = array<i32>} : memref<16x1024xf32, #tpu.memory_space<vmem>>, vector<1x16xf32>,
        %parallel_loop3A_1453 = vector.shape_cast %parallel_loop3A_1452 : vector<1x16xf32> to vector<16xf32>
        %parallel_loop3A_1454 = arith.addf %parallel_loop3A_1449, %parallel_loop3A_1453 : vector<16xf32>
        %parallel_loop3A_1455 = arith.index_cast %scan3A_1440 : i32 to index
        %parallel_loop3A_1456 = arith.index_cast %parallel_loop3A_1445 : i32 to index
        %parallel_loop3A_1457 = tpu.vector_load %arg6[%parallel_loop3A_1455, %parallel_loop3A_1456] {strides = array<i32>} : memref<16x1024xf32, #tpu.memory_space<vmem>>, vector<1x16xf32>,
        %parallel_loop3A_1458 = vector.shape_cast %parallel_loop3A_1457 : vector<1x16xf32> to vector<16xf32>
        %parallel_loop3A_1459 = vector.shape_cast %parallel_loop3A_1454 : vector<16xf32> to vector<1x16xf32>
        tpu.vector_store %arg6[%parallel_loop3A_1455, %parallel_loop3A_1456], %parallel_loop3A_1459 {strides = array<i32>} : memref<16x1024xf32, #tpu.memory_space<vmem>>, vector<1x16xf32>,
      } {sc.loop_unroll_factor = 8 : i64, sc.parallel_access}
    }
    %scan3A_1412 = arith.constant 16 : i32
    %add3A_1413 = arith.constant 112 : i32
    %add3A_1414 = arith.addi %mul3A_2, %add3A_1413 : i32
    %dma_start3A_1415 = arith.constant 3 : i32
    %dma_start3A_1416 = arith.constant 0 : i32
    %dma_start3A_1417 = tpu.memref_slice %arg4[%dma_start3A_1415, %add3A_1414, %dma_start3A_1416] : memref<4x4096x1024xf32, #tpu.memory_space<hbm>> -> memref<1x16x1024xf32, #tpu.memory_space<hbm>>
    %dma_start3A_1418 = tpu.memref_squeeze %dma_start3A_1417 : memref<1x16x1024xf32, #tpu.memory_space<hbm>> -> memref<16x1024xf32, #tpu.memory_space<hbm>>
    %dma_start3A_1419 = arith.constant 0 : i32
    %dma_start3A_1420 = tpu.memref_slice %arg4[%dma_start3A_1415, %add3A_1414, %dma_start3A_1419] : memref<4x4096x1024xf32, #tpu.memory_space<hbm>> -> memref<1x16x1024xf32, #tpu.memory_space<hbm>>
    %dma_start3A_1421 = tpu.memref_squeeze %dma_start3A_1420 : memref<1x16x1024xf32, #tpu.memory_space<hbm>> -> memref<16x1024xf32, #tpu.memory_space<hbm>>
    tpu.enqueue_dma source(%arg6 : memref<16x1024xf32, #tpu.memory_space<vmem>>) target(%dma_start3A_1421 : memref<16x1024xf32, #tpu.memory_space<hbm>>) target_semaphore(%arg14 : memref<!tpu.dma_semaphore, #tpu.memory_space<semaphore_mem>>)
    %add3A_1422 = arith.constant 112 : i32
    %add3A_1423 = arith.addi %mul3A_2, %add3A_1422 : i32
    %dma_wait3A_1424 = arith.constant 2 : i32
    %dma_wait3A_1425 = arith.constant 0 : i32
    %dma_wait3A_1426 = tpu.memref_slice %arg4[%dma_wait3A_1424, %add3A_1423, %dma_wait3A_1425] : memref<4x4096x1024xf32, #tpu.memory_space<hbm>> -> memref<1x16x1024xf32, #tpu.memory_space<hbm>>
    %dma_wait3A_1427 = tpu.memref_squeeze %dma_wait3A_1426 : memref<1x16x1024xf32, #tpu.memory_space<hbm>> -> memref<16x1024xf32, #tpu.memory_space<hbm>>
    %dma_wait3A_1428 = arith.constant 0 : i32
    %dma_wait3A_1429 = tpu.memref_slice %arg4[%dma_wait3A_1424, %add3A_1423, %dma_wait3A_1428] : memref<4x4096x1024xf32, #tpu.memory_space<hbm>> -> memref<1x16x1024xf32, #tpu.memory_space<hbm>>
    %dma_wait3A_1430 = tpu.memref_squeeze %dma_wait3A_1429 : memref<1x16x1024xf32, #tpu.memory_space<hbm>> -> memref<16x1024xf32, #tpu.memory_space<hbm>>
    tpu.wait_dma2 semaphore(%arg13 : memref<!tpu.dma_semaphore, #tpu.memory_space<semaphore_mem>>) src(%arg5 : memref<16x1024xf32, #tpu.memory_space<vmem>>) dst(%dma_wait3A_1430 : memref<16x1024xf32, #tpu.memory_space<hbm>>)
    %add3A_1431 = arith.constant 112 : i32
    %add3A_1432 = arith.addi %mul3A_2, %add3A_1431 : i32
    %dma_wait3A_1433 = arith.constant 3 : i32
    %dma_wait3A_1434 = arith.constant 0 : i32
    %dma_wait3A_1435 = tpu.memref_slice %arg4[%dma_wait3A_1433, %add3A_1432, %dma_wait3A_1434] : memref<4x4096x1024xf32, #tpu.memory_space<hbm>> -> memref<1x16x1024xf32, #tpu.memory_space<hbm>>
    %dma_wait3A_1436 = tpu.memref_squeeze %dma_wait3A_1435 : memref<1x16x1024xf32, #tpu.memory_space<hbm>> -> memref<16x1024xf32, #tpu.memory_space<hbm>>
    %dma_wait3A_1437 = arith.constant 0 : i32
    %dma_wait3A_1438 = tpu.memref_slice %arg4[%dma_wait3A_1433, %add3A_1432, %dma_wait3A_1437] : memref<4x4096x1024xf32, #tpu.memory_space<hbm>> -> memref<1x16x1024xf32, #tpu.memory_space<hbm>>
    %dma_wait3A_1439 = tpu.memref_squeeze %dma_wait3A_1438 : memref<1x16x1024xf32, #tpu.memory_space<hbm>> -> memref<16x1024xf32, #tpu.memory_space<hbm>>
    tpu.wait_dma2 semaphore(%arg14 : memref<!tpu.dma_semaphore, #tpu.memory_space<semaphore_mem>>) src(%arg6 : memref<16x1024xf32, #tpu.memory_space<vmem>>) dst(%dma_wait3A_1439 : memref<16x1024xf32, #tpu.memory_space<hbm>>)
    return
  }
}

</mosaic_0001>

<sc_bundles>
// kernel: kernel.3.cloned.1.call-start
scs
__scs_entry_jumppad:
0x0: {  	(pc) =	sbr.rel $0x88, $3  }
0x1: {  	(tag) =	ssettag $0x0;
	lr =	simm.s32 $0x1  }
0x2: {  	[smem:$0x3F9F] =	sst lr;
	_ =	strace $0xD0000000  }
0x3: {  	_ = 	snop  }
0x4: {  	_ = 	snop  }
0x5: {  	_ = 	snop  }
0x6: {  	_ = 	snop  }
0x7: {  	_ = 	snop  }
__scs_overlays_trampoline_lowered:
0x8: {  	[smem:$0x3FAE] =	sst s0  }
0x9: {  	[smem:$0x3FAF] =	sst s1  }
0xa: {  	[smem:$0x3FB0] =	sst s2  }
0xb: {  	[smem:$0x3FB1] =	sst s3  }
0xc: {  	[smem:$0x3FB2] =	sst s4  }
0xd: {  	[smem:$0x3FB3] =	sst s5  }
0xe: {  	[smem:$0x3FB4] =	sst s6  }
0xf: {  	[smem:$0x3FB5] =	sst s7  }
0x10: {  	[smem:$0x3FB6] =	sst s8  }
0x11: {  	[smem:$0x3FB7] =	sst s9;
	s0 =	simm.s32 @!p0 $0x0  }
0x12: {  	s1 =	sld [smem:$0x3F9D];
	s0 =	simm.s32 @p0 $0x1  }
0x13: {  	[smem:$0x3FB8] =	sst s0;
	s0 =	simm.s32 @!p1 $0x0  }
0x14: {  	s2 =	sld [smem:$0x3F9C];
	s0 =	simm.s32 @p1 $0x1  }
0x15: {  	[smem:$0x3FB9] =	sst s0;
	s0 =	simm.s32 @!p2 $0x0  }
0x16: {  	s3 =	sld [smem:$0x3FDB];
	s0 =	simm.s32 @p2 $0x1  }
0x17: {  	s4 =	simm.s32 $0x1BF5;
	[smem:$0x3FBB] =	sst s0  }
0x18: {  	s0 =	sld [smem:$0x3F9E];
	_ =	swait.ge [sflag:s4], $0x0  }
0x19: {  	s7 =	sld [smem:$0x3F9F]  }
0x1a: {  	s8 =	sadd.s32 $0xFFFFE003, lr  }
0x1b: {  	s9 =	sadd.s32 $0xFFFFFEF7, lr;
	s5 =	simm.s32 $0xFFFFFFFF;
	p2 =	slt.u32 s8, $0xFFFFF086  }
0x1c: {  	p1 =	slt.u32 s9, $0xF7A;
	s5 =	simm.s32 @!p2 $0x0  }
0x1d: {  	s5 =	simm.s32 @p1 $0x1;
	p0 =	seq.s32 s7, s2  }
0x1e: {  	s7 =	smul.u32 @!p0 $0xF7A, s2;
	p2 =	seq.s32 @!p0 s5, $0x0  }
0x1f: {  	s9 =	smul.u32 $0xF7A, s1;
	s8 =	simm.s32 @!p0 $0x1BF5;
	p2 =	por !p2, p0  }
0x20: {  	[sflag:s8] =	ssyncset.s32 @!p0 $0xFFFFF086;
	s6 =	sadd.s32 @!p0 s3, s7;
	s7 =	simm.s32 @!p0 $0x108  }
0x21: {  	s3 =	sadd.s32 s3, s9;
	s6 =	sadd.s32 @!p0 $0x88, s6;
	s7 =	simm.s32 @p2 $0x1082  }
0x22: {  	[simem:s7], [sflag:s8] =	dma.local @!p0 [hbm:s6], $0xF7A  }
0x23: {  	s9 =	sor.u32 $0xD0000000, s2;
	s6 =	simm.s32 $0x108;
	_ =	swait.ge @!p0 [sflag:s8], $0x0  }
0x24: {  	s3 =	sadd.s32 $0x88, s3;
	s6 =	simm.s32 @!p1 $0x1082;
	[sflag:s4] =	ssyncset.s32 $0xFFFFF086  }
0x25: {  	[simem:s6], [sflag:s4] =	dma.local [hbm:s3], $0xF7A  }
0x26: {  	[smem:$0x3F9F] =	sst s1;
	(tag) =	ssettag s2;
	_ =	strace s9  }
0x27: {  	s1 =	sld [smem:$0x3FAF]  }
0x28: {  	s2 =	sld [smem:$0x3FB0]  }
0x29: {  	s4 =	sld [smem:$0x3FB2]  }
0x2a: {  	p0 =	seq.s32 s5, $0x0;
	s5 =	sld [smem:$0x3FB3]  }
0x2b: {  	s6 =	sld [smem:$0x3FB4]  }
0x2c: {  	s7 =	sld [smem:$0x3FB5]  }
0x2d: {  	s3 =	simm.s32 $0x108;
	s8 =	sld [smem:$0x3FB6]  }
0x2e: {  	s3 =	simm.s32 @!p0 $0x1082;
	s9 =	sld [smem:$0x3FB7]  }
0x2f: {  	lr =	sadd.s32 s0, s3;
	s0 =	sld [smem:$0x3FAE]  }
0x30: {  	s3 =	sld [smem:$0x3FB1]  }
0x31: {  	[smem:$0x3FBA] =	sst s10  }
0x32: {  	s10 =	sld [smem:$0x3FB8];
	_ =	sdelay $0x3  }
0x33: {  	p0 =	seq.s32 s10, $0x1;
	s10 =	sld [smem:$0x3FBA];
	_ =	sdelay $0x3  }
0x34: {  	[smem:$0x3FBA] =	sst s10  }
0x35: {  	s10 =	sld [smem:$0x3FB9];
	_ =	sdelay $0x3  }
0x36: {  	p1 =	seq.s32 s10, $0x1;
	s10 =	sld [smem:$0x3FBA];
	_ =	sdelay $0x3  }
0x37: {  	[smem:$0x3FBA] =	sst s10  }
0x38: {  	s10 =	sld [smem:$0x3FBB]  }
0x39: {  	_ = 	snop;
	(pc) =	sbr.ind lr, $3  }
0x3a: {  	_ = 	snop  }
0x3b: {  	_ = 	snop  }
0x3c: {  	p2 =	seq.s32 s10, $0x1;
	s10 =	sld [smem:$0x3FBA]  }
0x3d: {  	_ =	shalt  }
0x3e: {  	_ =	shalt  }
0x3f: {  	_ =	shalt  }
0x40: {  	_ =	shalt  }
0x41: {  	_ =	shalt  }
0x42: {  	_ =	shalt  }
0x43: {  	_ =	shalt  }
0x44: {  	_ =	shalt  }
0x45: {  	_ =	shalt  }
0x46: {  	_ =	shalt  }
0x47: {  	_ =	shalt  }
0x48: {  	_ =	shalt  }
0x49: {  	_ =	shalt  }
0x4a: {  	_ =	shalt  }
0x4b: {  	_ =	shalt  }
0x4c: {  	_ =	shalt  }
0x4d: {  	_ =	shalt  }
0x4e: {  	_ =	shalt  }
0x4f: {  	_ =	shalt  }
0x50: {  	_ =	shalt  }
0x51: {  	_ =	shalt  }
0x52: {  	_ =	shalt  }
0x53: {  	_ =	shalt  }
0x54: {  	_ =	shalt  }
0x55: {  	_ =	shalt  }
0x56: {  	_ =	shalt  }
0x57: {  	_ =	shalt  }
0x58: {  	_ =	shalt  }
0x59: {  	_ =	shalt  }
0x5a: {  	_ =	shalt  }
0x5b: {  	_ =	shalt  }
0x5c: {  	_ =	shalt  }
0x5d: {  	_ =	shalt  }
0x5e: {  	_ =	shalt  }
0x5f: {  	_ =	shalt  }
0x60: {  	_ =	shalt  }
0x61: {  	_ =	shalt  }
0x62: {  	_ =	shalt  }
0x63: {  	_ =	shalt  }
0x64: {  	_ =	shalt  }
0x65: {  	_ =	shalt  }
0x66: {  	_ =	shalt  }
0x67: {  	_ =	shalt  }
0x68: {  	_ =	shalt  }
0x69: {  	_ =	shalt  }
0x6a: {  	_ =	shalt  }
0x6b: {  	_ =	shalt  }
0x6c: {  	_ =	shalt  }
0x6d: {  	_ =	shalt  }
0x6e: {  	_ =	shalt  }
0x6f: {  	_ =	shalt  }
0x70: {  	_ =	shalt  }
0x71: {  	_ =	shalt  }
0x72: {  	_ =	shalt  }
0x73: {  	_ =	shalt  }
0x74: {  	_ =	shalt  }
0x75: {  	_ =	shalt  }
0x76: {  	_ =	shalt  }
0x77: {  	_ =	shalt  }
0x78: {  	_ =	shalt  }
0x79: {  	_ =	shalt  }
0x7a: {  	_ =	shalt  }
0x7b: {  	_ =	shalt  }
0x7c: {  	_ =	shalt  }
0x7d: {  	_ =	shalt  }
0x7e: {  	_ =	shalt  }
0x7f: {  	_ =	shalt  }
0x80: {  	_ =	shalt  }
0x81: {  	_ =	shalt  }
0x82: {  	_ =	shalt  }
0x83: {  	_ =	shalt  }
0x84: {  	_ =	shalt  }
0x85: {  	_ =	shalt  }
0x86: {  	_ =	shalt  }
0x87: {  	_ =	shalt  }
.Lfunc_end0:
.L_simem_size_0:
called_computation_lowered:
.L_overlay_start_0:
0x88: {  	s2 =	sld [smem:$0x3FD9]  }
0x89: {  	s3 =	sld [smem:$0x3FFE];
	_ =	sdelay $0x1  }
0x8a: {  	s1 =	srdreg.scid  }
0x8b: {  	s0 =	sand.u32 $0x1, s1  }
0x8c: {  	s18 =	sshll.u32 s0, $0xA;
	s2 =	sadd.s32 s3, s2  }
0x8d: {  	s2 =	sadd.s32 s2, s18  }
0x8e: {  	[smem:$0x3FC6] =	sst s2  }
0x8f: {  	_ = 	snop  }
0x90: {  	s2 =	sld [smem:$0x3FC9]  }
0x91: {  	s19 =	sld [smem:$0x3FC8]  }
0x92: {  	s4 =	sld [smem:$0x3FD0];
	(tm) =	ssettm $0x1  }
0x93: {  	s5 =	sld [smem:$0x3FFB];
	_ =	sdelay $0x3  }
0x94: {  	_ =	strace s5  }
0x95: {  	s5 =	sld [smem:$0x3FFC];
	_ =	sdelay $0x3  }
0x96: {  	_ =	strace s5  }
0x97: {  	s5 =	sld [smem:$0x3FFD];
	_ =	sdelay $0x3  }
0x98: {  	_ =	strace s5  }
0x99: {  	_ =	strace $0x8FFFFFFF  }
0x9a: {  	s20 =	sld [smem:$0x3FDB];
	_ =	sdelay $0x1  }
0x9b: {  	s6 =	simm.s32 $_scs_section_size  }
0x9c: {  	s7 =	simm.s32 $_size__tile_overlayer_lowered;
	s8 =	simm.s32 $_tile_overlayer_lowered  }
0x9d: {  	s23 =	simm.s32 $0x1BFF;
	s22 =	sshll.u32 s8, $0x1;
	s5 =	sadd.s32 s6, s20  }
0x9e: {  	s9 =	simm.s32 $0x0;
	s21 =	sshll.u32 s7, $0x1;
	s7 =	sadd.s32 s22, s5  }
0x9f: {  	[timem:s9], [sflag:s23] =	dma.local [hbm:s7], s21  }
0xa0: {  	_ =	swait.ge [sflag:s23], s21  }
0xa1: {  	s6 =	ssub.s32 $0x0, s21;
	[sflag:s23] =	ssyncset.done $0x0  }
0xa2: {  	[sflag:s23] =	ssyncadd.s32 s6;
	_ =	sdelay $0x1  }
0xa3: {  	s24 =	simm.s32 $0x1B8B  }
0xa4: {  	_ =	swait.ge [sflag:s24], $0x1  }
0xa5: {  	[sflag:s24] =	ssyncset.done $0x0  }
0xa6: {  	s25 =	simm.s32 $0x1B8E;
	[sflag:s24] =	ssyncadd.s32 $0xFFFFFFFF  }
0xa7: {  	s26 =	simm.s32 $execute0_lowered;
	[smem:$0x3FD2] =	sst s25  }
0xa8: {  	s6 =	sshll.u32 s26, $0x1;
	_ =	strace $0x80000046;
	[dreg:$0x1] =	wrdreg $0xFFFFFFFF  }
0xa9: {  	s28 =	simm.s32 $_size_execute0_lowered;
	s5 =	sadd.s32 s5, s6;
	[dreg:$0x0] =	wrdreg $0x0  }
0xaa: {  	s6 =	sshll.u32 s28, $0x1;
	[dreg:$0x2] =	wrdreg s5  }
0xab: {  	[dreg:$0x3] =	wrdreg s6  }
0xac: {  	[dreg:$0x4] =	wrdreg $0xC0  }
0xad: {  	_ =	task [dreg:s9], $0x5FFFF  }
0xae: {  	[dreg:$0x1] =	wrdreg $0xFFFFFFFF  }
0xaf: {  	[dreg:$0x0] =	wrdreg $0x60  }
0xb0: {  	[dreg:$0x2] =	wrdreg s2  }
0xb1: {  	[dreg:$0x3] =	wrdreg s19  }
0xb2: {  	[dreg:$0x4] =	wrdreg s4  }
0xb3: {  	[dreg:$0x5] =	wrdreg $0x9  }
0xb4: {  	_ =	task.clear_ibuf [dreg:s9], $0x6FFFF;
	_ =	strace $0x90000046  }
0xb5: {  	s29 =	simm.s32 $0x9;
	_ =	strace $0x80000048  }
0xb6: {  	_ =	swait.ge [sflag:s29], $0x1  }
0xb7: {  	[sflag:s29] =	ssyncadd.s32 $0xFFFFFFFF  }
0xb8: {  	_ =	strace $0x90000048  }
0xb9: {  	_ =	sfence  }
0xba: {  	s30 =	sld [smem:$0x0];
	_ =	sdelay $0x2  }
0xbb: {  	s31 =	sshll.u32 s1, $0xD;
	s1 =	sshrl.u32 s1, $0x2  }
0xbc: {  	s3 =	sand.u32 $0x4000, s31;
	s1 =	sadd.s32 s1, s30  }
0xbd: {  	s0 =	sor.u32 s3, s0;
	s1 =	sshll.u32 s1, $0x11  }
0xbe: {  	s0 =	sor.u32 s1, s0  }
0xbf: {  	s0 =	sadd.s32 $0x8F2B, s0  }
0xc0: {  	[sflag:s0] =	ssyncadd.remote.s32 $0x1  }
0xc1: {  	_ =	sfence.sel $0xFFFF  }
0xc2: {  	[dreg:$0x0] =	wrdreg $0xFFFFFFFF;
	(pc) =	sbr.abs _section_cstart, $3  }
0xc3: {  	[dreg:$0x1] =	wrdreg $0xFFFFFFFF  }
0xc4: {  	_ =	task.clear_ibuf [dreg:s9], $0x2FFFF;
	_ =	strace $0x9FFFFFFF  }
0xc5: {  	(tm) =	ssettm $0x7FFFFFFF  }
tec
execute0_lowered:
.L_overlay_start_1:
0x0: {  	(tag) =	ssettag $0x1  }
0x1: {  	s2 =	srdreg.scid  }
0x2: {  	s11 =	rddreg [dreg:$0x0];
	s4 =	stileid.u32;
	s2 =	sand.u32 $0x1, s2  }
0x3: {  	s4 =	sshll.u32 s4, $0xE;
	s3 =	ssub.s32 $0x2, s2;
	s2 =	sshll.u32 s2, $0x12  }
0x4: {  	s0 =	rddreg [dreg:$0x1];
	s8 =	sor.u32 s4, s2  }
0x5: {  	s13 =	rddreg [dreg:$0x2];
	s1 =	simm.s32 $0x0;
	s2 =	sor.u32 $0x80000, s8  }
0x6: {  	[smem:$0x7FF] =	sst s1;
	s6 =	sor.u32 $0x800, s8;
	s7 =	sadd.s32 s11, s2  }
0x7: {  	s10 =	sor.u32 $0x100000, s8;
	s9 =	sadd.s32 s0, s6;
	[dreg:$0x4] =	wrdreg s7  }
0x8: {  	s12 =	sadd.s32 s11, s10;
	[dreg:$0x5] =	wrdreg s9  }
0x9: {  	s15 =	sor.u32 $0x180000, s8;
	s2 =	sadd.s32 s13, s2;
	[dreg:$0x6] =	wrdreg s12  }
0xa: {  	s16 =	sadd.s32 s11, s15;
	[dreg:$0x7] =	wrdreg s2  }
0xb: {  	s5 =	sshrl.u32 s3, $0x1;
	s4 =	sadd.s32 s13, s10;
	[dreg:$0x8] =	wrdreg s16  }
0xc: {  	s18 =	sor.u32 $0x80800, s8;
	s17 =	sadd.s32 s11, s6;
	[dreg:$0x9] =	wrdreg s4  }
0xd: {  	s19 =	sor.u32 $0x1000, s8;
	s20 =	sadd.s32 s11, s18;
	[dreg:$0xa] =	wrdreg s17  }
0xe: {  	s14 =	ssub.s32 s3, s5;
	s21 =	sadd.s32 s0, s19;
	[dreg:$0xc] =	wrdreg s20  }
0xf: {  	s22 =	sor.u32 $0x100800, s8;
	s3 =	sadd.s32 s13, s6;
	[dreg:$0xd] =	wrdreg s21  }
0x10: {  	s24 =	sor.u32 $0x180800, s8;
	s23 =	sadd.s32 s11, s22;
	[dreg:$0xe] =	wrdreg s3  }
0x11: {  	s25 =	sadd.s32 s11, s24;
	[dreg:$0xf] =	wrdreg s23  }
0x12: {  	s26 =	sadd.s32 s13, s22;
	[dreg:$0x11] =	wrdreg s25  }
0x13: {  	s28 =	sadd.s32 s11, s19;
	[dreg:$0x12] =	wrdreg s26  }
0x14: {  	s29 =	sadd.s32 s13, s24;
	[dreg:$0x13] =	wrdreg s28  }
0x15: {  	s5 =	sor.u32 $0x101000, s8;
	s31 =	sadd.s32 s13, s19;
	[dreg:$0x14] =	wrdreg s29  }
0x16: {  	s6 =	sadd.s32 s11, s5;
	[dreg:$0x15] =	wrdreg s31  }
0x17: {  	s30 =	sor.u32 $0x81000, s8;
	s2 =	sadd.s32 s13, s15;
	[dreg:$0x18] =	wrdreg s6  }
0x18: {  	s4 =	sadd.s32 s11, s30;
	[dreg:$0xb] =	wrdreg s2  }
0x19: {  	s22 =	sor.u32 $0x2000, s8;
	s3 =	sadd.s32 s13, s5;
	[dreg:$0x16] =	wrdreg s4  }
0x1a: {  	s25 =	sadd.s32 s0, s22;
	[dreg:$0x19] =	wrdreg s3  }
0x1b: {  	s26 =	sadd.s32 s11, s22;
	[smem:$0x7E3] =	sst s25  }
0x1c: {  	s7 =	sor.u32 $0x181000, s8;
	s2 =	sadd.s32 s13, s18;
	[smem:$0x7E4] =	sst s26  }
0x1d: {  	s9 =	sor.u32 $0x1800, s8;
	s10 =	sadd.s32 s11, s7;
	[dreg:$0x10] =	wrdreg s2  }
0x1e: {  	s12 =	sadd.s32 s0, s9;
	[dreg:$0x1a] =	wrdreg s10  }
0x1f: {  	s15 =	sadd.s32 s11, s9;
	[dreg:$0x1c] =	wrdreg s12  }
0x20: {  	s17 =	sor.u32 $0x81800, s8;
	s16 =	sadd.s32 s13, s9;
	[dreg:$0x1d] =	wrdreg s15  }
0x21: {  	s23 =	sor.u32 $0x181800, s8;
	s19 =	sadd.s32 s11, s17;
	[dreg:$0x1e] =	wrdreg s16  }
0x22: {  	s24 =	sadd.s32 s11, s23;
	[dreg:$0x1f] =	wrdreg s19  }
0x23: {  	s28 =	sor.u32 $0x82000, s8;
	s3 =	sadd.s32 s13, s23;
	[smem:$0x7E1] =	sst s24  }
0x24: {  	s6 =	sor.u32 $0x2800, s8;
	s29 =	sadd.s32 s11, s28;
	[smem:$0x7E2] =	sst s3  }
0x25: {  	s9 =	sadd.s32 s11, s6;
	[smem:$0x7E6] =	sst s29  }
0x26: {  	s18 =	sor.u32 $0x101800, s8;
	s2 =	sadd.s32 s13, s30;
	[smem:$0x7ED] =	sst s9  }
0x27: {  	s20 =	sadd.s32 s11, s18;
	[dreg:$0x17] =	wrdreg s2  }
0x28: {  	s4 =	sor.u32 $0x182000, s8;
	s21 =	sadd.s32 s13, s18;
	[smem:$0x7DF] =	sst s20  }
0x29: {  	s14 =	smax.u32 s14, $0x1;
	s5 =	sadd.s32 s11, s4;
	[smem:$0x7E0] =	sst s21  }
0x2a: {  	s30 =	sor.u32 $0x102000, s8;
	s2 =	sadd.s32 s13, s7;
	[smem:$0x7EA] =	sst s5  }
0x2b: {  	s10 =	sor.u32 $0x82800, s8;
	s31 =	sadd.s32 s11, s30;
	[dreg:$0x1b] =	wrdreg s2  }
0x2c: {  	s15 =	sor.u32 $0x102800, s8;
	s7 =	sadd.s32 s0, s6;
	[smem:$0x7E8] =	sst s31  }
0x2d: {  	s24 =	sor.u32 $0x83000, s8;
	s12 =	sadd.s32 s11, s10;
	[smem:$0x7EC] =	sst s7  }
0x2e: {  	s29 =	sor.u32 $0x183000, s8;
	s3 =	sadd.s32 s13, s10;
	[smem:$0x7EF] =	sst s12  }
0x2f: {  	s16 =	sadd.s32 s11, s15;
	s20 =	sadd.s32 s0, s8;
	[smem:$0x7F0] =	sst s3  }
0x30: {  	s21 =	sor.u32 $0x3000, s8;
	s26 =	sadd.s32 s11, s24;
	[smem:$0x7F1] =	sst s16  }
0x31: {  	s2 =	sadd.s32 s13, s17;
	s17 =	sor.u32 $0x182800, s8;
	[smem:$0x7F5] =	sst s20  }
0x32: {  	s23 =	sadd.s32 s0, s21;
	s25 =	sadd.s32 s11, s21;
	[smem:$0x7FA] =	sst s26  }
0x33: {  	s3 =	sadd.s32 s13, s29;
	s7 =	sadd.s32 s13, s8;
	s31 =	sor.u32 $0x83800, s8  }
0x34: {  	s12 =	sor.u32 $0x103800, s8;
	s16 =	simm.s32 $0x4000;
	[smem:$0x7DE] =	sst s2  }
0x35: {  	s20 =	simm.s32 $0x5;
	s2 =	sadd.s32 s13, s22;
	[smem:$0x7F6] =	sst s23  }
0x36: {  	s18 =	sadd.s32 s11, s17;
	s19 =	sadd.s32 s13, s17;
	[smem:$0x7F8] =	sst s25  }
0x37: {  	s22 =	sor.u32 $0x3800, s8;
	s9 =	sadd.s32 s13, s31;
	[smem:$0x7E5] =	sst s2  }
0x38: {  	s10 =	sadd.s32 s11, s12;
	s12 =	sadd.s32 s13, s12;
	[smem:$0x7F3] =	sst s18  }
0x39: {  	s17 =	simm.s32 $0xC000;
	s2 =	sadd.s32 s13, s28;
	[smem:$0x7F4] =	sst s19  }
0x3a: {  	s23 =	simm.s32 $0x4;
	s0 =	sadd.s32 s0, s22;
	[smem:$0x7E7] =	sst s2  }
0x3b: {  	s28 =	sor.u32 $0x103000, s8;
	s2 =	sadd.s32 s13, s30;
	[smem:$0x7F7] =	sst s0  }
0x3c: {  	s5 =	sadd.s32 s13, s22;
	s0 =	sadd.s32 s13, s24;
	[smem:$0x7E9] =	sst s2  }
0x3d: {  	s18 =	simm.s32 $0x1;
	s30 =	sadd.s32 s11, s28;
	[smem:$0x7FB] =	sst s0  }
0x3e: {  	s19 =	simm.s32 $0x3;
	s2 =	sadd.s32 s13, s4;
	[smem:$0x7FC] =	sst s30  }
0x3f: {  	s24 =	simm.s32 $0x0;
	s0 =	sadd.s32 s13, s28;
	[smem:$0x7EB] =	sst s2  }
0x40: {  	s4 =	sadd.s32 s11, s22;
	s2 =	sadd.s32 s13, s6;
	[smem:$0x7FD] =	sst s0  }
0x41: {  	s22 =	simm.s32 $0x6;
	s6 =	sadd.s32 s11, s8;
	[smem:$0x7EE] =	sst s2  }
0x42: {  	s2 =	sadd.s32 s13, s15;
	s15 =	sor.u32 $0x183800, s8;
	s8 =	sadd.s32 s11, s31  }
0x43: {  	[smem:$0x7F2] =	sst s2;
	s2 =	sadd.s32 s13, s21;
	s13 =	sadd.s32 s13, s15  }
0x44: {  	s21 =	simm.s32 $0x2;
	[smem:$0x7F9] =	sst s2;
	s2 =	sadd.s32 s11, s29  }
0x45: {  	s11 =	sadd.s32 s11, s15;
	s15 =	simm.s32 $0x8000;
	_ =	strace $0x80000047  }
.LBB2_1:
0x46: {  	s0 =	sld [smem:$0x7F5]  }
0x47: {  	[tilespmem:s1], [sflag:$0x1] =	stream.linear.gather [hbm4b:s6+s1], $0x4000, $0x38;
	[tilespmem:$0x10000] =	vst v63  }
0x48: {  	_ = 	snop  }
0x49: {  	[tilespmem:s15], [sflag:$0x3] =	stream.linear.gather [hbm4b:s0+s1], $0x4000, $0x38;
	[tilespmem:$0x10000] =	vst v63  }
0x4a: {  	s30 =	rddreg [dreg:$0x4]  }
0x4b: {  	[tilespmem:s16], [sflag:$0x2] =	stream.linear.gather [hbm4b:s30+s1], $0x4000, $0x38;
	[tilespmem:$0x10000] =	vst v63  }
0x4c: {  	s31 =	rddreg [dreg:$0x5]  }
0x4d: {  	[tilespmem:s17], [sflag:$0x4] =	stream.linear.gather [hbm4b:s31+s1], $0x4000, $0x38;
	[tilespmem:$0x10000] =	vst v63  }
0x4e: {  	_ =	swait.ge [sflag:s18], $0x4000  }
0x4f: {  	[sflag:s18] =	ssyncset.done $0x0  }
0x50: {  	[sflag:s18] =	ssyncadd.s32 $0xFFFFC000  }
0x51: {  	_ =	swait.ge [sflag:s19], $0x4000  }
0x52: {  	s25 =	simm.s32 $0x0;
	[sflag:s19] =	ssyncset.done $0x0  }
0x53: {  	s26 =	simm.s32 $0x0;
	s28 =	simm.s32 $0x0;
	[sflag:s19] =	ssyncadd.s32 $0xFFFFC000  }
.LBB2_2:
0x54: {  	s0 =	sshll.u32 s26, $0x2;
	s29 =	sand.u32 $0x7, s25  }
0x55: {  	s0 =	sand.u32 $0xFFFF8000, s0;
	s29 =	sshll.u32 s29, $0x9  }
0x56: {  	s0 =	sor.u32 s29, s0  }
0x57: {  	s0 =	sshrl.u32 s0, $0x2  }
0x58: {  	s29 =	sor.u32 $0x40, s0  }
0x59: {  	s30 =	sadd.s32 $0x8040, s0;
	v1 =	vld [tilespmem:s29+$0x30]  }
0x5a: {  	v2 =	vld [tilespmem:s30+$0x30]  }
0x5b: {  	v0 =	vld [tilespmem:s30+$0xFFFFFFC0]  }
0x5c: {  	v3 =	vld [tilespmem:s29+$0xFFFFFFD0]  }
0x5d: {  	v4 =	vld [tilespmem:s30+$0xFFFFFFD0]  }
0x5e: {  	v5 =	vld [tilespmem:s29+$0xFFFFFFE0]  }
0x5f: {  	v6 =	vld [tilespmem:s30+$0xFFFFFFE0]  }
0x60: {  	v7 =	vld [tilespmem:s29+$0xFFFFFFF0]  }
0x61: {  	v8 =	vld [tilespmem:s30+$0xFFFFFFF0]  }
0x62: {  	v9 =	vld [tilespmem:s29+$0x0]  }
0x63: {  	v10 =	vld [tilespmem:s30+$0x0];
	v2 =	vadd.f32 v2, v1  }
0x64: {  	v4 =	vadd.f32 v4, v3;
	v1 =	vld [tilespmem:s29+$0x10]  }
0x65: {  	v5 =	vadd.f32 v6, v5;
	v3 =	vld [tilespmem:s30+$0x10];
	[tilespmem:s29+$0x30] =	vst v2  }
0x66: {  	v6 =	vadd.f32 v8, v7;
	[tilespmem:s29+$0xFFFFFFD0] =	vst v4;
	v2 =	vld [tilespmem:s29+$0x20]  }
0x67: {  	[tilespmem:s29+$0xFFFFFFE0] =	vst v5;
	v5 =	vld [tilespmem:s30+$0x20]  }
0x68: {  	s31 =	simm.s32 $0x0;
	s0 =	sadd.s32 $0x400, s29;
	v4 =	vld [tilespmem:s29+$0xFFFFFFC0];
	[tilespmem:s29+$0xFFFFFFF0] =	vst v6;
	v6 =	vadd.f32 v10, v9  }
.LBB2_3:
0x69: {  	v7 =	vld [tilespmem:s0+$0x30];
	s30 =	sadd.s32 $0x400, s30  }
0x6a: {  	s31 =	sadd.s32 $0x8, s31;
	v8 =	vld [tilespmem:s30+$0x30];
	[tilespmem:s29+$0x0] =	vst v6;
	v1 =	vadd.f32 v3, v1  }
0x6b: {  	p0 =	slt.u32 s31, $0x38;
	v3 =	vld [tilespmem:s30+$0xFFFFFFC0]  }
0x6c: {  	v6 =	vld [tilespmem:s0+$0xFFFFFFD0];
	[tilespmem:s29+$0x10] =	vst v1;
	v1 =	vadd.f32 v5, v2  }
0x6d: {  	v2 =	vld [tilespmem:s30+$0xFFFFFFD0];
	v9 =	vadd.f32 v0, v4  }
0x6e: {  	v4 =	vld [tilespmem:s0+$0xFFFFFFE0];
	[tilespmem:s29+$0x20] =	vst v1  }
0x6f: {  	v1 =	vld [tilespmem:s30+$0xFFFFFFE0];
	v5 =	vadd.f32 v8, v7;
	[tilespmem:s29+$0xFFFFFFC0] =	vst v9;
	s29 =	smov.u32 s0  }
0x70: {  	v7 =	vld [tilespmem:s0+$0xFFFFFFF0];
	v0 =	vmov v3  }
0x71: {  	v8 =	vld [tilespmem:s30+$0xFFFFFFF0];
	[tilespmem:s0+$0x30] =	vst v5  }
0x72: {  	v2 =	vadd.f32 v2, v6;
	v6 =	vld [tilespmem:s0+$0x0]  }
0x73: {  	v9 =	vld [tilespmem:s30+$0x0]  }
.Ltmp0:
0x74: {  	[tilespmem:s0+$0xFFFFFFD0] =	vst v2;
	v2 =	vadd.f32 v1, v4;
	v1 =	vld [tilespmem:s0+$0x10];
	(pc) =	sbr.rel @p0 .LBB2_3-.Ltmp0, $4  }
0x75: {  	v3 =	vld [tilespmem:s30+$0x10]  }
0x76: {  	[tilespmem:s0+$0xFFFFFFE0] =	vst v2;
	v7 =	vadd.f32 v8, v7;
	v2 =	vld [tilespmem:s0+$0x20]  }
0x77: {  	v5 =	vld [tilespmem:s30+$0x20]  }
0x78: {  	s0 =	sadd.s32 $0x400, s0;
	v4 =	vld [tilespmem:s29+$0xFFFFFFC0];
	[tilespmem:s29+$0xFFFFFFF0] =	vst v7;
	v6 =	vadd.f32 v9, v6  }
0x79: {  	s28 =	sadd.s32 $0x1, s28  }
0x7a: {  	p0 =	sne.s32 s28, $0x10  }
.Ltmp1:
0x7b: {  	v1 =	vadd.f32 v3, v1;
	(pc) =	sbr.rel @p0 .LBB2_2-.Ltmp1, $4  }
0x7c: {  	[tilespmem:s29+$0x0] =	vst v6;
	v2 =	vadd.f32 v5, v2  }
0x7d: {  	[tilespmem:s29+$0x10] =	vst v1;
	v0 =	vadd.f32 v0, v4  }
0x7e: {  	[tilespmem:s29+$0x20] =	vst v2  }
0x7f: {  	s26 =	sadd.s32 $0x400, s26;
	s25 =	sadd.s32 $0x1, s25;
	[tilespmem:s29+$0xFFFFFFC0] =	vst v0  }
0x80: {  	s25 =	simm.s32 $0x0  }
0x81: {  	[hbm4b:s7+s25] =	stream.linear.scatter [tilespmem:s25], [sflag:$0x5], $0x4000, $0x38;
	[tilespmem:$0x10000] =	vst v63  }
0x82: {  	_ =	swait.ge [sflag:s20], $0x4000  }
0x83: {  	[sflag:s20] =	ssyncset.done $0x0  }
0x84: {  	s0 =	rddreg [dreg:$0x6];
	[sflag:s20] =	ssyncadd.s32 $0xFFFFC000  }
0x85: {  	[tilespmem:s25], [sflag:$0x1] =	stream.linear.gather [hbm4b:s0+s25], $0x4000, $0x38;
	[tilespmem:$0x10000] =	vst v63  }
0x86: {  	_ =	swait.ge [sflag:s21], $0x4000  }
0x87: {  	[sflag:s21] =	ssyncset.done $0x0  }
0x88: {  	s26 =	simm.s32 $0x0;
	s28 =	simm.s32 $0x0;
	[sflag:s21] =	ssyncadd.s32 $0xFFFFC000  }
.LBB2_6:
0x89: {  	s0 =	sshll.u32 s26, $0x2;
	s29 =	sand.u32 $0x7, s25  }
0x8a: {  	s0 =	sand.u32 $0xFFFF8000, s0;
	s29 =	sshll.u32 s29, $0x9  }
0x8b: {  	s0 =	sor.u32 s29, s0  }
0x8c: {  	s0 =	sshrl.u32 s0, $0x2  }
0x8d: {  	s29 =	sadd.s32 $0x4040, s0  }
0x8e: {  	s30 =	sadd.s32 $0x8040, s0;
	v1 =	vld [tilespmem:s29+$0x30]  }
0x8f: {  	v2 =	vld [tilespmem:s30+$0x30]  }
0x90: {  	v0 =	vld [tilespmem:s30+$0xFFFFFFC0]  }
0x91: {  	v3 =	vld [tilespmem:s29+$0xFFFFFFD0]  }
0x92: {  	v4 =	vld [tilespmem:s30+$0xFFFFFFD0]  }
0x93: {  	v5 =	vld [tilespmem:s29+$0xFFFFFFE0]  }
0x94: {  	v6 =	vld [tilespmem:s30+$0xFFFFFFE0]  }
0x95: {  	v7 =	vld [tilespmem:s29+$0xFFFFFFF0]  }
0x96: {  	v8 =	vld [tilespmem:s30+$0xFFFFFFF0]  }
0x97: {  	v9 =	vld [tilespmem:s29+$0x0]  }
0x98: {  	v10 =	vld [tilespmem:s30+$0x0];
	v2 =	vadd.f32 v2, v1  }
0x99: {  	v4 =	vadd.f32 v4, v3;
	v1 =	vld [tilespmem:s29+$0x10]  }
0x9a: {  	v5 =	vadd.f32 v6, v5;
	v3 =	vld [tilespmem:s30+$0x10];
	[tilespmem:s29+$0x30] =	vst v2  }
0x9b: {  	v6 =	vadd.f32 v8, v7;
	[tilespmem:s29+$0xFFFFFFD0] =	vst v4;
	v2 =	vld [tilespmem:s29+$0x20]  }
0x9c: {  	[tilespmem:s29+$0xFFFFFFE0] =	vst v5;
	v5 =	vld [tilespmem:s30+$0x20]  }
0x9d: {  	s31 =	simm.s32 $0x0;
	s0 =	sadd.s32 $0x400, s29;
	v4 =	vld [tilespmem:s29+$0xFFFFFFC0];
	[tilespmem:s29+$0xFFFFFFF0] =	vst v6;
	v6 =	vadd.f32 v10, v9  }
.LBB2_7:
0x9e: {  	v7 =	vld [tilespmem:s0+$0x30];
	s30 =	sadd.s32 $0x400, s30  }
0x9f: {  	s31 =	sadd.s32 $0x8, s31;
	v8 =	vld [tilespmem:s30+$0x30];
	[tilespmem:s29+$0x0] =	vst v6;
	v1 =	vadd.f32 v3, v1  }
0xa0: {  	p0 =	slt.u32 s31, $0x38;
	v3 =	vld [tilespmem:s30+$0xFFFFFFC0]  }
0xa1: {  	v6 =	vld [tilespmem:s0+$0xFFFFFFD0];
	[tilespmem:s29+$0x10] =	vst v1;
	v1 =	vadd.f32 v5, v2  }
0xa2: {  	v2 =	vld [tilespmem:s30+$0xFFFFFFD0];
	v9 =	vadd.f32 v0, v4  }
0xa3: {  	v4 =	vld [tilespmem:s0+$0xFFFFFFE0];
	[tilespmem:s29+$0x20] =	vst v1  }
0xa4: {  	v1 =	vld [tilespmem:s30+$0xFFFFFFE0];
	v5 =	vadd.f32 v8, v7;
	[tilespmem:s29+$0xFFFFFFC0] =	vst v9;
	s29 =	smov.u32 s0  }
0xa5: {  	v7 =	vld [tilespmem:s0+$0xFFFFFFF0];
	v0 =	vmov v3  }
0xa6: {  	v8 =	vld [tilespmem:s30+$0xFFFFFFF0];
	[tilespmem:s0+$0x30] =	vst v5  }
0xa7: {  	v2 =	vadd.f32 v2, v6;
	v6 =	vld [tilespmem:s0+$0x0]  }
0xa8: {  	v9 =	vld [tilespmem:s30+$0x0]  }
.Ltmp2:
0xa9: {  	[tilespmem:s0+$0xFFFFFFD0] =	vst v2;
	v2 =	vadd.f32 v1, v4;
	v1 =	vld [tilespmem:s0+$0x10];
	(pc) =	sbr.rel @p0 .LBB2_7-.Ltmp2, $4  }
0xaa: {  	v3 =	vld [tilespmem:s30+$0x10]  }
0xab: {  	[tilespmem:s0+$0xFFFFFFE0] =	vst v2;
	v7 =	vadd.f32 v8, v7;
	v2 =	vld [tilespmem:s0+$0x20]  }
0xac: {  	v5 =	vld [tilespmem:s30+$0x20]  }
0xad: {  	s0 =	sadd.s32 $0x400, s0;
	v4 =	vld [tilespmem:s29+$0xFFFFFFC0];
	[tilespmem:s29+$0xFFFFFFF0] =	vst v7;
	v6 =	vadd.f32 v9, v6  }
0xae: {  	s28 =	sadd.s32 $0x1, s28  }
0xaf: {  	p0 =	sne.s32 s28, $0x10  }
.Ltmp3:
0xb0: {  	v1 =	vadd.f32 v3, v1;
	(pc) =	sbr.rel @p0 .LBB2_6-.Ltmp3, $4  }
0xb1: {  	[tilespmem:s29+$0x0] =	vst v6;
	v2 =	vadd.f32 v5, v2  }
0xb2: {  	[tilespmem:s29+$0x10] =	vst v1;
	v0 =	vadd.f32 v0, v4  }
0xb3: {  	[tilespmem:s29+$0x20] =	vst v2  }
0xb4: {  	s26 =	sadd.s32 $0x400, s26;
	s25 =	sadd.s32 $0x1, s25;
	[tilespmem:s29+$0xFFFFFFC0] =	vst v0  }
0xb5: {  	s25 =	simm.s32 $0x0;
	s0 =	rddreg [dreg:$0x7]  }
0xb6: {  	[hbm4b:s0+s25] =	stream.linear.scatter [tilespmem:s16], [sflag:$0x6], $0x4000, $0x38;
	[tilespmem:$0x10000] =	vst v63  }
0xb7: {  	_ =	swait.ge [sflag:s22], $0x4000  }
0xb8: {  	[sflag:s22] =	ssyncset.done $0x0  }
0xb9: {  	s31 =	rddreg [dreg:$0x8];
	[sflag:s22] =	ssyncadd.s32 $0xFFFFC000  }
0xba: {  	[tilespmem:s16], [sflag:$0x2] =	stream.linear.gather [hbm4b:s31+s25], $0x4000, $0x38;
	[tilespmem:$0x10000] =	vst v63  }
0xbb: {  	_ =	swait.ge [sflag:s18], $0x4000  }
0xbc: {  	[sflag:s18] =	ssyncset.done $0x0  }
0xbd: {  	s26 =	simm.s32 $0x0;
	s28 =	simm.s32 $0x0;
	[sflag:s18] =	ssyncadd.s32 $0xFFFFC000  }
.LBB2_10:
0xbe: {  	s0 =	sshll.u32 s26, $0x2;
	s29 =	sand.u32 $0x7, s25  }
0xbf: {  	s0 =	sand.u32 $0xFFFF8000, s0;
	s29 =	sshll.u32 s29, $0x9  }
0xc0: {  	s0 =	sor.u32 s29, s0  }
0xc1: {  	s0 =	sshrl.u32 s0, $0x2  }
0xc2: {  	s29 =	sor.u32 $0x40, s0  }
0xc3: {  	s30 =	sadd.s32 $0x8040, s0;
	v1 =	vld [tilespmem:s29+$0x30]  }
0xc4: {  	v2 =	vld [tilespmem:s30+$0x30]  }
0xc5: {  	v0 =	vld [tilespmem:s30+$0xFFFFFFC0]  }
0xc6: {  	v3 =	vld [tilespmem:s29+$0xFFFFFFD0]  }
0xc7: {  	v4 =	vld [tilespmem:s30+$0xFFFFFFD0]  }
0xc8: {  	v5 =	vld [tilespmem:s29+$0xFFFFFFE0]  }
0xc9: {  	v6 =	vld [tilespmem:s30+$0xFFFFFFE0]  }
0xca: {  	v7 =	vld [tilespmem:s29+$0xFFFFFFF0]  }
0xcb: {  	v8 =	vld [tilespmem:s30+$0xFFFFFFF0]  }
0xcc: {  	v9 =	vld [tilespmem:s29+$0x0]  }
0xcd: {  	v10 =	vld [tilespmem:s30+$0x0];
	v2 =	vadd.f32 v2, v1  }
0xce: {  	v4 =	vadd.f32 v4, v3;
	v1 =	vld [tilespmem:s29+$0x10]  }
0xcf: {  	v5 =	vadd.f32 v6, v5;
	v3 =	vld [tilespmem:s30+$0x10];
	[tilespmem:s29+$0x30] =	vst v2  }
0xd0: {  	v6 =	vadd.f32 v8, v7;
	[tilespmem:s29+$0xFFFFFFD0] =	vst v4;
	v2 =	vld [tilespmem:s29+$0x20]  }
0xd1: {  	[tilespmem:s29+$0xFFFFFFE0] =	vst v5;
	v5 =	vld [tilespmem:s30+$0x20]  }
0xd2: {  	s31 =	simm.s32 $0x0;
	s0 =	sadd.s32 $0x400, s29;
	v4 =	vld [tilespmem:s29+$0xFFFFFFC0];
	[tilespmem:s29+$0xFFFFFFF0] =	vst v6;
	v6 =	vadd.f32 v10, v9  }
.LBB2_11:
0xd3: {  	v7 =	vld [tilespmem:s0+$0x30];
	s30 =	sadd.s32 $0x400, s30  }
0xd4: {  	s31 =	sadd.s32 $0x8, s31;
	v8 =	vld [tilespmem:s30+$0x30];
	[tilespmem:s29+$0x0] =	vst v6;
	v1 =	vadd.f32 v3, v1  }
0xd5: {  	p0 =	slt.u32 s31, $0x38;
	v3 =	vld [tilespmem:s30+$0xFFFFFFC0]  }
0xd6: {  	v6 =	vld [tilespmem:s0+$0xFFFFFFD0];
	[tilespmem:s29+$0x10] =	vst v1;
	v1 =	vadd.f32 v5, v2  }
0xd7: {  	v2 =	vld [tilespmem:s30+$0xFFFFFFD0];
	v9 =	vadd.f32 v0, v4  }
0xd8: {  	v4 =	vld [tilespmem:s0+$0xFFFFFFE0];
	[tilespmem:s29+$0x20] =	vst v1  }
0xd9: {  	v1 =	vld [tilespmem:s30+$0xFFFFFFE0];
	v5 =	vadd.f32 v8, v7;
	[tilespmem:s29+$0xFFFFFFC0] =	vst v9;
	s29 =	smov.u32 s0  }
0xda: {  	v7 =	vld [tilespmem:s0+$0xFFFFFFF0];
	v0 =	vmov v3  }
0xdb: {  	v8 =	vld [tilespmem:s30+$0xFFFFFFF0];
	[tilespmem:s0+$0x30] =	vst v5  }
0xdc: {  	v2 =	vadd.f32 v2, v6;
	v6 =	vld [tilespmem:s0+$0x0]  }
0xdd: {  	v9 =	vld [tilespmem:s30+$0x0]  }
.Ltmp4:
0xde: {  	[tilespmem:s0+$0xFFFFFFD0] =	vst v2;
	v2 =	vadd.f32 v1, v4;
	v1 =	vld [tilespmem:s0+$0x10];
	(pc) =	sbr.rel @p0 .LBB2_11-.Ltmp4, $4  }
0xdf: {  	v3 =	vld [tilespmem:s30+$0x10]  }
0xe0: {  	[tilespmem:s0+$0xFFFFFFE0] =	vst v2;
	v7 =	vadd.f32 v8, v7;
	v2 =	vld [tilespmem:s0+$0x20]  }
0xe1: {  	v5 =	vld [tilespmem:s30+$0x20]  }
0xe2: {  	s0 =	sadd.s32 $0x400, s0;
	v4 =	vld [tilespmem:s29+$0xFFFFFFC0];
	[tilespmem:s29+$0xFFFFFFF0] =	vst v7;
	v6 =	vadd.f32 v9, v6  }
0xe3: {  	s28 =	sadd.s32 $0x1, s28  }
0xe4: {  	p0 =	sne.s32 s28, $0x10  }
.Ltmp5:
0xe5: {  	v1 =	vadd.f32 v3, v1;
	(pc) =	sbr.rel @p0 .LBB2_10-.Ltmp5, $4  }
0xe6: {  	[tilespmem:s29+$0x0] =	vst v6;
	v2 =	vadd.f32 v5, v2  }
0xe7: {  	[tilespmem:s29+$0x10] =	vst v1;
	v0 =	vadd.f32 v0, v4  }
0xe8: {  	[tilespmem:s29+$0x20] =	vst v2  }
0xe9: {  	s26 =	sadd.s32 $0x400, s26;
	s25 =	sadd.s32 $0x1, s25;
	[tilespmem:s29+$0xFFFFFFC0] =	vst v0  }
0xea: {  	s25 =	simm.s32 $0x0;
	s0 =	rddreg [dreg:$0x9]  }
0xeb: {  	[hbm4b:s0+s25] =	stream.linear.scatter [tilespmem:s25], [sflag:$0x5], $0x4000, $0x38;
	[tilespmem:$0x10000] =	vst v63  }
0xec: {  	_ =	swait.ge [sflag:s20], $0x4000  }
0xed: {  	[sflag:s20] =	ssyncset.done $0x0  }
0xee: {  	s31 =	rddreg [dreg:$0xa];
	[sflag:s20] =	ssyncadd.s32 $0xFFFFC000  }
0xef: {  	[tilespmem:s25], [sflag:$0x1] =	stream.linear.gather [hbm4b:s31+s25], $0x4000, $0x38;
	[tilespmem:$0x10000] =	vst v63  }
0xf0: {  	_ =	swait.ge [sflag:s21], $0x4000  }
0xf1: {  	[sflag:s21] =	ssyncset.done $0x0  }
0xf2: {  	s26 =	simm.s32 $0x0;
	s28 =	simm.s32 $0x0;
	[sflag:s21] =	ssyncadd.s32 $0xFFFFC000  }
.LBB2_14:
0xf3: {  	s0 =	sshll.u32 s26, $0x2;
	s29 =	sand.u32 $0x7, s25  }
0xf4: {  	s0 =	sand.u32 $0xFFFF8000, s0;
	s29 =	sshll.u32 s29, $0x9  }
0xf5: {  	s0 =	sor.u32 s29, s0  }
0xf6: {  	s0 =	sshrl.u32 s0, $0x2  }
0xf7: {  	s29 =	sadd.s32 $0x4040, s0  }
0xf8: {  	s30 =	sadd.s32 $0x8040, s0;
	v1 =	vld [tilespmem:s29+$0x30]  }
0xf9: {  	v2 =	vld [tilespmem:s30+$0x30]  }
0xfa: {  	v0 =	vld [tilespmem:s30+$0xFFFFFFC0]  }
0xfb: {  	v3 =	vld [tilespmem:s29+$0xFFFFFFD0]  }
0xfc: {  	v4 =	vld [tilespmem:s30+$0xFFFFFFD0]  }
0xfd: {  	v5 =	vld [tilespmem:s29+$0xFFFFFFE0]  }
0xfe: {  	v6 =	vld [tilespmem:s30+$0xFFFFFFE0]  }
0xff: {  	v7 =	vld [tilespmem:s29+$0xFFFFFFF0]  }
0x100: {  	v8 =	vld [tilespmem:s30+$0xFFFFFFF0]  }
0x101: {  	v9 =	vld [tilespmem:s29+$0x0]  }
0x102: {  	v10 =	vld [tilespmem:s30+$0x0];
	v2 =	vadd.f32 v2, v1  }
0x103: {  	v4 =	vadd.f32 v4, v3;
	v1 =	vld [tilespmem:s29+$0x10]  }
0x104: {  	v5 =	vadd.f32 v6, v5;
	v3 =	vld [tilespmem:s30+$0x10];
	[tilespmem:s29+$0x30] =	vst v2  }
0x105: {  	v6 =	vadd.f32 v8, v7;
	[tilespmem:s29+$0xFFFFFFD0] =	vst v4;
	v2 =	vld [tilespmem:s29+$0x20]  }
0x106: {  	[tilespmem:s29+$0xFFFFFFE0] =	vst v5;
	v5 =	vld [tilespmem:s30+$0x20]  }
0x107: {  	s31 =	simm.s32 $0x0;
	s0 =	sadd.s32 $0x400, s29;
	v4 =	vld [tilespmem:s29+$0xFFFFFFC0];
	[tilespmem:s29+$0xFFFFFFF0] =	vst v6;
	v6 =	vadd.f32 v10, v9  }
.LBB2_15:
0x108: {  	v7 =	vld [tilespmem:s0+$0x30];
	s30 =	sadd.s32 $0x400, s30  }
0x109: {  	s31 =	sadd.s32 $0x8, s31;
	v8 =	vld [tilespmem:s30+$0x30];
	[tilespmem:s29+$0x0] =	vst v6;
	v1 =	vadd.f32 v3, v1  }
0x10a: {  	p0 =	slt.u32 s31, $0x38;
	v3 =	vld [tilespmem:s30+$0xFFFFFFC0]  }
0x10b: {  	v6 =	vld [tilespmem:s0+$0xFFFFFFD0];
	[tilespmem:s29+$0x10] =	vst v1;
	v1 =	vadd.f32 v5, v2  }
0x10c: {  	v2 =	vld [tilespmem:s30+$0xFFFFFFD0];
	v9 =	vadd.f32 v0, v4  }
0x10d: {  	v4 =	vld [tilespmem:s0+$0xFFFFFFE0];
	[tilespmem:s29+$0x20] =	vst v1  }
0x10e: {  	v1 =	vld [tilespmem:s30+$0xFFFFFFE0];
	v5 =	vadd.f32 v8, v7;
	[tilespmem:s29+$0xFFFFFFC0] =	vst v9;
	s29 =	smov.u32 s0  }
0x10f: {  	v7 =	vld [tilespmem:s0+$0xFFFFFFF0];
	v0 =	vmov v3  }
0x110: {  	v8 =	vld [tilespmem:s30+$0xFFFFFFF0];
	[tilespmem:s0+$0x30] =	vst v5  }
0x111: {  	v2 =	vadd.f32 v2, v6;
	v6 =	vld [tilespmem:s0+$0x0]  }
0x112: {  	v9 =	vld [tilespmem:s30+$0x0]  }
.Ltmp6:
0x113: {  	[tilespmem:s0+$0xFFFFFFD0] =	vst v2;
	v2 =	vadd.f32 v1, v4;
	v1 =	vld [tilespmem:s0+$0x10];
	(pc) =	sbr.rel @p0 .LBB2_15-.Ltmp6, $4  }
0x114: {  	v3 =	vld [tilespmem:s30+$0x10]  }
0x115: {  	[tilespmem:s0+$0xFFFFFFE0] =	vst v2;
	v7 =	vadd.f32 v8, v7;
	v2 =	vld [tilespmem:s0+$0x20]  }
0x116: {  	v5 =	vld [tilespmem:s30+$0x20]  }
0x117: {  	s0 =	sadd.s32 $0x400, s0;
	v4 =	vld [tilespmem:s29+$0xFFFFFFC0];
	[tilespmem:s29+$0xFFFFFFF0] =	vst v7;
	v6 =	vadd.f32 v9, v6  }
0x118: {  	s28 =	sadd.s32 $0x1, s28  }
0x119: {  	p0 =	sne.s32 s28, $0x10  }
.Ltmp7:
0x11a: {  	v1 =	vadd.f32 v3, v1;
	(pc) =	sbr.rel @p0 .LBB2_14-.Ltmp7, $4  }
0x11b: {  	[tilespmem:s29+$0x0] =	vst v6;
	v2 =	vadd.f32 v5, v2  }
0x11c: {  	[tilespmem:s29+$0x10] =	vst v1;
	v0 =	vadd.f32 v0, v4  }
0x11d: {  	[tilespmem:s29+$0x20] =	vst v2  }
0x11e: {  	s26 =	sadd.s32 $0x400, s26;
	s25 =	sadd.s32 $0x1, s25;
	[tilespmem:s29+$0xFFFFFFC0] =	vst v0  }
0x11f: {  	s25 =	simm.s32 $0x0;
	s0 =	rddreg [dreg:$0xb]  }
0x120: {  	[hbm4b:s0+s25] =	stream.linear.scatter [tilespmem:s16], [sflag:$0x6], $0x4000, $0x38;
	[tilespmem:$0x10000] =	vst v63  }
0x121: {  	_ =	swait.ge [sflag:s22], $0x4000  }
0x122: {  	[sflag:s22] =	ssyncset.done $0x0  }
0x123: {  	s30 =	rddreg [dreg:$0xc];
	[sflag:s22] =	ssyncadd.s32 $0xFFFFC000  }
0x124: {  	[tilespmem:s16], [sflag:$0x2] =	stream.linear.gather [hbm4b:s30+s25], $0x4000, $0x38;
	[tilespmem:$0x10000] =	vst v63  }
0x125: {  	s31 =	rddreg [dreg:$0xd]  }
0x126: {  	[tilespmem:s15], [sflag:$0x3] =	stream.linear.gather [hbm4b:s31+s25], $0x4000, $0x38;
	[tilespmem:$0x10000] =	vst v63  }
0x127: {  	_ =	swait.ge [sflag:s18], $0x4000  }
0x128: {  	[sflag:s18] =	ssyncset.done $0x0  }
0x129: {  	[sflag:s18] =	ssyncadd.s32 $0xFFFFC000  }
0x12a: {  	_ =	swait.ge [sflag:s23], $0x4000  }
0x12b: {  	[sflag:s23] =	ssyncset.done $0x0  }
0x12c: {  	s26 =	simm.s32 $0x0;
	s28 =	simm.s32 $0x0;
	[sflag:s23] =	ssyncadd.s32 $0xFFFFC000  }
.LBB2_18:
0x12d: {  	s0 =	sshll.u32 s26, $0x2;
	s29 =	sand.u32 $0x7, s25  }
0x12e: {  	s0 =	sand.u32 $0xFFFF8000, s0;
	s29 =	sshll.u32 s29, $0x9  }
0x12f: {  	s0 =	sor.u32 s29, s0  }
0x130: {  	s0 =	sshrl.u32 s0, $0x2  }
0x131: {  	s29 =	sor.u32 $0x40, s0  }
0x132: {  	s30 =	sadd.s32 $0xC040, s0;
	v1 =	vld [tilespmem:s29+$0x30]  }
0x133: {  	v2 =	vld [tilespmem:s30+$0x30]  }
0x134: {  	v0 =	vld [tilespmem:s30+$0xFFFFFFC0]  }
0x135: {  	v3 =	vld [tilespmem:s29+$0xFFFFFFD0]  }
0x136: {  	v4 =	vld [tilespmem:s30+$0xFFFFFFD0]  }
0x137: {  	v5 =	vld [tilespmem:s29+$0xFFFFFFE0]  }
0x138: {  	v6 =	vld [tilespmem:s30+$0xFFFFFFE0]  }
0x139: {  	v7 =	vld [tilespmem:s29+$0xFFFFFFF0]  }
0x13a: {  	v8 =	vld [tilespmem:s30+$0xFFFFFFF0]  }
0x13b: {  	v9 =	vld [tilespmem:s29+$0x0]  }
0x13c: {  	v10 =	vld [tilespmem:s30+$0x0];
	v2 =	vadd.f32 v2, v1  }
0x13d: {  	v4 =	vadd.f32 v4, v3;
	v1 =	vld [tilespmem:s29+$0x10]  }
0x13e: {  	v5 =	vadd.f32 v6, v5;
	v3 =	vld [tilespmem:s30+$0x10];
	[tilespmem:s29+$0x30] =	vst v2  }
0x13f: {  	v6 =	vadd.f32 v8, v7;
	[tilespmem:s29+$0xFFFFFFD0] =	vst v4;
	v2 =	vld [tilespmem:s29+$0x20]  }
0x140: {  	[tilespmem:s29+$0xFFFFFFE0] =	vst v5;
	v5 =	vld [tilespmem:s30+$0x20]  }
0x141: {  	s31 =	simm.s32 $0x0;
	s0 =	sadd.s32 $0x400, s29;
	v4 =	vld [tilespmem:s29+$0xFFFFFFC0];
	[tilespmem:s29+$0xFFFFFFF0] =	vst v6;
	v6 =	vadd.f32 v10, v9  }
.LBB2_19:
0x142: {  	v7 =	vld [tilespmem:s0+$0x30];
	s30 =	sadd.s32 $0x400, s30  }
0x143: {  	s31 =	sadd.s32 $0x8, s31;
	v8 =	vld [tilespmem:s30+$0x30];
	[tilespmem:s29+$0x0] =	vst v6;
	v1 =	vadd.f32 v3, v1  }
0x144: {  	p0 =	slt.u32 s31, $0x38;
	v3 =	vld [tilespmem:s30+$0xFFFFFFC0]  }
0x145: {  	v6 =	vld [tilespmem:s0+$0xFFFFFFD0];
	[tilespmem:s29+$0x10] =	vst v1;
	v1 =	vadd.f32 v5, v2  }
0x146: {  	v2 =	vld [tilespmem:s30+$0xFFFFFFD0];
	v9 =	vadd.f32 v0, v4  }
0x147: {  	v4 =	vld [tilespmem:s0+$0xFFFFFFE0];
	[tilespmem:s29+$0x20] =	vst v1  }
0x148: {  	v1 =	vld [tilespmem:s30+$0xFFFFFFE0];
	v5 =	vadd.f32 v8, v7;
	[tilespmem:s29+$0xFFFFFFC0] =	vst v9;
	s29 =	smov.u32 s0  }
0x149: {  	v7 =	vld [tilespmem:s0+$0xFFFFFFF0];
	v0 =	vmov v3  }
0x14a: {  	v8 =	vld [tilespmem:s30+$0xFFFFFFF0];
	[tilespmem:s0+$0x30] =	vst v5  }
0x14b: {  	v2 =	vadd.f32 v2, v6;
	v6 =	vld [tilespmem:s0+$0x0]  }
0x14c: {  	v9 =	vld [tilespmem:s30+$0x0]  }
.Ltmp8:
0x14d: {  	[tilespmem:s0+$0xFFFFFFD0] =	vst v2;
	v2 =	vadd.f32 v1, v4;
	v1 =	vld [tilespmem:s0+$0x10];
	(pc) =	sbr.rel @p0 .LBB2_19-.Ltmp8, $4  }
0x14e: {  	v3 =	vld [tilespmem:s30+$0x10]  }
0x14f: {  	[tilespmem:s0+$0xFFFFFFE0] =	vst v2;
	v7 =	vadd.f32 v8, v7;
	v2 =	vld [tilespmem:s0+$0x20]  }
0x150: {  	v5 =	vld [tilespmem:s30+$0x20]  }
0x151: {  	s0 =	sadd.s32 $0x400, s0;
	v4 =	vld [tilespmem:s29+$0xFFFFFFC0];
	[tilespmem:s29+$0xFFFFFFF0] =	vst v7;
	v6 =	vadd.f32 v9, v6  }
0x152: {  	s28 =	sadd.s32 $0x1, s28  }
0x153: {  	p0 =	sne.s32 s28, $0x10  }
.Ltmp9:
0x154: {  	v1 =	vadd.f32 v3, v1;
	(pc) =	sbr.rel @p0 .LBB2_18-.Ltmp9, $4  }
0x155: {  	[tilespmem:s29+$0x0] =	vst v6;
	v2 =	vadd.f32 v5, v2  }
0x156: {  	[tilespmem:s29+$0x10] =	vst v1;
	v0 =	vadd.f32 v0, v4  }
0x157: {  	[tilespmem:s29+$0x20] =	vst v2  }
0x158: {  	s26 =	sadd.s32 $0x400, s26;
	s25 =	sadd.s32 $0x1, s25;
	[tilespmem:s29+$0xFFFFFFC0] =	vst v0  }
0x159: {  	s25 =	simm.s32 $0x0;
	s0 =	rddreg [dreg:$0xe]  }
0x15a: {  	[hbm4b:s0+s25] =	stream.linear.scatter [tilespmem:s25], [sflag:$0x5], $0x4000, $0x38;
	[tilespmem:$0x10000] =	vst v63  }
0x15b: {  	_ =	swait.ge [sflag:s20], $0x4000  }
0x15c: {  	[sflag:s20] =	ssyncset.done $0x0  }
0x15d: {  	s31 =	rddreg [dreg:$0xf];
	[sflag:s20] =	ssyncadd.s32 $0xFFFFC000  }
0x15e: {  	[tilespmem:s25], [sflag:$0x1] =	stream.linear.gather [hbm4b:s31+s25], $0x4000, $0x38;
	[tilespmem:$0x10000] =	vst v63  }
0x15f: {  	_ =	swait.ge [sflag:s21], $0x4000  }
0x160: {  	[sflag:s21] =	ssyncset.done $0x0  }
0x161: {  	s26 =	simm.s32 $0x0;
	s28 =	simm.s32 $0x0;
	[sflag:s21] =	ssyncadd.s32 $0xFFFFC000  }
.LBB2_22:
0x162: {  	s0 =	sshll.u32 s26, $0x2;
	s29 =	sand.u32 $0x7, s25  }
0x163: {  	s0 =	sand.u32 $0xFFFF8000, s0;
	s29 =	sshll.u32 s29, $0x9  }
0x164: {  	s0 =	sor.u32 s29, s0  }
0x165: {  	s0 =	sshrl.u32 s0, $0x2  }
0x166: {  	s29 =	sadd.s32 $0x4040, s0  }
0x167: {  	s30 =	sadd.s32 $0xC040, s0;
	v1 =	vld [tilespmem:s29+$0x30]  }
0x168: {  	v2 =	vld [tilespmem:s30+$0x30]  }
0x169: {  	v0 =	vld [tilespmem:s30+$0xFFFFFFC0]  }
0x16a: {  	v3 =	vld [tilespmem:s29+$0xFFFFFFD0]  }
0x16b: {  	v4 =	vld [tilespmem:s30+$0xFFFFFFD0]  }
0x16c: {  	v5 =	vld [tilespmem:s29+$0xFFFFFFE0]  }
0x16d: {  	v6 =	vld [tilespmem:s30+$0xFFFFFFE0]  }
0x16e: {  	v7 =	vld [tilespmem:s29+$0xFFFFFFF0]  }
0x16f: {  	v8 =	vld [tilespmem:s30+$0xFFFFFFF0]  }
0x170: {  	v9 =	vld [tilespmem:s29+$0x0]  }
0x171: {  	v10 =	vld [tilespmem:s30+$0x0];
	v2 =	vadd.f32 v2, v1  }
0x172: {  	v4 =	vadd.f32 v4, v3;
	v1 =	vld [tilespmem:s29+$0x10]  }
0x173: {  	v5 =	vadd.f32 v6, v5;
	v3 =	vld [tilespmem:s30+$0x10];
	[tilespmem:s29+$0x30] =	vst v2  }
0x174: {  	v6 =	vadd.f32 v8, v7;
	[tilespmem:s29+$0xFFFFFFD0] =	vst v4;
	v2 =	vld [tilespmem:s29+$0x20]  }
0x175: {  	[tilespmem:s29+$0xFFFFFFE0] =	vst v5;
	v5 =	vld [tilespmem:s30+$0x20]  }
0x176: {  	s31 =	simm.s32 $0x0;
	s0 =	sadd.s32 $0x400, s29;
	v4 =	vld [tilespmem:s29+$0xFFFFFFC0];
	[tilespmem:s29+$0xFFFFFFF0] =	vst v6;
	v6 =	vadd.f32 v10, v9  }
.LBB2_23:
0x177: {  	v7 =	vld [tilespmem:s0+$0x30];
	s30 =	sadd.s32 $0x400, s30  }
0x178: {  	s31 =	sadd.s32 $0x8, s31;
	v8 =	vld [tilespmem:s30+$0x30];
	[tilespmem:s29+$0x0] =	vst v6;
	v1 =	vadd.f32 v3, v1  }
0x179: {  	p0 =	slt.u32 s31, $0x38;
	v3 =	vld [tilespmem:s30+$0xFFFFFFC0]  }
0x17a: {  	v6 =	vld [tilespmem:s0+$0xFFFFFFD0];
	[tilespmem:s29+$0x10] =	vst v1;
	v1 =	vadd.f32 v5, v2  }
0x17b: {  	v2 =	vld [tilespmem:s30+$0xFFFFFFD0];
	v9 =	vadd.f32 v0, v4  }
0x17c: {  	v4 =	vld [tilespmem:s0+$0xFFFFFFE0];
	[tilespmem:s29+$0x20] =	vst v1  }
0x17d: {  	v1 =	vld [tilespmem:s30+$0xFFFFFFE0];
	v5 =	vadd.f32 v8, v7;
	[tilespmem:s29+$0xFFFFFFC0] =	vst v9;
	s29 =	smov.u32 s0  }
0x17e: {  	v7 =	vld [tilespmem:s0+$0xFFFFFFF0];
	v0 =	vmov v3  }
0x17f: {  	v8 =	vld [tilespmem:s30+$0xFFFFFFF0];
	[tilespmem:s0+$0x30] =	vst v5  }
0x180: {  	v2 =	vadd.f32 v2, v6;
	v6 =	vld [tilespmem:s0+$0x0]  }
0x181: {  	v9 =	vld [tilespmem:s30+$0x0]  }
.Ltmp10:
0x182: {  	[tilespmem:s0+$0xFFFFFFD0] =	vst v2;
	v2 =	vadd.f32 v1, v4;
	v1 =	vld [tilespmem:s0+$0x10];
	(pc) =	sbr.rel @p0 .LBB2_23-.Ltmp10, $4  }
0x183: {  	v3 =	vld [tilespmem:s30+$0x10]  }
0x184: {  	[tilespmem:s0+$0xFFFFFFE0] =	vst v2;
	v7 =	vadd.f32 v8, v7;
	v2 =	vld [tilespmem:s0+$0x20]  }
0x185: {  	v5 =	vld [tilespmem:s30+$0x20]  }
0x186: {  	s0 =	sadd.s32 $0x400, s0;
	v4 =	vld [tilespmem:s29+$0xFFFFFFC0];
	[tilespmem:s29+$0xFFFFFFF0] =	vst v7;
	v6 =	vadd.f32 v9, v6  }
0x187: {  	s28 =	sadd.s32 $0x1, s28  }
0x188: {  	p0 =	sne.s32 s28, $0x10  }
.Ltmp11:
0x189: {  	v1 =	vadd.f32 v3, v1;
	(pc) =	sbr.rel @p0 .LBB2_22-.Ltmp11, $4  }
0x18a: {  	[tilespmem:s29+$0x0] =	vst v6;
	v2 =	vadd.f32 v5, v2  }
0x18b: {  	[tilespmem:s29+$0x10] =	vst v1;
	v0 =	vadd.f32 v0, v4  }
0x18c: {  	[tilespmem:s29+$0x20] =	vst v2  }
0x18d: {  	s26 =	sadd.s32 $0x400, s26;
	s25 =	sadd.s32 $0x1, s25;
	[tilespmem:s29+$0xFFFFFFC0] =	vst v0  }
0x18e: {  	s25 =	simm.s32 $0x0;
	s0 =	rddreg [dreg:$0x10]  }
0x18f: {  	[hbm4b:s0+s25] =	stream.linear.scatter [tilespmem:s16], [sflag:$0x6], $0x4000, $0x38;
	[tilespmem:$0x10000] =	vst v63  }
0x190: {  	_ =	swait.ge [sflag:s22], $0x4000  }
0x191: {  	[sflag:s22] =	ssyncset.done $0x0  }
0x192: {  	s31 =	rddreg [dreg:$0x11];
	[sflag:s22] =	ssyncadd.s32 $0xFFFFC000  }
0x193: {  	[tilespmem:s16], [sflag:$0x2] =	stream.linear.gather [hbm4b:s31+s25], $0x4000, $0x38;
	[tilespmem:$0x10000] =	vst v63  }
0x194: {  	_ =	swait.ge [sflag:s18], $0x4000  }
0x195: {  	[sflag:s18] =	ssyncset.done $0x0  }
0x196: {  	s26 =	simm.s32 $0x0;
	s28 =	simm.s32 $0x0;
	[sflag:s18] =	ssyncadd.s32 $0xFFFFC000  }
.LBB2_26:
0x197: {  	s0 =	sshll.u32 s26, $0x2;
	s29 =	sand.u32 $0x7, s25  }
0x198: {  	s0 =	sand.u32 $0xFFFF8000, s0;
	s29 =	sshll.u32 s29, $0x9  }
0x199: {  	s0 =	sor.u32 s29, s0  }
0x19a: {  	s0 =	sshrl.u32 s0, $0x2  }
0x19b: {  	s29 =	sor.u32 $0x40, s0  }
0x19c: {  	s30 =	sadd.s32 $0xC040, s0;
	v1 =	vld [tilespmem:s29+$0x30]  }
0x19d: {  	v2 =	vld [tilespmem:s30+$0x30]  }
0x19e: {  	v0 =	vld [tilespmem:s30+$0xFFFFFFC0]  }
0x19f: {  	v3 =	vld [tilespmem:s29+$0xFFFFFFD0]  }
0x1a0: {  	v4 =	vld [tilespmem:s30+$0xFFFFFFD0]  }
0x1a1: {  	v5 =	vld [tilespmem:s29+$0xFFFFFFE0]  }
0x1a2: {  	v6 =	vld [tilespmem:s30+$0xFFFFFFE0]  }
0x1a3: {  	v7 =	vld [tilespmem:s29+$0xFFFFFFF0]  }
0x1a4: {  	v8 =	vld [tilespmem:s30+$0xFFFFFFF0]  }
0x1a5: {  	v9 =	vld [tilespmem:s29+$0x0]  }
0x1a6: {  	v10 =	vld [tilespmem:s30+$0x0];
	v2 =	vadd.f32 v2, v1  }
0x1a7: {  	v4 =	vadd.f32 v4, v3;
	v1 =	vld [tilespmem:s29+$0x10]  }
0x1a8: {  	v5 =	vadd.f32 v6, v5;
	v3 =	vld [tilespmem:s30+$0x10];
	[tilespmem:s29+$0x30] =	vst v2  }
0x1a9: {  	v6 =	vadd.f32 v8, v7;
	[tilespmem:s29+$0xFFFFFFD0] =	vst v4;
	v2 =	vld [tilespmem:s29+$0x20]  }
0x1aa: {  	[tilespmem:s29+$0xFFFFFFE0] =	vst v5;
	v5 =	vld [tilespmem:s30+$0x20]  }
0x1ab: {  	s31 =	simm.s32 $0x0;
	s0 =	sadd.s32 $0x400, s29;
	v4 =	vld [tilespmem:s29+$0xFFFFFFC0];
	[tilespmem:s29+$0xFFFFFFF0] =	vst v6;
	v6 =	vadd.f32 v10, v9  }
.LBB2_27:
0x1ac: {  	v7 =	vld [tilespmem:s0+$0x30];
	s30 =	sadd.s32 $0x400, s30  }
0x1ad: {  	s31 =	sadd.s32 $0x8, s31;
	v8 =	vld [tilespmem:s30+$0x30];
	[tilespmem:s29+$0x0] =	vst v6;
	v1 =	vadd.f32 v3, v1  }
0x1ae: {  	p0 =	slt.u32 s31, $0x38;
	v3 =	vld [tilespmem:s30+$0xFFFFFFC0]  }
0x1af: {  	v6 =	vld [tilespmem:s0+$0xFFFFFFD0];
	[tilespmem:s29+$0x10] =	vst v1;
	v1 =	vadd.f32 v5, v2  }
0x1b0: {  	v2 =	vld [tilespmem:s30+$0xFFFFFFD0];
	v9 =	vadd.f32 v0, v4  }
0x1b1: {  	v4 =	vld [tilespmem:s0+$0xFFFFFFE0];
	[tilespmem:s29+$0x20] =	vst v1  }
0x1b2: {  	v1 =	vld [tilespmem:s30+$0xFFFFFFE0];
	v5 =	vadd.f32 v8, v7;
	[tilespmem:s29+$0xFFFFFFC0] =	vst v9;
	s29 =	smov.u32 s0  }
0x1b3: {  	v7 =	vld [tilespmem:s0+$0xFFFFFFF0];
	v0 =	vmov v3  }
0x1b4: {  	v8 =	vld [tilespmem:s30+$0xFFFFFFF0];
	[tilespmem:s0+$0x30] =	vst v5  }
0x1b5: {  	v2 =	vadd.f32 v2, v6;
	v6 =	vld [tilespmem:s0+$0x0]  }
0x1b6: {  	v9 =	vld [tilespmem:s30+$0x0]  }
.Ltmp12:
0x1b7: {  	[tilespmem:s0+$0xFFFFFFD0] =	vst v2;
	v2 =	vadd.f32 v1, v4;
	v1 =	vld [tilespmem:s0+$0x10];
	(pc) =	sbr.rel @p0 .LBB2_27-.Ltmp12, $4  }
0x1b8: {  	v3 =	vld [tilespmem:s30+$0x10]  }
0x1b9: {  	[tilespmem:s0+$0xFFFFFFE0] =	vst v2;
	v7 =	vadd.f32 v8, v7;
	v2 =	vld [tilespmem:s0+$0x20]  }
0x1ba: {  	v5 =	vld [tilespmem:s30+$0x20]  }
0x1bb: {  	s0 =	sadd.s32 $0x400, s0;
	v4 =	vld [tilespmem:s29+$0xFFFFFFC0];
	[tilespmem:s29+$0xFFFFFFF0] =	vst v7;
	v6 =	vadd.f32 v9, v6  }
0x1bc: {  	s28 =	sadd.s32 $0x1, s28  }
0x1bd: {  	p0 =	sne.s32 s28, $0x10  }
.Ltmp13:
0x1be: {  	v1 =	vadd.f32 v3, v1;
	(pc) =	sbr.rel @p0 .LBB2_26-.Ltmp13, $4  }
0x1bf: {  	[tilespmem:s29+$0x0] =	vst v6;
	v2 =	vadd.f32 v5, v2  }
0x1c0: {  	[tilespmem:s29+$0x10] =	vst v1;
	v0 =	vadd.f32 v0, v4  }
0x1c1: {  	[tilespmem:s29+$0x20] =	vst v2  }
0x1c2: {  	s26 =	sadd.s32 $0x400, s26;
	s25 =	sadd.s32 $0x1, s25;
	[tilespmem:s29+$0xFFFFFFC0] =	vst v0  }
0x1c3: {  	s25 =	simm.s32 $0x0;
	s0 =	rddreg [dreg:$0x12]  }
0x1c4: {  	[hbm4b:s0+s25] =	stream.linear.scatter [tilespmem:s25], [sflag:$0x5], $0x4000, $0x38;
	[tilespmem:$0x10000] =	vst v63  }
0x1c5: {  	_ =	swait.ge [sflag:s20], $0x4000  }
0x1c6: {  	[sflag:s20] =	ssyncset.done $0x0  }
0x1c7: {  	s31 =	rddreg [dreg:$0x13];
	[sflag:s20] =	ssyncadd.s32 $0xFFFFC000  }
0x1c8: {  	[tilespmem:s25], [sflag:$0x1] =	stream.linear.gather [hbm4b:s31+s25], $0x4000, $0x38;
	[tilespmem:$0x10000] =	vst v63  }
0x1c9: {  	_ =	swait.ge [sflag:s21], $0x4000  }
0x1ca: {  	[sflag:s21] =	ssyncset.done $0x0  }
0x1cb: {  	s26 =	simm.s32 $0x0;
	s28 =	simm.s32 $0x0;
	[sflag:s21] =	ssyncadd.s32 $0xFFFFC000  }
.LBB2_30:
0x1cc: {  	s0 =	sshll.u32 s26, $0x2;
	s29 =	sand.u32 $0x7, s25  }
0x1cd: {  	s0 =	sand.u32 $0xFFFF8000, s0;
	s29 =	sshll.u32 s29, $0x9  }
0x1ce: {  	s0 =	sor.u32 s29, s0  }
0x1cf: {  	s0 =	sshrl.u32 s0, $0x2  }
0x1d0: {  	s29 =	sadd.s32 $0x4040, s0  }
0x1d1: {  	s30 =	sadd.s32 $0xC040, s0;
	v1 =	vld [tilespmem:s29+$0x30]  }
0x1d2: {  	v2 =	vld [tilespmem:s30+$0x30]  }
0x1d3: {  	v0 =	vld [tilespmem:s30+$0xFFFFFFC0]  }
0x1d4: {  	v3 =	vld [tilespmem:s29+$0xFFFFFFD0]  }
0x1d5: {  	v4 =	vld [tilespmem:s30+$0xFFFFFFD0]  }
0x1d6: {  	v5 =	vld [tilespmem:s29+$0xFFFFFFE0]  }
0x1d7: {  	v6 =	vld [tilespmem:s30+$0xFFFFFFE0]  }
0x1d8: {  	v7 =	vld [tilespmem:s29+$0xFFFFFFF0]  }
0x1d9: {  	v8 =	vld [tilespmem:s30+$0xFFFFFFF0]  }
0x1da: {  	v9 =	vld [tilespmem:s29+$0x0]  }
0x1db: {  	v10 =	vld [tilespmem:s30+$0x0];
	v2 =	vadd.f32 v2, v1  }
0x1dc: {  	v4 =	vadd.f32 v4, v3;
	v1 =	vld [tilespmem:s29+$0x10]  }
0x1dd: {  	v5 =	vadd.f32 v6, v5;
	v3 =	vld [tilespmem:s30+$0x10];
	[tilespmem:s29+$0x30] =	vst v2  }
0x1de: {  	v6 =	vadd.f32 v8, v7;
	[tilespmem:s29+$0xFFFFFFD0] =	vst v4;
	v2 =	vld [tilespmem:s29+$0x20]  }
0x1df: {  	[tilespmem:s29+$0xFFFFFFE0] =	vst v5;
	v5 =	vld [tilespmem:s30+$0x20]  }
0x1e0: {  	s31 =	simm.s32 $0x0;
	s0 =	sadd.s32 $0x400, s29;
	v4 =	vld [tilespmem:s29+$0xFFFFFFC0];
	[tilespmem:s29+$0xFFFFFFF0] =	vst v6;
	v6 =	vadd.f32 v10, v9  }
.LBB2_31:
0x1e1: {  	v7 =	vld [tilespmem:s0+$0x30];
	s30 =	sadd.s32 $0x400, s30  }
0x1e2: {  	s31 =	sadd.s32 $0x8, s31;
	v8 =	vld [tilespmem:s30+$0x30];
	[tilespmem:s29+$0x0] =	vst v6;
	v1 =	vadd.f32 v3, v1  }
0x1e3: {  	p0 =	slt.u32 s31, $0x38;
	v3 =	vld [tilespmem:s30+$0xFFFFFFC0]  }
0x1e4: {  	v6 =	vld [tilespmem:s0+$0xFFFFFFD0];
	[tilespmem:s29+$0x10] =	vst v1;
	v1 =	vadd.f32 v5, v2  }
0x1e5: {  	v2 =	vld [tilespmem:s30+$0xFFFFFFD0];
	v9 =	vadd.f32 v0, v4  }
0x1e6: {  	v4 =	vld [tilespmem:s0+$0xFFFFFFE0];
	[tilespmem:s29+$0x20] =	vst v1  }
0x1e7: {  	v1 =	vld [tilespmem:s30+$0xFFFFFFE0];
	v5 =	vadd.f32 v8, v7;
	[tilespmem:s29+$0xFFFFFFC0] =	vst v9;
	s29 =	smov.u32 s0  }
0x1e8: {  	v7 =	vld [tilespmem:s0+$0xFFFFFFF0];
	v0 =	vmov v3  }
0x1e9: {  	v8 =	vld [tilespmem:s30+$0xFFFFFFF0];
	[tilespmem:s0+$0x30] =	vst v5  }
0x1ea: {  	v2 =	vadd.f32 v2, v6;
	v6 =	vld [tilespmem:s0+$0x0]  }
0x1eb: {  	v9 =	vld [tilespmem:s30+$0x0]  }
.Ltmp14:
0x1ec: {  	[tilespmem:s0+$0xFFFFFFD0] =	vst v2;
	v2 =	vadd.f32 v1, v4;
	v1 =	vld [tilespmem:s0+$0x10];
	(pc) =	sbr.rel @p0 .LBB2_31-.Ltmp14, $4  }
0x1ed: {  	v3 =	vld [tilespmem:s30+$0x10]  }
0x1ee: {  	[tilespmem:s0+$0xFFFFFFE0] =	vst v2;
	v7 =	vadd.f32 v8, v7;
	v2 =	vld [tilespmem:s0+$0x20]  }
0x1ef: {  	v5 =	vld [tilespmem:s30+$0x20]  }
0x1f0: {  	s0 =	sadd.s32 $0x400, s0;
	v4 =	vld [tilespmem:s29+$0xFFFFFFC0];
	[tilespmem:s29+$0xFFFFFFF0] =	vst v7;
	v6 =	vadd.f32 v9, v6  }
0x1f1: {  	s28 =	sadd.s32 $0x1, s28  }
0x1f2: {  	p0 =	sne.s32 s28, $0x10  }
.Ltmp15:
0x1f3: {  	v1 =	vadd.f32 v3, v1;
	(pc) =	sbr.rel @p0 .LBB2_30-.Ltmp15, $4  }
0x1f4: {  	[tilespmem:s29+$0x0] =	vst v6;
	v2 =	vadd.f32 v5, v2  }
0x1f5: {  	[tilespmem:s29+$0x10] =	vst v1;
	v0 =	vadd.f32 v0, v4  }
0x1f6: {  	[tilespmem:s29+$0x20] =	vst v2  }
0x1f7: {  	s26 =	sadd.s32 $0x400, s26;
	s25 =	sadd.s32 $0x1, s25;
	[tilespmem:s29+$0xFFFFFFC0] =	vst v0  }
0x1f8: {  	s25 =	simm.s32 $0x0;
	s0 =	rddreg [dreg:$0x14]  }
0x1f9: {  	[hbm4b:s0+s25] =	stream.linear.scatter [tilespmem:s16], [sflag:$0x6], $0x4000, $0x38;
	[tilespmem:$0x10000] =	vst v63  }
0x1fa: {  	_ =	swait.ge [sflag:s22], $0x4000  }
0x1fb: {  	[sflag:s22] =	ssyncset.done $0x0  }
0x1fc: {  	s30 =	rddreg [dreg:$0x16];
	[sflag:s22] =	ssyncadd.s32 $0xFFFFC000  }
0x1fd: {  	[tilespmem:s16], [sflag:$0x2] =	stream.linear.gather [hbm4b:s30+s25], $0x4000, $0x38;
	[tilespmem:$0x10000] =	vst v63  }
0x1fe: {  	s31 =	rddreg [dreg:$0x1c]  }
0x1ff: {  	[tilespmem:s17], [sflag:$0x4] =	stream.linear.gather [hbm4b:s31+s25], $0x4000, $0x38;
	[tilespmem:$0x10000] =	vst v63  }
0x200: {  	_ =	swait.ge [sflag:s18], $0x4000  }
0x201: {  	[sflag:s18] =	ssyncset.done $0x0  }
0x202: {  	[sflag:s18] =	ssyncadd.s32 $0xFFFFC000  }
0x203: {  	_ =	swait.ge [sflag:s19], $0x4000  }
0x204: {  	[sflag:s19] =	ssyncset.done $0x0  }
0x205: {  	s26 =	simm.s32 $0x0;
	s28 =	simm.s32 $0x0;
	[sflag:s19] =	ssyncadd.s32 $0xFFFFC000  }
.LBB2_34:
0x206: {  	s0 =	sshll.u32 s26, $0x2;
	s29 =	sand.u32 $0x7, s25  }
0x207: {  	s0 =	sand.u32 $0xFFFF8000, s0;
	s29 =	sshll.u32 s29, $0x9  }
0x208: {  	s0 =	sor.u32 s29, s0  }
0x209: {  	s0 =	sshrl.u32 s0, $0x2  }
0x20a: {  	s29 =	sor.u32 $0x40, s0  }
0x20b: {  	s30 =	sadd.s32 $0x8040, s0;
	v1 =	vld [tilespmem:s29+$0x30]  }
0x20c: {  	v2 =	vld [tilespmem:s30+$0x30]  }
0x20d: {  	v0 =	vld [tilespmem:s30+$0xFFFFFFC0]  }
0x20e: {  	v3 =	vld [tilespmem:s29+$0xFFFFFFD0]  }
0x20f: {  	v4 =	vld [tilespmem:s30+$0xFFFFFFD0]  }
0x210: {  	v5 =	vld [tilespmem:s29+$0xFFFFFFE0]  }
0x211: {  	v6 =	vld [tilespmem:s30+$0xFFFFFFE0]  }
0x212: {  	v7 =	vld [tilespmem:s29+$0xFFFFFFF0]  }
0x213: {  	v8 =	vld [tilespmem:s30+$0xFFFFFFF0]  }
0x214: {  	v9 =	vld [tilespmem:s29+$0x0]  }
0x215: {  	v10 =	vld [tilespmem:s30+$0x0];
	v2 =	vadd.f32 v2, v1  }
0x216: {  	v4 =	vadd.f32 v4, v3;
	v1 =	vld [tilespmem:s29+$0x10]  }
0x217: {  	v5 =	vadd.f32 v6, v5;
	v3 =	vld [tilespmem:s30+$0x10];
	[tilespmem:s29+$0x30] =	vst v2  }
0x218: {  	v6 =	vadd.f32 v8, v7;
	[tilespmem:s29+$0xFFFFFFD0] =	vst v4;
	v2 =	vld [tilespmem:s29+$0x20]  }
0x219: {  	[tilespmem:s29+$0xFFFFFFE0] =	vst v5;
	v5 =	vld [tilespmem:s30+$0x20]  }
0x21a: {  	s31 =	simm.s32 $0x0;
	s0 =	sadd.s32 $0x400, s29;
	v4 =	vld [tilespmem:s29+$0xFFFFFFC0];
	[tilespmem:s29+$0xFFFFFFF0] =	vst v6;
	v6 =	vadd.f32 v10, v9  }
.LBB2_35:
0x21b: {  	v7 =	vld [tilespmem:s0+$0x30];
	s30 =	sadd.s32 $0x400, s30  }
0x21c: {  	s31 =	sadd.s32 $0x8, s31;
	v8 =	vld [tilespmem:s30+$0x30];
	[tilespmem:s29+$0x0] =	vst v6;
	v1 =	vadd.f32 v3, v1  }
0x21d: {  	p0 =	slt.u32 s31, $0x38;
	v3 =	vld [tilespmem:s30+$0xFFFFFFC0]  }
0x21e: {  	v6 =	vld [tilespmem:s0+$0xFFFFFFD0];
	[tilespmem:s29+$0x10] =	vst v1;
	v1 =	vadd.f32 v5, v2  }
0x21f: {  	v2 =	vld [tilespmem:s30+$0xFFFFFFD0];
	v9 =	vadd.f32 v0, v4  }
0x220: {  	v4 =	vld [tilespmem:s0+$0xFFFFFFE0];
	[tilespmem:s29+$0x20] =	vst v1  }
0x221: {  	v1 =	vld [tilespmem:s30+$0xFFFFFFE0];
	v5 =	vadd.f32 v8, v7;
	[tilespmem:s29+$0xFFFFFFC0] =	vst v9;
	s29 =	smov.u32 s0  }
0x222: {  	v7 =	vld [tilespmem:s0+$0xFFFFFFF0];
	v0 =	vmov v3  }
0x223: {  	v8 =	vld [tilespmem:s30+$0xFFFFFFF0];
	[tilespmem:s0+$0x30] =	vst v5  }
0x224: {  	v2 =	vadd.f32 v2, v6;
	v6 =	vld [tilespmem:s0+$0x0]  }
0x225: {  	v9 =	vld [tilespmem:s30+$0x0]  }
.Ltmp16:
0x226: {  	[tilespmem:s0+$0xFFFFFFD0] =	vst v2;
	v2 =	vadd.f32 v1, v4;
	v1 =	vld [tilespmem:s0+$0x10];
	(pc) =	sbr.rel @p0 .LBB2_35-.Ltmp16, $4  }
0x227: {  	v3 =	vld [tilespmem:s30+$0x10]  }
0x228: {  	[tilespmem:s0+$0xFFFFFFE0] =	vst v2;
	v7 =	vadd.f32 v8, v7;
	v2 =	vld [tilespmem:s0+$0x20]  }
0x229: {  	v5 =	vld [tilespmem:s30+$0x20]  }
0x22a: {  	s0 =	sadd.s32 $0x400, s0;
	v4 =	vld [tilespmem:s29+$0xFFFFFFC0];
	[tilespmem:s29+$0xFFFFFFF0] =	vst v7;
	v6 =	vadd.f32 v9, v6  }
0x22b: {  	s28 =	sadd.s32 $0x1, s28  }
0x22c: {  	p0 =	sne.s32 s28, $0x10  }
.Ltmp17:
0x22d: {  	v1 =	vadd.f32 v3, v1;
	(pc) =	sbr.rel @p0 .LBB2_34-.Ltmp17, $4  }
0x22e: {  	[tilespmem:s29+$0x0] =	vst v6;
	v2 =	vadd.f32 v5, v2  }
0x22f: {  	[tilespmem:s29+$0x10] =	vst v1;
	v0 =	vadd.f32 v0, v4  }
0x230: {  	[tilespmem:s29+$0x20] =	vst v2  }
0x231: {  	s26 =	sadd.s32 $0x400, s26;
	s25 =	sadd.s32 $0x1, s25;
	[tilespmem:s29+$0xFFFFFFC0] =	vst v0  }
0x232: {  	s25 =	simm.s32 $0x0;
	s0 =	rddreg [dreg:$0x15]  }
0x233: {  	[hbm4b:s0+s25] =	stream.linear.scatter [tilespmem:s25], [sflag:$0x5], $0x4000, $0x38;
	[tilespmem:$0x10000] =	vst v63  }
0x234: {  	_ =	swait.ge [sflag:s20], $0x4000  }
0x235: {  	[sflag:s20] =	ssyncset.done $0x0  }
0x236: {  	s31 =	rddreg [dreg:$0x18];
	[sflag:s20] =	ssyncadd.s32 $0xFFFFC000  }
0x237: {  	[tilespmem:s25], [sflag:$0x1] =	stream.linear.gather [hbm4b:s31+s25], $0x4000, $0x38;
	[tilespmem:$0x10000] =	vst v63  }
0x238: {  	_ =	swait.ge [sflag:s21], $0x4000  }
0x239: {  	[sflag:s21] =	ssyncset.done $0x0  }
0x23a: {  	s26 =	simm.s32 $0x0;
	s28 =	simm.s32 $0x0;
	[sflag:s21] =	ssyncadd.s32 $0xFFFFC000  }
.LBB2_38:
0x23b: {  	s0 =	sshll.u32 s26, $0x2;
	s29 =	sand.u32 $0x7, s25  }
0x23c: {  	s0 =	sand.u32 $0xFFFF8000, s0;
	s29 =	sshll.u32 s29, $0x9  }
0x23d: {  	s0 =	sor.u32 s29, s0  }
0x23e: {  	s0 =	sshrl.u32 s0, $0x2  }
0x23f: {  	s29 =	sadd.s32 $0x4040, s0  }
0x240: {  	s30 =	sadd.s32 $0x8040, s0;
	v1 =	vld [tilespmem:s29+$0x30]  }
0x241: {  	v2 =	vld [tilespmem:s30+$0x30]  }
0x242: {  	v0 =	vld [tilespmem:s30+$0xFFFFFFC0]  }
0x243: {  	v3 =	vld [tilespmem:s29+$0xFFFFFFD0]  }
0x244: {  	v4 =	vld [tilespmem:s30+$0xFFFFFFD0]  }
0x245: {  	v5 =	vld [tilespmem:s29+$0xFFFFFFE0]  }
0x246: {  	v6 =	vld [tilespmem:s30+$0xFFFFFFE0]  }
0x247: {  	v7 =	vld [tilespmem:s29+$0xFFFFFFF0]  }
0x248: {  	v8 =	vld [tilespmem:s30+$0xFFFFFFF0]  }
0x249: {  	v9 =	vld [tilespmem:s29+$0x0]  }
0x24a: {  	v10 =	vld [tilespmem:s30+$0x0];
	v2 =	vadd.f32 v2, v1  }
0x24b: {  	v4 =	vadd.f32 v4, v3;
	v1 =	vld [tilespmem:s29+$0x10]  }
0x24c: {  	v5 =	vadd.f32 v6, v5;
	v3 =	vld [tilespmem:s30+$0x10];
	[tilespmem:s29+$0x30] =	vst v2  }
0x24d: {  	v6 =	vadd.f32 v8, v7;
	[tilespmem:s29+$0xFFFFFFD0] =	vst v4;
	v2 =	vld [tilespmem:s29+$0x20]  }
0x24e: {  	[tilespmem:s29+$0xFFFFFFE0] =	vst v5;
	v5 =	vld [tilespmem:s30+$0x20]  }
0x24f: {  	s31 =	simm.s32 $0x0;
	s0 =	sadd.s32 $0x400, s29;
	v4 =	vld [tilespmem:s29+$0xFFFFFFC0];
	[tilespmem:s29+$0xFFFFFFF0] =	vst v6;
	v6 =	vadd.f32 v10, v9  }
.LBB2_39:
0x250: {  	v7 =	vld [tilespmem:s0+$0x30];
	s30 =	sadd.s32 $0x400, s30  }
0x251: {  	s31 =	sadd.s32 $0x8, s31;
	v8 =	vld [tilespmem:s30+$0x30];
	[tilespmem:s29+$0x0] =	vst v6;
	v1 =	vadd.f32 v3, v1  }
0x252: {  	p0 =	slt.u32 s31, $0x38;
	v3 =	vld [tilespmem:s30+$0xFFFFFFC0]  }
0x253: {  	v6 =	vld [tilespmem:s0+$0xFFFFFFD0];
	[tilespmem:s29+$0x10] =	vst v1;
	v1 =	vadd.f32 v5, v2  }
0x254: {  	v2 =	vld [tilespmem:s30+$0xFFFFFFD0];
	v9 =	vadd.f32 v0, v4  }
0x255: {  	v4 =	vld [tilespmem:s0+$0xFFFFFFE0];
	[tilespmem:s29+$0x20] =	vst v1  }
0x256: {  	v1 =	vld [tilespmem:s30+$0xFFFFFFE0];
	v5 =	vadd.f32 v8, v7;
	[tilespmem:s29+$0xFFFFFFC0] =	vst v9;
	s29 =	smov.u32 s0  }
0x257: {  	v7 =	vld [tilespmem:s0+$0xFFFFFFF0];
	v0 =	vmov v3  }
0x258: {  	v8 =	vld [tilespmem:s30+$0xFFFFFFF0];
	[tilespmem:s0+$0x30] =	vst v5  }
0x259: {  	v2 =	vadd.f32 v2, v6;
	v6 =	vld [tilespmem:s0+$0x0]  }
0x25a: {  	v9 =	vld [tilespmem:s30+$0x0]  }
.Ltmp18:
0x25b: {  	[tilespmem:s0+$0xFFFFFFD0] =	vst v2;
	v2 =	vadd.f32 v1, v4;
	v1 =	vld [tilespmem:s0+$0x10];
	(pc) =	sbr.rel @p0 .LBB2_39-.Ltmp18, $4  }
0x25c: {  	v3 =	vld [tilespmem:s30+$0x10]  }
0x25d: {  	[tilespmem:s0+$0xFFFFFFE0] =	vst v2;
	v7 =	vadd.f32 v8, v7;
	v2 =	vld [tilespmem:s0+$0x20]  }
0x25e: {  	v5 =	vld [tilespmem:s30+$0x20]  }
0x25f: {  	s0 =	sadd.s32 $0x400, s0;
	v4 =	vld [tilespmem:s29+$0xFFFFFFC0];
	[tilespmem:s29+$0xFFFFFFF0] =	vst v7;
	v6 =	vadd.f32 v9, v6  }
0x260: {  	s28 =	sadd.s32 $0x1, s28  }
0x261: {  	p0 =	sne.s32 s28, $0x10  }
.Ltmp19:
0x262: {  	v1 =	vadd.f32 v3, v1;
	(pc) =	sbr.rel @p0 .LBB2_38-.Ltmp19, $4  }
0x263: {  	[tilespmem:s29+$0x0] =	vst v6;
	v2 =	vadd.f32 v5, v2  }
0x264: {  	[tilespmem:s29+$0x10] =	vst v1;
	v0 =	vadd.f32 v0, v4  }
0x265: {  	[tilespmem:s29+$0x20] =	vst v2  }
0x266: {  	s26 =	sadd.s32 $0x400, s26;
	s25 =	sadd.s32 $0x1, s25;
	[tilespmem:s29+$0xFFFFFFC0] =	vst v0  }
0x267: {  	s25 =	simm.s32 $0x0;
	s0 =	rddreg [dreg:$0x17]  }
0x268: {  	[hbm4b:s0+s25] =	stream.linear.scatter [tilespmem:s16], [sflag:$0x6], $0x4000, $0x38;
	[tilespmem:$0x10000] =	vst v63  }
0x269: {  	_ =	swait.ge [sflag:s22], $0x4000  }
0x26a: {  	[sflag:s22] =	ssyncset.done $0x0  }
0x26b: {  	s31 =	rddreg [dreg:$0x1a];
	[sflag:s22] =	ssyncadd.s32 $0xFFFFC000  }
0x26c: {  	[tilespmem:s16], [sflag:$0x2] =	stream.linear.gather [hbm4b:s31+s25], $0x4000, $0x38;
	[tilespmem:$0x10000] =	vst v63  }
0x26d: {  	_ =	swait.ge [sflag:s18], $0x4000  }
0x26e: {  	[sflag:s18] =	ssyncset.done $0x0  }
0x26f: {  	s26 =	simm.s32 $0x0;
	s28 =	simm.s32 $0x0;
	[sflag:s18] =	ssyncadd.s32 $0xFFFFC000  }
.LBB2_42:
0x270: {  	s0 =	sshll.u32 s26, $0x2;
	s29 =	sand.u32 $0x7, s25  }
0x271: {  	s0 =	sand.u32 $0xFFFF8000, s0;
	s29 =	sshll.u32 s29, $0x9  }
0x272: {  	s0 =	sor.u32 s29, s0  }
0x273: {  	s0 =	sshrl.u32 s0, $0x2  }
0x274: {  	s29 =	sor.u32 $0x40, s0  }
0x275: {  	s30 =	sadd.s32 $0x8040, s0;
	v1 =	vld [tilespmem:s29+$0x30]  }
0x276: {  	v2 =	vld [tilespmem:s30+$0x30]  }
0x277: {  	v0 =	vld [tilespmem:s30+$0xFFFFFFC0]  }
0x278: {  	v3 =	vld [tilespmem:s29+$0xFFFFFFD0]  }
0x279: {  	v4 =	vld [tilespmem:s30+$0xFFFFFFD0]  }
0x27a: {  	v5 =	vld [tilespmem:s29+$0xFFFFFFE0]  }
0x27b: {  	v6 =	vld [tilespmem:s30+$0xFFFFFFE0]  }
0x27c: {  	v7 =	vld [tilespmem:s29+$0xFFFFFFF0]  }
0x27d: {  	v8 =	vld [tilespmem:s30+$0xFFFFFFF0]  }
0x27e: {  	v9 =	vld [tilespmem:s29+$0x0]  }
0x27f: {  	v10 =	vld [tilespmem:s30+$0x0];
	v2 =	vadd.f32 v2, v1  }
0x280: {  	v4 =	vadd.f32 v4, v3;
	v1 =	vld [tilespmem:s29+$0x10]  }
0x281: {  	v5 =	vadd.f32 v6, v5;
	v3 =	vld [tilespmem:s30+$0x10];
	[tilespmem:s29+$0x30] =	vst v2  }
0x282: {  	v6 =	vadd.f32 v8, v7;
	[tilespmem:s29+$0xFFFFFFD0] =	vst v4;
	v2 =	vld [tilespmem:s29+$0x20]  }
0x283: {  	[tilespmem:s29+$0xFFFFFFE0] =	vst v5;
	v5 =	vld [tilespmem:s30+$0x20]  }
0x284: {  	s31 =	simm.s32 $0x0;
	s0 =	sadd.s32 $0x400, s29;
	v4 =	vld [tilespmem:s29+$0xFFFFFFC0];
	[tilespmem:s29+$0xFFFFFFF0] =	vst v6;
	v6 =	vadd.f32 v10, v9  }
.LBB2_43:
0x285: {  	v7 =	vld [tilespmem:s0+$0x30];
	s30 =	sadd.s32 $0x400, s30  }
0x286: {  	s31 =	sadd.s32 $0x8, s31;
	v8 =	vld [tilespmem:s30+$0x30];
	[tilespmem:s29+$0x0] =	vst v6;
	v1 =	vadd.f32 v3, v1  }
0x287: {  	p0 =	slt.u32 s31, $0x38;
	v3 =	vld [tilespmem:s30+$0xFFFFFFC0]  }
0x288: {  	v6 =	vld [tilespmem:s0+$0xFFFFFFD0];
	[tilespmem:s29+$0x10] =	vst v1;
	v1 =	vadd.f32 v5, v2  }
0x289: {  	v2 =	vld [tilespmem:s30+$0xFFFFFFD0];
	v9 =	vadd.f32 v0, v4  }
0x28a: {  	v4 =	vld [tilespmem:s0+$0xFFFFFFE0];
	[tilespmem:s29+$0x20] =	vst v1  }
0x28b: {  	v1 =	vld [tilespmem:s30+$0xFFFFFFE0];
	v5 =	vadd.f32 v8, v7;
	[tilespmem:s29+$0xFFFFFFC0] =	vst v9;
	s29 =	smov.u32 s0  }
0x28c: {  	v7 =	vld [tilespmem:s0+$0xFFFFFFF0];
	v0 =	vmov v3  }
0x28d: {  	v8 =	vld [tilespmem:s30+$0xFFFFFFF0];
	[tilespmem:s0+$0x30] =	vst v5  }
0x28e: {  	v2 =	vadd.f32 v2, v6;
	v6 =	vld [tilespmem:s0+$0x0]  }
0x28f: {  	v9 =	vld [tilespmem:s30+$0x0]  }
.Ltmp20:
0x290: {  	[tilespmem:s0+$0xFFFFFFD0] =	vst v2;
	v2 =	vadd.f32 v1, v4;
	v1 =	vld [tilespmem:s0+$0x10];
	(pc) =	sbr.rel @p0 .LBB2_43-.Ltmp20, $4  }
0x291: {  	v3 =	vld [tilespmem:s30+$0x10]  }
0x292: {  	[tilespmem:s0+$0xFFFFFFE0] =	vst v2;
	v7 =	vadd.f32 v8, v7;
	v2 =	vld [tilespmem:s0+$0x20]  }
0x293: {  	v5 =	vld [tilespmem:s30+$0x20]  }
0x294: {  	s0 =	sadd.s32 $0x400, s0;
	v4 =	vld [tilespmem:s29+$0xFFFFFFC0];
	[tilespmem:s29+$0xFFFFFFF0] =	vst v7;
	v6 =	vadd.f32 v9, v6  }
0x295: {  	s28 =	sadd.s32 $0x1, s28  }
0x296: {  	p0 =	sne.s32 s28, $0x10  }
.Ltmp21:
0x297: {  	v1 =	vadd.f32 v3, v1;
	(pc) =	sbr.rel @p0 .LBB2_42-.Ltmp21, $4  }
0x298: {  	[tilespmem:s29+$0x0] =	vst v6;
	v2 =	vadd.f32 v5, v2  }
0x299: {  	[tilespmem:s29+$0x10] =	vst v1;
	v0 =	vadd.f32 v0, v4  }
0x29a: {  	[tilespmem:s29+$0x20] =	vst v2  }
0x29b: {  	s26 =	sadd.s32 $0x400, s26;
	s25 =	sadd.s32 $0x1, s25;
	[tilespmem:s29+$0xFFFFFFC0] =	vst v0  }
0x29c: {  	s25 =	simm.s32 $0x0;
	s0 =	rddreg [dreg:$0x19]  }
0x29d: {  	[hbm4b:s0+s25] =	stream.linear.scatter [tilespmem:s25], [sflag:$0x5], $0x4000, $0x38;
	[tilespmem:$0x10000] =	vst v63  }
0x29e: {  	_ =	swait.ge [sflag:s20], $0x4000  }
0x29f: {  	[sflag:s20] =	ssyncset.done $0x0  }
0x2a0: {  	s31 =	rddreg [dreg:$0x1d];
	[sflag:s20] =	ssyncadd.s32 $0xFFFFC000  }
0x2a1: {  	[tilespmem:s25], [sflag:$0x1] =	stream.linear.gather [hbm4b:s31+s25], $0x4000, $0x38;
	[tilespmem:$0x10000] =	vst v63  }
0x2a2: {  	_ =	swait.ge [sflag:s21], $0x4000  }
0x2a3: {  	[sflag:s21] =	ssyncset.done $0x0  }
0x2a4: {  	s26 =	simm.s32 $0x0;
	s28 =	simm.s32 $0x0;
	[sflag:s21] =	ssyncadd.s32 $0xFFFFC000  }
.LBB2_46:
0x2a5: {  	s0 =	sshll.u32 s26, $0x2;
	s29 =	sand.u32 $0x7, s25  }
0x2a6: {  	s0 =	sand.u32 $0xFFFF8000, s0;
	s29 =	sshll.u32 s29, $0x9  }
0x2a7: {  	s0 =	sor.u32 s29, s0  }
0x2a8: {  	s0 =	sshrl.u32 s0, $0x2  }
0x2a9: {  	s29 =	sadd.s32 $0x4040, s0  }
0x2aa: {  	s30 =	sadd.s32 $0x8040, s0;
	v1 =	vld [tilespmem:s29+$0x30]  }
0x2ab: {  	v2 =	vld [tilespmem:s30+$0x30]  }
0x2ac: {  	v0 =	vld [tilespmem:s30+$0xFFFFFFC0]  }
0x2ad: {  	v3 =	vld [tilespmem:s29+$0xFFFFFFD0]  }
0x2ae: {  	v4 =	vld [tilespmem:s30+$0xFFFFFFD0]  }
0x2af: {  	v5 =	vld [tilespmem:s29+$0xFFFFFFE0]  }
0x2b0: {  	v6 =	vld [tilespmem:s30+$0xFFFFFFE0]  }
0x2b1: {  	v7 =	vld [tilespmem:s29+$0xFFFFFFF0]  }
0x2b2: {  	v8 =	vld [tilespmem:s30+$0xFFFFFFF0]  }
0x2b3: {  	v9 =	vld [tilespmem:s29+$0x0]  }
0x2b4: {  	v10 =	vld [tilespmem:s30+$0x0];
	v2 =	vadd.f32 v2, v1  }
0x2b5: {  	v4 =	vadd.f32 v4, v3;
	v1 =	vld [tilespmem:s29+$0x10]  }
0x2b6: {  	v5 =	vadd.f32 v6, v5;
	v3 =	vld [tilespmem:s30+$0x10];
	[tilespmem:s29+$0x30] =	vst v2  }
0x2b7: {  	v6 =	vadd.f32 v8, v7;
	[tilespmem:s29+$0xFFFFFFD0] =	vst v4;
	v2 =	vld [tilespmem:s29+$0x20]  }
0x2b8: {  	[tilespmem:s29+$0xFFFFFFE0] =	vst v5;
	v5 =	vld [tilespmem:s30+$0x20]  }
0x2b9: {  	s31 =	simm.s32 $0x0;
	s0 =	sadd.s32 $0x400, s29;
	v4 =	vld [tilespmem:s29+$0xFFFFFFC0];
	[tilespmem:s29+$0xFFFFFFF0] =	vst v6;
	v6 =	vadd.f32 v10, v9  }
.LBB2_47:
0x2ba: {  	v7 =	vld [tilespmem:s0+$0x30];
	s30 =	sadd.s32 $0x400, s30  }
0x2bb: {  	s31 =	sadd.s32 $0x8, s31;
	v8 =	vld [tilespmem:s30+$0x30];
	[tilespmem:s29+$0x0] =	vst v6;
	v1 =	vadd.f32 v3, v1  }
0x2bc: {  	p0 =	slt.u32 s31, $0x38;
	v3 =	vld [tilespmem:s30+$0xFFFFFFC0]  }
0x2bd: {  	v6 =	vld [tilespmem:s0+$0xFFFFFFD0];
	[tilespmem:s29+$0x10] =	vst v1;
	v1 =	vadd.f32 v5, v2  }
0x2be: {  	v2 =	vld [tilespmem:s30+$0xFFFFFFD0];
	v9 =	vadd.f32 v0, v4  }
0x2bf: {  	v4 =	vld [tilespmem:s0+$0xFFFFFFE0];
	[tilespmem:s29+$0x20] =	vst v1  }
0x2c0: {  	v1 =	vld [tilespmem:s30+$0xFFFFFFE0];
	v5 =	vadd.f32 v8, v7;
	[tilespmem:s29+$0xFFFFFFC0] =	vst v9;
	s29 =	smov.u32 s0  }
0x2c1: {  	v7 =	vld [tilespmem:s0+$0xFFFFFFF0];
	v0 =	vmov v3  }
0x2c2: {  	v8 =	vld [tilespmem:s30+$0xFFFFFFF0];
	[tilespmem:s0+$0x30] =	vst v5  }
0x2c3: {  	v2 =	vadd.f32 v2, v6;
	v6 =	vld [tilespmem:s0+$0x0]  }
0x2c4: {  	v9 =	vld [tilespmem:s30+$0x0]  }
.Ltmp22:
0x2c5: {  	[tilespmem:s0+$0xFFFFFFD0] =	vst v2;
	v2 =	vadd.f32 v1, v4;
	v1 =	vld [tilespmem:s0+$0x10];
	(pc) =	sbr.rel @p0 .LBB2_47-.Ltmp22, $4  }
0x2c6: {  	v3 =	vld [tilespmem:s30+$0x10]  }
0x2c7: {  	[tilespmem:s0+$0xFFFFFFE0] =	vst v2;
	v7 =	vadd.f32 v8, v7;
	v2 =	vld [tilespmem:s0+$0x20]  }
0x2c8: {  	v5 =	vld [tilespmem:s30+$0x20]  }
0x2c9: {  	s0 =	sadd.s32 $0x400, s0;
	v4 =	vld [tilespmem:s29+$0xFFFFFFC0];
	[tilespmem:s29+$0xFFFFFFF0] =	vst v7;
	v6 =	vadd.f32 v9, v6  }
0x2ca: {  	s28 =	sadd.s32 $0x1, s28  }
0x2cb: {  	p0 =	sne.s32 s28, $0x10  }
.Ltmp23:
0x2cc: {  	v1 =	vadd.f32 v3, v1;
	(pc) =	sbr.rel @p0 .LBB2_46-.Ltmp23, $4  }
0x2cd: {  	[tilespmem:s29+$0x0] =	vst v6;
	v2 =	vadd.f32 v5, v2  }
0x2ce: {  	[tilespmem:s29+$0x10] =	vst v1;
	v0 =	vadd.f32 v0, v4  }
0x2cf: {  	[tilespmem:s29+$0x20] =	vst v2  }
0x2d0: {  	s26 =	sadd.s32 $0x400, s26;
	s25 =	sadd.s32 $0x1, s25;
	[tilespmem:s29+$0xFFFFFFC0] =	vst v0  }
0x2d1: {  	s25 =	simm.s32 $0x0;
	s0 =	rddreg [dreg:$0x1b]  }
0x2d2: {  	[hbm4b:s0+s25] =	stream.linear.scatter [tilespmem:s16], [sflag:$0x6], $0x4000, $0x38;
	[tilespmem:$0x10000] =	vst v63  }
0x2d3: {  	_ =	swait.ge [sflag:s22], $0x4000  }
0x2d4: {  	[sflag:s22] =	ssyncset.done $0x0;
	s30 =	rddreg [dreg:$0x1f]  }
0x2d5: {  	s31 =	sld [smem:$0x7E3];
	[sflag:s22] =	ssyncadd.s32 $0xFFFFC000  }
0x2d6: {  	[tilespmem:s16], [sflag:$0x2] =	stream.linear.gather [hbm4b:s30+s25], $0x4000, $0x38;
	[tilespmem:$0x10000] =	vst v63  }
0x2d7: {  	_ = 	snop  }
0x2d8: {  	[tilespmem:s15], [sflag:$0x3] =	stream.linear.gather [hbm4b:s31+s25], $0x4000, $0x38;
	[tilespmem:$0x10000] =	vst v63  }
0x2d9: {  	_ =	swait.ge [sflag:s18], $0x4000  }
0x2da: {  	[sflag:s18] =	ssyncset.done $0x0  }
0x2db: {  	[sflag:s18] =	ssyncadd.s32 $0xFFFFC000  }
0x2dc: {  	_ =	swait.ge [sflag:s23], $0x4000  }
0x2dd: {  	[sflag:s23] =	ssyncset.done $0x0  }
0x2de: {  	s26 =	simm.s32 $0x0;
	s28 =	simm.s32 $0x0;
	[sflag:s23] =	ssyncadd.s32 $0xFFFFC000  }
.LBB2_50:
0x2df: {  	s0 =	sshll.u32 s26, $0x2;
	s29 =	sand.u32 $0x7, s25  }
0x2e0: {  	s0 =	sand.u32 $0xFFFF8000, s0;
	s29 =	sshll.u32 s29, $0x9  }
0x2e1: {  	s0 =	sor.u32 s29, s0  }
0x2e2: {  	s0 =	sshrl.u32 s0, $0x2  }
0x2e3: {  	s29 =	sor.u32 $0x40, s0  }
0x2e4: {  	s30 =	sadd.s32 $0xC040, s0;
	v1 =	vld [tilespmem:s29+$0x30]  }
0x2e5: {  	v2 =	vld [tilespmem:s30+$0x30]  }
0x2e6: {  	v0 =	vld [tilespmem:s30+$0xFFFFFFC0]  }
0x2e7: {  	v3 =	vld [tilespmem:s29+$0xFFFFFFD0]  }
0x2e8: {  	v4 =	vld [tilespmem:s30+$0xFFFFFFD0]  }
0x2e9: {  	v5 =	vld [tilespmem:s29+$0xFFFFFFE0]  }
0x2ea: {  	v6 =	vld [tilespmem:s30+$0xFFFFFFE0]  }
0x2eb: {  	v7 =	vld [tilespmem:s29+$0xFFFFFFF0]  }
0x2ec: {  	v8 =	vld [tilespmem:s30+$0xFFFFFFF0]  }
0x2ed: {  	v9 =	vld [tilespmem:s29+$0x0]  }
0x2ee: {  	v10 =	vld [tilespmem:s30+$0x0];
	v2 =	vadd.f32 v2, v1  }
0x2ef: {  	v4 =	vadd.f32 v4, v3;
	v1 =	vld [tilespmem:s29+$0x10]  }
0x2f0: {  	v5 =	vadd.f32 v6, v5;
	v3 =	vld [tilespmem:s30+$0x10];
	[tilespmem:s29+$0x30] =	vst v2  }
0x2f1: {  	v6 =	vadd.f32 v8, v7;
	[tilespmem:s29+$0xFFFFFFD0] =	vst v4;
	v2 =	vld [tilespmem:s29+$0x20]  }
0x2f2: {  	[tilespmem:s29+$0xFFFFFFE0] =	vst v5;
	v5 =	vld [tilespmem:s30+$0x20]  }
0x2f3: {  	s31 =	simm.s32 $0x0;
	s0 =	sadd.s32 $0x400, s29;
	v4 =	vld [tilespmem:s29+$0xFFFFFFC0];
	[tilespmem:s29+$0xFFFFFFF0] =	vst v6;
	v6 =	vadd.f32 v10, v9  }
.LBB2_51:
0x2f4: {  	v7 =	vld [tilespmem:s0+$0x30];
	s30 =	sadd.s32 $0x400, s30  }
0x2f5: {  	s31 =	sadd.s32 $0x8, s31;
	v8 =	vld [tilespmem:s30+$0x30];
	[tilespmem:s29+$0x0] =	vst v6;
	v1 =	vadd.f32 v3, v1  }
0x2f6: {  	p0 =	slt.u32 s31, $0x38;
	v3 =	vld [tilespmem:s30+$0xFFFFFFC0]  }
0x2f7: {  	v6 =	vld [tilespmem:s0+$0xFFFFFFD0];
	[tilespmem:s29+$0x10] =	vst v1;
	v1 =	vadd.f32 v5, v2  }
0x2f8: {  	v2 =	vld [tilespmem:s30+$0xFFFFFFD0];
	v9 =	vadd.f32 v0, v4  }
0x2f9: {  	v4 =	vld [tilespmem:s0+$0xFFFFFFE0];
	[tilespmem:s29+$0x20] =	vst v1  }
0x2fa: {  	v1 =	vld [tilespmem:s30+$0xFFFFFFE0];
	v5 =	vadd.f32 v8, v7;
	[tilespmem:s29+$0xFFFFFFC0] =	vst v9;
	s29 =	smov.u32 s0  }
0x2fb: {  	v7 =	vld [tilespmem:s0+$0xFFFFFFF0];
	v0 =	vmov v3  }
0x2fc: {  	v8 =	vld [tilespmem:s30+$0xFFFFFFF0];
	[tilespmem:s0+$0x30] =	vst v5  }
0x2fd: {  	v2 =	vadd.f32 v2, v6;
	v6 =	vld [tilespmem:s0+$0x0]  }
0x2fe: {  	v9 =	vld [tilespmem:s30+$0x0]  }
.Ltmp24:
0x2ff: {  	[tilespmem:s0+$0xFFFFFFD0] =	vst v2;
	v2 =	vadd.f32 v1, v4;
	v1 =	vld [tilespmem:s0+$0x10];
	(pc) =	sbr.rel @p0 .LBB2_51-.Ltmp24, $4  }
0x300: {  	v3 =	vld [tilespmem:s30+$0x10]  }
0x301: {  	[tilespmem:s0+$0xFFFFFFE0] =	vst v2;
	v7 =	vadd.f32 v8, v7;
	v2 =	vld [tilespmem:s0+$0x20]  }
0x302: {  	v5 =	vld [tilespmem:s30+$0x20]  }
0x303: {  	s0 =	sadd.s32 $0x400, s0;
	v4 =	vld [tilespmem:s29+$0xFFFFFFC0];
	[tilespmem:s29+$0xFFFFFFF0] =	vst v7;
	v6 =	vadd.f32 v9, v6  }
0x304: {  	s28 =	sadd.s32 $0x1, s28  }
0x305: {  	p0 =	sne.s32 s28, $0x10  }
.Ltmp25:
0x306: {  	v1 =	vadd.f32 v3, v1;
	(pc) =	sbr.rel @p0 .LBB2_50-.Ltmp25, $4  }
0x307: {  	[tilespmem:s29+$0x0] =	vst v6;
	v2 =	vadd.f32 v5, v2  }
0x308: {  	[tilespmem:s29+$0x10] =	vst v1;
	v0 =	vadd.f32 v0, v4  }
0x309: {  	[tilespmem:s29+$0x20] =	vst v2  }
0x30a: {  	s26 =	sadd.s32 $0x400, s26;
	s25 =	sadd.s32 $0x1, s25;
	[tilespmem:s29+$0xFFFFFFC0] =	vst v0  }
0x30b: {  	s25 =	simm.s32 $0x0;
	s0 =	rddreg [dreg:$0x1e]  }
0x30c: {  	[hbm4b:s0+s25] =	stream.linear.scatter [tilespmem:s25], [sflag:$0x5], $0x4000, $0x38;
	[tilespmem:$0x10000] =	vst v63  }
0x30d: {  	_ =	swait.ge [sflag:s20], $0x4000  }
0x30e: {  	s31 =	sld [smem:$0x7DF]  }
0x30f: {  	[sflag:s20] =	ssyncset.done $0x0  }
0x310: {  	[sflag:s20] =	ssyncadd.s32 $0xFFFFC000  }
0x311: {  	[tilespmem:s25], [sflag:$0x1] =	stream.linear.gather [hbm4b:s31+s25], $0x4000, $0x38;
	[tilespmem:$0x10000] =	vst v63  }
0x312: {  	_ =	swait.ge [sflag:s21], $0x4000  }
0x313: {  	[sflag:s21] =	ssyncset.done $0x0  }
0x314: {  	s26 =	simm.s32 $0x0;
	s28 =	simm.s32 $0x0;
	[sflag:s21] =	ssyncadd.s32 $0xFFFFC000  }
.LBB2_54:
0x315: {  	s0 =	sshll.u32 s26, $0x2;
	s29 =	sand.u32 $0x7, s25  }
0x316: {  	s0 =	sand.u32 $0xFFFF8000, s0;
	s29 =	sshll.u32 s29, $0x9  }
0x317: {  	s0 =	sor.u32 s29, s0  }
0x318: {  	s0 =	sshrl.u32 s0, $0x2  }
0x319: {  	s29 =	sadd.s32 $0x4040, s0  }
0x31a: {  	s30 =	sadd.s32 $0xC040, s0;
	v1 =	vld [tilespmem:s29+$0x30]  }
0x31b: {  	v2 =	vld [tilespmem:s30+$0x30]  }
0x31c: {  	v0 =	vld [tilespmem:s30+$0xFFFFFFC0]  }
0x31d: {  	v3 =	vld [tilespmem:s29+$0xFFFFFFD0]  }
0x31e: {  	v4 =	vld [tilespmem:s30+$0xFFFFFFD0]  }
0x31f: {  	v5 =	vld [tilespmem:s29+$0xFFFFFFE0]  }
0x320: {  	v6 =	vld [tilespmem:s30+$0xFFFFFFE0]  }
0x321: {  	v7 =	vld [tilespmem:s29+$0xFFFFFFF0]  }
0x322: {  	v8 =	vld [tilespmem:s30+$0xFFFFFFF0]  }
0x323: {  	v9 =	vld [tilespmem:s29+$0x0]  }
0x324: {  	v10 =	vld [tilespmem:s30+$0x0];
	v2 =	vadd.f32 v2, v1  }
0x325: {  	v4 =	vadd.f32 v4, v3;
	v1 =	vld [tilespmem:s29+$0x10]  }
0x326: {  	v5 =	vadd.f32 v6, v5;
	v3 =	vld [tilespmem:s30+$0x10];
	[tilespmem:s29+$0x30] =	vst v2  }
0x327: {  	v6 =	vadd.f32 v8, v7;
	[tilespmem:s29+$0xFFFFFFD0] =	vst v4;
	v2 =	vld [tilespmem:s29+$0x20]  }
0x328: {  	[tilespmem:s29+$0xFFFFFFE0] =	vst v5;
	v5 =	vld [tilespmem:s30+$0x20]  }
0x329: {  	s31 =	simm.s32 $0x0;
	s0 =	sadd.s32 $0x400, s29;
	v4 =	vld [tilespmem:s29+$0xFFFFFFC0];
	[tilespmem:s29+$0xFFFFFFF0] =	vst v6;
	v6 =	vadd.f32 v10, v9  }
.LBB2_55:
0x32a: {  	v7 =	vld [tilespmem:s0+$0x30];
	s30 =	sadd.s32 $0x400, s30  }
0x32b: {  	s31 =	sadd.s32 $0x8, s31;
	v8 =	vld [tilespmem:s30+$0x30];
	[tilespmem:s29+$0x0] =	vst v6;
	v1 =	vadd.f32 v3, v1  }
0x32c: {  	p0 =	slt.u32 s31, $0x38;
	v3 =	vld [tilespmem:s30+$0xFFFFFFC0]  }
0x32d: {  	v6 =	vld [tilespmem:s0+$0xFFFFFFD0];
	[tilespmem:s29+$0x10] =	vst v1;
	v1 =	vadd.f32 v5, v2  }
0x32e: {  	v2 =	vld [tilespmem:s30+$0xFFFFFFD0];
	v9 =	vadd.f32 v0, v4  }
0x32f: {  	v4 =	vld [tilespmem:s0+$0xFFFFFFE0];
	[tilespmem:s29+$0x20] =	vst v1  }
0x330: {  	v1 =	vld [tilespmem:s30+$0xFFFFFFE0];
	v5 =	vadd.f32 v8, v7;
	[tilespmem:s29+$0xFFFFFFC0] =	vst v9;
	s29 =	smov.u32 s0  }
0x331: {  	v7 =	vld [tilespmem:s0+$0xFFFFFFF0];
	v0 =	vmov v3  }
0x332: {  	v8 =	vld [tilespmem:s30+$0xFFFFFFF0];
	[tilespmem:s0+$0x30] =	vst v5  }
0x333: {  	v2 =	vadd.f32 v2, v6;
	v6 =	vld [tilespmem:s0+$0x0]  }
0x334: {  	v9 =	vld [tilespmem:s30+$0x0]  }
.Ltmp26:
0x335: {  	[tilespmem:s0+$0xFFFFFFD0] =	vst v2;
	v2 =	vadd.f32 v1, v4;
	v1 =	vld [tilespmem:s0+$0x10];
	(pc) =	sbr.rel @p0 .LBB2_55-.Ltmp26, $4  }
0x336: {  	v3 =	vld [tilespmem:s30+$0x10]  }
0x337: {  	[tilespmem:s0+$0xFFFFFFE0] =	vst v2;
	v7 =	vadd.f32 v8, v7;
	v2 =	vld [tilespmem:s0+$0x20]  }
0x338: {  	v5 =	vld [tilespmem:s30+$0x20]  }
0x339: {  	s0 =	sadd.s32 $0x400, s0;
	v4 =	vld [tilespmem:s29+$0xFFFFFFC0];
	[tilespmem:s29+$0xFFFFFFF0] =	vst v7;
	v6 =	vadd.f32 v9, v6  }
0x33a: {  	s28 =	sadd.s32 $0x1, s28  }
0x33b: {  	p0 =	sne.s32 s28, $0x10  }
.Ltmp27:
0x33c: {  	v1 =	vadd.f32 v3, v1;
	(pc) =	sbr.rel @p0 .LBB2_54-.Ltmp27, $4  }
0x33d: {  	[tilespmem:s29+$0x0] =	vst v6;
	v2 =	vadd.f32 v5, v2  }
0x33e: {  	[tilespmem:s29+$0x10] =	vst v1;
	v0 =	vadd.f32 v0, v4  }
0x33f: {  	[tilespmem:s29+$0x20] =	vst v2  }
0x340: {  	s26 =	sadd.s32 $0x400, s26;
	s25 =	sadd.s32 $0x1, s25;
	[tilespmem:s29+$0xFFFFFFC0] =	vst v0  }
0x341: {  	s0 =	sld [smem:$0x7DE];
	_ =	sdelay $0x1  }
0x342: {  	s25 =	simm.s32 $0x0  }
0x343: {  	[hbm4b:s0+s25] =	stream.linear.scatter [tilespmem:s16], [sflag:$0x6], $0x4000, $0x38;
	[tilespmem:$0x10000] =	vst v63  }
0x344: {  	_ =	swait.ge [sflag:s22], $0x4000  }
0x345: {  	s31 =	sld [smem:$0x7E1]  }
0x346: {  	[sflag:s22] =	ssyncset.done $0x0  }
0x347: {  	[sflag:s22] =	ssyncadd.s32 $0xFFFFC000  }
0x348: {  	[tilespmem:s16], [sflag:$0x2] =	stream.linear.gather [hbm4b:s31+s25], $0x4000, $0x38;
	[tilespmem:$0x10000] =	vst v63  }
0x349: {  	_ =	swait.ge [sflag:s18], $0x4000  }
0x34a: {  	[sflag:s18] =	ssyncset.done $0x0  }
0x34b: {  	s26 =	simm.s32 $0x0;
	s28 =	simm.s32 $0x0;
	[sflag:s18] =	ssyncadd.s32 $0xFFFFC000  }
.LBB2_58:
0x34c: {  	s0 =	sshll.u32 s26, $0x2;
	s29 =	sand.u32 $0x7, s25  }
0x34d: {  	s0 =	sand.u32 $0xFFFF8000, s0;
	s29 =	sshll.u32 s29, $0x9  }
0x34e: {  	s0 =	sor.u32 s29, s0  }
0x34f: {  	s0 =	sshrl.u32 s0, $0x2  }
0x350: {  	s29 =	sor.u32 $0x40, s0  }
0x351: {  	s30 =	sadd.s32 $0xC040, s0;
	v1 =	vld [tilespmem:s29+$0x30]  }
0x352: {  	v2 =	vld [tilespmem:s30+$0x30]  }
0x353: {  	v0 =	vld [tilespmem:s30+$0xFFFFFFC0]  }
0x354: {  	v3 =	vld [tilespmem:s29+$0xFFFFFFD0]  }
0x355: {  	v4 =	vld [tilespmem:s30+$0xFFFFFFD0]  }
0x356: {  	v5 =	vld [tilespmem:s29+$0xFFFFFFE0]  }
0x357: {  	v6 =	vld [tilespmem:s30+$0xFFFFFFE0]  }
0x358: {  	v7 =	vld [tilespmem:s29+$0xFFFFFFF0]  }
0x359: {  	v8 =	vld [tilespmem:s30+$0xFFFFFFF0]  }
0x35a: {  	v9 =	vld [tilespmem:s29+$0x0]  }
0x35b: {  	v10 =	vld [tilespmem:s30+$0x0];
	v2 =	vadd.f32 v2, v1  }
0x35c: {  	v4 =	vadd.f32 v4, v3;
	v1 =	vld [tilespmem:s29+$0x10]  }
0x35d: {  	v5 =	vadd.f32 v6, v5;
	v3 =	vld [tilespmem:s30+$0x10];
	[tilespmem:s29+$0x30] =	vst v2  }
0x35e: {  	v6 =	vadd.f32 v8, v7;
	[tilespmem:s29+$0xFFFFFFD0] =	vst v4;
	v2 =	vld [tilespmem:s29+$0x20]  }
0x35f: {  	[tilespmem:s29+$0xFFFFFFE0] =	vst v5;
	v5 =	vld [tilespmem:s30+$0x20]  }
0x360: {  	s31 =	simm.s32 $0x0;
	s0 =	sadd.s32 $0x400, s29;
	v4 =	vld [tilespmem:s29+$0xFFFFFFC0];
	[tilespmem:s29+$0xFFFFFFF0] =	vst v6;
	v6 =	vadd.f32 v10, v9  }
.LBB2_59:
0x361: {  	v7 =	vld [tilespmem:s0+$0x30];
	s30 =	sadd.s32 $0x400, s30  }
0x362: {  	s31 =	sadd.s32 $0x8, s31;
	v8 =	vld [tilespmem:s30+$0x30];
	[tilespmem:s29+$0x0] =	vst v6;
	v1 =	vadd.f32 v3, v1  }
0x363: {  	p0 =	slt.u32 s31, $0x38;
	v3 =	vld [tilespmem:s30+$0xFFFFFFC0]  }
0x364: {  	v6 =	vld [tilespmem:s0+$0xFFFFFFD0];
	[tilespmem:s29+$0x10] =	vst v1;
	v1 =	vadd.f32 v5, v2  }
0x365: {  	v2 =	vld [tilespmem:s30+$0xFFFFFFD0];
	v9 =	vadd.f32 v0, v4  }
0x366: {  	v4 =	vld [tilespmem:s0+$0xFFFFFFE0];
	[tilespmem:s29+$0x20] =	vst v1  }
0x367: {  	v1 =	vld [tilespmem:s30+$0xFFFFFFE0];
	v5 =	vadd.f32 v8, v7;
	[tilespmem:s29+$0xFFFFFFC0] =	vst v9;
	s29 =	smov.u32 s0  }
0x368: {  	v7 =	vld [tilespmem:s0+$0xFFFFFFF0];
	v0 =	vmov v3  }
0x369: {  	v8 =	vld [tilespmem:s30+$0xFFFFFFF0];
	[tilespmem:s0+$0x30] =	vst v5  }
0x36a: {  	v2 =	vadd.f32 v2, v6;
	v6 =	vld [tilespmem:s0+$0x0]  }
0x36b: {  	v9 =	vld [tilespmem:s30+$0x0]  }
.Ltmp28:
0x36c: {  	[tilespmem:s0+$0xFFFFFFD0] =	vst v2;
	v2 =	vadd.f32 v1, v4;
	v1 =	vld [tilespmem:s0+$0x10];
	(pc) =	sbr.rel @p0 .LBB2_59-.Ltmp28, $4  }
0x36d: {  	v3 =	vld [tilespmem:s30+$0x10]  }
0x36e: {  	[tilespmem:s0+$0xFFFFFFE0] =	vst v2;
	v7 =	vadd.f32 v8, v7;
	v2 =	vld [tilespmem:s0+$0x20]  }
0x36f: {  	v5 =	vld [tilespmem:s30+$0x20]  }
0x370: {  	s0 =	sadd.s32 $0x400, s0;
	v4 =	vld [tilespmem:s29+$0xFFFFFFC0];
	[tilespmem:s29+$0xFFFFFFF0] =	vst v7;
	v6 =	vadd.f32 v9, v6  }
0x371: {  	s28 =	sadd.s32 $0x1, s28  }
0x372: {  	p0 =	sne.s32 s28, $0x10  }
.Ltmp29:
0x373: {  	v1 =	vadd.f32 v3, v1;
	(pc) =	sbr.rel @p0 .LBB2_58-.Ltmp29, $4  }
0x374: {  	[tilespmem:s29+$0x0] =	vst v6;
	v2 =	vadd.f32 v5, v2  }
0x375: {  	[tilespmem:s29+$0x10] =	vst v1;
	v0 =	vadd.f32 v0, v4  }
0x376: {  	[tilespmem:s29+$0x20] =	vst v2  }
0x377: {  	s26 =	sadd.s32 $0x400, s26;
	s25 =	sadd.s32 $0x1, s25;
	[tilespmem:s29+$0xFFFFFFC0] =	vst v0  }
0x378: {  	s0 =	sld [smem:$0x7E0];
	_ =	sdelay $0x1  }
0x379: {  	s25 =	simm.s32 $0x0  }
0x37a: {  	[hbm4b:s0+s25] =	stream.linear.scatter [tilespmem:s25], [sflag:$0x5], $0x4000, $0x38;
	[tilespmem:$0x10000] =	vst v63  }
0x37b: {  	_ =	swait.ge [sflag:s20], $0x4000  }
0x37c: {  	s31 =	sld [smem:$0x7E4]  }
0x37d: {  	[sflag:s20] =	ssyncset.done $0x0  }
0x37e: {  	[sflag:s20] =	ssyncadd.s32 $0xFFFFC000  }
0x37f: {  	[tilespmem:s25], [sflag:$0x1] =	stream.linear.gather [hbm4b:s31+s25], $0x4000, $0x38;
	[tilespmem:$0x10000] =	vst v63  }
0x380: {  	_ =	swait.ge [sflag:s21], $0x4000  }
0x381: {  	[sflag:s21] =	ssyncset.done $0x0  }
0x382: {  	s26 =	simm.s32 $0x0;
	s28 =	simm.s32 $0x0;
	[sflag:s21] =	ssyncadd.s32 $0xFFFFC000  }
.LBB2_62:
0x383: {  	s0 =	sshll.u32 s26, $0x2;
	s29 =	sand.u32 $0x7, s25  }
0x384: {  	s0 =	sand.u32 $0xFFFF8000, s0;
	s29 =	sshll.u32 s29, $0x9  }
0x385: {  	s0 =	sor.u32 s29, s0  }
0x386: {  	s0 =	sshrl.u32 s0, $0x2  }
0x387: {  	s29 =	sadd.s32 $0x4040, s0  }
0x388: {  	s30 =	sadd.s32 $0xC040, s0;
	v1 =	vld [tilespmem:s29+$0x30]  }
0x389: {  	v2 =	vld [tilespmem:s30+$0x30]  }
0x38a: {  	v0 =	vld [tilespmem:s30+$0xFFFFFFC0]  }
0x38b: {  	v3 =	vld [tilespmem:s29+$0xFFFFFFD0]  }
0x38c: {  	v4 =	vld [tilespmem:s30+$0xFFFFFFD0]  }
0x38d: {  	v5 =	vld [tilespmem:s29+$0xFFFFFFE0]  }
0x38e: {  	v6 =	vld [tilespmem:s30+$0xFFFFFFE0]  }
0x38f: {  	v7 =	vld [tilespmem:s29+$0xFFFFFFF0]  }
0x390: {  	v8 =	vld [tilespmem:s30+$0xFFFFFFF0]  }
0x391: {  	v9 =	vld [tilespmem:s29+$0x0]  }
0x392: {  	v10 =	vld [tilespmem:s30+$0x0];
	v2 =	vadd.f32 v2, v1  }
0x393: {  	v4 =	vadd.f32 v4, v3;
	v1 =	vld [tilespmem:s29+$0x10]  }
0x394: {  	v5 =	vadd.f32 v6, v5;
	v3 =	vld [tilespmem:s30+$0x10];
	[tilespmem:s29+$0x30] =	vst v2  }
0x395: {  	v6 =	vadd.f32 v8, v7;
	[tilespmem:s29+$0xFFFFFFD0] =	vst v4;
	v2 =	vld [tilespmem:s29+$0x20]  }
0x396: {  	[tilespmem:s29+$0xFFFFFFE0] =	vst v5;
	v5 =	vld [tilespmem:s30+$0x20]  }
0x397: {  	s31 =	simm.s32 $0x0;
	s0 =	sadd.s32 $0x400, s29;
	v4 =	vld [tilespmem:s29+$0xFFFFFFC0];
	[tilespmem:s29+$0xFFFFFFF0] =	vst v6;
	v6 =	vadd.f32 v10, v9  }
.LBB2_63:
0x398: {  	v7 =	vld [tilespmem:s0+$0x30];
	s30 =	sadd.s32 $0x400, s30  }
0x399: {  	s31 =	sadd.s32 $0x8, s31;
	v8 =	vld [tilespmem:s30+$0x30];
	[tilespmem:s29+$0x0] =	vst v6;
	v1 =	vadd.f32 v3, v1  }
0x39a: {  	p0 =	slt.u32 s31, $0x38;
	v3 =	vld [tilespmem:s30+$0xFFFFFFC0]  }
0x39b: {  	v6 =	vld [tilespmem:s0+$0xFFFFFFD0];
	[tilespmem:s29+$0x10] =	vst v1;
	v1 =	vadd.f32 v5, v2  }
0x39c: {  	v2 =	vld [tilespmem:s30+$0xFFFFFFD0];
	v9 =	vadd.f32 v0, v4  }
0x39d: {  	v4 =	vld [tilespmem:s0+$0xFFFFFFE0];
	[tilespmem:s29+$0x20] =	vst v1  }
0x39e: {  	v1 =	vld [tilespmem:s30+$0xFFFFFFE0];
	v5 =	vadd.f32 v8, v7;
	[tilespmem:s29+$0xFFFFFFC0] =	vst v9;
	s29 =	smov.u32 s0  }
0x39f: {  	v7 =	vld [tilespmem:s0+$0xFFFFFFF0];
	v0 =	vmov v3  }
0x3a0: {  	v8 =	vld [tilespmem:s30+$0xFFFFFFF0];
	[tilespmem:s0+$0x30] =	vst v5  }
0x3a1: {  	v2 =	vadd.f32 v2, v6;
	v6 =	vld [tilespmem:s0+$0x0]  }
0x3a2: {  	v9 =	vld [tilespmem:s30+$0x0]  }
.Ltmp30:
0x3a3: {  	[tilespmem:s0+$0xFFFFFFD0] =	vst v2;
	v2 =	vadd.f32 v1, v4;
	v1 =	vld [tilespmem:s0+$0x10];
	(pc) =	sbr.rel @p0 .LBB2_63-.Ltmp30, $4  }
0x3a4: {  	v3 =	vld [tilespmem:s30+$0x10]  }
0x3a5: {  	[tilespmem:s0+$0xFFFFFFE0] =	vst v2;
	v7 =	vadd.f32 v8, v7;
	v2 =	vld [tilespmem:s0+$0x20]  }
0x3a6: {  	v5 =	vld [tilespmem:s30+$0x20]  }
0x3a7: {  	s0 =	sadd.s32 $0x400, s0;
	v4 =	vld [tilespmem:s29+$0xFFFFFFC0];
	[tilespmem:s29+$0xFFFFFFF0] =	vst v7;
	v6 =	vadd.f32 v9, v6  }
0x3a8: {  	s28 =	sadd.s32 $0x1, s28  }
0x3a9: {  	p0 =	sne.s32 s28, $0x10  }
.Ltmp31:
0x3aa: {  	v1 =	vadd.f32 v3, v1;
	(pc) =	sbr.rel @p0 .LBB2_62-.Ltmp31, $4  }
0x3ab: {  	[tilespmem:s29+$0x0] =	vst v6;
	v2 =	vadd.f32 v5, v2  }
0x3ac: {  	[tilespmem:s29+$0x10] =	vst v1;
	v0 =	vadd.f32 v0, v4  }
0x3ad: {  	[tilespmem:s29+$0x20] =	vst v2  }
0x3ae: {  	s26 =	sadd.s32 $0x400, s26;
	s25 =	sadd.s32 $0x1, s25;
	[tilespmem:s29+$0xFFFFFFC0] =	vst v0  }
0x3af: {  	s0 =	sld [smem:$0x7E2];
	_ =	sdelay $0x1  }
0x3b0: {  	s25 =	simm.s32 $0x0  }
0x3b1: {  	[hbm4b:s0+s25] =	stream.linear.scatter [tilespmem:s16], [sflag:$0x6], $0x4000, $0x38;
	[tilespmem:$0x10000] =	vst v63  }
0x3b2: {  	_ =	swait.ge [sflag:s22], $0x4000  }
0x3b3: {  	s30 =	sld [smem:$0x7E6]  }
0x3b4: {  	[sflag:s22] =	ssyncset.done $0x0  }
0x3b5: {  	s31 =	sld [smem:$0x7EC];
	[sflag:s22] =	ssyncadd.s32 $0xFFFFC000  }
0x3b6: {  	[tilespmem:s16], [sflag:$0x2] =	stream.linear.gather [hbm4b:s30+s25], $0x4000, $0x38;
	[tilespmem:$0x10000] =	vst v63  }
0x3b7: {  	_ = 	snop  }
0x3b8: {  	[tilespmem:s17], [sflag:$0x4] =	stream.linear.gather [hbm4b:s31+s25], $0x4000, $0x38;
	[tilespmem:$0x10000] =	vst v63  }
0x3b9: {  	_ =	swait.ge [sflag:s18], $0x4000  }
0x3ba: {  	[sflag:s18] =	ssyncset.done $0x0  }
0x3bb: {  	[sflag:s18] =	ssyncadd.s32 $0xFFFFC000  }
0x3bc: {  	_ =	swait.ge [sflag:s19], $0x4000  }
0x3bd: {  	[sflag:s19] =	ssyncset.done $0x0  }
0x3be: {  	s26 =	simm.s32 $0x0;
	s28 =	simm.s32 $0x0;
	[sflag:s19] =	ssyncadd.s32 $0xFFFFC000  }
.LBB2_66:
0x3bf: {  	s0 =	sshll.u32 s26, $0x2;
	s29 =	sand.u32 $0x7, s25  }
0x3c0: {  	s0 =	sand.u32 $0xFFFF8000, s0;
	s29 =	sshll.u32 s29, $0x9  }
0x3c1: {  	s0 =	sor.u32 s29, s0  }
0x3c2: {  	s0 =	sshrl.u32 s0, $0x2  }
0x3c3: {  	s29 =	sor.u32 $0x40, s0  }
0x3c4: {  	s30 =	sadd.s32 $0x8040, s0;
	v1 =	vld [tilespmem:s29+$0x30]  }
0x3c5: {  	v2 =	vld [tilespmem:s30+$0x30]  }
0x3c6: {  	v0 =	vld [tilespmem:s30+$0xFFFFFFC0]  }
0x3c7: {  	v3 =	vld [tilespmem:s29+$0xFFFFFFD0]  }
0x3c8: {  	v4 =	vld [tilespmem:s30+$0xFFFFFFD0]  }
0x3c9: {  	v5 =	vld [tilespmem:s29+$0xFFFFFFE0]  }
0x3ca: {  	v6 =	vld [tilespmem:s30+$0xFFFFFFE0]  }
0x3cb: {  	v7 =	vld [tilespmem:s29+$0xFFFFFFF0]  }
0x3cc: {  	v8 =	vld [tilespmem:s30+$0xFFFFFFF0]  }
0x3cd: {  	v9 =	vld [tilespmem:s29+$0x0]  }
0x3ce: {  	v10 =	vld [tilespmem:s30+$0x0];
	v2 =	vadd.f32 v2, v1  }
0x3cf: {  	v4 =	vadd.f32 v4, v3;
	v1 =	vld [tilespmem:s29+$0x10]  }
0x3d0: {  	v5 =	vadd.f32 v6, v5;
	v3 =	vld [tilespmem:s30+$0x10];
	[tilespmem:s29+$0x30] =	vst v2  }
0x3d1: {  	v6 =	vadd.f32 v8, v7;
	[tilespmem:s29+$0xFFFFFFD0] =	vst v4;
	v2 =	vld [tilespmem:s29+$0x20]  }
0x3d2: {  	[tilespmem:s29+$0xFFFFFFE0] =	vst v5;
	v5 =	vld [tilespmem:s30+$0x20]  }
0x3d3: {  	s31 =	simm.s32 $0x0;
	s0 =	sadd.s32 $0x400, s29;
	v4 =	vld [tilespmem:s29+$0xFFFFFFC0];
	[tilespmem:s29+$0xFFFFFFF0] =	vst v6;
	v6 =	vadd.f32 v10, v9  }
.LBB2_67:
0x3d4: {  	v7 =	vld [tilespmem:s0+$0x30];
	s30 =	sadd.s32 $0x400, s30  }
0x3d5: {  	s31 =	sadd.s32 $0x8, s31;
	v8 =	vld [tilespmem:s30+$0x30];
	[tilespmem:s29+$0x0] =	vst v6;
	v1 =	vadd.f32 v3, v1  }
0x3d6: {  	p0 =	slt.u32 s31, $0x38;
	v3 =	vld [tilespmem:s30+$0xFFFFFFC0]  }
0x3d7: {  	v6 =	vld [tilespmem:s0+$0xFFFFFFD0];
	[tilespmem:s29+$0x10] =	vst v1;
	v1 =	vadd.f32 v5, v2  }
0x3d8: {  	v2 =	vld [tilespmem:s30+$0xFFFFFFD0];
	v9 =	vadd.f32 v0, v4  }
0x3d9: {  	v4 =	vld [tilespmem:s0+$0xFFFFFFE0];
	[tilespmem:s29+$0x20] =	vst v1  }
0x3da: {  	v1 =	vld [tilespmem:s30+$0xFFFFFFE0];
	v5 =	vadd.f32 v8, v7;
	[tilespmem:s29+$0xFFFFFFC0] =	vst v9;
	s29 =	smov.u32 s0  }
0x3db: {  	v7 =	vld [tilespmem:s0+$0xFFFFFFF0];
	v0 =	vmov v3  }
0x3dc: {  	v8 =	vld [tilespmem:s30+$0xFFFFFFF0];
	[tilespmem:s0+$0x30] =	vst v5  }
0x3dd: {  	v2 =	vadd.f32 v2, v6;
	v6 =	vld [tilespmem:s0+$0x0]  }
0x3de: {  	v9 =	vld [tilespmem:s30+$0x0]  }
.Ltmp32:
0x3df: {  	[tilespmem:s0+$0xFFFFFFD0] =	vst v2;
	v2 =	vadd.f32 v1, v4;
	v1 =	vld [tilespmem:s0+$0x10];
	(pc) =	sbr.rel @p0 .LBB2_67-.Ltmp32, $4  }
0x3e0: {  	v3 =	vld [tilespmem:s30+$0x10]  }
0x3e1: {  	[tilespmem:s0+$0xFFFFFFE0] =	vst v2;
	v7 =	vadd.f32 v8, v7;
	v2 =	vld [tilespmem:s0+$0x20]  }
0x3e2: {  	v5 =	vld [tilespmem:s30+$0x20]  }
0x3e3: {  	s0 =	sadd.s32 $0x400, s0;
	v4 =	vld [tilespmem:s29+$0xFFFFFFC0];
	[tilespmem:s29+$0xFFFFFFF0] =	vst v7;
	v6 =	vadd.f32 v9, v6  }
0x3e4: {  	s28 =	sadd.s32 $0x1, s28  }
0x3e5: {  	p0 =	sne.s32 s28, $0x10  }
.Ltmp33:
0x3e6: {  	v1 =	vadd.f32 v3, v1;
	(pc) =	sbr.rel @p0 .LBB2_66-.Ltmp33, $4  }
0x3e7: {  	[tilespmem:s29+$0x0] =	vst v6;
	v2 =	vadd.f32 v5, v2  }
0x3e8: {  	[tilespmem:s29+$0x10] =	vst v1;
	v0 =	vadd.f32 v0, v4  }
0x3e9: {  	[tilespmem:s29+$0x20] =	vst v2  }
0x3ea: {  	s26 =	sadd.s32 $0x400, s26;
	s25 =	sadd.s32 $0x1, s25;
	[tilespmem:s29+$0xFFFFFFC0] =	vst v0  }
0x3eb: {  	s0 =	sld [smem:$0x7E5];
	_ =	sdelay $0x1  }
0x3ec: {  	s25 =	simm.s32 $0x0  }
0x3ed: {  	[hbm4b:s0+s25] =	stream.linear.scatter [tilespmem:s25], [sflag:$0x5], $0x4000, $0x38;
	[tilespmem:$0x10000] =	vst v63  }
0x3ee: {  	_ =	swait.ge [sflag:s20], $0x4000  }
0x3ef: {  	s31 =	sld [smem:$0x7E8]  }
0x3f0: {  	[sflag:s20] =	ssyncset.done $0x0  }
0x3f1: {  	[sflag:s20] =	ssyncadd.s32 $0xFFFFC000  }
0x3f2: {  	[tilespmem:s25], [sflag:$0x1] =	stream.linear.gather [hbm4b:s31+s25], $0x4000, $0x38;
	[tilespmem:$0x10000] =	vst v63  }
0x3f3: {  	_ =	swait.ge [sflag:s21], $0x4000  }
0x3f4: {  	[sflag:s21] =	ssyncset.done $0x0  }
0x3f5: {  	s26 =	simm.s32 $0x0;
	s28 =	simm.s32 $0x0;
	[sflag:s21] =	ssyncadd.s32 $0xFFFFC000  }
.LBB2_70:
0x3f6: {  	s0 =	sshll.u32 s26, $0x2;
	s29 =	sand.u32 $0x7, s25  }
0x3f7: {  	s0 =	sand.u32 $0xFFFF8000, s0;
	s29 =	sshll.u32 s29, $0x9  }
0x3f8: {  	s0 =	sor.u32 s29, s0  }
0x3f9: {  	s0 =	sshrl.u32 s0, $0x2  }
0x3fa: {  	s29 =	sadd.s32 $0x4040, s0  }
0x3fb: {  	s30 =	sadd.s32 $0x8040, s0;
	v1 =	vld [tilespmem:s29+$0x30]  }
0x3fc: {  	v2 =	vld [tilespmem:s30+$0x30]  }
0x3fd: {  	v0 =	vld [tilespmem:s30+$0xFFFFFFC0]  }
0x3fe: {  	v3 =	vld [tilespmem:s29+$0xFFFFFFD0]  }
0x3ff: {  	v4 =	vld [tilespmem:s30+$0xFFFFFFD0]  }
0x400: {  	v5 =	vld [tilespmem:s29+$0xFFFFFFE0]  }
0x401: {  	v6 =	vld [tilespmem:s30+$0xFFFFFFE0]  }
0x402: {  	v7 =	vld [tilespmem:s29+$0xFFFFFFF0]  }
0x403: {  	v8 =	vld [tilespmem:s30+$0xFFFFFFF0]  }
0x404: {  	v9 =	vld [tilespmem:s29+$0x0]  }
0x405: {  	v10 =	vld [tilespmem:s30+$0x0];
	v2 =	vadd.f32 v2, v1  }
0x406: {  	v4 =	vadd.f32 v4, v3;
	v1 =	vld [tilespmem:s29+$0x10]  }
0x407: {  	v5 =	vadd.f32 v6, v5;
	v3 =	vld [tilespmem:s30+$0x10];
	[tilespmem:s29+$0x30] =	vst v2  }
0x408: {  	v6 =	vadd.f32 v8, v7;
	[tilespmem:s29+$0xFFFFFFD0] =	vst v4;
	v2 =	vld [tilespmem:s29+$0x20]  }
0x409: {  	[tilespmem:s29+$0xFFFFFFE0] =	vst v5;
	v5 =	vld [tilespmem:s30+$0x20]  }
0x40a: {  	s31 =	simm.s32 $0x0;
	s0 =	sadd.s32 $0x400, s29;
	v4 =	vld [tilespmem:s29+$0xFFFFFFC0];
	[tilespmem:s29+$0xFFFFFFF0] =	vst v6;
	v6 =	vadd.f32 v10, v9  }
.LBB2_71:
0x40b: {  	v7 =	vld [tilespmem:s0+$0x30];
	s30 =	sadd.s32 $0x400, s30  }
0x40c: {  	s31 =	sadd.s32 $0x8, s31;
	v8 =	vld [tilespmem:s30+$0x30];
	[tilespmem:s29+$0x0] =	vst v6;
	v1 =	vadd.f32 v3, v1  }
0x40d: {  	p0 =	slt.u32 s31, $0x38;
	v3 =	vld [tilespmem:s30+$0xFFFFFFC0]  }
0x40e: {  	v6 =	vld [tilespmem:s0+$0xFFFFFFD0];
	[tilespmem:s29+$0x10] =	vst v1;
	v1 =	vadd.f32 v5, v2  }
0x40f: {  	v2 =	vld [tilespmem:s30+$0xFFFFFFD0];
	v9 =	vadd.f32 v0, v4  }
0x410: {  	v4 =	vld [tilespmem:s0+$0xFFFFFFE0];
	[tilespmem:s29+$0x20] =	vst v1  }
0x411: {  	v1 =	vld [tilespmem:s30+$0xFFFFFFE0];
	v5 =	vadd.f32 v8, v7;
	[tilespmem:s29+$0xFFFFFFC0] =	vst v9;
	s29 =	smov.u32 s0  }
0x412: {  	v7 =	vld [tilespmem:s0+$0xFFFFFFF0];
	v0 =	vmov v3  }
0x413: {  	v8 =	vld [tilespmem:s30+$0xFFFFFFF0];
	[tilespmem:s0+$0x30] =	vst v5  }
0x414: {  	v2 =	vadd.f32 v2, v6;
	v6 =	vld [tilespmem:s0+$0x0]  }
0x415: {  	v9 =	vld [tilespmem:s30+$0x0]  }
.Ltmp34:
0x416: {  	[tilespmem:s0+$0xFFFFFFD0] =	vst v2;
	v2 =	vadd.f32 v1, v4;
	v1 =	vld [tilespmem:s0+$0x10];
	(pc) =	sbr.rel @p0 .LBB2_71-.Ltmp34, $4  }
0x417: {  	v3 =	vld [tilespmem:s30+$0x10]  }
0x418: {  	[tilespmem:s0+$0xFFFFFFE0] =	vst v2;
	v7 =	vadd.f32 v8, v7;
	v2 =	vld [tilespmem:s0+$0x20]  }
0x419: {  	v5 =	vld [tilespmem:s30+$0x20]  }
0x41a: {  	s0 =	sadd.s32 $0x400, s0;
	v4 =	vld [tilespmem:s29+$0xFFFFFFC0];
	[tilespmem:s29+$0xFFFFFFF0] =	vst v7;
	v6 =	vadd.f32 v9, v6  }
0x41b: {  	s28 =	sadd.s32 $0x1, s28  }
0x41c: {  	p0 =	sne.s32 s28, $0x10  }
.Ltmp35:
0x41d: {  	v1 =	vadd.f32 v3, v1;
	(pc) =	sbr.rel @p0 .LBB2_70-.Ltmp35, $4  }
0x41e: {  	[tilespmem:s29+$0x0] =	vst v6;
	v2 =	vadd.f32 v5, v2  }
0x41f: {  	[tilespmem:s29+$0x10] =	vst v1;
	v0 =	vadd.f32 v0, v4  }
0x420: {  	[tilespmem:s29+$0x20] =	vst v2  }
0x421: {  	s26 =	sadd.s32 $0x400, s26;
	s25 =	sadd.s32 $0x1, s25;
	[tilespmem:s29+$0xFFFFFFC0] =	vst v0  }
0x422: {  	s0 =	sld [smem:$0x7E7];
	_ =	sdelay $0x1  }
0x423: {  	s25 =	simm.s32 $0x0  }
0x424: {  	[hbm4b:s0+s25] =	stream.linear.scatter [tilespmem:s16], [sflag:$0x6], $0x4000, $0x38;
	[tilespmem:$0x10000] =	vst v63  }
0x425: {  	_ =	swait.ge [sflag:s22], $0x4000  }
0x426: {  	s31 =	sld [smem:$0x7EA]  }
0x427: {  	[sflag:s22] =	ssyncset.done $0x0  }
0x428: {  	[sflag:s22] =	ssyncadd.s32 $0xFFFFC000  }
0x429: {  	[tilespmem:s16], [sflag:$0x2] =	stream.linear.gather [hbm4b:s31+s25], $0x4000, $0x38;
	[tilespmem:$0x10000] =	vst v63  }
0x42a: {  	_ =	swait.ge [sflag:s18], $0x4000  }
0x42b: {  	[sflag:s18] =	ssyncset.done $0x0  }
0x42c: {  	s26 =	simm.s32 $0x0;
	s28 =	simm.s32 $0x0;
	[sflag:s18] =	ssyncadd.s32 $0xFFFFC000  }
.LBB2_74:
0x42d: {  	s0 =	sshll.u32 s26, $0x2;
	s29 =	sand.u32 $0x7, s25  }
0x42e: {  	s0 =	sand.u32 $0xFFFF8000, s0;
	s29 =	sshll.u32 s29, $0x9  }
0x42f: {  	s0 =	sor.u32 s29, s0  }
0x430: {  	s0 =	sshrl.u32 s0, $0x2  }
0x431: {  	s29 =	sor.u32 $0x40, s0  }
0x432: {  	s30 =	sadd.s32 $0x8040, s0;
	v1 =	vld [tilespmem:s29+$0x30]  }
0x433: {  	v2 =	vld [tilespmem:s30+$0x30]  }
0x434: {  	v0 =	vld [tilespmem:s30+$0xFFFFFFC0]  }
0x435: {  	v3 =	vld [tilespmem:s29+$0xFFFFFFD0]  }
0x436: {  	v4 =	vld [tilespmem:s30+$0xFFFFFFD0]  }
0x437: {  	v5 =	vld [tilespmem:s29+$0xFFFFFFE0]  }
0x438: {  	v6 =	vld [tilespmem:s30+$0xFFFFFFE0]  }
0x439: {  	v7 =	vld [tilespmem:s29+$0xFFFFFFF0]  }
0x43a: {  	v8 =	vld [tilespmem:s30+$0xFFFFFFF0]  }
0x43b: {  	v9 =	vld [tilespmem:s29+$0x0]  }
0x43c: {  	v10 =	vld [tilespmem:s30+$0x0];
	v2 =	vadd.f32 v2, v1  }
0x43d: {  	v4 =	vadd.f32 v4, v3;
	v1 =	vld [tilespmem:s29+$0x10]  }
0x43e: {  	v5 =	vadd.f32 v6, v5;
	v3 =	vld [tilespmem:s30+$0x10];
	[tilespmem:s29+$0x30] =	vst v2  }
0x43f: {  	v6 =	vadd.f32 v8, v7;
	[tilespmem:s29+$0xFFFFFFD0] =	vst v4;
	v2 =	vld [tilespmem:s29+$0x20]  }
0x440: {  	[tilespmem:s29+$0xFFFFFFE0] =	vst v5;
	v5 =	vld [tilespmem:s30+$0x20]  }
0x441: {  	s31 =	simm.s32 $0x0;
	s0 =	sadd.s32 $0x400, s29;
	v4 =	vld [tilespmem:s29+$0xFFFFFFC0];
	[tilespmem:s29+$0xFFFFFFF0] =	vst v6;
	v6 =	vadd.f32 v10, v9  }
.LBB2_75:
0x442: {  	v7 =	vld [tilespmem:s0+$0x30];
	s30 =	sadd.s32 $0x400, s30  }
0x443: {  	s31 =	sadd.s32 $0x8, s31;
	v8 =	vld [tilespmem:s30+$0x30];
	[tilespmem:s29+$0x0] =	vst v6;
	v1 =	vadd.f32 v3, v1  }
0x444: {  	p0 =	slt.u32 s31, $0x38;
	v3 =	vld [tilespmem:s30+$0xFFFFFFC0]  }
0x445: {  	v6 =	vld [tilespmem:s0+$0xFFFFFFD0];
	[tilespmem:s29+$0x10] =	vst v1;
	v1 =	vadd.f32 v5, v2  }
0x446: {  	v2 =	vld [tilespmem:s30+$0xFFFFFFD0];
	v9 =	vadd.f32 v0, v4  }
0x447: {  	v4 =	vld [tilespmem:s0+$0xFFFFFFE0];
	[tilespmem:s29+$0x20] =	vst v1  }
0x448: {  	v1 =	vld [tilespmem:s30+$0xFFFFFFE0];
	v5 =	vadd.f32 v8, v7;
	[tilespmem:s29+$0xFFFFFFC0] =	vst v9;
	s29 =	smov.u32 s0  }
0x449: {  	v7 =	vld [tilespmem:s0+$0xFFFFFFF0];
	v0 =	vmov v3  }
0x44a: {  	v8 =	vld [tilespmem:s30+$0xFFFFFFF0];
	[tilespmem:s0+$0x30] =	vst v5  }
0x44b: {  	v2 =	vadd.f32 v2, v6;
	v6 =	vld [tilespmem:s0+$0x0]  }
0x44c: {  	v9 =	vld [tilespmem:s30+$0x0]  }
.Ltmp36:
0x44d: {  	[tilespmem:s0+$0xFFFFFFD0] =	vst v2;
	v2 =	vadd.f32 v1, v4;
	v1 =	vld [tilespmem:s0+$0x10];
	(pc) =	sbr.rel @p0 .LBB2_75-.Ltmp36, $4  }
0x44e: {  	v3 =	vld [tilespmem:s30+$0x10]  }
0x44f: {  	[tilespmem:s0+$0xFFFFFFE0] =	vst v2;
	v7 =	vadd.f32 v8, v7;
	v2 =	vld [tilespmem:s0+$0x20]  }
0x450: {  	v5 =	vld [tilespmem:s30+$0x20]  }
0x451: {  	s0 =	sadd.s32 $0x400, s0;
	v4 =	vld [tilespmem:s29+$0xFFFFFFC0];
	[tilespmem:s29+$0xFFFFFFF0] =	vst v7;
	v6 =	vadd.f32 v9, v6  }
0x452: {  	s28 =	sadd.s32 $0x1, s28  }
0x453: {  	p0 =	sne.s32 s28, $0x10  }
.Ltmp37:
0x454: {  	v1 =	vadd.f32 v3, v1;
	(pc) =	sbr.rel @p0 .LBB2_74-.Ltmp37, $4  }
0x455: {  	[tilespmem:s29+$0x0] =	vst v6;
	v2 =	vadd.f32 v5, v2  }
0x456: {  	[tilespmem:s29+$0x10] =	vst v1;
	v0 =	vadd.f32 v0, v4  }
0x457: {  	[tilespmem:s29+$0x20] =	vst v2  }
0x458: {  	s26 =	sadd.s32 $0x400, s26;
	s25 =	sadd.s32 $0x1, s25;
	[tilespmem:s29+$0xFFFFFFC0] =	vst v0  }
0x459: {  	s0 =	sld [smem:$0x7E9];
	_ =	sdelay $0x1  }
0x45a: {  	s25 =	simm.s32 $0x0  }
0x45b: {  	[hbm4b:s0+s25] =	stream.linear.scatter [tilespmem:s25], [sflag:$0x5], $0x4000, $0x38;
	[tilespmem:$0x10000] =	vst v63  }
0x45c: {  	_ =	swait.ge [sflag:s20], $0x4000  }
0x45d: {  	s31 =	sld [smem:$0x7ED]  }
0x45e: {  	[sflag:s20] =	ssyncset.done $0x0  }
0x45f: {  	[sflag:s20] =	ssyncadd.s32 $0xFFFFC000  }
0x460: {  	[tilespmem:s25], [sflag:$0x1] =	stream.linear.gather [hbm4b:s31+s25], $0x4000, $0x38;
	[tilespmem:$0x10000] =	vst v63  }
0x461: {  	_ =	swait.ge [sflag:s21], $0x4000  }
0x462: {  	[sflag:s21] =	ssyncset.done $0x0  }
0x463: {  	s26 =	simm.s32 $0x0;
	s28 =	simm.s32 $0x0;
	[sflag:s21] =	ssyncadd.s32 $0xFFFFC000  }
.LBB2_78:
0x464: {  	s0 =	sshll.u32 s26, $0x2;
	s29 =	sand.u32 $0x7, s25  }
0x465: {  	s0 =	sand.u32 $0xFFFF8000, s0;
	s29 =	sshll.u32 s29, $0x9  }
0x466: {  	s0 =	sor.u32 s29, s0  }
0x467: {  	s0 =	sshrl.u32 s0, $0x2  }
0x468: {  	s29 =	sadd.s32 $0x4040, s0  }
0x469: {  	s30 =	sadd.s32 $0x8040, s0;
	v1 =	vld [tilespmem:s29+$0x30]  }
0x46a: {  	v2 =	vld [tilespmem:s30+$0x30]  }
0x46b: {  	v0 =	vld [tilespmem:s30+$0xFFFFFFC0]  }
0x46c: {  	v3 =	vld [tilespmem:s29+$0xFFFFFFD0]  }
0x46d: {  	v4 =	vld [tilespmem:s30+$0xFFFFFFD0]  }
0x46e: {  	v5 =	vld [tilespmem:s29+$0xFFFFFFE0]  }
0x46f: {  	v6 =	vld [tilespmem:s30+$0xFFFFFFE0]  }
0x470: {  	v7 =	vld [tilespmem:s29+$0xFFFFFFF0]  }
0x471: {  	v8 =	vld [tilespmem:s30+$0xFFFFFFF0]  }
0x472: {  	v9 =	vld [tilespmem:s29+$0x0]  }
0x473: {  	v10 =	vld [tilespmem:s30+$0x0];
	v2 =	vadd.f32 v2, v1  }
0x474: {  	v4 =	vadd.f32 v4, v3;
	v1 =	vld [tilespmem:s29+$0x10]  }
0x475: {  	v5 =	vadd.f32 v6, v5;
	v3 =	vld [tilespmem:s30+$0x10];
	[tilespmem:s29+$0x30] =	vst v2  }
0x476: {  	v6 =	vadd.f32 v8, v7;
	[tilespmem:s29+$0xFFFFFFD0] =	vst v4;
	v2 =	vld [tilespmem:s29+$0x20]  }
0x477: {  	[tilespmem:s29+$0xFFFFFFE0] =	vst v5;
	v5 =	vld [tilespmem:s30+$0x20]  }
0x478: {  	s31 =	simm.s32 $0x0;
	s0 =	sadd.s32 $0x400, s29;
	v4 =	vld [tilespmem:s29+$0xFFFFFFC0];
	[tilespmem:s29+$0xFFFFFFF0] =	vst v6;
	v6 =	vadd.f32 v10, v9  }
.LBB2_79:
0x479: {  	v7 =	vld [tilespmem:s0+$0x30];
	s30 =	sadd.s32 $0x400, s30  }
0x47a: {  	s31 =	sadd.s32 $0x8, s31;
	v8 =	vld [tilespmem:s30+$0x30];
	[tilespmem:s29+$0x0] =	vst v6;
	v1 =	vadd.f32 v3, v1  }
0x47b: {  	p0 =	slt.u32 s31, $0x38;
	v3 =	vld [tilespmem:s30+$0xFFFFFFC0]  }
0x47c: {  	v6 =	vld [tilespmem:s0+$0xFFFFFFD0];
	[tilespmem:s29+$0x10] =	vst v1;
	v1 =	vadd.f32 v5, v2  }
0x47d: {  	v2 =	vld [tilespmem:s30+$0xFFFFFFD0];
	v9 =	vadd.f32 v0, v4  }
0x47e: {  	v4 =	vld [tilespmem:s0+$0xFFFFFFE0];
	[tilespmem:s29+$0x20] =	vst v1  }
0x47f: {  	v1 =	vld [tilespmem:s30+$0xFFFFFFE0];
	v5 =	vadd.f32 v8, v7;
	[tilespmem:s29+$0xFFFFFFC0] =	vst v9;
	s29 =	smov.u32 s0  }
0x480: {  	v7 =	vld [tilespmem:s0+$0xFFFFFFF0];
	v0 =	vmov v3  }
0x481: {  	v8 =	vld [tilespmem:s30+$0xFFFFFFF0];
	[tilespmem:s0+$0x30] =	vst v5  }
0x482: {  	v2 =	vadd.f32 v2, v6;
	v6 =	vld [tilespmem:s0+$0x0]  }
0x483: {  	v9 =	vld [tilespmem:s30+$0x0]  }
.Ltmp38:
0x484: {  	[tilespmem:s0+$0xFFFFFFD0] =	vst v2;
	v2 =	vadd.f32 v1, v4;
	v1 =	vld [tilespmem:s0+$0x10];
	(pc) =	sbr.rel @p0 .LBB2_79-.Ltmp38, $4  }
0x485: {  	v3 =	vld [tilespmem:s30+$0x10]  }
0x486: {  	[tilespmem:s0+$0xFFFFFFE0] =	vst v2;
	v7 =	vadd.f32 v8, v7;
	v2 =	vld [tilespmem:s0+$0x20]  }
0x487: {  	v5 =	vld [tilespmem:s30+$0x20]  }
0x488: {  	s0 =	sadd.s32 $0x400, s0;
	v4 =	vld [tilespmem:s29+$0xFFFFFFC0];
	[tilespmem:s29+$0xFFFFFFF0] =	vst v7;
	v6 =	vadd.f32 v9, v6  }
0x489: {  	s28 =	sadd.s32 $0x1, s28  }
0x48a: {  	p0 =	sne.s32 s28, $0x10  }
.Ltmp39:
0x48b: {  	v1 =	vadd.f32 v3, v1;
	(pc) =	sbr.rel @p0 .LBB2_78-.Ltmp39, $4  }
0x48c: {  	[tilespmem:s29+$0x0] =	vst v6;
	v2 =	vadd.f32 v5, v2  }
0x48d: {  	[tilespmem:s29+$0x10] =	vst v1;
	v0 =	vadd.f32 v0, v4  }
0x48e: {  	[tilespmem:s29+$0x20] =	vst v2  }
0x48f: {  	s26 =	sadd.s32 $0x400, s26;
	s25 =	sadd.s32 $0x1, s25;
	[tilespmem:s29+$0xFFFFFFC0] =	vst v0  }
0x490: {  	s0 =	sld [smem:$0x7EB];
	_ =	sdelay $0x1  }
0x491: {  	s25 =	simm.s32 $0x0  }
0x492: {  	[hbm4b:s0+s25] =	stream.linear.scatter [tilespmem:s16], [sflag:$0x6], $0x4000, $0x38;
	[tilespmem:$0x10000] =	vst v63  }
0x493: {  	_ =	swait.ge [sflag:s22], $0x4000  }
0x494: {  	s30 =	sld [smem:$0x7EF]  }
0x495: {  	[sflag:s22] =	ssyncset.done $0x0  }
0x496: {  	s31 =	sld [smem:$0x7F6];
	[sflag:s22] =	ssyncadd.s32 $0xFFFFC000  }
0x497: {  	[tilespmem:s16], [sflag:$0x2] =	stream.linear.gather [hbm4b:s30+s25], $0x4000, $0x38;
	[tilespmem:$0x10000] =	vst v63  }
0x498: {  	_ = 	snop  }
0x499: {  	[tilespmem:s15], [sflag:$0x3] =	stream.linear.gather [hbm4b:s31+s25], $0x4000, $0x38;
	[tilespmem:$0x10000] =	vst v63  }
0x49a: {  	_ =	swait.ge [sflag:s18], $0x4000  }
0x49b: {  	[sflag:s18] =	ssyncset.done $0x0  }
0x49c: {  	[sflag:s18] =	ssyncadd.s32 $0xFFFFC000  }
0x49d: {  	_ =	swait.ge [sflag:s23], $0x4000  }
0x49e: {  	[sflag:s23] =	ssyncset.done $0x0  }
0x49f: {  	s26 =	simm.s32 $0x0;
	s28 =	simm.s32 $0x0;
	[sflag:s23] =	ssyncadd.s32 $0xFFFFC000  }
.LBB2_82:
0x4a0: {  	s0 =	sshll.u32 s26, $0x2;
	s29 =	sand.u32 $0x7, s25  }
0x4a1: {  	s0 =	sand.u32 $0xFFFF8000, s0;
	s29 =	sshll.u32 s29, $0x9  }
0x4a2: {  	s0 =	sor.u32 s29, s0  }
0x4a3: {  	s0 =	sshrl.u32 s0, $0x2  }
0x4a4: {  	s29 =	sor.u32 $0x40, s0  }
0x4a5: {  	s30 =	sadd.s32 $0xC040, s0;
	v1 =	vld [tilespmem:s29+$0x30]  }
0x4a6: {  	v2 =	vld [tilespmem:s30+$0x30]  }
0x4a7: {  	v0 =	vld [tilespmem:s30+$0xFFFFFFC0]  }
0x4a8: {  	v3 =	vld [tilespmem:s29+$0xFFFFFFD0]  }
0x4a9: {  	v4 =	vld [tilespmem:s30+$0xFFFFFFD0]  }
0x4aa: {  	v5 =	vld [tilespmem:s29+$0xFFFFFFE0]  }
0x4ab: {  	v6 =	vld [tilespmem:s30+$0xFFFFFFE0]  }
0x4ac: {  	v7 =	vld [tilespmem:s29+$0xFFFFFFF0]  }
0x4ad: {  	v8 =	vld [tilespmem:s30+$0xFFFFFFF0]  }
0x4ae: {  	v9 =	vld [tilespmem:s29+$0x0]  }
0x4af: {  	v10 =	vld [tilespmem:s30+$0x0];
	v2 =	vadd.f32 v2, v1  }
0x4b0: {  	v4 =	vadd.f32 v4, v3;
	v1 =	vld [tilespmem:s29+$0x10]  }
0x4b1: {  	v5 =	vadd.f32 v6, v5;
	v3 =	vld [tilespmem:s30+$0x10];
	[tilespmem:s29+$0x30] =	vst v2  }
0x4b2: {  	v6 =	vadd.f32 v8, v7;
	[tilespmem:s29+$0xFFFFFFD0] =	vst v4;
	v2 =	vld [tilespmem:s29+$0x20]  }
0x4b3: {  	[tilespmem:s29+$0xFFFFFFE0] =	vst v5;
	v5 =	vld [tilespmem:s30+$0x20]  }
0x4b4: {  	s31 =	simm.s32 $0x0;
	s0 =	sadd.s32 $0x400, s29;
	v4 =	vld [tilespmem:s29+$0xFFFFFFC0];
	[tilespmem:s29+$0xFFFFFFF0] =	vst v6;
	v6 =	vadd.f32 v10, v9  }
.LBB2_83:
0x4b5: {  	v7 =	vld [tilespmem:s0+$0x30];
	s30 =	sadd.s32 $0x400, s30  }
0x4b6: {  	s31 =	sadd.s32 $0x8, s31;
	v8 =	vld [tilespmem:s30+$0x30];
	[tilespmem:s29+$0x0] =	vst v6;
	v1 =	vadd.f32 v3, v1  }
0x4b7: {  	p0 =	slt.u32 s31, $0x38;
	v3 =	vld [tilespmem:s30+$0xFFFFFFC0]  }
0x4b8: {  	v6 =	vld [tilespmem:s0+$0xFFFFFFD0];
	[tilespmem:s29+$0x10] =	vst v1;
	v1 =	vadd.f32 v5, v2  }
0x4b9: {  	v2 =	vld [tilespmem:s30+$0xFFFFFFD0];
	v9 =	vadd.f32 v0, v4  }
0x4ba: {  	v4 =	vld [tilespmem:s0+$0xFFFFFFE0];
	[tilespmem:s29+$0x20] =	vst v1  }
0x4bb: {  	v1 =	vld [tilespmem:s30+$0xFFFFFFE0];
	v5 =	vadd.f32 v8, v7;
	[tilespmem:s29+$0xFFFFFFC0] =	vst v9;
	s29 =	smov.u32 s0  }
0x4bc: {  	v7 =	vld [tilespmem:s0+$0xFFFFFFF0];
	v0 =	vmov v3  }
0x4bd: {  	v8 =	vld [tilespmem:s30+$0xFFFFFFF0];
	[tilespmem:s0+$0x30] =	vst v5  }
0x4be: {  	v2 =	vadd.f32 v2, v6;
	v6 =	vld [tilespmem:s0+$0x0]  }
0x4bf: {  	v9 =	vld [tilespmem:s30+$0x0]  }
.Ltmp40:
0x4c0: {  	[tilespmem:s0+$0xFFFFFFD0] =	vst v2;
	v2 =	vadd.f32 v1, v4;
	v1 =	vld [tilespmem:s0+$0x10];
	(pc) =	sbr.rel @p0 .LBB2_83-.Ltmp40, $4  }
0x4c1: {  	v3 =	vld [tilespmem:s30+$0x10]  }
0x4c2: {  	[tilespmem:s0+$0xFFFFFFE0] =	vst v2;
	v7 =	vadd.f32 v8, v7;
	v2 =	vld [tilespmem:s0+$0x20]  }
0x4c3: {  	v5 =	vld [tilespmem:s30+$0x20]  }
0x4c4: {  	s0 =	sadd.s32 $0x400, s0;
	v4 =	vld [tilespmem:s29+$0xFFFFFFC0];
	[tilespmem:s29+$0xFFFFFFF0] =	vst v7;
	v6 =	vadd.f32 v9, v6  }
0x4c5: {  	s28 =	sadd.s32 $0x1, s28  }
0x4c6: {  	p0 =	sne.s32 s28, $0x10  }
.Ltmp41:
0x4c7: {  	v1 =	vadd.f32 v3, v1;
	(pc) =	sbr.rel @p0 .LBB2_82-.Ltmp41, $4  }
0x4c8: {  	[tilespmem:s29+$0x0] =	vst v6;
	v2 =	vadd.f32 v5, v2  }
0x4c9: {  	[tilespmem:s29+$0x10] =	vst v1;
	v0 =	vadd.f32 v0, v4  }
0x4ca: {  	[tilespmem:s29+$0x20] =	vst v2  }
0x4cb: {  	s26 =	sadd.s32 $0x400, s26;
	s25 =	sadd.s32 $0x1, s25;
	[tilespmem:s29+$0xFFFFFFC0] =	vst v0  }
0x4cc: {  	s0 =	sld [smem:$0x7EE];
	_ =	sdelay $0x1  }
0x4cd: {  	s25 =	simm.s32 $0x0  }
0x4ce: {  	[hbm4b:s0+s25] =	stream.linear.scatter [tilespmem:s25], [sflag:$0x5], $0x4000, $0x38;
	[tilespmem:$0x10000] =	vst v63  }
0x4cf: {  	_ =	swait.ge [sflag:s20], $0x4000  }
0x4d0: {  	s31 =	sld [smem:$0x7F1]  }
0x4d1: {  	[sflag:s20] =	ssyncset.done $0x0  }
0x4d2: {  	[sflag:s20] =	ssyncadd.s32 $0xFFFFC000  }
0x4d3: {  	[tilespmem:s25], [sflag:$0x1] =	stream.linear.gather [hbm4b:s31+s25], $0x4000, $0x38;
	[tilespmem:$0x10000] =	vst v63  }
0x4d4: {  	_ =	swait.ge [sflag:s21], $0x4000  }
0x4d5: {  	[sflag:s21] =	ssyncset.done $0x0  }
0x4d6: {  	s26 =	simm.s32 $0x0;
	s28 =	simm.s32 $0x0;
	[sflag:s21] =	ssyncadd.s32 $0xFFFFC000  }
.LBB2_86:
0x4d7: {  	s0 =	sshll.u32 s26, $0x2;
	s29 =	sand.u32 $0x7, s25  }
0x4d8: {  	s0 =	sand.u32 $0xFFFF8000, s0;
	s29 =	sshll.u32 s29, $0x9  }
0x4d9: {  	s0 =	sor.u32 s29, s0  }
0x4da: {  	s0 =	sshrl.u32 s0, $0x2  }
0x4db: {  	s29 =	sadd.s32 $0x4040, s0  }
0x4dc: {  	s30 =	sadd.s32 $0xC040, s0;
	v1 =	vld [tilespmem:s29+$0x30]  }
0x4dd: {  	v2 =	vld [tilespmem:s30+$0x30]  }
0x4de: {  	v0 =	vld [tilespmem:s30+$0xFFFFFFC0]  }
0x4df: {  	v3 =	vld [tilespmem:s29+$0xFFFFFFD0]  }
0x4e0: {  	v4 =	vld [tilespmem:s30+$0xFFFFFFD0]  }
0x4e1: {  	v5 =	vld [tilespmem:s29+$0xFFFFFFE0]  }
0x4e2: {  	v6 =	vld [tilespmem:s30+$0xFFFFFFE0]  }
0x4e3: {  	v7 =	vld [tilespmem:s29+$0xFFFFFFF0]  }
0x4e4: {  	v8 =	vld [tilespmem:s30+$0xFFFFFFF0]  }
0x4e5: {  	v9 =	vld [tilespmem:s29+$0x0]  }
0x4e6: {  	v10 =	vld [tilespmem:s30+$0x0];
	v2 =	vadd.f32 v2, v1  }
0x4e7: {  	v4 =	vadd.f32 v4, v3;
	v1 =	vld [tilespmem:s29+$0x10]  }
0x4e8: {  	v5 =	vadd.f32 v6, v5;
	v3 =	vld [tilespmem:s30+$0x10];
	[tilespmem:s29+$0x30] =	vst v2  }
0x4e9: {  	v6 =	vadd.f32 v8, v7;
	[tilespmem:s29+$0xFFFFFFD0] =	vst v4;
	v2 =	vld [tilespmem:s29+$0x20]  }
0x4ea: {  	[tilespmem:s29+$0xFFFFFFE0] =	vst v5;
	v5 =	vld [tilespmem:s30+$0x20]  }
0x4eb: {  	s31 =	simm.s32 $0x0;
	s0 =	sadd.s32 $0x400, s29;
	v4 =	vld [tilespmem:s29+$0xFFFFFFC0];
	[tilespmem:s29+$0xFFFFFFF0] =	vst v6;
	v6 =	vadd.f32 v10, v9  }
.LBB2_87:
0x4ec: {  	v7 =	vld [tilespmem:s0+$0x30];
	s30 =	sadd.s32 $0x400, s30  }
0x4ed: {  	s31 =	sadd.s32 $0x8, s31;
	v8 =	vld [tilespmem:s30+$0x30];
	[tilespmem:s29+$0x0] =	vst v6;
	v1 =	vadd.f32 v3, v1  }
0x4ee: {  	p0 =	slt.u32 s31, $0x38;
	v3 =	vld [tilespmem:s30+$0xFFFFFFC0]  }
0x4ef: {  	v6 =	vld [tilespmem:s0+$0xFFFFFFD0];
	[tilespmem:s29+$0x10] =	vst v1;
	v1 =	vadd.f32 v5, v2  }
0x4f0: {  	v2 =	vld [tilespmem:s30+$0xFFFFFFD0];
	v9 =	vadd.f32 v0, v4  }
0x4f1: {  	v4 =	vld [tilespmem:s0+$0xFFFFFFE0];
	[tilespmem:s29+$0x20] =	vst v1  }
0x4f2: {  	v1 =	vld [tilespmem:s30+$0xFFFFFFE0];
	v5 =	vadd.f32 v8, v7;
	[tilespmem:s29+$0xFFFFFFC0] =	vst v9;
	s29 =	smov.u32 s0  }
0x4f3: {  	v7 =	vld [tilespmem:s0+$0xFFFFFFF0];
	v0 =	vmov v3  }
0x4f4: {  	v8 =	vld [tilespmem:s30+$0xFFFFFFF0];
	[tilespmem:s0+$0x30] =	vst v5  }
0x4f5: {  	v2 =	vadd.f32 v2, v6;
	v6 =	vld [tilespmem:s0+$0x0]  }
0x4f6: {  	v9 =	vld [tilespmem:s30+$0x0]  }
.Ltmp42:
0x4f7: {  	[tilespmem:s0+$0xFFFFFFD0] =	vst v2;
	v2 =	vadd.f32 v1, v4;
	v1 =	vld [tilespmem:s0+$0x10];
	(pc) =	sbr.rel @p0 .LBB2_87-.Ltmp42, $4  }
0x4f8: {  	v3 =	vld [tilespmem:s30+$0x10]  }
0x4f9: {  	[tilespmem:s0+$0xFFFFFFE0] =	vst v2;
	v7 =	vadd.f32 v8, v7;
	v2 =	vld [tilespmem:s0+$0x20]  }
0x4fa: {  	v5 =	vld [tilespmem:s30+$0x20]  }
0x4fb: {  	s0 =	sadd.s32 $0x400, s0;
	v4 =	vld [tilespmem:s29+$0xFFFFFFC0];
	[tilespmem:s29+$0xFFFFFFF0] =	vst v7;
	v6 =	vadd.f32 v9, v6  }
0x4fc: {  	s28 =	sadd.s32 $0x1, s28  }
0x4fd: {  	p0 =	sne.s32 s28, $0x10  }
.Ltmp43:
0x4fe: {  	v1 =	vadd.f32 v3, v1;
	(pc) =	sbr.rel @p0 .LBB2_86-.Ltmp43, $4  }
0x4ff: {  	[tilespmem:s29+$0x0] =	vst v6;
	v2 =	vadd.f32 v5, v2  }
0x500: {  	[tilespmem:s29+$0x10] =	vst v1;
	v0 =	vadd.f32 v0, v4  }
0x501: {  	[tilespmem:s29+$0x20] =	vst v2  }
0x502: {  	s26 =	sadd.s32 $0x400, s26;
	s25 =	sadd.s32 $0x1, s25;
	[tilespmem:s29+$0xFFFFFFC0] =	vst v0  }
0x503: {  	s0 =	sld [smem:$0x7F0];
	_ =	sdelay $0x1  }
0x504: {  	s25 =	simm.s32 $0x0  }
0x505: {  	[hbm4b:s0+s25] =	stream.linear.scatter [tilespmem:s16], [sflag:$0x6], $0x4000, $0x38;
	[tilespmem:$0x10000] =	vst v63  }
0x506: {  	_ =	swait.ge [sflag:s22], $0x4000  }
0x507: {  	s31 =	sld [smem:$0x7F3]  }
0x508: {  	[sflag:s22] =	ssyncset.done $0x0  }
0x509: {  	[sflag:s22] =	ssyncadd.s32 $0xFFFFC000  }
0x50a: {  	[tilespmem:s16], [sflag:$0x2] =	stream.linear.gather [hbm4b:s31+s25], $0x4000, $0x38;
	[tilespmem:$0x10000] =	vst v63  }
0x50b: {  	_ =	swait.ge [sflag:s18], $0x4000  }
0x50c: {  	[sflag:s18] =	ssyncset.done $0x0  }
0x50d: {  	s26 =	simm.s32 $0x0;
	s28 =	simm.s32 $0x0;
	[sflag:s18] =	ssyncadd.s32 $0xFFFFC000  }
.LBB2_90:
0x50e: {  	s0 =	sshll.u32 s26, $0x2;
	s29 =	sand.u32 $0x7, s25  }
0x50f: {  	s0 =	sand.u32 $0xFFFF8000, s0;
	s29 =	sshll.u32 s29, $0x9  }
0x510: {  	s0 =	sor.u32 s29, s0  }
0x511: {  	s0 =	sshrl.u32 s0, $0x2  }
0x512: {  	s29 =	sor.u32 $0x40, s0  }
0x513: {  	s30 =	sadd.s32 $0xC040, s0;
	v1 =	vld [tilespmem:s29+$0x30]  }
0x514: {  	v2 =	vld [tilespmem:s30+$0x30]  }
0x515: {  	v0 =	vld [tilespmem:s30+$0xFFFFFFC0]  }
0x516: {  	v3 =	vld [tilespmem:s29+$0xFFFFFFD0]  }
0x517: {  	v4 =	vld [tilespmem:s30+$0xFFFFFFD0]  }
0x518: {  	v5 =	vld [tilespmem:s29+$0xFFFFFFE0]  }
0x519: {  	v6 =	vld [tilespmem:s30+$0xFFFFFFE0]  }
0x51a: {  	v7 =	vld [tilespmem:s29+$0xFFFFFFF0]  }
0x51b: {  	v8 =	vld [tilespmem:s30+$0xFFFFFFF0]  }
0x51c: {  	v9 =	vld [tilespmem:s29+$0x0]  }
0x51d: {  	v10 =	vld [tilespmem:s30+$0x0];
	v2 =	vadd.f32 v2, v1  }
0x51e: {  	v4 =	vadd.f32 v4, v3;
	v1 =	vld [tilespmem:s29+$0x10]  }
0x51f: {  	v5 =	vadd.f32 v6, v5;
	v3 =	vld [tilespmem:s30+$0x10];
	[tilespmem:s29+$0x30] =	vst v2  }
0x520: {  	v6 =	vadd.f32 v8, v7;
	[tilespmem:s29+$0xFFFFFFD0] =	vst v4;
	v2 =	vld [tilespmem:s29+$0x20]  }
0x521: {  	[tilespmem:s29+$0xFFFFFFE0] =	vst v5;
	v5 =	vld [tilespmem:s30+$0x20]  }
0x522: {  	s31 =	simm.s32 $0x0;
	s0 =	sadd.s32 $0x400, s29;
	v4 =	vld [tilespmem:s29+$0xFFFFFFC0];
	[tilespmem:s29+$0xFFFFFFF0] =	vst v6;
	v6 =	vadd.f32 v10, v9  }
.LBB2_91:
0x523: {  	v7 =	vld [tilespmem:s0+$0x30];
	s30 =	sadd.s32 $0x400, s30  }
0x524: {  	s31 =	sadd.s32 $0x8, s31;
	v8 =	vld [tilespmem:s30+$0x30];
	[tilespmem:s29+$0x0] =	vst v6;
	v1 =	vadd.f32 v3, v1  }
0x525: {  	p0 =	slt.u32 s31, $0x38;
	v3 =	vld [tilespmem:s30+$0xFFFFFFC0]  }
0x526: {  	v6 =	vld [tilespmem:s0+$0xFFFFFFD0];
	[tilespmem:s29+$0x10] =	vst v1;
	v1 =	vadd.f32 v5, v2  }
0x527: {  	v2 =	vld [tilespmem:s30+$0xFFFFFFD0];
	v9 =	vadd.f32 v0, v4  }
0x528: {  	v4 =	vld [tilespmem:s0+$0xFFFFFFE0];
	[tilespmem:s29+$0x20] =	vst v1  }
0x529: {  	v1 =	vld [tilespmem:s30+$0xFFFFFFE0];
	v5 =	vadd.f32 v8, v7;
	[tilespmem:s29+$0xFFFFFFC0] =	vst v9;
	s29 =	smov.u32 s0  }
0x52a: {  	v7 =	vld [tilespmem:s0+$0xFFFFFFF0];
	v0 =	vmov v3  }
0x52b: {  	v8 =	vld [tilespmem:s30+$0xFFFFFFF0];
	[tilespmem:s0+$0x30] =	vst v5  }
0x52c: {  	v2 =	vadd.f32 v2, v6;
	v6 =	vld [tilespmem:s0+$0x0]  }
0x52d: {  	v9 =	vld [tilespmem:s30+$0x0]  }
.Ltmp44:
0x52e: {  	[tilespmem:s0+$0xFFFFFFD0] =	vst v2;
	v2 =	vadd.f32 v1, v4;
	v1 =	vld [tilespmem:s0+$0x10];
	(pc) =	sbr.rel @p0 .LBB2_91-.Ltmp44, $4  }
0x52f: {  	v3 =	vld [tilespmem:s30+$0x10]  }
0x530: {  	[tilespmem:s0+$0xFFFFFFE0] =	vst v2;
	v7 =	vadd.f32 v8, v7;
	v2 =	vld [tilespmem:s0+$0x20]  }
0x531: {  	v5 =	vld [tilespmem:s30+$0x20]  }
0x532: {  	s0 =	sadd.s32 $0x400, s0;
	v4 =	vld [tilespmem:s29+$0xFFFFFFC0];
	[tilespmem:s29+$0xFFFFFFF0] =	vst v7;
	v6 =	vadd.f32 v9, v6  }
0x533: {  	s28 =	sadd.s32 $0x1, s28  }
0x534: {  	p0 =	sne.s32 s28, $0x10  }
.Ltmp45:
0x535: {  	v1 =	vadd.f32 v3, v1;
	(pc) =	sbr.rel @p0 .LBB2_90-.Ltmp45, $4  }
0x536: {  	[tilespmem:s29+$0x0] =	vst v6;
	v2 =	vadd.f32 v5, v2  }
0x537: {  	[tilespmem:s29+$0x10] =	vst v1;
	v0 =	vadd.f32 v0, v4  }
0x538: {  	[tilespmem:s29+$0x20] =	vst v2  }
0x539: {  	s26 =	sadd.s32 $0x400, s26;
	s25 =	sadd.s32 $0x1, s25;
	[tilespmem:s29+$0xFFFFFFC0] =	vst v0  }
0x53a: {  	s0 =	sld [smem:$0x7F2];
	_ =	sdelay $0x1  }
0x53b: {  	s25 =	simm.s32 $0x0  }
0x53c: {  	[hbm4b:s0+s25] =	stream.linear.scatter [tilespmem:s25], [sflag:$0x5], $0x4000, $0x38;
	[tilespmem:$0x10000] =	vst v63  }
0x53d: {  	_ =	swait.ge [sflag:s20], $0x4000  }
0x53e: {  	s31 =	sld [smem:$0x7F8]  }
0x53f: {  	[sflag:s20] =	ssyncset.done $0x0  }
0x540: {  	[sflag:s20] =	ssyncadd.s32 $0xFFFFC000  }
0x541: {  	[tilespmem:s25], [sflag:$0x1] =	stream.linear.gather [hbm4b:s31+s25], $0x4000, $0x38;
	[tilespmem:$0x10000] =	vst v63  }
0x542: {  	_ =	swait.ge [sflag:s21], $0x4000  }
0x543: {  	[sflag:s21] =	ssyncset.done $0x0  }
0x544: {  	s26 =	simm.s32 $0x0;
	s28 =	simm.s32 $0x0;
	[sflag:s21] =	ssyncadd.s32 $0xFFFFC000  }
.LBB2_94:
0x545: {  	s0 =	sshll.u32 s26, $0x2;
	s29 =	sand.u32 $0x7, s25  }
0x546: {  	s0 =	sand.u32 $0xFFFF8000, s0;
	s29 =	sshll.u32 s29, $0x9  }
0x547: {  	s0 =	sor.u32 s29, s0  }
0x548: {  	s0 =	sshrl.u32 s0, $0x2  }
0x549: {  	s29 =	sadd.s32 $0x4040, s0  }
0x54a: {  	s30 =	sadd.s32 $0xC040, s0;
	v1 =	vld [tilespmem:s29+$0x30]  }
0x54b: {  	v2 =	vld [tilespmem:s30+$0x30]  }
0x54c: {  	v0 =	vld [tilespmem:s30+$0xFFFFFFC0]  }
0x54d: {  	v3 =	vld [tilespmem:s29+$0xFFFFFFD0]  }
0x54e: {  	v4 =	vld [tilespmem:s30+$0xFFFFFFD0]  }
0x54f: {  	v5 =	vld [tilespmem:s29+$0xFFFFFFE0]  }
0x550: {  	v6 =	vld [tilespmem:s30+$0xFFFFFFE0]  }
0x551: {  	v7 =	vld [tilespmem:s29+$0xFFFFFFF0]  }
0x552: {  	v8 =	vld [tilespmem:s30+$0xFFFFFFF0]  }
0x553: {  	v9 =	vld [tilespmem:s29+$0x0]  }
0x554: {  	v10 =	vld [tilespmem:s30+$0x0];
	v2 =	vadd.f32 v2, v1  }
0x555: {  	v4 =	vadd.f32 v4, v3;
	v1 =	vld [tilespmem:s29+$0x10]  }
0x556: {  	v5 =	vadd.f32 v6, v5;
	v3 =	vld [tilespmem:s30+$0x10];
	[tilespmem:s29+$0x30] =	vst v2  }
0x557: {  	v6 =	vadd.f32 v8, v7;
	[tilespmem:s29+$0xFFFFFFD0] =	vst v4;
	v2 =	vld [tilespmem:s29+$0x20]  }
0x558: {  	[tilespmem:s29+$0xFFFFFFE0] =	vst v5;
	v5 =	vld [tilespmem:s30+$0x20]  }
0x559: {  	s31 =	simm.s32 $0x0;
	s0 =	sadd.s32 $0x400, s29;
	v4 =	vld [tilespmem:s29+$0xFFFFFFC0];
	[tilespmem:s29+$0xFFFFFFF0] =	vst v6;
	v6 =	vadd.f32 v10, v9  }
.LBB2_95:
0x55a: {  	v7 =	vld [tilespmem:s0+$0x30];
	s30 =	sadd.s32 $0x400, s30  }
0x55b: {  	s31 =	sadd.s32 $0x8, s31;
	v8 =	vld [tilespmem:s30+$0x30];
	[tilespmem:s29+$0x0] =	vst v6;
	v1 =	vadd.f32 v3, v1  }
0x55c: {  	p0 =	slt.u32 s31, $0x38;
	v3 =	vld [tilespmem:s30+$0xFFFFFFC0]  }
0x55d: {  	v6 =	vld [tilespmem:s0+$0xFFFFFFD0];
	[tilespmem:s29+$0x10] =	vst v1;
	v1 =	vadd.f32 v5, v2  }
0x55e: {  	v2 =	vld [tilespmem:s30+$0xFFFFFFD0];
	v9 =	vadd.f32 v0, v4  }
0x55f: {  	v4 =	vld [tilespmem:s0+$0xFFFFFFE0];
	[tilespmem:s29+$0x20] =	vst v1  }
0x560: {  	v1 =	vld [tilespmem:s30+$0xFFFFFFE0];
	v5 =	vadd.f32 v8, v7;
	[tilespmem:s29+$0xFFFFFFC0] =	vst v9;
	s29 =	smov.u32 s0  }
0x561: {  	v7 =	vld [tilespmem:s0+$0xFFFFFFF0];
	v0 =	vmov v3  }
0x562: {  	v8 =	vld [tilespmem:s30+$0xFFFFFFF0];
	[tilespmem:s0+$0x30] =	vst v5  }
0x563: {  	v2 =	vadd.f32 v2, v6;
	v6 =	vld [tilespmem:s0+$0x0]  }
0x564: {  	v9 =	vld [tilespmem:s30+$0x0]  }
.Ltmp46:
0x565: {  	[tilespmem:s0+$0xFFFFFFD0] =	vst v2;
	v2 =	vadd.f32 v1, v4;
	v1 =	vld [tilespmem:s0+$0x10];
	(pc) =	sbr.rel @p0 .LBB2_95-.Ltmp46, $4  }
0x566: {  	v3 =	vld [tilespmem:s30+$0x10]  }
0x567: {  	[tilespmem:s0+$0xFFFFFFE0] =	vst v2;
	v7 =	vadd.f32 v8, v7;
	v2 =	vld [tilespmem:s0+$0x20]  }
0x568: {  	v5 =	vld [tilespmem:s30+$0x20]  }
0x569: {  	s0 =	sadd.s32 $0x400, s0;
	v4 =	vld [tilespmem:s29+$0xFFFFFFC0];
	[tilespmem:s29+$0xFFFFFFF0] =	vst v7;
	v6 =	vadd.f32 v9, v6  }
0x56a: {  	s28 =	sadd.s32 $0x1, s28  }
0x56b: {  	p0 =	sne.s32 s28, $0x10  }
.Ltmp47:
0x56c: {  	v1 =	vadd.f32 v3, v1;
	(pc) =	sbr.rel @p0 .LBB2_94-.Ltmp47, $4  }
0x56d: {  	[tilespmem:s29+$0x0] =	vst v6;
	v2 =	vadd.f32 v5, v2  }
0x56e: {  	[tilespmem:s29+$0x10] =	vst v1;
	v0 =	vadd.f32 v0, v4  }
0x56f: {  	[tilespmem:s29+$0x20] =	vst v2  }
0x570: {  	s26 =	sadd.s32 $0x400, s26;
	s25 =	sadd.s32 $0x1, s25;
	[tilespmem:s29+$0xFFFFFFC0] =	vst v0  }
0x571: {  	s0 =	sld [smem:$0x7F4];
	_ =	sdelay $0x1  }
0x572: {  	s25 =	simm.s32 $0x0  }
0x573: {  	[hbm4b:s0+s25] =	stream.linear.scatter [tilespmem:s16], [sflag:$0x6], $0x4000, $0x38;
	[tilespmem:$0x10000] =	vst v63  }
0x574: {  	_ =	swait.ge [sflag:s22], $0x4000  }
0x575: {  	s30 =	sld [smem:$0x7FA]  }
0x576: {  	[sflag:s22] =	ssyncset.done $0x0  }
0x577: {  	s31 =	sld [smem:$0x7F7];
	[sflag:s22] =	ssyncadd.s32 $0xFFFFC000  }
0x578: {  	[tilespmem:s16], [sflag:$0x2] =	stream.linear.gather [hbm4b:s30+s25], $0x4000, $0x38;
	[tilespmem:$0x10000] =	vst v63  }
0x579: {  	_ = 	snop  }
0x57a: {  	[tilespmem:s17], [sflag:$0x4] =	stream.linear.gather [hbm4b:s31+s25], $0x4000, $0x38;
	[tilespmem:$0x10000] =	vst v63  }
0x57b: {  	_ =	swait.ge [sflag:s18], $0x4000  }
0x57c: {  	[sflag:s18] =	ssyncset.done $0x0  }
0x57d: {  	[sflag:s18] =	ssyncadd.s32 $0xFFFFC000  }
0x57e: {  	_ =	swait.ge [sflag:s19], $0x4000  }
0x57f: {  	[sflag:s19] =	ssyncset.done $0x0  }
0x580: {  	s26 =	simm.s32 $0x0;
	s28 =	simm.s32 $0x0;
	[sflag:s19] =	ssyncadd.s32 $0xFFFFC000  }
.LBB2_98:
0x581: {  	s0 =	sshll.u32 s26, $0x2;
	s29 =	sand.u32 $0x7, s25  }
0x582: {  	s0 =	sand.u32 $0xFFFF8000, s0;
	s29 =	sshll.u32 s29, $0x9  }
0x583: {  	s0 =	sor.u32 s29, s0  }
0x584: {  	s0 =	sshrl.u32 s0, $0x2  }
0x585: {  	s29 =	sor.u32 $0x40, s0  }
0x586: {  	s30 =	sadd.s32 $0x8040, s0;
	v1 =	vld [tilespmem:s29+$0x30]  }
0x587: {  	v2 =	vld [tilespmem:s30+$0x30]  }
0x588: {  	v0 =	vld [tilespmem:s30+$0xFFFFFFC0]  }
0x589: {  	v3 =	vld [tilespmem:s29+$0xFFFFFFD0]  }
0x58a: {  	v4 =	vld [tilespmem:s30+$0xFFFFFFD0]  }
0x58b: {  	v5 =	vld [tilespmem:s29+$0xFFFFFFE0]  }
0x58c: {  	v6 =	vld [tilespmem:s30+$0xFFFFFFE0]  }
0x58d: {  	v7 =	vld [tilespmem:s29+$0xFFFFFFF0]  }
0x58e: {  	v8 =	vld [tilespmem:s30+$0xFFFFFFF0]  }
0x58f: {  	v9 =	vld [tilespmem:s29+$0x0]  }
0x590: {  	v10 =	vld [tilespmem:s30+$0x0];
	v2 =	vadd.f32 v2, v1  }
0x591: {  	v4 =	vadd.f32 v4, v3;
	v1 =	vld [tilespmem:s29+$0x10]  }
0x592: {  	v5 =	vadd.f32 v6, v5;
	v3 =	vld [tilespmem:s30+$0x10];
	[tilespmem:s29+$0x30] =	vst v2  }
0x593: {  	v6 =	vadd.f32 v8, v7;
	[tilespmem:s29+$0xFFFFFFD0] =	vst v4;
	v2 =	vld [tilespmem:s29+$0x20]  }
0x594: {  	[tilespmem:s29+$0xFFFFFFE0] =	vst v5;
	v5 =	vld [tilespmem:s30+$0x20]  }
0x595: {  	s31 =	simm.s32 $0x0;
	s0 =	sadd.s32 $0x400, s29;
	v4 =	vld [tilespmem:s29+$0xFFFFFFC0];
	[tilespmem:s29+$0xFFFFFFF0] =	vst v6;
	v6 =	vadd.f32 v10, v9  }
.LBB2_99:
0x596: {  	v7 =	vld [tilespmem:s0+$0x30];
	s30 =	sadd.s32 $0x400, s30  }
0x597: {  	s31 =	sadd.s32 $0x8, s31;
	v8 =	vld [tilespmem:s30+$0x30];
	[tilespmem:s29+$0x0] =	vst v6;
	v1 =	vadd.f32 v3, v1  }
0x598: {  	p0 =	slt.u32 s31, $0x38;
	v3 =	vld [tilespmem:s30+$0xFFFFFFC0]  }
0x599: {  	v6 =	vld [tilespmem:s0+$0xFFFFFFD0];
	[tilespmem:s29+$0x10] =	vst v1;
	v1 =	vadd.f32 v5, v2  }
0x59a: {  	v2 =	vld [tilespmem:s30+$0xFFFFFFD0];
	v9 =	vadd.f32 v0, v4  }
0x59b: {  	v4 =	vld [tilespmem:s0+$0xFFFFFFE0];
	[tilespmem:s29+$0x20] =	vst v1  }
0x59c: {  	v1 =	vld [tilespmem:s30+$0xFFFFFFE0];
	v5 =	vadd.f32 v8, v7;
	[tilespmem:s29+$0xFFFFFFC0] =	vst v9;
	s29 =	smov.u32 s0  }
0x59d: {  	v7 =	vld [tilespmem:s0+$0xFFFFFFF0];
	v0 =	vmov v3  }
0x59e: {  	v8 =	vld [tilespmem:s30+$0xFFFFFFF0];
	[tilespmem:s0+$0x30] =	vst v5  }
0x59f: {  	v2 =	vadd.f32 v2, v6;
	v6 =	vld [tilespmem:s0+$0x0]  }
0x5a0: {  	v9 =	vld [tilespmem:s30+$0x0]  }
.Ltmp48:
0x5a1: {  	[tilespmem:s0+$0xFFFFFFD0] =	vst v2;
	v2 =	vadd.f32 v1, v4;
	v1 =	vld [tilespmem:s0+$0x10];
	(pc) =	sbr.rel @p0 .LBB2_99-.Ltmp48, $4  }
0x5a2: {  	v3 =	vld [tilespmem:s30+$0x10]  }
0x5a3: {  	[tilespmem:s0+$0xFFFFFFE0] =	vst v2;
	v7 =	vadd.f32 v8, v7;
	v2 =	vld [tilespmem:s0+$0x20]  }
0x5a4: {  	v5 =	vld [tilespmem:s30+$0x20]  }
0x5a5: {  	s0 =	sadd.s32 $0x400, s0;
	v4 =	vld [tilespmem:s29+$0xFFFFFFC0];
	[tilespmem:s29+$0xFFFFFFF0] =	vst v7;
	v6 =	vadd.f32 v9, v6  }
0x5a6: {  	s28 =	sadd.s32 $0x1, s28  }
0x5a7: {  	p0 =	sne.s32 s28, $0x10  }
.Ltmp49:
0x5a8: {  	v1 =	vadd.f32 v3, v1;
	(pc) =	sbr.rel @p0 .LBB2_98-.Ltmp49, $4  }
0x5a9: {  	[tilespmem:s29+$0x0] =	vst v6;
	v2 =	vadd.f32 v5, v2  }
0x5aa: {  	[tilespmem:s29+$0x10] =	vst v1;
	v0 =	vadd.f32 v0, v4  }
0x5ab: {  	[tilespmem:s29+$0x20] =	vst v2  }
0x5ac: {  	s26 =	sadd.s32 $0x400, s26;
	s25 =	sadd.s32 $0x1, s25;
	[tilespmem:s29+$0xFFFFFFC0] =	vst v0  }
0x5ad: {  	s0 =	sld [smem:$0x7F9];
	_ =	sdelay $0x1  }
0x5ae: {  	s25 =	simm.s32 $0x0  }
0x5af: {  	[hbm4b:s0+s25] =	stream.linear.scatter [tilespmem:s25], [sflag:$0x5], $0x4000, $0x38;
	[tilespmem:$0x10000] =	vst v63  }
0x5b0: {  	_ =	swait.ge [sflag:s20], $0x4000  }
0x5b1: {  	s31 =	sld [smem:$0x7FC]  }
0x5b2: {  	[sflag:s20] =	ssyncset.done $0x0  }
0x5b3: {  	[sflag:s20] =	ssyncadd.s32 $0xFFFFC000  }
0x5b4: {  	[tilespmem:s25], [sflag:$0x1] =	stream.linear.gather [hbm4b:s31+s25], $0x4000, $0x38;
	[tilespmem:$0x10000] =	vst v63  }
0x5b5: {  	_ =	swait.ge [sflag:s21], $0x4000  }
0x5b6: {  	[sflag:s21] =	ssyncset.done $0x0  }
0x5b7: {  	s26 =	simm.s32 $0x0;
	s28 =	simm.s32 $0x0;
	[sflag:s21] =	ssyncadd.s32 $0xFFFFC000  }
.LBB2_102:
0x5b8: {  	s0 =	sshll.u32 s26, $0x2;
	s29 =	sand.u32 $0x7, s25  }
0x5b9: {  	s0 =	sand.u32 $0xFFFF8000, s0;
	s29 =	sshll.u32 s29, $0x9  }
0x5ba: {  	s0 =	sor.u32 s29, s0  }
0x5bb: {  	s0 =	sshrl.u32 s0, $0x2  }
0x5bc: {  	s29 =	sadd.s32 $0x4040, s0  }
0x5bd: {  	s30 =	sadd.s32 $0x8040, s0;
	v1 =	vld [tilespmem:s29+$0x30]  }
0x5be: {  	v2 =	vld [tilespmem:s30+$0x30]  }
0x5bf: {  	v0 =	vld [tilespmem:s30+$0xFFFFFFC0]  }
0x5c0: {  	v3 =	vld [tilespmem:s29+$0xFFFFFFD0]  }
0x5c1: {  	v4 =	vld [tilespmem:s30+$0xFFFFFFD0]  }
0x5c2: {  	v5 =	vld [tilespmem:s29+$0xFFFFFFE0]  }
0x5c3: {  	v6 =	vld [tilespmem:s30+$0xFFFFFFE0]  }
0x5c4: {  	v7 =	vld [tilespmem:s29+$0xFFFFFFF0]  }
0x5c5: {  	v8 =	vld [tilespmem:s30+$0xFFFFFFF0]  }
0x5c6: {  	v9 =	vld [tilespmem:s29+$0x0]  }
0x5c7: {  	v10 =	vld [tilespmem:s30+$0x0];
	v2 =	vadd.f32 v2, v1  }
0x5c8: {  	v4 =	vadd.f32 v4, v3;
	v1 =	vld [tilespmem:s29+$0x10]  }
0x5c9: {  	v5 =	vadd.f32 v6, v5;
	v3 =	vld [tilespmem:s30+$0x10];
	[tilespmem:s29+$0x30] =	vst v2  }
0x5ca: {  	v6 =	vadd.f32 v8, v7;
	[tilespmem:s29+$0xFFFFFFD0] =	vst v4;
	v2 =	vld [tilespmem:s29+$0x20]  }
0x5cb: {  	[tilespmem:s29+$0xFFFFFFE0] =	vst v5;
	v5 =	vld [tilespmem:s30+$0x20]  }
0x5cc: {  	s31 =	simm.s32 $0x0;
	s0 =	sadd.s32 $0x400, s29;
	v4 =	vld [tilespmem:s29+$0xFFFFFFC0];
	[tilespmem:s29+$0xFFFFFFF0] =	vst v6;
	v6 =	vadd.f32 v10, v9  }
.LBB2_103:
0x5cd: {  	v7 =	vld [tilespmem:s0+$0x30];
	s30 =	sadd.s32 $0x400, s30  }
0x5ce: {  	s31 =	sadd.s32 $0x8, s31;
	v8 =	vld [tilespmem:s30+$0x30];
	[tilespmem:s29+$0x0] =	vst v6;
	v1 =	vadd.f32 v3, v1  }
0x5cf: {  	p0 =	slt.u32 s31, $0x38;
	v3 =	vld [tilespmem:s30+$0xFFFFFFC0]  }
0x5d0: {  	v6 =	vld [tilespmem:s0+$0xFFFFFFD0];
	[tilespmem:s29+$0x10] =	vst v1;
	v1 =	vadd.f32 v5, v2  }
0x5d1: {  	v2 =	vld [tilespmem:s30+$0xFFFFFFD0];
	v9 =	vadd.f32 v0, v4  }
0x5d2: {  	v4 =	vld [tilespmem:s0+$0xFFFFFFE0];
	[tilespmem:s29+$0x20] =	vst v1  }
0x5d3: {  	v1 =	vld [tilespmem:s30+$0xFFFFFFE0];
	v5 =	vadd.f32 v8, v7;
	[tilespmem:s29+$0xFFFFFFC0] =	vst v9;
	s29 =	smov.u32 s0  }
0x5d4: {  	v7 =	vld [tilespmem:s0+$0xFFFFFFF0];
	v0 =	vmov v3  }
0x5d5: {  	v8 =	vld [tilespmem:s30+$0xFFFFFFF0];
	[tilespmem:s0+$0x30] =	vst v5  }
0x5d6: {  	v2 =	vadd.f32 v2, v6;
	v6 =	vld [tilespmem:s0+$0x0]  }
0x5d7: {  	v9 =	vld [tilespmem:s30+$0x0]  }
.Ltmp50:
0x5d8: {  	[tilespmem:s0+$0xFFFFFFD0] =	vst v2;
	v2 =	vadd.f32 v1, v4;
	v1 =	vld [tilespmem:s0+$0x10];
	(pc) =	sbr.rel @p0 .LBB2_103-.Ltmp50, $4  }
0x5d9: {  	v3 =	vld [tilespmem:s30+$0x10]  }
0x5da: {  	[tilespmem:s0+$0xFFFFFFE0] =	vst v2;
	v7 =	vadd.f32 v8, v7;
	v2 =	vld [tilespmem:s0+$0x20]  }
0x5db: {  	v5 =	vld [tilespmem:s30+$0x20]  }
0x5dc: {  	s0 =	sadd.s32 $0x400, s0;
	v4 =	vld [tilespmem:s29+$0xFFFFFFC0];
	[tilespmem:s29+$0xFFFFFFF0] =	vst v7;
	v6 =	vadd.f32 v9, v6  }
0x5dd: {  	s28 =	sadd.s32 $0x1, s28  }
0x5de: {  	p0 =	sne.s32 s28, $0x10  }
.Ltmp51:
0x5df: {  	v1 =	vadd.f32 v3, v1;
	(pc) =	sbr.rel @p0 .LBB2_102-.Ltmp51, $4  }
0x5e0: {  	[tilespmem:s29+$0x0] =	vst v6;
	v2 =	vadd.f32 v5, v2  }
0x5e1: {  	[tilespmem:s29+$0x10] =	vst v1;
	v0 =	vadd.f32 v0, v4  }
0x5e2: {  	[tilespmem:s29+$0x20] =	vst v2  }
0x5e3: {  	s26 =	sadd.s32 $0x400, s26;
	s25 =	sadd.s32 $0x1, s25;
	[tilespmem:s29+$0xFFFFFFC0] =	vst v0  }
0x5e4: {  	s0 =	sld [smem:$0x7FB];
	_ =	sdelay $0x1  }
0x5e5: {  	s25 =	simm.s32 $0x0  }
0x5e6: {  	[hbm4b:s0+s25] =	stream.linear.scatter [tilespmem:s16], [sflag:$0x6], $0x4000, $0x38;
	[tilespmem:$0x10000] =	vst v63  }
0x5e7: {  	_ =	swait.ge [sflag:s22], $0x4000  }
0x5e8: {  	[sflag:s22] =	ssyncset.done $0x0  }
0x5e9: {  	[sflag:s22] =	ssyncadd.s32 $0xFFFFC000  }
0x5ea: {  	[tilespmem:s16], [sflag:$0x2] =	stream.linear.gather [hbm4b:s2+s25], $0x4000, $0x38;
	[tilespmem:$0x10000] =	vst v63  }
0x5eb: {  	_ =	swait.ge [sflag:s18], $0x4000  }
0x5ec: {  	[sflag:s18] =	ssyncset.done $0x0  }
0x5ed: {  	s26 =	simm.s32 $0x0;
	s28 =	simm.s32 $0x0;
	[sflag:s18] =	ssyncadd.s32 $0xFFFFC000  }
.LBB2_106:
0x5ee: {  	s0 =	sshll.u32 s26, $0x2;
	s29 =	sand.u32 $0x7, s25  }
0x5ef: {  	s0 =	sand.u32 $0xFFFF8000, s0;
	s29 =	sshll.u32 s29, $0x9  }
0x5f0: {  	s0 =	sor.u32 s29, s0  }
0x5f1: {  	s0 =	sshrl.u32 s0, $0x2  }
0x5f2: {  	s29 =	sor.u32 $0x40, s0  }
0x5f3: {  	s30 =	sadd.s32 $0x8040, s0;
	v1 =	vld [tilespmem:s29+$0x30]  }
0x5f4: {  	v2 =	vld [tilespmem:s30+$0x30]  }
0x5f5: {  	v0 =	vld [tilespmem:s30+$0xFFFFFFC0]  }
0x5f6: {  	v3 =	vld [tilespmem:s29+$0xFFFFFFD0]  }
0x5f7: {  	v4 =	vld [tilespmem:s30+$0xFFFFFFD0]  }
0x5f8: {  	v5 =	vld [tilespmem:s29+$0xFFFFFFE0]  }
0x5f9: {  	v6 =	vld [tilespmem:s30+$0xFFFFFFE0]  }
0x5fa: {  	v7 =	vld [tilespmem:s29+$0xFFFFFFF0]  }
0x5fb: {  	v8 =	vld [tilespmem:s30+$0xFFFFFFF0]  }
0x5fc: {  	v9 =	vld [tilespmem:s29+$0x0]  }
0x5fd: {  	v10 =	vld [tilespmem:s30+$0x0];
	v2 =	vadd.f32 v2, v1  }
0x5fe: {  	v4 =	vadd.f32 v4, v3;
	v1 =	vld [tilespmem:s29+$0x10]  }
0x5ff: {  	v5 =	vadd.f32 v6, v5;
	v3 =	vld [tilespmem:s30+$0x10];
	[tilespmem:s29+$0x30] =	vst v2  }
0x600: {  	v6 =	vadd.f32 v8, v7;
	[tilespmem:s29+$0xFFFFFFD0] =	vst v4;
	v2 =	vld [tilespmem:s29+$0x20]  }
0x601: {  	[tilespmem:s29+$0xFFFFFFE0] =	vst v5;
	v5 =	vld [tilespmem:s30+$0x20]  }
0x602: {  	s31 =	simm.s32 $0x0;
	s0 =	sadd.s32 $0x400, s29;
	v4 =	vld [tilespmem:s29+$0xFFFFFFC0];
	[tilespmem:s29+$0xFFFFFFF0] =	vst v6;
	v6 =	vadd.f32 v10, v9  }
.LBB2_107:
0x603: {  	v7 =	vld [tilespmem:s0+$0x30];
	s30 =	sadd.s32 $0x400, s30  }
0x604: {  	s31 =	sadd.s32 $0x8, s31;
	v8 =	vld [tilespmem:s30+$0x30];
	[tilespmem:s29+$0x0] =	vst v6;
	v1 =	vadd.f32 v3, v1  }
0x605: {  	p0 =	slt.u32 s31, $0x38;
	v3 =	vld [tilespmem:s30+$0xFFFFFFC0]  }
0x606: {  	v6 =	vld [tilespmem:s0+$0xFFFFFFD0];
	[tilespmem:s29+$0x10] =	vst v1;
	v1 =	vadd.f32 v5, v2  }
0x607: {  	v2 =	vld [tilespmem:s30+$0xFFFFFFD0];
	v9 =	vadd.f32 v0, v4  }
0x608: {  	v4 =	vld [tilespmem:s0+$0xFFFFFFE0];
	[tilespmem:s29+$0x20] =	vst v1  }
0x609: {  	v1 =	vld [tilespmem:s30+$0xFFFFFFE0];
	v5 =	vadd.f32 v8, v7;
	[tilespmem:s29+$0xFFFFFFC0] =	vst v9;
	s29 =	smov.u32 s0  }
0x60a: {  	v7 =	vld [tilespmem:s0+$0xFFFFFFF0];
	v0 =	vmov v3  }
0x60b: {  	v8 =	vld [tilespmem:s30+$0xFFFFFFF0];
	[tilespmem:s0+$0x30] =	vst v5  }
0x60c: {  	v2 =	vadd.f32 v2, v6;
	v6 =	vld [tilespmem:s0+$0x0]  }
0x60d: {  	v9 =	vld [tilespmem:s30+$0x0]  }
.Ltmp52:
0x60e: {  	[tilespmem:s0+$0xFFFFFFD0] =	vst v2;
	v2 =	vadd.f32 v1, v4;
	v1 =	vld [tilespmem:s0+$0x10];
	(pc) =	sbr.rel @p0 .LBB2_107-.Ltmp52, $4  }
0x60f: {  	v3 =	vld [tilespmem:s30+$0x10]  }
0x610: {  	[tilespmem:s0+$0xFFFFFFE0] =	vst v2;
	v7 =	vadd.f32 v8, v7;
	v2 =	vld [tilespmem:s0+$0x20]  }
0x611: {  	v5 =	vld [tilespmem:s30+$0x20]  }
0x612: {  	s0 =	sadd.s32 $0x400, s0;
	v4 =	vld [tilespmem:s29+$0xFFFFFFC0];
	[tilespmem:s29+$0xFFFFFFF0] =	vst v7;
	v6 =	vadd.f32 v9, v6  }
0x613: {  	s28 =	sadd.s32 $0x1, s28  }
0x614: {  	p0 =	sne.s32 s28, $0x10  }
.Ltmp53:
0x615: {  	v1 =	vadd.f32 v3, v1;
	(pc) =	sbr.rel @p0 .LBB2_106-.Ltmp53, $4  }
0x616: {  	[tilespmem:s29+$0x0] =	vst v6;
	v2 =	vadd.f32 v5, v2  }
0x617: {  	[tilespmem:s29+$0x10] =	vst v1;
	v0 =	vadd.f32 v0, v4  }
0x618: {  	[tilespmem:s29+$0x20] =	vst v2  }
0x619: {  	s26 =	sadd.s32 $0x400, s26;
	s25 =	sadd.s32 $0x1, s25;
	[tilespmem:s29+$0xFFFFFFC0] =	vst v0  }
0x61a: {  	s0 =	sld [smem:$0x7FD];
	_ =	sdelay $0x1  }
0x61b: {  	s25 =	simm.s32 $0x0  }
0x61c: {  	[hbm4b:s0+s25] =	stream.linear.scatter [tilespmem:s25], [sflag:$0x5], $0x4000, $0x38;
	[tilespmem:$0x10000] =	vst v63  }
0x61d: {  	_ =	swait.ge [sflag:s20], $0x4000  }
0x61e: {  	[sflag:s20] =	ssyncset.done $0x0  }
0x61f: {  	[sflag:s20] =	ssyncadd.s32 $0xFFFFC000  }
0x620: {  	[tilespmem:s25], [sflag:$0x1] =	stream.linear.gather [hbm4b:s4+s25], $0x4000, $0x38;
	[tilespmem:$0x10000] =	vst v63  }
0x621: {  	_ =	swait.ge [sflag:s21], $0x4000  }
0x622: {  	[sflag:s21] =	ssyncset.done $0x0  }
0x623: {  	s26 =	simm.s32 $0x0;
	s28 =	simm.s32 $0x0;
	[sflag:s21] =	ssyncadd.s32 $0xFFFFC000  }
.LBB2_110:
0x624: {  	s0 =	sshll.u32 s26, $0x2;
	s29 =	sand.u32 $0x7, s25  }
0x625: {  	s0 =	sand.u32 $0xFFFF8000, s0;
	s29 =	sshll.u32 s29, $0x9  }
0x626: {  	s0 =	sor.u32 s29, s0  }
0x627: {  	s0 =	sshrl.u32 s0, $0x2  }
0x628: {  	s29 =	sadd.s32 $0x4040, s0  }
0x629: {  	s30 =	sadd.s32 $0x8040, s0;
	v1 =	vld [tilespmem:s29+$0x30]  }
0x62a: {  	v2 =	vld [tilespmem:s30+$0x30]  }
0x62b: {  	v0 =	vld [tilespmem:s30+$0xFFFFFFC0]  }
0x62c: {  	v3 =	vld [tilespmem:s29+$0xFFFFFFD0]  }
0x62d: {  	v4 =	vld [tilespmem:s30+$0xFFFFFFD0]  }
0x62e: {  	v5 =	vld [tilespmem:s29+$0xFFFFFFE0]  }
0x62f: {  	v6 =	vld [tilespmem:s30+$0xFFFFFFE0]  }
0x630: {  	v7 =	vld [tilespmem:s29+$0xFFFFFFF0]  }
0x631: {  	v8 =	vld [tilespmem:s30+$0xFFFFFFF0]  }
0x632: {  	v9 =	vld [tilespmem:s29+$0x0]  }
0x633: {  	v10 =	vld [tilespmem:s30+$0x0];
	v2 =	vadd.f32 v2, v1  }
0x634: {  	v4 =	vadd.f32 v4, v3;
	v1 =	vld [tilespmem:s29+$0x10]  }
0x635: {  	v5 =	vadd.f32 v6, v5;
	v3 =	vld [tilespmem:s30+$0x10];
	[tilespmem:s29+$0x30] =	vst v2  }
0x636: {  	v6 =	vadd.f32 v8, v7;
	[tilespmem:s29+$0xFFFFFFD0] =	vst v4;
	v2 =	vld [tilespmem:s29+$0x20]  }
0x637: {  	[tilespmem:s29+$0xFFFFFFE0] =	vst v5;
	v5 =	vld [tilespmem:s30+$0x20]  }
0x638: {  	s31 =	simm.s32 $0x0;
	s0 =	sadd.s32 $0x400, s29;
	v4 =	vld [tilespmem:s29+$0xFFFFFFC0];
	[tilespmem:s29+$0xFFFFFFF0] =	vst v6;
	v6 =	vadd.f32 v10, v9  }
.LBB2_111:
0x639: {  	v7 =	vld [tilespmem:s0+$0x30];
	s30 =	sadd.s32 $0x400, s30  }
0x63a: {  	s31 =	sadd.s32 $0x8, s31;
	v8 =	vld [tilespmem:s30+$0x30];
	[tilespmem:s29+$0x0] =	vst v6;
	v1 =	vadd.f32 v3, v1  }
0x63b: {  	p0 =	slt.u32 s31, $0x38;
	v3 =	vld [tilespmem:s30+$0xFFFFFFC0]  }
0x63c: {  	v6 =	vld [tilespmem:s0+$0xFFFFFFD0];
	[tilespmem:s29+$0x10] =	vst v1;
	v1 =	vadd.f32 v5, v2  }
0x63d: {  	v2 =	vld [tilespmem:s30+$0xFFFFFFD0];
	v9 =	vadd.f32 v0, v4  }
0x63e: {  	v4 =	vld [tilespmem:s0+$0xFFFFFFE0];
	[tilespmem:s29+$0x20] =	vst v1  }
0x63f: {  	v1 =	vld [tilespmem:s30+$0xFFFFFFE0];
	v5 =	vadd.f32 v8, v7;
	[tilespmem:s29+$0xFFFFFFC0] =	vst v9;
	s29 =	smov.u32 s0  }
0x640: {  	v7 =	vld [tilespmem:s0+$0xFFFFFFF0];
	v0 =	vmov v3  }
0x641: {  	v8 =	vld [tilespmem:s30+$0xFFFFFFF0];
	[tilespmem:s0+$0x30] =	vst v5  }
0x642: {  	v2 =	vadd.f32 v2, v6;
	v6 =	vld [tilespmem:s0+$0x0]  }
0x643: {  	v9 =	vld [tilespmem:s30+$0x0]  }
.Ltmp54:
0x644: {  	[tilespmem:s0+$0xFFFFFFD0] =	vst v2;
	v2 =	vadd.f32 v1, v4;
	v1 =	vld [tilespmem:s0+$0x10];
	(pc) =	sbr.rel @p0 .LBB2_111-.Ltmp54, $4  }
0x645: {  	v3 =	vld [tilespmem:s30+$0x10]  }
0x646: {  	[tilespmem:s0+$0xFFFFFFE0] =	vst v2;
	v7 =	vadd.f32 v8, v7;
	v2 =	vld [tilespmem:s0+$0x20]  }
0x647: {  	v5 =	vld [tilespmem:s30+$0x20]  }
0x648: {  	s0 =	sadd.s32 $0x400, s0;
	v4 =	vld [tilespmem:s29+$0xFFFFFFC0];
	[tilespmem:s29+$0xFFFFFFF0] =	vst v7;
	v6 =	vadd.f32 v9, v6  }
0x649: {  	s28 =	sadd.s32 $0x1, s28  }
0x64a: {  	p0 =	sne.s32 s28, $0x10  }
.Ltmp55:
0x64b: {  	v1 =	vadd.f32 v3, v1;
	(pc) =	sbr.rel @p0 .LBB2_110-.Ltmp55, $4  }
0x64c: {  	[tilespmem:s29+$0x0] =	vst v6;
	v2 =	vadd.f32 v5, v2  }
0x64d: {  	[tilespmem:s29+$0x10] =	vst v1;
	v0 =	vadd.f32 v0, v4  }
0x64e: {  	[tilespmem:s29+$0x20] =	vst v2  }
0x64f: {  	s26 =	sadd.s32 $0x400, s26;
	s25 =	sadd.s32 $0x1, s25;
	[tilespmem:s29+$0xFFFFFFC0] =	vst v0  }
0x650: {  	s25 =	simm.s32 $0x0  }
0x651: {  	[hbm4b:s3+s25] =	stream.linear.scatter [tilespmem:s16], [sflag:$0x6], $0x4000, $0x38;
	[tilespmem:$0x10000] =	vst v63  }
0x652: {  	_ =	swait.ge [sflag:s22], $0x4000  }
0x653: {  	[sflag:s22] =	ssyncset.done $0x0  }
0x654: {  	[sflag:s22] =	ssyncadd.s32 $0xFFFFC000  }
0x655: {  	[tilespmem:s16], [sflag:$0x2] =	stream.linear.gather [hbm4b:s8+s25], $0x4000, $0x38;
	[tilespmem:$0x10000] =	vst v63  }
0x656: {  	_ =	swait.ge [sflag:s18], $0x4000  }
0x657: {  	[sflag:s18] =	ssyncset.done $0x0  }
0x658: {  	[sflag:s18] =	ssyncadd.s32 $0xFFFFC000  }
0x659: {  	_ =	swait.ge [sflag:s23], $0x4000  }
0x65a: {  	[sflag:s23] =	ssyncset.done $0x0  }
0x65b: {  	s26 =	simm.s32 $0x0;
	s28 =	simm.s32 $0x0;
	[sflag:s23] =	ssyncadd.s32 $0xFFFFC000  }
.LBB2_114:
0x65c: {  	s0 =	sshll.u32 s26, $0x2;
	s29 =	sand.u32 $0x7, s25  }
0x65d: {  	s0 =	sand.u32 $0xFFFF8000, s0;
	s29 =	sshll.u32 s29, $0x9  }
0x65e: {  	s0 =	sor.u32 s29, s0  }
0x65f: {  	s0 =	sshrl.u32 s0, $0x2  }
0x660: {  	s29 =	sor.u32 $0x40, s0  }
0x661: {  	s30 =	sadd.s32 $0xC040, s0;
	v1 =	vld [tilespmem:s29+$0x30]  }
0x662: {  	v2 =	vld [tilespmem:s30+$0x30]  }
0x663: {  	v0 =	vld [tilespmem:s30+$0xFFFFFFC0]  }
0x664: {  	v3 =	vld [tilespmem:s29+$0xFFFFFFD0]  }
0x665: {  	v4 =	vld [tilespmem:s30+$0xFFFFFFD0]  }
0x666: {  	v5 =	vld [tilespmem:s29+$0xFFFFFFE0]  }
0x667: {  	v6 =	vld [tilespmem:s30+$0xFFFFFFE0]  }
0x668: {  	v7 =	vld [tilespmem:s29+$0xFFFFFFF0]  }
0x669: {  	v8 =	vld [tilespmem:s30+$0xFFFFFFF0]  }
0x66a: {  	v9 =	vld [tilespmem:s29+$0x0]  }
0x66b: {  	v10 =	vld [tilespmem:s30+$0x0];
	v2 =	vadd.f32 v2, v1  }
0x66c: {  	v4 =	vadd.f32 v4, v3;
	v1 =	vld [tilespmem:s29+$0x10]  }
0x66d: {  	v5 =	vadd.f32 v6, v5;
	v3 =	vld [tilespmem:s30+$0x10];
	[tilespmem:s29+$0x30] =	vst v2  }
0x66e: {  	v6 =	vadd.f32 v8, v7;
	[tilespmem:s29+$0xFFFFFFD0] =	vst v4;
	v2 =	vld [tilespmem:s29+$0x20]  }
0x66f: {  	[tilespmem:s29+$0xFFFFFFE0] =	vst v5;
	v5 =	vld [tilespmem:s30+$0x20]  }
0x670: {  	s31 =	simm.s32 $0x0;
	s0 =	sadd.s32 $0x400, s29;
	v4 =	vld [tilespmem:s29+$0xFFFFFFC0];
	[tilespmem:s29+$0xFFFFFFF0] =	vst v6;
	v6 =	vadd.f32 v10, v9  }
.LBB2_115:
0x671: {  	v7 =	vld [tilespmem:s0+$0x30];
	s30 =	sadd.s32 $0x400, s30  }
0x672: {  	s31 =	sadd.s32 $0x8, s31;
	v8 =	vld [tilespmem:s30+$0x30];
	[tilespmem:s29+$0x0] =	vst v6;
	v1 =	vadd.f32 v3, v1  }
0x673: {  	p0 =	slt.u32 s31, $0x38;
	v3 =	vld [tilespmem:s30+$0xFFFFFFC0]  }
0x674: {  	v6 =	vld [tilespmem:s0+$0xFFFFFFD0];
	[tilespmem:s29+$0x10] =	vst v1;
	v1 =	vadd.f32 v5, v2  }
0x675: {  	v2 =	vld [tilespmem:s30+$0xFFFFFFD0];
	v9 =	vadd.f32 v0, v4  }
0x676: {  	v4 =	vld [tilespmem:s0+$0xFFFFFFE0];
	[tilespmem:s29+$0x20] =	vst v1  }
0x677: {  	v1 =	vld [tilespmem:s30+$0xFFFFFFE0];
	v5 =	vadd.f32 v8, v7;
	[tilespmem:s29+$0xFFFFFFC0] =	vst v9;
	s29 =	smov.u32 s0  }
0x678: {  	v7 =	vld [tilespmem:s0+$0xFFFFFFF0];
	v0 =	vmov v3  }
0x679: {  	v8 =	vld [tilespmem:s30+$0xFFFFFFF0];
	[tilespmem:s0+$0x30] =	vst v5  }
0x67a: {  	v2 =	vadd.f32 v2, v6;
	v6 =	vld [tilespmem:s0+$0x0]  }
0x67b: {  	v9 =	vld [tilespmem:s30+$0x0]  }
.Ltmp56:
0x67c: {  	[tilespmem:s0+$0xFFFFFFD0] =	vst v2;
	v2 =	vadd.f32 v1, v4;
	v1 =	vld [tilespmem:s0+$0x10];
	(pc) =	sbr.rel @p0 .LBB2_115-.Ltmp56, $4  }
0x67d: {  	v3 =	vld [tilespmem:s30+$0x10]  }
0x67e: {  	[tilespmem:s0+$0xFFFFFFE0] =	vst v2;
	v7 =	vadd.f32 v8, v7;
	v2 =	vld [tilespmem:s0+$0x20]  }
0x67f: {  	v5 =	vld [tilespmem:s30+$0x20]  }
0x680: {  	s0 =	sadd.s32 $0x400, s0;
	v4 =	vld [tilespmem:s29+$0xFFFFFFC0];
	[tilespmem:s29+$0xFFFFFFF0] =	vst v7;
	v6 =	vadd.f32 v9, v6  }
0x681: {  	s28 =	sadd.s32 $0x1, s28  }
0x682: {  	p0 =	sne.s32 s28, $0x10  }
.Ltmp57:
0x683: {  	v1 =	vadd.f32 v3, v1;
	(pc) =	sbr.rel @p0 .LBB2_114-.Ltmp57, $4  }
0x684: {  	[tilespmem:s29+$0x0] =	vst v6;
	v2 =	vadd.f32 v5, v2  }
0x685: {  	[tilespmem:s29+$0x10] =	vst v1;
	v0 =	vadd.f32 v0, v4  }
0x686: {  	[tilespmem:s29+$0x20] =	vst v2  }
0x687: {  	s26 =	sadd.s32 $0x400, s26;
	s25 =	sadd.s32 $0x1, s25;
	[tilespmem:s29+$0xFFFFFFC0] =	vst v0  }
0x688: {  	s25 =	simm.s32 $0x0  }
0x689: {  	[hbm4b:s5+s25] =	stream.linear.scatter [tilespmem:s25], [sflag:$0x5], $0x4000, $0x38;
	[tilespmem:$0x10000] =	vst v63  }
0x68a: {  	_ =	swait.ge [sflag:s20], $0x4000  }
0x68b: {  	[sflag:s20] =	ssyncset.done $0x0  }
0x68c: {  	[sflag:s20] =	ssyncadd.s32 $0xFFFFC000  }
0x68d: {  	[tilespmem:s25], [sflag:$0x1] =	stream.linear.gather [hbm4b:s10+s25], $0x4000, $0x38;
	[tilespmem:$0x10000] =	vst v63  }
0x68e: {  	_ =	swait.ge [sflag:s21], $0x4000  }
0x68f: {  	[sflag:s21] =	ssyncset.done $0x0  }
0x690: {  	s26 =	simm.s32 $0x0;
	s28 =	simm.s32 $0x0;
	[sflag:s21] =	ssyncadd.s32 $0xFFFFC000  }
.LBB2_118:
0x691: {  	s0 =	sshll.u32 s26, $0x2;
	s29 =	sand.u32 $0x7, s25  }
0x692: {  	s0 =	sand.u32 $0xFFFF8000, s0;
	s29 =	sshll.u32 s29, $0x9  }
0x693: {  	s0 =	sor.u32 s29, s0  }
0x694: {  	s0 =	sshrl.u32 s0, $0x2  }
0x695: {  	s29 =	sadd.s32 $0x4040, s0  }
0x696: {  	s30 =	sadd.s32 $0xC040, s0;
	v1 =	vld [tilespmem:s29+$0x30]  }
0x697: {  	v2 =	vld [tilespmem:s30+$0x30]  }
0x698: {  	v0 =	vld [tilespmem:s30+$0xFFFFFFC0]  }
0x699: {  	v3 =	vld [tilespmem:s29+$0xFFFFFFD0]  }
0x69a: {  	v4 =	vld [tilespmem:s30+$0xFFFFFFD0]  }
0x69b: {  	v5 =	vld [tilespmem:s29+$0xFFFFFFE0]  }
0x69c: {  	v6 =	vld [tilespmem:s30+$0xFFFFFFE0]  }
0x69d: {  	v7 =	vld [tilespmem:s29+$0xFFFFFFF0]  }
0x69e: {  	v8 =	vld [tilespmem:s30+$0xFFFFFFF0]  }
0x69f: {  	v9 =	vld [tilespmem:s29+$0x0]  }
0x6a0: {  	v10 =	vld [tilespmem:s30+$0x0];
	v2 =	vadd.f32 v2, v1  }
0x6a1: {  	v4 =	vadd.f32 v4, v3;
	v1 =	vld [tilespmem:s29+$0x10]  }
0x6a2: {  	v5 =	vadd.f32 v6, v5;
	v3 =	vld [tilespmem:s30+$0x10];
	[tilespmem:s29+$0x30] =	vst v2  }
0x6a3: {  	v6 =	vadd.f32 v8, v7;
	[tilespmem:s29+$0xFFFFFFD0] =	vst v4;
	v2 =	vld [tilespmem:s29+$0x20]  }
0x6a4: {  	[tilespmem:s29+$0xFFFFFFE0] =	vst v5;
	v5 =	vld [tilespmem:s30+$0x20]  }
0x6a5: {  	s31 =	simm.s32 $0x0;
	s0 =	sadd.s32 $0x400, s29;
	v4 =	vld [tilespmem:s29+$0xFFFFFFC0];
	[tilespmem:s29+$0xFFFFFFF0] =	vst v6;
	v6 =	vadd.f32 v10, v9  }
.LBB2_119:
0x6a6: {  	v7 =	vld [tilespmem:s0+$0x30];
	s30 =	sadd.s32 $0x400, s30  }
0x6a7: {  	s31 =	sadd.s32 $0x8, s31;
	v8 =	vld [tilespmem:s30+$0x30];
	[tilespmem:s29+$0x0] =	vst v6;
	v1 =	vadd.f32 v3, v1  }
0x6a8: {  	p0 =	slt.u32 s31, $0x38;
	v3 =	vld [tilespmem:s30+$0xFFFFFFC0]  }
0x6a9: {  	v6 =	vld [tilespmem:s0+$0xFFFFFFD0];
	[tilespmem:s29+$0x10] =	vst v1;
	v1 =	vadd.f32 v5, v2  }
0x6aa: {  	v2 =	vld [tilespmem:s30+$0xFFFFFFD0];
	v9 =	vadd.f32 v0, v4  }
0x6ab: {  	v4 =	vld [tilespmem:s0+$0xFFFFFFE0];
	[tilespmem:s29+$0x20] =	vst v1  }
0x6ac: {  	v1 =	vld [tilespmem:s30+$0xFFFFFFE0];
	v5 =	vadd.f32 v8, v7;
	[tilespmem:s29+$0xFFFFFFC0] =	vst v9;
	s29 =	smov.u32 s0  }
0x6ad: {  	v7 =	vld [tilespmem:s0+$0xFFFFFFF0];
	v0 =	vmov v3  }
0x6ae: {  	v8 =	vld [tilespmem:s30+$0xFFFFFFF0];
	[tilespmem:s0+$0x30] =	vst v5  }
0x6af: {  	v2 =	vadd.f32 v2, v6;
	v6 =	vld [tilespmem:s0+$0x0]  }
0x6b0: {  	v9 =	vld [tilespmem:s30+$0x0]  }
.Ltmp58:
0x6b1: {  	[tilespmem:s0+$0xFFFFFFD0] =	vst v2;
	v2 =	vadd.f32 v1, v4;
	v1 =	vld [tilespmem:s0+$0x10];
	(pc) =	sbr.rel @p0 .LBB2_119-.Ltmp58, $4  }
0x6b2: {  	v3 =	vld [tilespmem:s30+$0x10]  }
0x6b3: {  	[tilespmem:s0+$0xFFFFFFE0] =	vst v2;
	v7 =	vadd.f32 v8, v7;
	v2 =	vld [tilespmem:s0+$0x20]  }
0x6b4: {  	v5 =	vld [tilespmem:s30+$0x20]  }
0x6b5: {  	s0 =	sadd.s32 $0x400, s0;
	v4 =	vld [tilespmem:s29+$0xFFFFFFC0];
	[tilespmem:s29+$0xFFFFFFF0] =	vst v7;
	v6 =	vadd.f32 v9, v6  }
0x6b6: {  	s28 =	sadd.s32 $0x1, s28  }
0x6b7: {  	p0 =	sne.s32 s28, $0x10  }
.Ltmp59:
0x6b8: {  	v1 =	vadd.f32 v3, v1;
	(pc) =	sbr.rel @p0 .LBB2_118-.Ltmp59, $4  }
0x6b9: {  	[tilespmem:s29+$0x0] =	vst v6;
	v2 =	vadd.f32 v5, v2  }
0x6ba: {  	[tilespmem:s29+$0x10] =	vst v1;
	v0 =	vadd.f32 v0, v4  }
0x6bb: {  	[tilespmem:s29+$0x20] =	vst v2  }
0x6bc: {  	s26 =	sadd.s32 $0x400, s26;
	s25 =	sadd.s32 $0x1, s25;
	[tilespmem:s29+$0xFFFFFFC0] =	vst v0  }
0x6bd: {  	s25 =	simm.s32 $0x0  }
0x6be: {  	[hbm4b:s9+s25] =	stream.linear.scatter [tilespmem:s16], [sflag:$0x6], $0x4000, $0x38;
	[tilespmem:$0x10000] =	vst v63  }
0x6bf: {  	_ =	swait.ge [sflag:s22], $0x4000  }
0x6c0: {  	[sflag:s22] =	ssyncset.done $0x0  }
0x6c1: {  	[sflag:s22] =	ssyncadd.s32 $0xFFFFC000  }
0x6c2: {  	[tilespmem:s16], [sflag:$0x2] =	stream.linear.gather [hbm4b:s11+s25], $0x4000, $0x38;
	[tilespmem:$0x10000] =	vst v63  }
0x6c3: {  	_ =	swait.ge [sflag:s18], $0x4000  }
0x6c4: {  	[sflag:s18] =	ssyncset.done $0x0  }
0x6c5: {  	s26 =	simm.s32 $0x0;
	s28 =	simm.s32 $0x0;
	[sflag:s18] =	ssyncadd.s32 $0xFFFFC000  }
.LBB2_122:
0x6c6: {  	s0 =	sshll.u32 s26, $0x2;
	s29 =	sand.u32 $0x7, s25  }
0x6c7: {  	s0 =	sand.u32 $0xFFFF8000, s0;
	s29 =	sshll.u32 s29, $0x9  }
0x6c8: {  	s0 =	sor.u32 s29, s0  }
0x6c9: {  	s0 =	sshrl.u32 s0, $0x2  }
0x6ca: {  	s29 =	sor.u32 $0x40, s0  }
0x6cb: {  	s30 =	sadd.s32 $0xC040, s0;
	v1 =	vld [tilespmem:s29+$0x30]  }
0x6cc: {  	v2 =	vld [tilespmem:s30+$0x30]  }
0x6cd: {  	v0 =	vld [tilespmem:s30+$0xFFFFFFC0]  }
0x6ce: {  	v3 =	vld [tilespmem:s29+$0xFFFFFFD0]  }
0x6cf: {  	v4 =	vld [tilespmem:s30+$0xFFFFFFD0]  }
0x6d0: {  	v5 =	vld [tilespmem:s29+$0xFFFFFFE0]  }
0x6d1: {  	v6 =	vld [tilespmem:s30+$0xFFFFFFE0]  }
0x6d2: {  	v7 =	vld [tilespmem:s29+$0xFFFFFFF0]  }
0x6d3: {  	v8 =	vld [tilespmem:s30+$0xFFFFFFF0]  }
0x6d4: {  	v9 =	vld [tilespmem:s29+$0x0]  }
0x6d5: {  	v10 =	vld [tilespmem:s30+$0x0];
	v2 =	vadd.f32 v2, v1  }
0x6d6: {  	v4 =	vadd.f32 v4, v3;
	v1 =	vld [tilespmem:s29+$0x10]  }
0x6d7: {  	v5 =	vadd.f32 v6, v5;
	v3 =	vld [tilespmem:s30+$0x10];
	[tilespmem:s29+$0x30] =	vst v2  }
0x6d8: {  	v6 =	vadd.f32 v8, v7;
	[tilespmem:s29+$0xFFFFFFD0] =	vst v4;
	v2 =	vld [tilespmem:s29+$0x20]  }
0x6d9: {  	[tilespmem:s29+$0xFFFFFFE0] =	vst v5;
	v5 =	vld [tilespmem:s30+$0x20]  }
0x6da: {  	s31 =	simm.s32 $0x0;
	s0 =	sadd.s32 $0x400, s29;
	v4 =	vld [tilespmem:s29+$0xFFFFFFC0];
	[tilespmem:s29+$0xFFFFFFF0] =	vst v6;
	v6 =	vadd.f32 v10, v9  }
.LBB2_123:
0x6db: {  	v7 =	vld [tilespmem:s0+$0x30];
	s30 =	sadd.s32 $0x400, s30  }
0x6dc: {  	s31 =	sadd.s32 $0x8, s31;
	v8 =	vld [tilespmem:s30+$0x30];
	[tilespmem:s29+$0x0] =	vst v6;
	v1 =	vadd.f32 v3, v1  }
0x6dd: {  	p0 =	slt.u32 s31, $0x38;
	v3 =	vld [tilespmem:s30+$0xFFFFFFC0]  }
0x6de: {  	v6 =	vld [tilespmem:s0+$0xFFFFFFD0];
	[tilespmem:s29+$0x10] =	vst v1;
	v1 =	vadd.f32 v5, v2  }
0x6df: {  	v2 =	vld [tilespmem:s30+$0xFFFFFFD0];
	v9 =	vadd.f32 v0, v4  }
0x6e0: {  	v4 =	vld [tilespmem:s0+$0xFFFFFFE0];
	[tilespmem:s29+$0x20] =	vst v1  }
0x6e1: {  	v1 =	vld [tilespmem:s30+$0xFFFFFFE0];
	v5 =	vadd.f32 v8, v7;
	[tilespmem:s29+$0xFFFFFFC0] =	vst v9;
	s29 =	smov.u32 s0  }
0x6e2: {  	v7 =	vld [tilespmem:s0+$0xFFFFFFF0];
	v0 =	vmov v3  }
0x6e3: {  	v8 =	vld [tilespmem:s30+$0xFFFFFFF0];
	[tilespmem:s0+$0x30] =	vst v5  }
0x6e4: {  	v2 =	vadd.f32 v2, v6;
	v6 =	vld [tilespmem:s0+$0x0]  }
0x6e5: {  	v9 =	vld [tilespmem:s30+$0x0]  }
.Ltmp60:
0x6e6: {  	[tilespmem:s0+$0xFFFFFFD0] =	vst v2;
	v2 =	vadd.f32 v1, v4;
	v1 =	vld [tilespmem:s0+$0x10];
	(pc) =	sbr.rel @p0 .LBB2_123-.Ltmp60, $4  }
0x6e7: {  	v3 =	vld [tilespmem:s30+$0x10]  }
0x6e8: {  	[tilespmem:s0+$0xFFFFFFE0] =	vst v2;
	v7 =	vadd.f32 v8, v7;
	v2 =	vld [tilespmem:s0+$0x20]  }
0x6e9: {  	v5 =	vld [tilespmem:s30+$0x20]  }
0x6ea: {  	s0 =	sadd.s32 $0x400, s0;
	v4 =	vld [tilespmem:s29+$0xFFFFFFC0];
	[tilespmem:s29+$0xFFFFFFF0] =	vst v7;
	v6 =	vadd.f32 v9, v6  }
0x6eb: {  	s28 =	sadd.s32 $0x1, s28  }
0x6ec: {  	p0 =	sne.s32 s28, $0x10  }
.Ltmp61:
0x6ed: {  	v1 =	vadd.f32 v3, v1;
	(pc) =	sbr.rel @p0 .LBB2_122-.Ltmp61, $4  }
0x6ee: {  	[tilespmem:s29+$0x0] =	vst v6;
	v2 =	vadd.f32 v5, v2  }
0x6ef: {  	[tilespmem:s29+$0x10] =	vst v1;
	v0 =	vadd.f32 v0, v4  }
0x6f0: {  	[tilespmem:s29+$0x20] =	vst v2  }
0x6f1: {  	s26 =	sadd.s32 $0x400, s26;
	s25 =	sadd.s32 $0x1, s25;
	[tilespmem:s29+$0xFFFFFFC0] =	vst v0  }
0x6f2: {  	s25 =	simm.s32 $0x0  }
0x6f3: {  	[hbm4b:s12+s25] =	stream.linear.scatter [tilespmem:s25], [sflag:$0x5], $0x4000, $0x38;
	[tilespmem:$0x10000] =	vst v63  }
0x6f4: {  	_ =	swait.ge [sflag:s21], $0x4000  }
0x6f5: {  	[sflag:s21] =	ssyncset.done $0x0  }
0x6f6: {  	s26 =	simm.s32 $0x0;
	s28 =	simm.s32 $0x0;
	[sflag:s21] =	ssyncadd.s32 $0xFFFFC000  }
.LBB2_126:
0x6f7: {  	s0 =	sshll.u32 s26, $0x2;
	s29 =	sand.u32 $0x7, s25  }
0x6f8: {  	s0 =	sand.u32 $0xFFFF8000, s0;
	s29 =	sshll.u32 s29, $0x9  }
0x6f9: {  	s0 =	sor.u32 s29, s0  }
0x6fa: {  	s0 =	sshrl.u32 s0, $0x2  }
0x6fb: {  	s29 =	sadd.s32 $0x4040, s0  }
0x6fc: {  	s30 =	sadd.s32 $0xC040, s0;
	v1 =	vld [tilespmem:s29+$0x30]  }
0x6fd: {  	v2 =	vld [tilespmem:s30+$0x30]  }
0x6fe: {  	v0 =	vld [tilespmem:s30+$0xFFFFFFC0]  }
0x6ff: {  	v3 =	vld [tilespmem:s29+$0xFFFFFFD0]  }
0x700: {  	v4 =	vld [tilespmem:s30+$0xFFFFFFD0]  }
0x701: {  	v5 =	vld [tilespmem:s29+$0xFFFFFFE0]  }
0x702: {  	v6 =	vld [tilespmem:s30+$0xFFFFFFE0]  }
0x703: {  	v7 =	vld [tilespmem:s29+$0xFFFFFFF0]  }
0x704: {  	v8 =	vld [tilespmem:s30+$0xFFFFFFF0]  }
0x705: {  	v9 =	vld [tilespmem:s29+$0x0]  }
0x706: {  	v10 =	vld [tilespmem:s30+$0x0];
	v2 =	vadd.f32 v2, v1  }
0x707: {  	v4 =	vadd.f32 v4, v3;
	v1 =	vld [tilespmem:s29+$0x10]  }
0x708: {  	v5 =	vadd.f32 v6, v5;
	v3 =	vld [tilespmem:s30+$0x10];
	[tilespmem:s29+$0x30] =	vst v2  }
0x709: {  	v6 =	vadd.f32 v8, v7;
	[tilespmem:s29+$0xFFFFFFD0] =	vst v4;
	v2 =	vld [tilespmem:s29+$0x20]  }
0x70a: {  	[tilespmem:s29+$0xFFFFFFE0] =	vst v5;
	v5 =	vld [tilespmem:s30+$0x20]  }
0x70b: {  	s31 =	simm.s32 $0x0;
	s0 =	sadd.s32 $0x400, s29;
	v4 =	vld [tilespmem:s29+$0xFFFFFFC0];
	[tilespmem:s29+$0xFFFFFFF0] =	vst v6;
	v6 =	vadd.f32 v10, v9  }
.LBB2_127:
0x70c: {  	v7 =	vld [tilespmem:s0+$0x30];
	s30 =	sadd.s32 $0x400, s30  }
0x70d: {  	s31 =	sadd.s32 $0x8, s31;
	v8 =	vld [tilespmem:s30+$0x30];
	[tilespmem:s29+$0x0] =	vst v6;
	v1 =	vadd.f32 v3, v1  }
0x70e: {  	p0 =	slt.u32 s31, $0x38;
	v3 =	vld [tilespmem:s30+$0xFFFFFFC0]  }
0x70f: {  	v6 =	vld [tilespmem:s0+$0xFFFFFFD0];
	[tilespmem:s29+$0x10] =	vst v1;
	v1 =	vadd.f32 v5, v2  }
0x710: {  	v2 =	vld [tilespmem:s30+$0xFFFFFFD0];
	v9 =	vadd.f32 v0, v4  }
0x711: {  	v4 =	vld [tilespmem:s0+$0xFFFFFFE0];
	[tilespmem:s29+$0x20] =	vst v1  }
0x712: {  	v1 =	vld [tilespmem:s30+$0xFFFFFFE0];
	v5 =	vadd.f32 v8, v7;
	[tilespmem:s29+$0xFFFFFFC0] =	vst v9;
	s29 =	smov.u32 s0  }
0x713: {  	v7 =	vld [tilespmem:s0+$0xFFFFFFF0];
	v0 =	vmov v3  }
0x714: {  	v8 =	vld [tilespmem:s30+$0xFFFFFFF0];
	[tilespmem:s0+$0x30] =	vst v5  }
0x715: {  	v2 =	vadd.f32 v2, v6;
	v6 =	vld [tilespmem:s0+$0x0]  }
0x716: {  	v9 =	vld [tilespmem:s30+$0x0]  }
.Ltmp62:
0x717: {  	[tilespmem:s0+$0xFFFFFFD0] =	vst v2;
	v2 =	vadd.f32 v1, v4;
	v1 =	vld [tilespmem:s0+$0x10];
	(pc) =	sbr.rel @p0 .LBB2_127-.Ltmp62, $4  }
0x718: {  	v3 =	vld [tilespmem:s30+$0x10]  }
0x719: {  	[tilespmem:s0+$0xFFFFFFE0] =	vst v2;
	v7 =	vadd.f32 v8, v7;
	v2 =	vld [tilespmem:s0+$0x20]  }
0x71a: {  	v5 =	vld [tilespmem:s30+$0x20]  }
0x71b: {  	s0 =	sadd.s32 $0x400, s0;
	v4 =	vld [tilespmem:s29+$0xFFFFFFC0];
	[tilespmem:s29+$0xFFFFFFF0] =	vst v7;
	v6 =	vadd.f32 v9, v6  }
0x71c: {  	s28 =	sadd.s32 $0x1, s28  }
0x71d: {  	p0 =	sne.s32 s28, $0x10  }
.Ltmp63:
0x71e: {  	v1 =	vadd.f32 v3, v1;
	(pc) =	sbr.rel @p0 .LBB2_126-.Ltmp63, $4  }
0x71f: {  	[tilespmem:s29+$0x0] =	vst v6;
	v2 =	vadd.f32 v5, v2  }
0x720: {  	[tilespmem:s29+$0x10] =	vst v1;
	v0 =	vadd.f32 v0, v4  }
0x721: {  	[tilespmem:s29+$0x20] =	vst v2  }
0x722: {  	s26 =	sadd.s32 $0x400, s26;
	s25 =	sadd.s32 $0x1, s25;
	[tilespmem:s29+$0xFFFFFFC0] =	vst v0  }
0x723: {  	[hbm4b:s13+s1] =	stream.linear.scatter [tilespmem:s16], [sflag:$0x6], $0x4000, $0x38;
	[tilespmem:$0x10000] =	vst v63  }
0x724: {  	s24 =	sadd.s32 $0x1, s24  }
0x725: {  	_ =	swait.ge [sflag:s20], $0x4000;
	p0 =	sne.s32 s24, s14  }
.Ltmp64:
0x726: {  	[sflag:s20] =	ssyncset.done $0x0;
	(pc) =	sbr.rel @p0 .LBB2_1-.Ltmp64, $4  }
0x727: {  	[sflag:s20] =	ssyncadd.s32 $0xFFFFC000  }
0x728: {  	_ =	swait.ge [sflag:s22], $0x4000  }
0x729: {  	[sflag:s22] =	ssyncset.done $0x0  }
0x72a: {  	[sflag:s22] =	ssyncadd.s32 $0xFFFFC000  }
0x72b: {  	_ =	sfence.sel $0x180000  }
0x72c: {  	[bflag:$0x0] =	sbarrier.arrive $0xFFFF  }
0x72d: {  	_ =	strace $0x90000047  }
0x72e: {  	s0 =	stileid.u32;
	[bflag:$0x2] =	sbarrier.arrive $0xFFFF  }
0x72f: {  	p0 =	sne.s32 s0, $0x0;
	s0 =	rddreg [dreg:$0x3]  }
0x730: {  	s0 =	sadd.s32 @!p0 $0x100000, s0  }
0x731: {  	[sflag:s0] =	ssyncadd.tile.s32 @!p0 $0x1;
	_ =	shalt  }
.Lfunc_end2:
_tile_overlayer_lowered:
.L_overlay_start_2:
0x732: {  	(tag) =	ssettag $0x2  }
0x733: {  	s0 =	rddreg [dreg:$0x0];
	s2 =	stileid.u32  }
0x734: {  	s1 =	rddreg [dreg:$0x1];
	p0 =	sne.s32 s2, $0x0  }
0x735: {  	s3 =	rddreg [dreg:$0x2];
	[bflag:$0x3] =	sbarrier.arrive $0xFFFF;
	s2 =	simm.s32 @!p0 $0x1C07  }
0x736: {  	[timem:s3], [sflag:s2] =	dma.local @!p0 [hbm:s0], s1  }
0x737: {  	s0 =	simm.s32 @!p0 $0x7  }
0x738: {  	_ =	swait.ge @!p0 [sflag:s0], s1  }
0x739: {  	s1 =	ssub.s32 @!p0 $0x0, s1;
	[sflag:s0] =	ssyncset.done @!p0 $0x0  }
0x73a: {  	[sflag:s0] =	ssyncadd.s32 @!p0 s1  }
0x73b: {  	[bflag:$0x3] =	sbarrier.arrive $0xFFFF  }
0x73c: {  	_ =	shalt  }

</sc_bundles>
